<compile_context>
chip_gen: v7x
topology: tpu7x:2x2x1
jax: 0.10.2.dev20260603
libtpu: 0.0.44.dev20260713+nightly
codegen_flags: <defaults>
</compile_context>

<pallas_src>
import functools

import jax
import jax.numpy as jnp
from jax import lax
from jax.experimental import pallas as pl
from jax.experimental.pallas import tpu as pltpu
from jax.experimental.pallas import tpu_sc as plsc

F32 = jnp.float32

NC = 2
NS = 16
LANES = 16
NW = NC * NS
BATCH = 128


def _sc_mesh():
    return plsc.VectorSubcoreMesh(
        core_axis_name="c", subcore_axis_name="s",
        num_cores=NC, num_subcores=NS)


def _make_hist(n_pad, nb, nx):
    npt = n_pad // NS
    fire = 16
    chunks = [(i * fire, fire) for i in range(nb // fire)]
    if nb % fire:
        chunks.append((nb - nb % fire, nb % fire))

    def body(edge_hbm, d0_hbm, d1_hbm, eflat, ridx, ones_v, zbuf, ssem,
             deg_sh):
        cid = lax.axis_index("c")
        sid = lax.axis_index("s")
        wid = cid * NS + sid
        for i in range(npt // LANES):
            zbuf[pl.ds(i * LANES, LANES)] = jnp.zeros((LANES,), F32)
        for i in range(BATCH // LANES):
            ones_v[pl.ds(i * LANES, LANES)] = jnp.ones((LANES,), F32)
        pltpu.sync_copy(zbuf, deg_sh.at[pl.ds(sid * npt, npt)])
        base_b = nb * wid + jnp.minimum(wid, nx)
        ebase = pl.multiple_of(base_b * BATCH, BATCH)
        pltpu.sync_copy(edge_hbm.at[pl.ds(0, 1), pl.ds(ebase, nb * BATCH)],
                        eflat)

        @pl.when(wid < nx)
        def _():
            xbase = pl.multiple_of((nb * NW + wid) * BATCH, BATCH)
            pltpu.sync_copy(edge_hbm.at[pl.ds(0, 1), pl.ds(xbase, BATCH)],
                            ridx.at[pl.ds(nb, 1)])

        def repack(j, c):
            for i in range(BATCH // LANES):
                ridx[j, pl.ds(i * LANES, LANES)] = (
                    eflat[0, pl.ds(j * BATCH + i * LANES, LANES)])
            return c

        lax.fori_loop(0, nb, repack, 0)
        plsc.subcore_barrier()

        def step(ci, c):
            for k in range(fire):
                pltpu.async_copy(
                    ones_v, deg_sh.at[ridx.at[ci * fire + k]], ssem,
                    add=True)
            for k in range(fire):
                pltpu.make_async_copy(
                    ones_v, deg_sh.at[ridx.at[ci * fire + k]], ssem).wait()
            return c

        lax.fori_loop(0, nb // fire, step, 0)
        off, cnt = chunks[-1] if nb % fire else (nb, 0)
        for k in range(cnt):
            pltpu.async_copy(ones_v, deg_sh.at[ridx.at[off + k]], ssem,
                             add=True)
        for k in range(cnt):
            pltpu.make_async_copy(ones_v, deg_sh.at[ridx.at[off + k]],
                                  ssem).wait()

        @pl.when(wid < nx)
        def _():
            pltpu.sync_copy(ones_v, deg_sh.at[ridx.at[nb]], add=True)

        plsc.subcore_barrier()

        @pl.when(cid == 0)
        def _():
            pltpu.sync_copy(deg_sh.at[pl.ds(sid * npt, npt)],
                            d0_hbm.at[pl.ds(sid * npt, npt)])

        @pl.when(cid == 1)
        def _():
            pltpu.sync_copy(deg_sh.at[pl.ds(sid * npt, npt)],
                            d1_hbm.at[pl.ds(sid * npt, npt)])

    return pl.kernel(
        body,
        out_type=(jax.ShapeDtypeStruct((n_pad,), F32),
                  jax.ShapeDtypeStruct((n_pad,), F32)),
        mesh=_sc_mesh(),
        scratch_types=[
            pltpu.VMEM((1, nb * BATCH), jnp.int32),
            pltpu.VMEM((nb + 1, BATCH), jnp.int32),
            pltpu.VMEM((BATCH,), F32),
            pltpu.VMEM((npt,), F32),
            pltpu.SemaphoreType.DMA,
            pltpu.VMEM_SHARED((n_pad,), F32),
        ],
    )


def _make_spmm(n_pad, nb, nx, cb, d):
    npt = n_pad // NS

    def body(xs_hbm, edge_hbm, a0_hbm, a1_hbm,
             eflat, cidx, ridx, rows0, rows1, s0, s1, acc_sh):
        cid = lax.axis_index("c")
        sid = lax.axis_index("s")
        wid = cid * NS + sid
        base_b = nb * wid + jnp.minimum(wid, nx)

        def zrow(r, c):
            for k in range(d // LANES):
                rows0[r, pl.ds(k * LANES, LANES)] = jnp.zeros((LANES,), F32)
            return c

        lax.fori_loop(0, BATCH, zrow, 0)
        for t in range(npt // BATCH):
            pltpu.sync_copy(
                rows0, acc_sh.at[pl.ds(sid * npt + t * BATCH, BATCH)])
        plsc.subcore_barrier()

        def emit_chunk(off, cnt):
            ebase = pl.multiple_of((base_b + off) * BATCH, BATCH)
            pltpu.sync_copy(
                edge_hbm.at[pl.ds(0, 2), pl.ds(ebase, cnt * BATCH)],
                eflat.at[pl.ds(0, 2), pl.ds(0, cnt * BATCH)])

            def repack(j, c):
                for i in range(BATCH // LANES):
                    sl = pl.ds(j * BATCH + i * LANES, LANES)
                    ridx[j, pl.ds(i * LANES, LANES)] = eflat[0, sl]
                    cidx[j, pl.ds(i * LANES, LANES)] = eflat[1, sl]
                return c

            lax.fori_loop(0, cnt, repack, 0)
            pltpu.async_copy(xs_hbm.at[cidx.at[0]], rows0, s0)

            def step(g, c):
                j0 = 2 * g
                j1 = j0 + 1
                pltpu.async_copy(xs_hbm.at[cidx.at[j1]], rows1, s1)
                pltpu.make_async_copy(
                    xs_hbm.at[cidx.at[j0]], rows0, s0).wait()
                pltpu.sync_copy(rows0, acc_sh.at[ridx.at[j0]], add=True)

                @pl.when(g + 1 < cnt // 2)
                def _():
                    pltpu.async_copy(xs_hbm.at[cidx.at[j0 + 2]], rows0, s0)

                pltpu.make_async_copy(
                    xs_hbm.at[cidx.at[j1]], rows1, s1).wait()
                pltpu.sync_copy(rows1, acc_sh.at[ridx.at[j1]], add=True)
                return c

            lax.fori_loop(0, cnt // 2, step, 0)

        def chunk(ci, cc):
            emit_chunk(ci * cb, cb)
            return cc

        lax.fori_loop(0, nb // cb, chunk, 0)
        if nb % cb:
            emit_chunk(nb - nb % cb, nb % cb)

        @pl.when(wid < nx)
        def _():
            xbase = pl.multiple_of((nb * NW + wid) * BATCH, BATCH)
            pltpu.sync_copy(
                edge_hbm.at[pl.ds(0, 2), pl.ds(xbase, BATCH)],
                eflat.at[pl.ds(0, 2), pl.ds(0, BATCH)])
            for i in range(BATCH // LANES):
                sl = pl.ds(i * LANES, LANES)
                ridx[0, sl] = eflat[0, sl]
                cidx[0, sl] = eflat[1, sl]
            pltpu.async_copy(xs_hbm.at[cidx.at[0]], rows0, s0)
            pltpu.make_async_copy(xs_hbm.at[cidx.at[0]], rows0, s0).wait()
            pltpu.sync_copy(rows0, acc_sh.at[ridx.at[0]], add=True)

        plsc.subcore_barrier()

        @pl.when(cid == 0)
        def _():
            pltpu.sync_copy(acc_sh.at[pl.ds(sid * npt, npt)],
                            a0_hbm.at[pl.ds(sid * npt, npt)])

        @pl.when(cid == 1)
        def _():
            pltpu.sync_copy(acc_sh.at[pl.ds(sid * npt, npt)],
                            a1_hbm.at[pl.ds(sid * npt, npt)])

    return pl.kernel(
        body,
        out_type=(jax.ShapeDtypeStruct((n_pad, d), F32),
                  jax.ShapeDtypeStruct((n_pad, d), F32)),
        mesh=_sc_mesh(),
        scratch_types=[
            pltpu.VMEM((2, cb * BATCH), jnp.int32),
            pltpu.VMEM((cb, BATCH), jnp.int32),
            pltpu.VMEM((cb, BATCH), jnp.int32),
            pltpu.VMEM((BATCH, d), F32),
            pltpu.VMEM((BATCH, d), F32),
            pltpu.SemaphoreType.DMA,
            pltpu.SemaphoreType.DMA,
            pltpu.VMEM_SHARED((n_pad, d), F32),
        ],
    )


def _dis_from(d0, d1):
    deg = d0 + d1
    return jnp.where(deg > 0, lax.rsqrt(jnp.maximum(deg, 1e-12)), 0.0)


def _scale_body(x_ref, degt_ref, xs_ref):
    xs_ref[...] = x_ref[...] * _dis_from(degt_ref[:, 0:1], degt_ref[:, 1:2])


def _linear_body(p0_ref, p1_ref, degt_ref, w_ref, b_ref, o_ref):
    h = (p0_ref[...] + p1_ref[...]) * _dis_from(
        degt_ref[:, 0:1], degt_ref[:, 1:2])
    o_ref[...] = lax.dot_general(
        h, w_ref[...], (((1,), (1,)), ((), ())),
        preferred_element_type=F32) + b_ref[...]


def kernel(x, edge_index, W, b):
    n, d = x.shape
    e = edge_index.shape[1]
    assert e % BATCH == 0
    nbt = e // BATCH
    nb = nbt // NW
    nx = nbt % NW
    assert nb % 2 == 0

    grain = NS * BATCH
    n_pad = -(-n // grain) * grain

    d0, d1 = _make_hist(n_pad, nb, nx)(edge_index)
    degt = jnp.stack([d0[:n], d1[:n]], axis=1)

    rb = 2000 if n % 2000 == 0 else 1000
    grid = (n // rb,)
    xs = pl.pallas_call(
        _scale_body,
        grid=grid,
        in_specs=[pl.BlockSpec((rb, d), lambda i: (i, 0)),
                  pl.BlockSpec((rb, 2), lambda i: (i, 0))],
        out_specs=pl.BlockSpec((rb, d), lambda i: (i, 0)),
        out_shape=jax.ShapeDtypeStruct((n, d), F32),
    )(x, degt)

    a0, a1 = _make_spmm(n_pad, nb, nx, 16, d)(xs, edge_index)

    out = pl.pallas_call(
        _linear_body,
        grid=grid,
        in_specs=[pl.BlockSpec((rb, d), lambda i: (i, 0)),
                  pl.BlockSpec((rb, d), lambda i: (i, 0)),
                  pl.BlockSpec((rb, 2), lambda i: (i, 0)),
                  pl.BlockSpec((d, d), lambda i: (0, 0)),
                  pl.BlockSpec((1, d), lambda i: (0, 0))],
        out_specs=pl.BlockSpec((rb, d), lambda i: (i, 0)),
        out_shape=jax.ShapeDtypeStruct((n, d), F32),
    )(a0, a1, degt, W, b.reshape(1, d))
    return out

# --- scband reference (transcript-rebuilt; emitter-appended) ---
"""Pipeline reference for scband-gcnconv-10282151707664 (READ-ONLY COPY).

The authoritative reference and input builder live on the scoring server;
editing this copy changes nothing except your own understanding.
"""

import jax, jax.numpy as jnp
import numpy as np

N = 10000
E = 320000
D = 128


def setup_inputs(seed: int = 0) -> dict:
    key = jax.random.key(seed)
    k1, k2, k3, k4 = jax.random.split(key, 4)
    x = jax.random.normal(k1, (N, D), dtype=jnp.float32)
    # int32 used so the module runs without jax x64 mode; values in [0, N)
    edge_index = jax.random.randint(k2, (2, E), 0, N, dtype=jnp.int32)
    # nn.Linear(in_feats=D, out_feats=D): weight [out, in], bias [out]
    W = jax.random.normal(k3, (D, D), dtype=jnp.float32) * 0.05
    b = jax.random.normal(k4, (D,), dtype=jnp.float32) * 0.05
    return {"x": x, "edge_index": edge_index, "W": W, "b": b}


def reference(x, edge_index, W, b):
    num_nodes = x.shape[0]
    row = edge_index[0]  # destination nodes
    col = edge_index[1]  # source nodes
    ones = jnp.ones((edge_index.shape[1],), dtype=x.dtype)
    # symmetric_normalization: edge_attr = deg^{-1/2}[row] * deg^{-1/2}[col]
    deg = jax.ops.segment_sum(ones, row, num_segments=num_nodes)
    deg_inv_sqrt = jnp.where(deg > 0, jax.lax.rsqrt(jnp.maximum(deg, 1e-12)), 0.0)
    edge_attr = deg_inv_sqrt[row] * deg_inv_sqrt[col]
    # spmm: out[row] += edge_attr * x[col]  (gather + scatter-add)
    msgs = edge_attr[:, None] * jnp.take(x, col, axis=0)
    h = jax.ops.segment_sum(msgs, row, num_segments=num_nodes)
    # linear layer
    return h @ W.T + b

if __name__ == "__main__":
    import jax
    _d = setup_inputs()
    print(jax.jit(kernel)(*tuple(_d.values())))

</pallas_src>

<mosaic_0001>
#map = affine_map<(d0, d1) -> (0, 0)>
#map1 = affine_map<(d0, d1) -> (0)>
module attributes {stable_mosaic.version = 14 : i64} {
  func.func @body(%arg0: i32, %arg1: i32, %arg2: memref<2x320000xi32, #tpu.memory_space<hbm>>, %arg3: memref<10240xf32, #tpu.memory_space<hbm>>, %arg4: memref<10240xf32, #tpu.memory_space<hbm>>, %arg5: memref<1x9984xi32, #tpu.memory_space<vmem>>, %arg6: memref<79x128xi32, #tpu.memory_space<vmem>>, %arg7: memref<128xf32, #tpu.memory_space<vmem>>, %arg8: memref<640xf32, #tpu.memory_space<vmem>>, %arg9: memref<!tpu.dma_semaphore, #tpu.memory_space<semaphore_mem>>, %arg10: memref<10240xf32, #tpu.memory_space<vmem_shared>>) attributes {dimension_semantics = [#tpu.dimension_semantics<core_parallel>, #tpu.dimension_semantics<subcore_parallel>], iteration_bounds = array<i64: 2, 16>, scalar_prefetch = 0 : i64, scratch_operands = 6 : i64, tpu.core_type = #tpu.core_type<sc_vector_subcore>, window_params = [{transform_indices = #map}, {transform_indices = #map1}, {transform_indices = #map1}]} {
    %mul3A = arith.constant 16 : i32
    %mul3A_0 = arith.muli %arg0, %mul3A : i32
    %add3A = arith.addi %mul3A_0, %arg1 : i32
    %broadcast_in_dim3A = arith.constant 0.000000e+00 : f32
    %broadcast_in_dim3A_1 = vector.broadcast %broadcast_in_dim3A : f32 to vector<16xf32>
    %swap3A = arith.constant 0 : index
    %swap3A_2 = tpu.vector_load %arg8[%swap3A] {strides = array<i32>} : memref<640xf32, #tpu.memory_space<vmem>>, vector<16xf32>,
    %swap3A_3 = vector.shape_cast %swap3A_2 : vector<16xf32> to vector<16xf32>
    %swap3A_4 = vector.shape_cast %broadcast_in_dim3A_1 : vector<16xf32> to vector<16xf32>
    tpu.vector_store %arg8[%swap3A], %swap3A_4 {strides = array<i32>} : memref<640xf32, #tpu.memory_space<vmem>>, vector<16xf32>,
    %broadcast_in_dim3A_5 = arith.constant 0.000000e+00 : f32
    %broadcast_in_dim3A_6 = vector.broadcast %broadcast_in_dim3A_5 : f32 to vector<16xf32>
    %swap3A_7 = arith.constant 16 : index
    %swap3A_8 = tpu.vector_load %arg8[%swap3A_7] {strides = array<i32>} : memref<640xf32, #tpu.memory_space<vmem>>, vector<16xf32>,
    %swap3A_9 = vector.shape_cast %swap3A_8 : vector<16xf32> to vector<16xf32>
    %swap3A_10 = vector.shape_cast %broadcast_in_dim3A_6 : vector<16xf32> to vector<16xf32>
    tpu.vector_store %arg8[%swap3A_7], %swap3A_10 {strides = array<i32>} : memref<640xf32, #tpu.memory_space<vmem>>, vector<16xf32>,
    %broadcast_in_dim3A_11 = arith.constant 0.000000e+00 : f32
    %broadcast_in_dim3A_12 = vector.broadcast %broadcast_in_dim3A_11 : f32 to vector<16xf32>
    %swap3A_13 = arith.constant 32 : index
    %swap3A_14 = tpu.vector_load %arg8[%swap3A_13] {strides = array<i32>} : memref<640xf32, #tpu.memory_space<vmem>>, vector<16xf32>,
    %swap3A_15 = vector.shape_cast %swap3A_14 : vector<16xf32> to vector<16xf32>
    %swap3A_16 = vector.shape_cast %broadcast_in_dim3A_12 : vector<16xf32> to vector<16xf32>
    tpu.vector_store %arg8[%swap3A_13], %swap3A_16 {strides = array<i32>} : memref<640xf32, #tpu.memory_space<vmem>>, vector<16xf32>,
    %broadcast_in_dim3A_17 = arith.constant 0.000000e+00 : f32
    %broadcast_in_dim3A_18 = vector.broadcast %broadcast_in_dim3A_17 : f32 to vector<16xf32>
    %swap3A_19 = arith.constant 48 : index
    %swap3A_20 = tpu.vector_load %arg8[%swap3A_19] {strides = array<i32>} : memref<640xf32, #tpu.memory_space<vmem>>, vector<16xf32>,
    %swap3A_21 = vector.shape_cast %swap3A_20 : vector<16xf32> to vector<16xf32>
    %swap3A_22 = vector.shape_cast %broadcast_in_dim3A_18 : vector<16xf32> to vector<16xf32>
    tpu.vector_store %arg8[%swap3A_19], %swap3A_22 {strides = array<i32>} : memref<640xf32, #tpu.memory_space<vmem>>, vector<16xf32>,
    %broadcast_in_dim3A_23 = arith.constant 0.000000e+00 : f32
    %broadcast_in_dim3A_24 = vector.broadcast %broadcast_in_dim3A_23 : f32 to vector<16xf32>
    %swap3A_25 = arith.constant 64 : index
    %swap3A_26 = tpu.vector_load %arg8[%swap3A_25] {strides = array<i32>} : memref<640xf32, #tpu.memory_space<vmem>>, vector<16xf32>,
    %swap3A_27 = vector.shape_cast %swap3A_26 : vector<16xf32> to vector<16xf32>
    %swap3A_28 = vector.shape_cast %broadcast_in_dim3A_24 : vector<16xf32> to vector<16xf32>
    tpu.vector_store %arg8[%swap3A_25], %swap3A_28 {strides = array<i32>} : memref<640xf32, #tpu.memory_space<vmem>>, vector<16xf32>,
    %broadcast_in_dim3A_29 = arith.constant 0.000000e+00 : f32
    %broadcast_in_dim3A_30 = vector.broadcast %broadcast_in_dim3A_29 : f32 to vector<16xf32>
    %swap3A_31 = arith.constant 80 : index
    %swap3A_32 = tpu.vector_load %arg8[%swap3A_31] {strides = array<i32>} : memref<640xf32, #tpu.memory_space<vmem>>, vector<16xf32>,
    %swap3A_33 = vector.shape_cast %swap3A_32 : vector<16xf32> to vector<16xf32>
    %swap3A_34 = vector.shape_cast %broadcast_in_dim3A_30 : vector<16xf32> to vector<16xf32>
    tpu.vector_store %arg8[%swap3A_31], %swap3A_34 {strides = array<i32>} : memref<640xf32, #tpu.memory_space<vmem>>, vector<16xf32>,
    %broadcast_in_dim3A_35 = arith.constant 0.000000e+00 : f32
    %broadcast_in_dim3A_36 = vector.broadcast %broadcast_in_dim3A_35 : f32 to vector<16xf32>
    %swap3A_37 = arith.constant 96 : index
    %swap3A_38 = tpu.vector_load %arg8[%swap3A_37] {strides = array<i32>} : memref<640xf32, #tpu.memory_space<vmem>>, vector<16xf32>,
    %swap3A_39 = vector.shape_cast %swap3A_38 : vector<16xf32> to vector<16xf32>
    %swap3A_40 = vector.shape_cast %broadcast_in_dim3A_36 : vector<16xf32> to vector<16xf32>
    tpu.vector_store %arg8[%swap3A_37], %swap3A_40 {strides = array<i32>} : memref<640xf32, #tpu.memory_space<vmem>>, vector<16xf32>,
    %broadcast_in_dim3A_41 = arith.constant 0.000000e+00 : f32
    %broadcast_in_dim3A_42 = vector.broadcast %broadcast_in_dim3A_41 : f32 to vector<16xf32>
    %swap3A_43 = arith.constant 112 : index
    %swap3A_44 = tpu.vector_load %arg8[%swap3A_43] {strides = array<i32>} : memref<640xf32, #tpu.memory_space<vmem>>, vector<16xf32>,
    %swap3A_45 = vector.shape_cast %swap3A_44 : vector<16xf32> to vector<16xf32>
    %swap3A_46 = vector.shape_cast %broadcast_in_dim3A_42 : vector<16xf32> to vector<16xf32>
    tpu.vector_store %arg8[%swap3A_43], %swap3A_46 {strides = array<i32>} : memref<640xf32, #tpu.memory_space<vmem>>, vector<16xf32>,
    %broadcast_in_dim3A_47 = arith.constant 0.000000e+00 : f32
    %broadcast_in_dim3A_48 = vector.broadcast %broadcast_in_dim3A_47 : f32 to vector<16xf32>
    %swap3A_49 = arith.constant 128 : index
    %swap3A_50 = tpu.vector_load %arg8[%swap3A_49] {strides = array<i32>} : memref<640xf32, #tpu.memory_space<vmem>>, vector<16xf32>,
    %swap3A_51 = vector.shape_cast %swap3A_50 : vector<16xf32> to vector<16xf32>
    %swap3A_52 = vector.shape_cast %broadcast_in_dim3A_48 : vector<16xf32> to vector<16xf32>
    tpu.vector_store %arg8[%swap3A_49], %swap3A_52 {strides = array<i32>} : memref<640xf32, #tpu.memory_space<vmem>>, vector<16xf32>,
    %broadcast_in_dim3A_53 = arith.constant 0.000000e+00 : f32
    %broadcast_in_dim3A_54 = vector.broadcast %broadcast_in_dim3A_53 : f32 to vector<16xf32>
    %swap3A_55 = arith.constant 144 : index
    %swap3A_56 = tpu.vector_load %arg8[%swap3A_55] {strides = array<i32>} : memref<640xf32, #tpu.memory_space<vmem>>, vector<16xf32>,
    %swap3A_57 = vector.shape_cast %swap3A_56 : vector<16xf32> to vector<16xf32>
    %swap3A_58 = vector.shape_cast %broadcast_in_dim3A_54 : vector<16xf32> to vector<16xf32>
    tpu.vector_store %arg8[%swap3A_55], %swap3A_58 {strides = array<i32>} : memref<640xf32, #tpu.memory_space<vmem>>, vector<16xf32>,
    %broadcast_in_dim3A_59 = arith.constant 0.000000e+00 : f32
    %broadcast_in_dim3A_60 = vector.broadcast %broadcast_in_dim3A_59 : f32 to vector<16xf32>
    %swap3A_61 = arith.constant 160 : index
    %swap3A_62 = tpu.vector_load %arg8[%swap3A_61] {strides = array<i32>} : memref<640xf32, #tpu.memory_space<vmem>>, vector<16xf32>,
    %swap3A_63 = vector.shape_cast %swap3A_62 : vector<16xf32> to vector<16xf32>
    %swap3A_64 = vector.shape_cast %broadcast_in_dim3A_60 : vector<16xf32> to vector<16xf32>
    tpu.vector_store %arg8[%swap3A_61], %swap3A_64 {strides = array<i32>} : memref<640xf32, #tpu.memory_space<vmem>>, vector<16xf32>,
    %broadcast_in_dim3A_65 = arith.constant 0.000000e+00 : f32
    %broadcast_in_dim3A_66 = vector.broadcast %broadcast_in_dim3A_65 : f32 to vector<16xf32>
    %swap3A_67 = arith.constant 176 : index
    %swap3A_68 = tpu.vector_load %arg8[%swap3A_67] {strides = array<i32>} : memref<640xf32, #tpu.memory_space<vmem>>, vector<16xf32>,
    %swap3A_69 = vector.shape_cast %swap3A_68 : vector<16xf32> to vector<16xf32>
    %swap3A_70 = vector.shape_cast %broadcast_in_dim3A_66 : vector<16xf32> to vector<16xf32>
    tpu.vector_store %arg8[%swap3A_67], %swap3A_70 {strides = array<i32>} : memref<640xf32, #tpu.memory_space<vmem>>, vector<16xf32>,
    %broadcast_in_dim3A_71 = arith.constant 0.000000e+00 : f32
    %broadcast_in_dim3A_72 = vector.broadcast %broadcast_in_dim3A_71 : f32 to vector<16xf32>
    %swap3A_73 = arith.constant 192 : index
    %swap3A_74 = tpu.vector_load %arg8[%swap3A_73] {strides = array<i32>} : memref<640xf32, #tpu.memory_space<vmem>>, vector<16xf32>,
    %swap3A_75 = vector.shape_cast %swap3A_74 : vector<16xf32> to vector<16xf32>
    %swap3A_76 = vector.shape_cast %broadcast_in_dim3A_72 : vector<16xf32> to vector<16xf32>
    tpu.vector_store %arg8[%swap3A_73], %swap3A_76 {strides = array<i32>} : memref<640xf32, #tpu.memory_space<vmem>>, vector<16xf32>,
    %broadcast_in_dim3A_77 = arith.constant 0.000000e+00 : f32
    %broadcast_in_dim3A_78 = vector.broadcast %broadcast_in_dim3A_77 : f32 to vector<16xf32>
    %swap3A_79 = arith.constant 208 : index
    %swap3A_80 = tpu.vector_load %arg8[%swap3A_79] {strides = array<i32>} : memref<640xf32, #tpu.memory_space<vmem>>, vector<16xf32>,
    %swap3A_81 = vector.shape_cast %swap3A_80 : vector<16xf32> to vector<16xf32>
    %swap3A_82 = vector.shape_cast %broadcast_in_dim3A_78 : vector<16xf32> to vector<16xf32>
    tpu.vector_store %arg8[%swap3A_79], %swap3A_82 {strides = array<i32>} : memref<640xf32, #tpu.memory_space<vmem>>, vector<16xf32>,
    %broadcast_in_dim3A_83 = arith.constant 0.000000e+00 : f32
    %broadcast_in_dim3A_84 = vector.broadcast %broadcast_in_dim3A_83 : f32 to vector<16xf32>
    %swap3A_85 = arith.constant 224 : index
    %swap3A_86 = tpu.vector_load %arg8[%swap3A_85] {strides = array<i32>} : memref<640xf32, #tpu.memory_space<vmem>>, vector<16xf32>,
    %swap3A_87 = vector.shape_cast %swap3A_86 : vector<16xf32> to vector<16xf32>
    %swap3A_88 = vector.shape_cast %broadcast_in_dim3A_84 : vector<16xf32> to vector<16xf32>
    tpu.vector_store %arg8[%swap3A_85], %swap3A_88 {strides = array<i32>} : memref<640xf32, #tpu.memory_space<vmem>>, vector<16xf32>,
    %broadcast_in_dim3A_89 = arith.constant 0.000000e+00 : f32
    %broadcast_in_dim3A_90 = vector.broadcast %broadcast_in_dim3A_89 : f32 to vector<16xf32>
    %swap3A_91 = arith.constant 240 : index
    %swap3A_92 = tpu.vector_load %arg8[%swap3A_91] {strides = array<i32>} : memref<640xf32, #tpu.memory_space<vmem>>, vector<16xf32>,
    %swap3A_93 = vector.shape_cast %swap3A_92 : vector<16xf32> to vector<16xf32>
    %swap3A_94 = vector.shape_cast %broadcast_in_dim3A_90 : vector<16xf32> to vector<16xf32>
    tpu.vector_store %arg8[%swap3A_91], %swap3A_94 {strides = array<i32>} : memref<640xf32, #tpu.memory_space<vmem>>, vector<16xf32>,
    %broadcast_in_dim3A_95 = arith.constant 0.000000e+00 : f32
    %broadcast_in_dim3A_96 = vector.broadcast %broadcast_in_dim3A_95 : f32 to vector<16xf32>
    %swap3A_97 = arith.constant 256 : index
    %swap3A_98 = tpu.vector_load %arg8[%swap3A_97] {strides = array<i32>} : memref<640xf32, #tpu.memory_space<vmem>>, vector<16xf32>,
    %swap3A_99 = vector.shape_cast %swap3A_98 : vector<16xf32> to vector<16xf32>
    %swap3A_100 = vector.shape_cast %broadcast_in_dim3A_96 : vector<16xf32> to vector<16xf32>
    tpu.vector_store %arg8[%swap3A_97], %swap3A_100 {strides = array<i32>} : memref<640xf32, #tpu.memory_space<vmem>>, vector<16xf32>,
    %broadcast_in_dim3A_101 = arith.constant 0.000000e+00 : f32
    %broadcast_in_dim3A_102 = vector.broadcast %broadcast_in_dim3A_101 : f32 to vector<16xf32>
    %swap3A_103 = arith.constant 272 : index
    %swap3A_104 = tpu.vector_load %arg8[%swap3A_103] {strides = array<i32>} : memref<640xf32, #tpu.memory_space<vmem>>, vector<16xf32>,
    %swap3A_105 = vector.shape_cast %swap3A_104 : vector<16xf32> to vector<16xf32>
    %swap3A_106 = vector.shape_cast %broadcast_in_dim3A_102 : vector<16xf32> to vector<16xf32>
    tpu.vector_store %arg8[%swap3A_103], %swap3A_106 {strides = array<i32>} : memref<640xf32, #tpu.memory_space<vmem>>, vector<16xf32>,
    %broadcast_in_dim3A_107 = arith.constant 0.000000e+00 : f32
    %broadcast_in_dim3A_108 = vector.broadcast %broadcast_in_dim3A_107 : f32 to vector<16xf32>
    %swap3A_109 = arith.constant 288 : index
    %swap3A_110 = tpu.vector_load %arg8[%swap3A_109] {strides = array<i32>} : memref<640xf32, #tpu.memory_space<vmem>>, vector<16xf32>,
    %swap3A_111 = vector.shape_cast %swap3A_110 : vector<16xf32> to vector<16xf32>
    %swap3A_112 = vector.shape_cast %broadcast_in_dim3A_108 : vector<16xf32> to vector<16xf32>
    tpu.vector_store %arg8[%swap3A_109], %swap3A_112 {strides = array<i32>} : memref<640xf32, #tpu.memory_space<vmem>>, vector<16xf32>,
    %broadcast_in_dim3A_113 = arith.constant 0.000000e+00 : f32
    %broadcast_in_dim3A_114 = vector.broadcast %broadcast_in_dim3A_113 : f32 to vector<16xf32>
    %swap3A_115 = arith.constant 304 : index
    %swap3A_116 = tpu.vector_load %arg8[%swap3A_115] {strides = array<i32>} : memref<640xf32, #tpu.memory_space<vmem>>, vector<16xf32>,
    %swap3A_117 = vector.shape_cast %swap3A_116 : vector<16xf32> to vector<16xf32>
    %swap3A_118 = vector.shape_cast %broadcast_in_dim3A_114 : vector<16xf32> to vector<16xf32>
    tpu.vector_store %arg8[%swap3A_115], %swap3A_118 {strides = array<i32>} : memref<640xf32, #tpu.memory_space<vmem>>, vector<16xf32>,
    %broadcast_in_dim3A_119 = arith.constant 0.000000e+00 : f32
    %broadcast_in_dim3A_120 = vector.broadcast %broadcast_in_dim3A_119 : f32 to vector<16xf32>
    %swap3A_121 = arith.constant 320 : index
    %swap3A_122 = tpu.vector_load %arg8[%swap3A_121] {strides = array<i32>} : memref<640xf32, #tpu.memory_space<vmem>>, vector<16xf32>,
    %swap3A_123 = vector.shape_cast %swap3A_122 : vector<16xf32> to vector<16xf32>
    %swap3A_124 = vector.shape_cast %broadcast_in_dim3A_120 : vector<16xf32> to vector<16xf32>
    tpu.vector_store %arg8[%swap3A_121], %swap3A_124 {strides = array<i32>} : memref<640xf32, #tpu.memory_space<vmem>>, vector<16xf32>,
    %broadcast_in_dim3A_125 = arith.constant 0.000000e+00 : f32
    %broadcast_in_dim3A_126 = vector.broadcast %broadcast_in_dim3A_125 : f32 to vector<16xf32>
    %swap3A_127 = arith.constant 336 : index
    %swap3A_128 = tpu.vector_load %arg8[%swap3A_127] {strides = array<i32>} : memref<640xf32, #tpu.memory_space<vmem>>, vector<16xf32>,
    %swap3A_129 = vector.shape_cast %swap3A_128 : vector<16xf32> to vector<16xf32>
    %swap3A_130 = vector.shape_cast %broadcast_in_dim3A_126 : vector<16xf32> to vector<16xf32>
    tpu.vector_store %arg8[%swap3A_127], %swap3A_130 {strides = array<i32>} : memref<640xf32, #tpu.memory_space<vmem>>, vector<16xf32>,
    %broadcast_in_dim3A_131 = arith.constant 0.000000e+00 : f32
    %broadcast_in_dim3A_132 = vector.broadcast %broadcast_in_dim3A_131 : f32 to vector<16xf32>
    %swap3A_133 = arith.constant 352 : index
    %swap3A_134 = tpu.vector_load %arg8[%swap3A_133] {strides = array<i32>} : memref<640xf32, #tpu.memory_space<vmem>>, vector<16xf32>,
    %swap3A_135 = vector.shape_cast %swap3A_134 : vector<16xf32> to vector<16xf32>
    %swap3A_136 = vector.shape_cast %broadcast_in_dim3A_132 : vector<16xf32> to vector<16xf32>
    tpu.vector_store %arg8[%swap3A_133], %swap3A_136 {strides = array<i32>} : memref<640xf32, #tpu.memory_space<vmem>>, vector<16xf32>,
    %broadcast_in_dim3A_137 = arith.constant 0.000000e+00 : f32
    %broadcast_in_dim3A_138 = vector.broadcast %broadcast_in_dim3A_137 : f32 to vector<16xf32>
    %swap3A_139 = arith.constant 368 : index
    %swap3A_140 = tpu.vector_load %arg8[%swap3A_139] {strides = array<i32>} : memref<640xf32, #tpu.memory_space<vmem>>, vector<16xf32>,
    %swap3A_141 = vector.shape_cast %swap3A_140 : vector<16xf32> to vector<16xf32>
    %swap3A_142 = vector.shape_cast %broadcast_in_dim3A_138 : vector<16xf32> to vector<16xf32>
    tpu.vector_store %arg8[%swap3A_139], %swap3A_142 {strides = array<i32>} : memref<640xf32, #tpu.memory_space<vmem>>, vector<16xf32>,
    %broadcast_in_dim3A_143 = arith.constant 0.000000e+00 : f32
    %broadcast_in_dim3A_144 = vector.broadcast %broadcast_in_dim3A_143 : f32 to vector<16xf32>
    %swap3A_145 = arith.constant 384 : index
    %swap3A_146 = tpu.vector_load %arg8[%swap3A_145] {strides = array<i32>} : memref<640xf32, #tpu.memory_space<vmem>>, vector<16xf32>,
    %swap3A_147 = vector.shape_cast %swap3A_146 : vector<16xf32> to vector<16xf32>
    %swap3A_148 = vector.shape_cast %broadcast_in_dim3A_144 : vector<16xf32> to vector<16xf32>
    tpu.vector_store %arg8[%swap3A_145], %swap3A_148 {strides = array<i32>} : memref<640xf32, #tpu.memory_space<vmem>>, vector<16xf32>,
    %broadcast_in_dim3A_149 = arith.constant 0.000000e+00 : f32
    %broadcast_in_dim3A_150 = vector.broadcast %broadcast_in_dim3A_149 : f32 to vector<16xf32>
    %swap3A_151 = arith.constant 400 : index
    %swap3A_152 = tpu.vector_load %arg8[%swap3A_151] {strides = array<i32>} : memref<640xf32, #tpu.memory_space<vmem>>, vector<16xf32>,
    %swap3A_153 = vector.shape_cast %swap3A_152 : vector<16xf32> to vector<16xf32>
    %swap3A_154 = vector.shape_cast %broadcast_in_dim3A_150 : vector<16xf32> to vector<16xf32>
    tpu.vector_store %arg8[%swap3A_151], %swap3A_154 {strides = array<i32>} : memref<640xf32, #tpu.memory_space<vmem>>, vector<16xf32>,
    %broadcast_in_dim3A_155 = arith.constant 0.000000e+00 : f32
    %broadcast_in_dim3A_156 = vector.broadcast %broadcast_in_dim3A_155 : f32 to vector<16xf32>
    %swap3A_157 = arith.constant 416 : index
    %swap3A_158 = tpu.vector_load %arg8[%swap3A_157] {strides = array<i32>} : memref<640xf32, #tpu.memory_space<vmem>>, vector<16xf32>,
    %swap3A_159 = vector.shape_cast %swap3A_158 : vector<16xf32> to vector<16xf32>
    %swap3A_160 = vector.shape_cast %broadcast_in_dim3A_156 : vector<16xf32> to vector<16xf32>
    tpu.vector_store %arg8[%swap3A_157], %swap3A_160 {strides = array<i32>} : memref<640xf32, #tpu.memory_space<vmem>>, vector<16xf32>,
    %broadcast_in_dim3A_161 = arith.constant 0.000000e+00 : f32
    %broadcast_in_dim3A_162 = vector.broadcast %broadcast_in_dim3A_161 : f32 to vector<16xf32>
    %swap3A_163 = arith.constant 432 : index
    %swap3A_164 = tpu.vector_load %arg8[%swap3A_163] {strides = array<i32>} : memref<640xf32, #tpu.memory_space<vmem>>, vector<16xf32>,
    %swap3A_165 = vector.shape_cast %swap3A_164 : vector<16xf32> to vector<16xf32>
    %swap3A_166 = vector.shape_cast %broadcast_in_dim3A_162 : vector<16xf32> to vector<16xf32>
    tpu.vector_store %arg8[%swap3A_163], %swap3A_166 {strides = array<i32>} : memref<640xf32, #tpu.memory_space<vmem>>, vector<16xf32>,
    %broadcast_in_dim3A_167 = arith.constant 0.000000e+00 : f32
    %broadcast_in_dim3A_168 = vector.broadcast %broadcast_in_dim3A_167 : f32 to vector<16xf32>
    %swap3A_169 = arith.constant 448 : index
    %swap3A_170 = tpu.vector_load %arg8[%swap3A_169] {strides = array<i32>} : memref<640xf32, #tpu.memory_space<vmem>>, vector<16xf32>,
    %swap3A_171 = vector.shape_cast %swap3A_170 : vector<16xf32> to vector<16xf32>
    %swap3A_172 = vector.shape_cast %broadcast_in_dim3A_168 : vector<16xf32> to vector<16xf32>
    tpu.vector_store %arg8[%swap3A_169], %swap3A_172 {strides = array<i32>} : memref<640xf32, #tpu.memory_space<vmem>>, vector<16xf32>,
    %broadcast_in_dim3A_173 = arith.constant 0.000000e+00 : f32
    %broadcast_in_dim3A_174 = vector.broadcast %broadcast_in_dim3A_173 : f32 to vector<16xf32>
    %swap3A_175 = arith.constant 464 : index
    %swap3A_176 = tpu.vector_load %arg8[%swap3A_175] {strides = array<i32>} : memref<640xf32, #tpu.memory_space<vmem>>, vector<16xf32>,
    %swap3A_177 = vector.shape_cast %swap3A_176 : vector<16xf32> to vector<16xf32>
    %swap3A_178 = vector.shape_cast %broadcast_in_dim3A_174 : vector<16xf32> to vector<16xf32>
    tpu.vector_store %arg8[%swap3A_175], %swap3A_178 {strides = array<i32>} : memref<640xf32, #tpu.memory_space<vmem>>, vector<16xf32>,
    %broadcast_in_dim3A_179 = arith.constant 0.000000e+00 : f32
    %broadcast_in_dim3A_180 = vector.broadcast %broadcast_in_dim3A_179 : f32 to vector<16xf32>
    %swap3A_181 = arith.constant 480 : index
    %swap3A_182 = tpu.vector_load %arg8[%swap3A_181] {strides = array<i32>} : memref<640xf32, #tpu.memory_space<vmem>>, vector<16xf32>,
    %swap3A_183 = vector.shape_cast %swap3A_182 : vector<16xf32> to vector<16xf32>
    %swap3A_184 = vector.shape_cast %broadcast_in_dim3A_180 : vector<16xf32> to vector<16xf32>
    tpu.vector_store %arg8[%swap3A_181], %swap3A_184 {strides = array<i32>} : memref<640xf32, #tpu.memory_space<vmem>>, vector<16xf32>,
    %broadcast_in_dim3A_185 = arith.constant 0.000000e+00 : f32
    %broadcast_in_dim3A_186 = vector.broadcast %broadcast_in_dim3A_185 : f32 to vector<16xf32>
    %swap3A_187 = arith.constant 496 : index
    %swap3A_188 = tpu.vector_load %arg8[%swap3A_187] {strides = array<i32>} : memref<640xf32, #tpu.memory_space<vmem>>, vector<16xf32>,
    %swap3A_189 = vector.shape_cast %swap3A_188 : vector<16xf32> to vector<16xf32>
    %swap3A_190 = vector.shape_cast %broadcast_in_dim3A_186 : vector<16xf32> to vector<16xf32>
    tpu.vector_store %arg8[%swap3A_187], %swap3A_190 {strides = array<i32>} : memref<640xf32, #tpu.memory_space<vmem>>, vector<16xf32>,
    %broadcast_in_dim3A_191 = arith.constant 0.000000e+00 : f32
    %broadcast_in_dim3A_192 = vector.broadcast %broadcast_in_dim3A_191 : f32 to vector<16xf32>
    %swap3A_193 = arith.constant 512 : index
    %swap3A_194 = tpu.vector_load %arg8[%swap3A_193] {strides = array<i32>} : memref<640xf32, #tpu.memory_space<vmem>>, vector<16xf32>,
    %swap3A_195 = vector.shape_cast %swap3A_194 : vector<16xf32> to vector<16xf32>
    %swap3A_196 = vector.shape_cast %broadcast_in_dim3A_192 : vector<16xf32> to vector<16xf32>
    tpu.vector_store %arg8[%swap3A_193], %swap3A_196 {strides = array<i32>} : memref<640xf32, #tpu.memory_space<vmem>>, vector<16xf32>,
    %broadcast_in_dim3A_197 = arith.constant 0.000000e+00 : f32
    %broadcast_in_dim3A_198 = vector.broadcast %broadcast_in_dim3A_197 : f32 to vector<16xf32>
    %swap3A_199 = arith.constant 528 : index
    %swap3A_200 = tpu.vector_load %arg8[%swap3A_199] {strides = array<i32>} : memref<640xf32, #tpu.memory_space<vmem>>, vector<16xf32>,
    %swap3A_201 = vector.shape_cast %swap3A_200 : vector<16xf32> to vector<16xf32>
    %swap3A_202 = vector.shape_cast %broadcast_in_dim3A_198 : vector<16xf32> to vector<16xf32>
    tpu.vector_store %arg8[%swap3A_199], %swap3A_202 {strides = array<i32>} : memref<640xf32, #tpu.memory_space<vmem>>, vector<16xf32>,
    %broadcast_in_dim3A_203 = arith.constant 0.000000e+00 : f32
    %broadcast_in_dim3A_204 = vector.broadcast %broadcast_in_dim3A_203 : f32 to vector<16xf32>
    %swap3A_205 = arith.constant 544 : index
    %swap3A_206 = tpu.vector_load %arg8[%swap3A_205] {strides = array<i32>} : memref<640xf32, #tpu.memory_space<vmem>>, vector<16xf32>,
    %swap3A_207 = vector.shape_cast %swap3A_206 : vector<16xf32> to vector<16xf32>
    %swap3A_208 = vector.shape_cast %broadcast_in_dim3A_204 : vector<16xf32> to vector<16xf32>
    tpu.vector_store %arg8[%swap3A_205], %swap3A_208 {strides = array<i32>} : memref<640xf32, #tpu.memory_space<vmem>>, vector<16xf32>,
    %broadcast_in_dim3A_209 = arith.constant 0.000000e+00 : f32
    %broadcast_in_dim3A_210 = vector.broadcast %broadcast_in_dim3A_209 : f32 to vector<16xf32>
    %swap3A_211 = arith.constant 560 : index
    %swap3A_212 = tpu.vector_load %arg8[%swap3A_211] {strides = array<i32>} : memref<640xf32, #tpu.memory_space<vmem>>, vector<16xf32>,
    %swap3A_213 = vector.shape_cast %swap3A_212 : vector<16xf32> to vector<16xf32>
    %swap3A_214 = vector.shape_cast %broadcast_in_dim3A_210 : vector<16xf32> to vector<16xf32>
    tpu.vector_store %arg8[%swap3A_211], %swap3A_214 {strides = array<i32>} : memref<640xf32, #tpu.memory_space<vmem>>, vector<16xf32>,
    %broadcast_in_dim3A_215 = arith.constant 0.000000e+00 : f32
    %broadcast_in_dim3A_216 = vector.broadcast %broadcast_in_dim3A_215 : f32 to vector<16xf32>
    %swap3A_217 = arith.constant 576 : index
    %swap3A_218 = tpu.vector_load %arg8[%swap3A_217] {strides = array<i32>} : memref<640xf32, #tpu.memory_space<vmem>>, vector<16xf32>,
    %swap3A_219 = vector.shape_cast %swap3A_218 : vector<16xf32> to vector<16xf32>
    %swap3A_220 = vector.shape_cast %broadcast_in_dim3A_216 : vector<16xf32> to vector<16xf32>
    tpu.vector_store %arg8[%swap3A_217], %swap3A_220 {strides = array<i32>} : memref<640xf32, #tpu.memory_space<vmem>>, vector<16xf32>,
    %broadcast_in_dim3A_221 = arith.constant 0.000000e+00 : f32
    %broadcast_in_dim3A_222 = vector.broadcast %broadcast_in_dim3A_221 : f32 to vector<16xf32>
    %swap3A_223 = arith.constant 592 : index
    %swap3A_224 = tpu.vector_load %arg8[%swap3A_223] {strides = array<i32>} : memref<640xf32, #tpu.memory_space<vmem>>, vector<16xf32>,
    %swap3A_225 = vector.shape_cast %swap3A_224 : vector<16xf32> to vector<16xf32>
    %swap3A_226 = vector.shape_cast %broadcast_in_dim3A_222 : vector<16xf32> to vector<16xf32>
    tpu.vector_store %arg8[%swap3A_223], %swap3A_226 {strides = array<i32>} : memref<640xf32, #tpu.memory_space<vmem>>, vector<16xf32>,
    %broadcast_in_dim3A_227 = arith.constant 0.000000e+00 : f32
    %broadcast_in_dim3A_228 = vector.broadcast %broadcast_in_dim3A_227 : f32 to vector<16xf32>
    %swap3A_229 = arith.constant 608 : index
    %swap3A_230 = tpu.vector_load %arg8[%swap3A_229] {strides = array<i32>} : memref<640xf32, #tpu.memory_space<vmem>>, vector<16xf32>,
    %swap3A_231 = vector.shape_cast %swap3A_230 : vector<16xf32> to vector<16xf32>
    %swap3A_232 = vector.shape_cast %broadcast_in_dim3A_228 : vector<16xf32> to vector<16xf32>
    tpu.vector_store %arg8[%swap3A_229], %swap3A_232 {strides = array<i32>} : memref<640xf32, #tpu.memory_space<vmem>>, vector<16xf32>,
    %broadcast_in_dim3A_233 = arith.constant 0.000000e+00 : f32
    %broadcast_in_dim3A_234 = vector.broadcast %broadcast_in_dim3A_233 : f32 to vector<16xf32>
    %swap3A_235 = arith.constant 624 : index
    %swap3A_236 = tpu.vector_load %arg8[%swap3A_235] {strides = array<i32>} : memref<640xf32, #tpu.memory_space<vmem>>, vector<16xf32>,
    %swap3A_237 = vector.shape_cast %swap3A_236 : vector<16xf32> to vector<16xf32>
    %swap3A_238 = vector.shape_cast %broadcast_in_dim3A_234 : vector<16xf32> to vector<16xf32>
    tpu.vector_store %arg8[%swap3A_235], %swap3A_238 {strides = array<i32>} : memref<640xf32, #tpu.memory_space<vmem>>, vector<16xf32>,
    %broadcast_in_dim3A_239 = arith.constant 1.000000e+00 : f32
    %broadcast_in_dim3A_240 = vector.broadcast %broadcast_in_dim3A_239 : f32 to vector<16xf32>
    %swap3A_241 = arith.constant 0 : index
    %swap3A_242 = tpu.vector_load %arg7[%swap3A_241] {strides = array<i32>} : memref<128xf32, #tpu.memory_space<vmem>>, vector<16xf32>,
    %swap3A_243 = vector.shape_cast %swap3A_242 : vector<16xf32> to vector<16xf32>
    %swap3A_244 = vector.shape_cast %broadcast_in_dim3A_240 : vector<16xf32> to vector<16xf32>
    tpu.vector_store %arg7[%swap3A_241], %swap3A_244 {strides = array<i32>} : memref<128xf32, #tpu.memory_space<vmem>>, vector<16xf32>,
    %broadcast_in_dim3A_245 = arith.constant 1.000000e+00 : f32
    %broadcast_in_dim3A_246 = vector.broadcast %broadcast_in_dim3A_245 : f32 to vector<16xf32>
    %swap3A_247 = arith.constant 16 : index
    %swap3A_248 = tpu.vector_load %arg7[%swap3A_247] {strides = array<i32>} : memref<128xf32, #tpu.memory_space<vmem>>, vector<16xf32>,
    %swap3A_249 = vector.shape_cast %swap3A_248 : vector<16xf32> to vector<16xf32>
    %swap3A_250 = vector.shape_cast %broadcast_in_dim3A_246 : vector<16xf32> to vector<16xf32>
    tpu.vector_store %arg7[%swap3A_247], %swap3A_250 {strides = array<i32>} : memref<128xf32, #tpu.memory_space<vmem>>, vector<16xf32>,
    %broadcast_in_dim3A_251 = arith.constant 1.000000e+00 : f32
    %broadcast_in_dim3A_252 = vector.broadcast %broadcast_in_dim3A_251 : f32 to vector<16xf32>
    %swap3A_253 = arith.constant 32 : index
    %swap3A_254 = tpu.vector_load %arg7[%swap3A_253] {strides = array<i32>} : memref<128xf32, #tpu.memory_space<vmem>>, vector<16xf32>,
    %swap3A_255 = vector.shape_cast %swap3A_254 : vector<16xf32> to vector<16xf32>
    %swap3A_256 = vector.shape_cast %broadcast_in_dim3A_252 : vector<16xf32> to vector<16xf32>
    tpu.vector_store %arg7[%swap3A_253], %swap3A_256 {strides = array<i32>} : memref<128xf32, #tpu.memory_space<vmem>>, vector<16xf32>,
    %broadcast_in_dim3A_257 = arith.constant 1.000000e+00 : f32
    %broadcast_in_dim3A_258 = vector.broadcast %broadcast_in_dim3A_257 : f32 to vector<16xf32>
    %swap3A_259 = arith.constant 48 : index
    %swap3A_260 = tpu.vector_load %arg7[%swap3A_259] {strides = array<i32>} : memref<128xf32, #tpu.memory_space<vmem>>, vector<16xf32>,
    %swap3A_261 = vector.shape_cast %swap3A_260 : vector<16xf32> to vector<16xf32>
    %swap3A_262 = vector.shape_cast %broadcast_in_dim3A_258 : vector<16xf32> to vector<16xf32>
    tpu.vector_store %arg7[%swap3A_259], %swap3A_262 {strides = array<i32>} : memref<128xf32, #tpu.memory_space<vmem>>, vector<16xf32>,
    %broadcast_in_dim3A_263 = arith.constant 1.000000e+00 : f32
    %broadcast_in_dim3A_264 = vector.broadcast %broadcast_in_dim3A_263 : f32 to vector<16xf32>
    %swap3A_265 = arith.constant 64 : index
    %swap3A_266 = tpu.vector_load %arg7[%swap3A_265] {strides = array<i32>} : memref<128xf32, #tpu.memory_space<vmem>>, vector<16xf32>,
    %swap3A_267 = vector.shape_cast %swap3A_266 : vector<16xf32> to vector<16xf32>
    %swap3A_268 = vector.shape_cast %broadcast_in_dim3A_264 : vector<16xf32> to vector<16xf32>
    tpu.vector_store %arg7[%swap3A_265], %swap3A_268 {strides = array<i32>} : memref<128xf32, #tpu.memory_space<vmem>>, vector<16xf32>,
    %broadcast_in_dim3A_269 = arith.constant 1.000000e+00 : f32
    %broadcast_in_dim3A_270 = vector.broadcast %broadcast_in_dim3A_269 : f32 to vector<16xf32>
    %swap3A_271 = arith.constant 80 : index
    %swap3A_272 = tpu.vector_load %arg7[%swap3A_271] {strides = array<i32>} : memref<128xf32, #tpu.memory_space<vmem>>, vector<16xf32>,
    %swap3A_273 = vector.shape_cast %swap3A_272 : vector<16xf32> to vector<16xf32>
    %swap3A_274 = vector.shape_cast %broadcast_in_dim3A_270 : vector<16xf32> to vector<16xf32>
    tpu.vector_store %arg7[%swap3A_271], %swap3A_274 {strides = array<i32>} : memref<128xf32, #tpu.memory_space<vmem>>, vector<16xf32>,
    %broadcast_in_dim3A_275 = arith.constant 1.000000e+00 : f32
    %broadcast_in_dim3A_276 = vector.broadcast %broadcast_in_dim3A_275 : f32 to vector<16xf32>
    %swap3A_277 = arith.constant 96 : index
    %swap3A_278 = tpu.vector_load %arg7[%swap3A_277] {strides = array<i32>} : memref<128xf32, #tpu.memory_space<vmem>>, vector<16xf32>,
    %swap3A_279 = vector.shape_cast %swap3A_278 : vector<16xf32> to vector<16xf32>
    %swap3A_280 = vector.shape_cast %broadcast_in_dim3A_276 : vector<16xf32> to vector<16xf32>
    tpu.vector_store %arg7[%swap3A_277], %swap3A_280 {strides = array<i32>} : memref<128xf32, #tpu.memory_space<vmem>>, vector<16xf32>,
    %broadcast_in_dim3A_281 = arith.constant 1.000000e+00 : f32
    %broadcast_in_dim3A_282 = vector.broadcast %broadcast_in_dim3A_281 : f32 to vector<16xf32>
    %swap3A_283 = arith.constant 112 : index
    %swap3A_284 = tpu.vector_load %arg7[%swap3A_283] {strides = array<i32>} : memref<128xf32, #tpu.memory_space<vmem>>, vector<16xf32>,
    %swap3A_285 = vector.shape_cast %swap3A_284 : vector<16xf32> to vector<16xf32>
    %swap3A_286 = vector.shape_cast %broadcast_in_dim3A_282 : vector<16xf32> to vector<16xf32>
    tpu.vector_store %arg7[%swap3A_283], %swap3A_286 {strides = array<i32>} : memref<128xf32, #tpu.memory_space<vmem>>, vector<16xf32>,
    %mul3A_287 = arith.constant 640 : i32
    %mul3A_288 = arith.muli %arg1, %mul3A_287 : i32
    "tpu.region"() ({
      %run_scoped3A = tpu.sem_alloc : memref<!tpu.dma_semaphore, #tpu.memory_space<semaphore_mem>>
      %dma_start3A_489 = tpu.memref_slice %arg10[%mul3A_288] : memref<10240xf32, #tpu.memory_space<vmem_shared>> -> memref<640xf32, #tpu.memory_space<vmem_shared>>
      %dma_start3A_490 = tpu.memref_slice %arg10[%mul3A_288] : memref<10240xf32, #tpu.memory_space<vmem_shared>> -> memref<640xf32, #tpu.memory_space<vmem_shared>>
      tpu.enqueue_dma source(%arg8 : memref<640xf32, #tpu.memory_space<vmem>>) target(%dma_start3A_490 : memref<640xf32, #tpu.memory_space<vmem_shared>>) target_semaphore(%run_scoped3A : memref<!tpu.dma_semaphore, #tpu.memory_space<semaphore_mem>>)
      %dma_wait3A_491 = tpu.memref_slice %arg10[%mul3A_288] : memref<10240xf32, #tpu.memory_space<vmem_shared>> -> memref<640xf32, #tpu.memory_space<vmem_shared>>
      %dma_wait3A_492 = tpu.memref_slice %arg10[%mul3A_288] : memref<10240xf32, #tpu.memory_space<vmem_shared>> -> memref<640xf32, #tpu.memory_space<vmem_shared>>
      tpu.wait_dma2 semaphore(%run_scoped3A : memref<!tpu.dma_semaphore, #tpu.memory_space<semaphore_mem>>) src(%arg8 : memref<640xf32, #tpu.memory_space<vmem>>) dst(%dma_wait3A_492 : memref<640xf32, #tpu.memory_space<vmem_shared>>)
      tpu.yield
    }) : () -> ()
    %mul3A_289 = arith.constant 78 : i32
    %mul3A_290 = arith.muli %mul3A_289, %add3A : i32
    %min3A = arith.constant 4 : i32
    %min3A_291 = arith.minsi %add3A, %min3A : i32
    %add3A_292 = arith.addi %mul3A_290, %min3A_291 : i32
    %mul3A_293 = arith.constant 128 : i32
    %mul3A_294 = arith.muli %add3A_292, %mul3A_293 : i32
    %multiple_of3A = tpu.assume_multiple %mul3A_294, 128 : i32
    "tpu.region"() ({
      %run_scoped3A = tpu.sem_alloc : memref<!tpu.dma_semaphore, #tpu.memory_space<semaphore_mem>>
      %dma_start3A_489 = arith.constant 0 : i32
      %dma_start3A_490 = tpu.memref_slice %arg2[%dma_start3A_489, %multiple_of3A] : memref<2x320000xi32, #tpu.memory_space<hbm>> -> memref<1x9984xi32, #tpu.memory_space<hbm>>
      %dma_start3A_491 = arith.constant 0 : i32
      %dma_start3A_492 = tpu.memref_slice %arg2[%dma_start3A_491, %multiple_of3A] : memref<2x320000xi32, #tpu.memory_space<hbm>> -> memref<1x9984xi32, #tpu.memory_space<hbm>>
      tpu.enqueue_dma source(%dma_start3A_492 : memref<1x9984xi32, #tpu.memory_space<hbm>>) target(%arg5 : memref<1x9984xi32, #tpu.memory_space<vmem>>) target_semaphore(%run_scoped3A : memref<!tpu.dma_semaphore, #tpu.memory_space<semaphore_mem>>)
      %dma_wait3A_493 = arith.constant 0 : i32
      %dma_wait3A_494 = tpu.memref_slice %arg2[%dma_wait3A_493, %multiple_of3A] : memref<2x320000xi32, #tpu.memory_space<hbm>> -> memref<1x9984xi32, #tpu.memory_space<hbm>>
      %dma_wait3A_495 = arith.constant 0 : i32
      %dma_wait3A_496 = tpu.memref_slice %arg2[%dma_wait3A_495, %multiple_of3A] : memref<2x320000xi32, #tpu.memory_space<hbm>> -> memref<1x9984xi32, #tpu.memory_space<hbm>>
      tpu.wait_dma2 semaphore(%run_scoped3A : memref<!tpu.dma_semaphore, #tpu.memory_space<semaphore_mem>>) src(%dma_wait3A_496 : memref<1x9984xi32, #tpu.memory_space<hbm>>) dst(%arg5 : memref<1x9984xi32, #tpu.memory_space<vmem>>)
      tpu.yield
    }) : () -> ()
    %lt3A = arith.constant 4 : i32
    %lt3A_295 = arith.cmpi slt, %add3A, %lt3A : i32
    %convert_element_type3A = arith.extui %lt3A_295 : i1 to i32
    %cond3A = arith.constant 0 : i32
    %cond3A_296 = arith.cmpi ne, %convert_element_type3A, %cond3A : i32
    scf.if %cond3A_296 {
      %add3A_489 = arith.constant 2496 : i32
      %add3A_490 = arith.addi %add3A_489, %add3A : i32
      %mul3A_491 = arith.constant 128 : i32
      %mul3A_492 = arith.muli %add3A_490, %mul3A_491 : i32
      %multiple_of3A_493 = tpu.assume_multiple %mul3A_492, 128 : i32
      "tpu.region"() ({
        %run_scoped3A = tpu.sem_alloc : memref<!tpu.dma_semaphore, #tpu.memory_space<semaphore_mem>>
        %dma_start3A_494 = arith.constant 78 : i32
        %dma_start3A_495 = arith.constant 0 : i32
        %dma_start3A_496 = tpu.memref_slice %arg6[%dma_start3A_494, %dma_start3A_495] : memref<79x128xi32, #tpu.memory_space<vmem>> -> memref<1x128xi32, #tpu.memory_space<vmem>>
        %dma_start3A_497 = arith.constant 0 : i32
        %dma_start3A_498 = tpu.memref_slice %arg2[%dma_start3A_497, %multiple_of3A_493] : memref<2x320000xi32, #tpu.memory_space<hbm>> -> memref<1x128xi32, #tpu.memory_space<hbm>>
        %dma_start3A_499 = arith.constant 78 : i32
        %dma_start3A_500 = arith.constant 0 : i32
        %dma_start3A_501 = tpu.memref_slice %arg6[%dma_start3A_499, %dma_start3A_500] : memref<79x128xi32, #tpu.memory_space<vmem>> -> memref<1x128xi32, #tpu.memory_space<vmem>>
        %dma_start3A_502 = arith.constant 0 : i32
        %dma_start3A_503 = tpu.memref_slice %arg2[%dma_start3A_502, %multiple_of3A_493] : memref<2x320000xi32, #tpu.memory_space<hbm>> -> memref<1x128xi32, #tpu.memory_space<hbm>>
        tpu.enqueue_dma source(%dma_start3A_503 : memref<1x128xi32, #tpu.memory_space<hbm>>) target(%dma_start3A_501 : memref<1x128xi32, #tpu.memory_space<vmem>>) target_semaphore(%run_scoped3A : memref<!tpu.dma_semaphore, #tpu.memory_space<semaphore_mem>>)
        %dma_wait3A_504 = arith.constant 78 : i32
        %dma_wait3A_505 = arith.constant 0 : i32
        %dma_wait3A_506 = tpu.memref_slice %arg6[%dma_wait3A_504, %dma_wait3A_505] : memref<79x128xi32, #tpu.memory_space<vmem>> -> memref<1x128xi32, #tpu.memory_space<vmem>>
        %dma_wait3A_507 = arith.constant 0 : i32
        %dma_wait3A_508 = tpu.memref_slice %arg2[%dma_wait3A_507, %multiple_of3A_493] : memref<2x320000xi32, #tpu.memory_space<hbm>> -> memref<1x128xi32, #tpu.memory_space<hbm>>
        %dma_wait3A_509 = arith.constant 78 : i32
        %dma_wait3A_510 = arith.constant 0 : i32
        %dma_wait3A_511 = tpu.memref_slice %arg6[%dma_wait3A_509, %dma_wait3A_510] : memref<79x128xi32, #tpu.memory_space<vmem>> -> memref<1x128xi32, #tpu.memory_space<vmem>>
        %dma_wait3A_512 = arith.constant 0 : i32
        %dma_wait3A_513 = tpu.memref_slice %arg2[%dma_wait3A_512, %multiple_of3A_493] : memref<2x320000xi32, #tpu.memory_space<hbm>> -> memref<1x128xi32, #tpu.memory_space<hbm>>
        tpu.wait_dma2 semaphore(%run_scoped3A : memref<!tpu.dma_semaphore, #tpu.memory_space<semaphore_mem>>) src(%dma_wait3A_513 : memref<1x128xi32, #tpu.memory_space<hbm>>) dst(%dma_wait3A_511 : memref<1x128xi32, #tpu.memory_space<vmem>>)
        tpu.yield
      }) : () -> ()
    } else {
    }
    %scan3A = arith.constant 0 : i32
    %scan3A_297 = arith.constant 0 : i32
    %scan3A_298 = arith.constant 78 : i32
    %scan3A_299 = arith.addi %scan3A_297, %scan3A_298 : i32
    %scan3A_300 = arith.constant 1 : i32
    scf.for %scan3A_489 = %scan3A_297 to %scan3A_299 step %scan3A_300  : i32 {
      %mul3A_490 = arith.constant 128 : i32
      %mul3A_491 = arith.muli %scan3A_489, %mul3A_490 : i32
      %add3A_492 = arith.constant 0 : i32
      %add3A_493 = arith.addi %mul3A_491, %add3A_492 : i32
      %get3A = arith.constant 0 : i32
      %get3A_494 = arith.index_cast %get3A : i32 to index
      %get3A_495 = arith.index_cast %add3A_493 : i32 to index
      %get3A_496 = tpu.vector_load %arg5[%get3A_494, %get3A_495] {strides = array<i32>} : memref<1x9984xi32, #tpu.memory_space<vmem>>, vector<1x16xi32>,
      %get3A_497 = vector.shape_cast %get3A_496 : vector<1x16xi32> to vector<16xi32>
      %swap3A_498 = arith.index_cast %scan3A_489 : i32 to index
      %swap3A_499 = arith.constant 0 : index
      %swap3A_500 = tpu.vector_load %arg6[%swap3A_498, %swap3A_499] {strides = array<i32>} : memref<79x128xi32, #tpu.memory_space<vmem>>, vector<1x16xi32>,
      %swap3A_501 = vector.shape_cast %swap3A_500 : vector<1x16xi32> to vector<16xi32>
      %swap3A_502 = vector.shape_cast %get3A_497 : vector<16xi32> to vector<1x16xi32>
      tpu.vector_store %arg6[%swap3A_498, %swap3A_499], %swap3A_502 {strides = array<i32>} : memref<79x128xi32, #tpu.memory_space<vmem>>, vector<1x16xi32>,
      %mul3A_503 = arith.constant 128 : i32
      %mul3A_504 = arith.muli %scan3A_489, %mul3A_503 : i32
      %add3A_505 = arith.constant 16 : i32
      %add3A_506 = arith.addi %mul3A_504, %add3A_505 : i32
      %get3A_507 = arith.constant 0 : i32
      %get3A_508 = arith.index_cast %get3A_507 : i32 to index
      %get3A_509 = arith.index_cast %add3A_506 : i32 to index
      %get3A_510 = tpu.vector_load %arg5[%get3A_508, %get3A_509] {strides = array<i32>} : memref<1x9984xi32, #tpu.memory_space<vmem>>, vector<1x16xi32>,
      %get3A_511 = vector.shape_cast %get3A_510 : vector<1x16xi32> to vector<16xi32>
      %swap3A_512 = arith.index_cast %scan3A_489 : i32 to index
      %swap3A_513 = arith.constant 16 : index
      %swap3A_514 = tpu.vector_load %arg6[%swap3A_512, %swap3A_513] {strides = array<i32>} : memref<79x128xi32, #tpu.memory_space<vmem>>, vector<1x16xi32>,
      %swap3A_515 = vector.shape_cast %swap3A_514 : vector<1x16xi32> to vector<16xi32>
      %swap3A_516 = vector.shape_cast %get3A_511 : vector<16xi32> to vector<1x16xi32>
      tpu.vector_store %arg6[%swap3A_512, %swap3A_513], %swap3A_516 {strides = array<i32>} : memref<79x128xi32, #tpu.memory_space<vmem>>, vector<1x16xi32>,
      %mul3A_517 = arith.constant 128 : i32
      %mul3A_518 = arith.muli %scan3A_489, %mul3A_517 : i32
      %add3A_519 = arith.constant 32 : i32
      %add3A_520 = arith.addi %mul3A_518, %add3A_519 : i32
      %get3A_521 = arith.constant 0 : i32
      %get3A_522 = arith.index_cast %get3A_521 : i32 to index
      %get3A_523 = arith.index_cast %add3A_520 : i32 to index
      %get3A_524 = tpu.vector_load %arg5[%get3A_522, %get3A_523] {strides = array<i32>} : memref<1x9984xi32, #tpu.memory_space<vmem>>, vector<1x16xi32>,
      %get3A_525 = vector.shape_cast %get3A_524 : vector<1x16xi32> to vector<16xi32>
      %swap3A_526 = arith.index_cast %scan3A_489 : i32 to index
      %swap3A_527 = arith.constant 32 : index
      %swap3A_528 = tpu.vector_load %arg6[%swap3A_526, %swap3A_527] {strides = array<i32>} : memref<79x128xi32, #tpu.memory_space<vmem>>, vector<1x16xi32>,
      %swap3A_529 = vector.shape_cast %swap3A_528 : vector<1x16xi32> to vector<16xi32>
      %swap3A_530 = vector.shape_cast %get3A_525 : vector<16xi32> to vector<1x16xi32>
      tpu.vector_store %arg6[%swap3A_526, %swap3A_527], %swap3A_530 {strides = array<i32>} : memref<79x128xi32, #tpu.memory_space<vmem>>, vector<1x16xi32>,
      %mul3A_531 = arith.constant 128 : i32
      %mul3A_532 = arith.muli %scan3A_489, %mul3A_531 : i32
      %add3A_533 = arith.constant 48 : i32
      %add3A_534 = arith.addi %mul3A_532, %add3A_533 : i32
      %get3A_535 = arith.constant 0 : i32
      %get3A_536 = arith.index_cast %get3A_535 : i32 to index
      %get3A_537 = arith.index_cast %add3A_534 : i32 to index
      %get3A_538 = tpu.vector_load %arg5[%get3A_536, %get3A_537] {strides = array<i32>} : memref<1x9984xi32, #tpu.memory_space<vmem>>, vector<1x16xi32>,
      %get3A_539 = vector.shape_cast %get3A_538 : vector<1x16xi32> to vector<16xi32>
      %swap3A_540 = arith.index_cast %scan3A_489 : i32 to index
      %swap3A_541 = arith.constant 48 : index
      %swap3A_542 = tpu.vector_load %arg6[%swap3A_540, %swap3A_541] {strides = array<i32>} : memref<79x128xi32, #tpu.memory_space<vmem>>, vector<1x16xi32>,
      %swap3A_543 = vector.shape_cast %swap3A_542 : vector<1x16xi32> to vector<16xi32>
      %swap3A_544 = vector.shape_cast %get3A_539 : vector<16xi32> to vector<1x16xi32>
      tpu.vector_store %arg6[%swap3A_540, %swap3A_541], %swap3A_544 {strides = array<i32>} : memref<79x128xi32, #tpu.memory_space<vmem>>, vector<1x16xi32>,
      %mul3A_545 = arith.constant 128 : i32
      %mul3A_546 = arith.muli %scan3A_489, %mul3A_545 : i32
      %add3A_547 = arith.constant 64 : i32
      %add3A_548 = arith.addi %mul3A_546, %add3A_547 : i32
      %get3A_549 = arith.constant 0 : i32
      %get3A_550 = arith.index_cast %get3A_549 : i32 to index
      %get3A_551 = arith.index_cast %add3A_548 : i32 to index
      %get3A_552 = tpu.vector_load %arg5[%get3A_550, %get3A_551] {strides = array<i32>} : memref<1x9984xi32, #tpu.memory_space<vmem>>, vector<1x16xi32>,
      %get3A_553 = vector.shape_cast %get3A_552 : vector<1x16xi32> to vector<16xi32>
      %swap3A_554 = arith.index_cast %scan3A_489 : i32 to index
      %swap3A_555 = arith.constant 64 : index
      %swap3A_556 = tpu.vector_load %arg6[%swap3A_554, %swap3A_555] {strides = array<i32>} : memref<79x128xi32, #tpu.memory_space<vmem>>, vector<1x16xi32>,
      %swap3A_557 = vector.shape_cast %swap3A_556 : vector<1x16xi32> to vector<16xi32>
      %swap3A_558 = vector.shape_cast %get3A_553 : vector<16xi32> to vector<1x16xi32>
      tpu.vector_store %arg6[%swap3A_554, %swap3A_555], %swap3A_558 {strides = array<i32>} : memref<79x128xi32, #tpu.memory_space<vmem>>, vector<1x16xi32>,
      %mul3A_559 = arith.constant 128 : i32
      %mul3A_560 = arith.muli %scan3A_489, %mul3A_559 : i32
      %add3A_561 = arith.constant 80 : i32
      %add3A_562 = arith.addi %mul3A_560, %add3A_561 : i32
      %get3A_563 = arith.constant 0 : i32
      %get3A_564 = arith.index_cast %get3A_563 : i32 to index
      %get3A_565 = arith.index_cast %add3A_562 : i32 to index
      %get3A_566 = tpu.vector_load %arg5[%get3A_564, %get3A_565] {strides = array<i32>} : memref<1x9984xi32, #tpu.memory_space<vmem>>, vector<1x16xi32>,
      %get3A_567 = vector.shape_cast %get3A_566 : vector<1x16xi32> to vector<16xi32>
      %swap3A_568 = arith.index_cast %scan3A_489 : i32 to index
      %swap3A_569 = arith.constant 80 : index
      %swap3A_570 = tpu.vector_load %arg6[%swap3A_568, %swap3A_569] {strides = array<i32>} : memref<79x128xi32, #tpu.memory_space<vmem>>, vector<1x16xi32>,
      %swap3A_571 = vector.shape_cast %swap3A_570 : vector<1x16xi32> to vector<16xi32>
      %swap3A_572 = vector.shape_cast %get3A_567 : vector<16xi32> to vector<1x16xi32>
      tpu.vector_store %arg6[%swap3A_568, %swap3A_569], %swap3A_572 {strides = array<i32>} : memref<79x128xi32, #tpu.memory_space<vmem>>, vector<1x16xi32>,
      %mul3A_573 = arith.constant 128 : i32
      %mul3A_574 = arith.muli %scan3A_489, %mul3A_573 : i32
      %add3A_575 = arith.constant 96 : i32
      %add3A_576 = arith.addi %mul3A_574, %add3A_575 : i32
      %get3A_577 = arith.constant 0 : i32
      %get3A_578 = arith.index_cast %get3A_577 : i32 to index
      %get3A_579 = arith.index_cast %add3A_576 : i32 to index
      %get3A_580 = tpu.vector_load %arg5[%get3A_578, %get3A_579] {strides = array<i32>} : memref<1x9984xi32, #tpu.memory_space<vmem>>, vector<1x16xi32>,
      %get3A_581 = vector.shape_cast %get3A_580 : vector<1x16xi32> to vector<16xi32>
      %swap3A_582 = arith.index_cast %scan3A_489 : i32 to index
      %swap3A_583 = arith.constant 96 : index
      %swap3A_584 = tpu.vector_load %arg6[%swap3A_582, %swap3A_583] {strides = array<i32>} : memref<79x128xi32, #tpu.memory_space<vmem>>, vector<1x16xi32>,
      %swap3A_585 = vector.shape_cast %swap3A_584 : vector<1x16xi32> to vector<16xi32>
      %swap3A_586 = vector.shape_cast %get3A_581 : vector<16xi32> to vector<1x16xi32>
      tpu.vector_store %arg6[%swap3A_582, %swap3A_583], %swap3A_586 {strides = array<i32>} : memref<79x128xi32, #tpu.memory_space<vmem>>, vector<1x16xi32>,
      %mul3A_587 = arith.constant 128 : i32
      %mul3A_588 = arith.muli %scan3A_489, %mul3A_587 : i32
      %add3A_589 = arith.constant 112 : i32
      %add3A_590 = arith.addi %mul3A_588, %add3A_589 : i32
      %get3A_591 = arith.constant 0 : i32
      %get3A_592 = arith.index_cast %get3A_591 : i32 to index
      %get3A_593 = arith.index_cast %add3A_590 : i32 to index
      %get3A_594 = tpu.vector_load %arg5[%get3A_592, %get3A_593] {strides = array<i32>} : memref<1x9984xi32, #tpu.memory_space<vmem>>, vector<1x16xi32>,
      %get3A_595 = vector.shape_cast %get3A_594 : vector<1x16xi32> to vector<16xi32>
      %swap3A_596 = arith.index_cast %scan3A_489 : i32 to index
      %swap3A_597 = arith.constant 112 : index
      %swap3A_598 = tpu.vector_load %arg6[%swap3A_596, %swap3A_597] {strides = array<i32>} : memref<79x128xi32, #tpu.memory_space<vmem>>, vector<1x16xi32>,
      %swap3A_599 = vector.shape_cast %swap3A_598 : vector<1x16xi32> to vector<16xi32>
      %swap3A_600 = vector.shape_cast %get3A_595 : vector<16xi32> to vector<1x16xi32>
      tpu.vector_store %arg6[%swap3A_596, %swap3A_597], %swap3A_600 {strides = array<i32>} : memref<79x128xi32, #tpu.memory_space<vmem>>, vector<1x16xi32>,
    }
    %scan3A_301 = arith.constant 78 : i32
    %barrier3A = arith.constant 0 : index
    tpu.barrier barrier_id(%barrier3A)
    %scan3A_302 = arith.constant 0 : i32
    %scan3A_303 = arith.constant 0 : i32
    %scan3A_304 = arith.constant 4 : i32
    %scan3A_305 = arith.addi %scan3A_303, %scan3A_304 : i32
    %scan3A_306 = arith.constant 1 : i32
    scf.for %scan3A_489 = %scan3A_303 to %scan3A_305 step %scan3A_306  : i32 {
      %mul3A_490 = arith.constant 16 : i32
      %mul3A_491 = arith.muli %scan3A_489, %mul3A_490 : i32
      %add3A_492 = arith.constant 0 : i32
      %add3A_493 = arith.addi %mul3A_491, %add3A_492 : i32
      %dma_start3A_494 = arith.constant 0 : i32
      %dma_start3A_495 = tpu.memref_slice %arg6[%add3A_493, %dma_start3A_494] : memref<79x128xi32, #tpu.memory_space<vmem>> -> memref<1x128xi32, #tpu.memory_space<vmem>>
      %dma_start3A_496 = tpu.memref_squeeze %dma_start3A_495 : memref<1x128xi32, #tpu.memory_space<vmem>> -> memref<128xi32, #tpu.memory_space<vmem>>
      %dma_start3A_497 = arith.constant 0 : i32
      %dma_start3A_498 = tpu.memref_slice %arg10[%dma_start3A_497] : memref<10240xf32, #tpu.memory_space<vmem_shared>> -> memref<10240xf32, #tpu.memory_space<vmem_shared>>
      tpu.enqueue_indirect_dma source(%arg7 : memref<128xf32, #tpu.memory_space<vmem>>) target(%dma_start3A_498 : memref<10240xf32, #tpu.memory_space<vmem_shared>>) offsets(%dma_start3A_496 : memref<128xi32, #tpu.memory_space<vmem>>) semaphore(%arg9 : memref<!tpu.dma_semaphore, #tpu.memory_space<semaphore_mem>>) {add = true}
      %mul3A_499 = arith.constant 16 : i32
      %mul3A_500 = arith.muli %scan3A_489, %mul3A_499 : i32
      %add3A_501 = arith.constant 1 : i32
      %add3A_502 = arith.addi %mul3A_500, %add3A_501 : i32
      %dma_start3A_503 = arith.constant 0 : i32
      %dma_start3A_504 = tpu.memref_slice %arg6[%add3A_502, %dma_start3A_503] : memref<79x128xi32, #tpu.memory_space<vmem>> -> memref<1x128xi32, #tpu.memory_space<vmem>>
      %dma_start3A_505 = tpu.memref_squeeze %dma_start3A_504 : memref<1x128xi32, #tpu.memory_space<vmem>> -> memref<128xi32, #tpu.memory_space<vmem>>
      %dma_start3A_506 = arith.constant 0 : i32
      %dma_start3A_507 = tpu.memref_slice %arg10[%dma_start3A_506] : memref<10240xf32, #tpu.memory_space<vmem_shared>> -> memref<10240xf32, #tpu.memory_space<vmem_shared>>
      tpu.enqueue_indirect_dma source(%arg7 : memref<128xf32, #tpu.memory_space<vmem>>) target(%dma_start3A_507 : memref<10240xf32, #tpu.memory_space<vmem_shared>>) offsets(%dma_start3A_505 : memref<128xi32, #tpu.memory_space<vmem>>) semaphore(%arg9 : memref<!tpu.dma_semaphore, #tpu.memory_space<semaphore_mem>>) {add = true}
      %mul3A_508 = arith.constant 16 : i32
      %mul3A_509 = arith.muli %scan3A_489, %mul3A_508 : i32
      %add3A_510 = arith.constant 2 : i32
      %add3A_511 = arith.addi %mul3A_509, %add3A_510 : i32
      %dma_start3A_512 = arith.constant 0 : i32
      %dma_start3A_513 = tpu.memref_slice %arg6[%add3A_511, %dma_start3A_512] : memref<79x128xi32, #tpu.memory_space<vmem>> -> memref<1x128xi32, #tpu.memory_space<vmem>>
      %dma_start3A_514 = tpu.memref_squeeze %dma_start3A_513 : memref<1x128xi32, #tpu.memory_space<vmem>> -> memref<128xi32, #tpu.memory_space<vmem>>
      %dma_start3A_515 = arith.constant 0 : i32
      %dma_start3A_516 = tpu.memref_slice %arg10[%dma_start3A_515] : memref<10240xf32, #tpu.memory_space<vmem_shared>> -> memref<10240xf32, #tpu.memory_space<vmem_shared>>
      tpu.enqueue_indirect_dma source(%arg7 : memref<128xf32, #tpu.memory_space<vmem>>) target(%dma_start3A_516 : memref<10240xf32, #tpu.memory_space<vmem_shared>>) offsets(%dma_start3A_514 : memref<128xi32, #tpu.memory_space<vmem>>) semaphore(%arg9 : memref<!tpu.dma_semaphore, #tpu.memory_space<semaphore_mem>>) {add = true}
      %mul3A_517 = arith.constant 16 : i32
      %mul3A_518 = arith.muli %scan3A_489, %mul3A_517 : i32
      %add3A_519 = arith.constant 3 : i32
      %add3A_520 = arith.addi %mul3A_518, %add3A_519 : i32
      %dma_start3A_521 = arith.constant 0 : i32
      %dma_start3A_522 = tpu.memref_slice %arg6[%add3A_520, %dma_start3A_521] : memref<79x128xi32, #tpu.memory_space<vmem>> -> memref<1x128xi32, #tpu.memory_space<vmem>>
      %dma_start3A_523 = tpu.memref_squeeze %dma_start3A_522 : memref<1x128xi32, #tpu.memory_space<vmem>> -> memref<128xi32, #tpu.memory_space<vmem>>
      %dma_start3A_524 = arith.constant 0 : i32
      %dma_start3A_525 = tpu.memref_slice %arg10[%dma_start3A_524] : memref<10240xf32, #tpu.memory_space<vmem_shared>> -> memref<10240xf32, #tpu.memory_space<vmem_shared>>
      tpu.enqueue_indirect_dma source(%arg7 : memref<128xf32, #tpu.memory_space<vmem>>) target(%dma_start3A_525 : memref<10240xf32, #tpu.memory_space<vmem_shared>>) offsets(%dma_start3A_523 : memref<128xi32, #tpu.memory_space<vmem>>) semaphore(%arg9 : memref<!tpu.dma_semaphore, #tpu.memory_space<semaphore_mem>>) {add = true}
      %mul3A_526 = arith.constant 16 : i32
      %mul3A_527 = arith.muli %scan3A_489, %mul3A_526 : i32
      %add3A_528 = arith.constant 4 : i32
      %add3A_529 = arith.addi %mul3A_527, %add3A_528 : i32
      %dma_start3A_530 = arith.constant 0 : i32
      %dma_start3A_531 = tpu.memref_slice %arg6[%add3A_529, %dma_start3A_530] : memref<79x128xi32, #tpu.memory_space<vmem>> -> memref<1x128xi32, #tpu.memory_space<vmem>>
      %dma_start3A_532 = tpu.memref_squeeze %dma_start3A_531 : memref<1x128xi32, #tpu.memory_space<vmem>> -> memref<128xi32, #tpu.memory_space<vmem>>
      %dma_start3A_533 = arith.constant 0 : i32
      %dma_start3A_534 = tpu.memref_slice %arg10[%dma_start3A_533] : memref<10240xf32, #tpu.memory_space<vmem_shared>> -> memref<10240xf32, #tpu.memory_space<vmem_shared>>
      tpu.enqueue_indirect_dma source(%arg7 : memref<128xf32, #tpu.memory_space<vmem>>) target(%dma_start3A_534 : memref<10240xf32, #tpu.memory_space<vmem_shared>>) offsets(%dma_start3A_532 : memref<128xi32, #tpu.memory_space<vmem>>) semaphore(%arg9 : memref<!tpu.dma_semaphore, #tpu.memory_space<semaphore_mem>>) {add = true}
      %mul3A_535 = arith.constant 16 : i32
      %mul3A_536 = arith.muli %scan3A_489, %mul3A_535 : i32
      %add3A_537 = arith.constant 5 : i32
      %add3A_538 = arith.addi %mul3A_536, %add3A_537 : i32
      %dma_start3A_539 = arith.constant 0 : i32
      %dma_start3A_540 = tpu.memref_slice %arg6[%add3A_538, %dma_start3A_539] : memref<79x128xi32, #tpu.memory_space<vmem>> -> memref<1x128xi32, #tpu.memory_space<vmem>>
      %dma_start3A_541 = tpu.memref_squeeze %dma_start3A_540 : memref<1x128xi32, #tpu.memory_space<vmem>> -> memref<128xi32, #tpu.memory_space<vmem>>
      %dma_start3A_542 = arith.constant 0 : i32
      %dma_start3A_543 = tpu.memref_slice %arg10[%dma_start3A_542] : memref<10240xf32, #tpu.memory_space<vmem_shared>> -> memref<10240xf32, #tpu.memory_space<vmem_shared>>
      tpu.enqueue_indirect_dma source(%arg7 : memref<128xf32, #tpu.memory_space<vmem>>) target(%dma_start3A_543 : memref<10240xf32, #tpu.memory_space<vmem_shared>>) offsets(%dma_start3A_541 : memref<128xi32, #tpu.memory_space<vmem>>) semaphore(%arg9 : memref<!tpu.dma_semaphore, #tpu.memory_space<semaphore_mem>>) {add = true}
      %mul3A_544 = arith.constant 16 : i32
      %mul3A_545 = arith.muli %scan3A_489, %mul3A_544 : i32
      %add3A_546 = arith.constant 6 : i32
      %add3A_547 = arith.addi %mul3A_545, %add3A_546 : i32
      %dma_start3A_548 = arith.constant 0 : i32
      %dma_start3A_549 = tpu.memref_slice %arg6[%add3A_547, %dma_start3A_548] : memref<79x128xi32, #tpu.memory_space<vmem>> -> memref<1x128xi32, #tpu.memory_space<vmem>>
      %dma_start3A_550 = tpu.memref_squeeze %dma_start3A_549 : memref<1x128xi32, #tpu.memory_space<vmem>> -> memref<128xi32, #tpu.memory_space<vmem>>
      %dma_start3A_551 = arith.constant 0 : i32
      %dma_start3A_552 = tpu.memref_slice %arg10[%dma_start3A_551] : memref<10240xf32, #tpu.memory_space<vmem_shared>> -> memref<10240xf32, #tpu.memory_space<vmem_shared>>
      tpu.enqueue_indirect_dma source(%arg7 : memref<128xf32, #tpu.memory_space<vmem>>) target(%dma_start3A_552 : memref<10240xf32, #tpu.memory_space<vmem_shared>>) offsets(%dma_start3A_550 : memref<128xi32, #tpu.memory_space<vmem>>) semaphore(%arg9 : memref<!tpu.dma_semaphore, #tpu.memory_space<semaphore_mem>>) {add = true}
      %mul3A_553 = arith.constant 16 : i32
      %mul3A_554 = arith.muli %scan3A_489, %mul3A_553 : i32
      %add3A_555 = arith.constant 7 : i32
      %add3A_556 = arith.addi %mul3A_554, %add3A_555 : i32
      %dma_start3A_557 = arith.constant 0 : i32
      %dma_start3A_558 = tpu.memref_slice %arg6[%add3A_556, %dma_start3A_557] : memref<79x128xi32, #tpu.memory_space<vmem>> -> memref<1x128xi32, #tpu.memory_space<vmem>>
      %dma_start3A_559 = tpu.memref_squeeze %dma_start3A_558 : memref<1x128xi32, #tpu.memory_space<vmem>> -> memref<128xi32, #tpu.memory_space<vmem>>
      %dma_start3A_560 = arith.constant 0 : i32
      %dma_start3A_561 = tpu.memref_slice %arg10[%dma_start3A_560] : memref<10240xf32, #tpu.memory_space<vmem_shared>> -> memref<10240xf32, #tpu.memory_space<vmem_shared>>
      tpu.enqueue_indirect_dma source(%arg7 : memref<128xf32, #tpu.memory_space<vmem>>) target(%dma_start3A_561 : memref<10240xf32, #tpu.memory_space<vmem_shared>>) offsets(%dma_start3A_559 : memref<128xi32, #tpu.memory_space<vmem>>) semaphore(%arg9 : memref<!tpu.dma_semaphore, #tpu.memory_space<semaphore_mem>>) {add = true}
      %mul3A_562 = arith.constant 16 : i32
      %mul3A_563 = arith.muli %scan3A_489, %mul3A_562 : i32
      %add3A_564 = arith.constant 8 : i32
      %add3A_565 = arith.addi %mul3A_563, %add3A_564 : i32
      %dma_start3A_566 = arith.constant 0 : i32
      %dma_start3A_567 = tpu.memref_slice %arg6[%add3A_565, %dma_start3A_566] : memref<79x128xi32, #tpu.memory_space<vmem>> -> memref<1x128xi32, #tpu.memory_space<vmem>>
      %dma_start3A_568 = tpu.memref_squeeze %dma_start3A_567 : memref<1x128xi32, #tpu.memory_space<vmem>> -> memref<128xi32, #tpu.memory_space<vmem>>
      %dma_start3A_569 = arith.constant 0 : i32
      %dma_start3A_570 = tpu.memref_slice %arg10[%dma_start3A_569] : memref<10240xf32, #tpu.memory_space<vmem_shared>> -> memref<10240xf32, #tpu.memory_space<vmem_shared>>
      tpu.enqueue_indirect_dma source(%arg7 : memref<128xf32, #tpu.memory_space<vmem>>) target(%dma_start3A_570 : memref<10240xf32, #tpu.memory_space<vmem_shared>>) offsets(%dma_start3A_568 : memref<128xi32, #tpu.memory_space<vmem>>) semaphore(%arg9 : memref<!tpu.dma_semaphore, #tpu.memory_space<semaphore_mem>>) {add = true}
      %mul3A_571 = arith.constant 16 : i32
      %mul3A_572 = arith.muli %scan3A_489, %mul3A_571 : i32
      %add3A_573 = arith.constant 9 : i32
      %add3A_574 = arith.addi %mul3A_572, %add3A_573 : i32
      %dma_start3A_575 = arith.constant 0 : i32
      %dma_start3A_576 = tpu.memref_slice %arg6[%add3A_574, %dma_start3A_575] : memref<79x128xi32, #tpu.memory_space<vmem>> -> memref<1x128xi32, #tpu.memory_space<vmem>>
      %dma_start3A_577 = tpu.memref_squeeze %dma_start3A_576 : memref<1x128xi32, #tpu.memory_space<vmem>> -> memref<128xi32, #tpu.memory_space<vmem>>
      %dma_start3A_578 = arith.constant 0 : i32
      %dma_start3A_579 = tpu.memref_slice %arg10[%dma_start3A_578] : memref<10240xf32, #tpu.memory_space<vmem_shared>> -> memref<10240xf32, #tpu.memory_space<vmem_shared>>
      tpu.enqueue_indirect_dma source(%arg7 : memref<128xf32, #tpu.memory_space<vmem>>) target(%dma_start3A_579 : memref<10240xf32, #tpu.memory_space<vmem_shared>>) offsets(%dma_start3A_577 : memref<128xi32, #tpu.memory_space<vmem>>) semaphore(%arg9 : memref<!tpu.dma_semaphore, #tpu.memory_space<semaphore_mem>>) {add = true}
      %mul3A_580 = arith.constant 16 : i32
      %mul3A_581 = arith.muli %scan3A_489, %mul3A_580 : i32
      %add3A_582 = arith.constant 10 : i32
      %add3A_583 = arith.addi %mul3A_581, %add3A_582 : i32
      %dma_start3A_584 = arith.constant 0 : i32
      %dma_start3A_585 = tpu.memref_slice %arg6[%add3A_583, %dma_start3A_584] : memref<79x128xi32, #tpu.memory_space<vmem>> -> memref<1x128xi32, #tpu.memory_space<vmem>>
      %dma_start3A_586 = tpu.memref_squeeze %dma_start3A_585 : memref<1x128xi32, #tpu.memory_space<vmem>> -> memref<128xi32, #tpu.memory_space<vmem>>
      %dma_start3A_587 = arith.constant 0 : i32
      %dma_start3A_588 = tpu.memref_slice %arg10[%dma_start3A_587] : memref<10240xf32, #tpu.memory_space<vmem_shared>> -> memref<10240xf32, #tpu.memory_space<vmem_shared>>
      tpu.enqueue_indirect_dma source(%arg7 : memref<128xf32, #tpu.memory_space<vmem>>) target(%dma_start3A_588 : memref<10240xf32, #tpu.memory_space<vmem_shared>>) offsets(%dma_start3A_586 : memref<128xi32, #tpu.memory_space<vmem>>) semaphore(%arg9 : memref<!tpu.dma_semaphore, #tpu.memory_space<semaphore_mem>>) {add = true}
      %mul3A_589 = arith.constant 16 : i32
      %mul3A_590 = arith.muli %scan3A_489, %mul3A_589 : i32
      %add3A_591 = arith.constant 11 : i32
      %add3A_592 = arith.addi %mul3A_590, %add3A_591 : i32
      %dma_start3A_593 = arith.constant 0 : i32
      %dma_start3A_594 = tpu.memref_slice %arg6[%add3A_592, %dma_start3A_593] : memref<79x128xi32, #tpu.memory_space<vmem>> -> memref<1x128xi32, #tpu.memory_space<vmem>>
      %dma_start3A_595 = tpu.memref_squeeze %dma_start3A_594 : memref<1x128xi32, #tpu.memory_space<vmem>> -> memref<128xi32, #tpu.memory_space<vmem>>
      %dma_start3A_596 = arith.constant 0 : i32
      %dma_start3A_597 = tpu.memref_slice %arg10[%dma_start3A_596] : memref<10240xf32, #tpu.memory_space<vmem_shared>> -> memref<10240xf32, #tpu.memory_space<vmem_shared>>
      tpu.enqueue_indirect_dma source(%arg7 : memref<128xf32, #tpu.memory_space<vmem>>) target(%dma_start3A_597 : memref<10240xf32, #tpu.memory_space<vmem_shared>>) offsets(%dma_start3A_595 : memref<128xi32, #tpu.memory_space<vmem>>) semaphore(%arg9 : memref<!tpu.dma_semaphore, #tpu.memory_space<semaphore_mem>>) {add = true}
      %mul3A_598 = arith.constant 16 : i32
      %mul3A_599 = arith.muli %scan3A_489, %mul3A_598 : i32
      %add3A_600 = arith.constant 12 : i32
      %add3A_601 = arith.addi %mul3A_599, %add3A_600 : i32
      %dma_start3A_602 = arith.constant 0 : i32
      %dma_start3A_603 = tpu.memref_slice %arg6[%add3A_601, %dma_start3A_602] : memref<79x128xi32, #tpu.memory_space<vmem>> -> memref<1x128xi32, #tpu.memory_space<vmem>>
      %dma_start3A_604 = tpu.memref_squeeze %dma_start3A_603 : memref<1x128xi32, #tpu.memory_space<vmem>> -> memref<128xi32, #tpu.memory_space<vmem>>
      %dma_start3A_605 = arith.constant 0 : i32
      %dma_start3A_606 = tpu.memref_slice %arg10[%dma_start3A_605] : memref<10240xf32, #tpu.memory_space<vmem_shared>> -> memref<10240xf32, #tpu.memory_space<vmem_shared>>
      tpu.enqueue_indirect_dma source(%arg7 : memref<128xf32, #tpu.memory_space<vmem>>) target(%dma_start3A_606 : memref<10240xf32, #tpu.memory_space<vmem_shared>>) offsets(%dma_start3A_604 : memref<128xi32, #tpu.memory_space<vmem>>) semaphore(%arg9 : memref<!tpu.dma_semaphore, #tpu.memory_space<semaphore_mem>>) {add = true}
      %mul3A_607 = arith.constant 16 : i32
      %mul3A_608 = arith.muli %scan3A_489, %mul3A_607 : i32
      %add3A_609 = arith.constant 13 : i32
      %add3A_610 = arith.addi %mul3A_608, %add3A_609 : i32
      %dma_start3A_611 = arith.constant 0 : i32
      %dma_start3A_612 = tpu.memref_slice %arg6[%add3A_610, %dma_start3A_611] : memref<79x128xi32, #tpu.memory_space<vmem>> -> memref<1x128xi32, #tpu.memory_space<vmem>>
      %dma_start3A_613 = tpu.memref_squeeze %dma_start3A_612 : memref<1x128xi32, #tpu.memory_space<vmem>> -> memref<128xi32, #tpu.memory_space<vmem>>
      %dma_start3A_614 = arith.constant 0 : i32
      %dma_start3A_615 = tpu.memref_slice %arg10[%dma_start3A_614] : memref<10240xf32, #tpu.memory_space<vmem_shared>> -> memref<10240xf32, #tpu.memory_space<vmem_shared>>
      tpu.enqueue_indirect_dma source(%arg7 : memref<128xf32, #tpu.memory_space<vmem>>) target(%dma_start3A_615 : memref<10240xf32, #tpu.memory_space<vmem_shared>>) offsets(%dma_start3A_613 : memref<128xi32, #tpu.memory_space<vmem>>) semaphore(%arg9 : memref<!tpu.dma_semaphore, #tpu.memory_space<semaphore_mem>>) {add = true}
      %mul3A_616 = arith.constant 16 : i32
      %mul3A_617 = arith.muli %scan3A_489, %mul3A_616 : i32
      %add3A_618 = arith.constant 14 : i32
      %add3A_619 = arith.addi %mul3A_617, %add3A_618 : i32
      %dma_start3A_620 = arith.constant 0 : i32
      %dma_start3A_621 = tpu.memref_slice %arg6[%add3A_619, %dma_start3A_620] : memref<79x128xi32, #tpu.memory_space<vmem>> -> memref<1x128xi32, #tpu.memory_space<vmem>>
      %dma_start3A_622 = tpu.memref_squeeze %dma_start3A_621 : memref<1x128xi32, #tpu.memory_space<vmem>> -> memref<128xi32, #tpu.memory_space<vmem>>
      %dma_start3A_623 = arith.constant 0 : i32
      %dma_start3A_624 = tpu.memref_slice %arg10[%dma_start3A_623] : memref<10240xf32, #tpu.memory_space<vmem_shared>> -> memref<10240xf32, #tpu.memory_space<vmem_shared>>
      tpu.enqueue_indirect_dma source(%arg7 : memref<128xf32, #tpu.memory_space<vmem>>) target(%dma_start3A_624 : memref<10240xf32, #tpu.memory_space<vmem_shared>>) offsets(%dma_start3A_622 : memref<128xi32, #tpu.memory_space<vmem>>) semaphore(%arg9 : memref<!tpu.dma_semaphore, #tpu.memory_space<semaphore_mem>>) {add = true}
      %mul3A_625 = arith.constant 16 : i32
      %mul3A_626 = arith.muli %scan3A_489, %mul3A_625 : i32
      %add3A_627 = arith.constant 15 : i32
      %add3A_628 = arith.addi %mul3A_626, %add3A_627 : i32
      %dma_start3A_629 = arith.constant 0 : i32
      %dma_start3A_630 = tpu.memref_slice %arg6[%add3A_628, %dma_start3A_629] : memref<79x128xi32, #tpu.memory_space<vmem>> -> memref<1x128xi32, #tpu.memory_space<vmem>>
      %dma_start3A_631 = tpu.memref_squeeze %dma_start3A_630 : memref<1x128xi32, #tpu.memory_space<vmem>> -> memref<128xi32, #tpu.memory_space<vmem>>
      %dma_start3A_632 = arith.constant 0 : i32
      %dma_start3A_633 = tpu.memref_slice %arg10[%dma_start3A_632] : memref<10240xf32, #tpu.memory_space<vmem_shared>> -> memref<10240xf32, #tpu.memory_space<vmem_shared>>
      tpu.enqueue_indirect_dma source(%arg7 : memref<128xf32, #tpu.memory_space<vmem>>) target(%dma_start3A_633 : memref<10240xf32, #tpu.memory_space<vmem_shared>>) offsets(%dma_start3A_631 : memref<128xi32, #tpu.memory_space<vmem>>) semaphore(%arg9 : memref<!tpu.dma_semaphore, #tpu.memory_space<semaphore_mem>>) {add = true}
      %mul3A_634 = arith.constant 16 : i32
      %mul3A_635 = arith.muli %scan3A_489, %mul3A_634 : i32
      %add3A_636 = arith.constant 0 : i32
      %add3A_637 = arith.addi %mul3A_635, %add3A_636 : i32
      %dma_wait3A_638 = arith.constant 0 : i32
      %dma_wait3A_639 = tpu.memref_slice %arg6[%add3A_637, %dma_wait3A_638] : memref<79x128xi32, #tpu.memory_space<vmem>> -> memref<1x128xi32, #tpu.memory_space<vmem>>
      %dma_wait3A_640 = tpu.memref_squeeze %dma_wait3A_639 : memref<1x128xi32, #tpu.memory_space<vmem>> -> memref<128xi32, #tpu.memory_space<vmem>>
      %dma_wait3A_641 = arith.constant 0 : i32
      %dma_wait3A_642 = tpu.memref_slice %arg10[%dma_wait3A_641] : memref<10240xf32, #tpu.memory_space<vmem_shared>> -> memref<10240xf32, #tpu.memory_space<vmem_shared>>
      tpu.wait_indirect_dma semaphore(%arg9 : memref<!tpu.dma_semaphore, #tpu.memory_space<semaphore_mem>>) src(%arg7 : memref<128xf32, #tpu.memory_space<vmem>>) dst(%dma_wait3A_642 : memref<10240xf32, #tpu.memory_space<vmem_shared>>)
      %mul3A_643 = arith.constant 16 : i32
      %mul3A_644 = arith.muli %scan3A_489, %mul3A_643 : i32
      %add3A_645 = arith.constant 1 : i32
      %add3A_646 = arith.addi %mul3A_644, %add3A_645 : i32
      %dma_wait3A_647 = arith.constant 0 : i32
      %dma_wait3A_648 = tpu.memref_slice %arg6[%add3A_646, %dma_wait3A_647] : memref<79x128xi32, #tpu.memory_space<vmem>> -> memref<1x128xi32, #tpu.memory_space<vmem>>
      %dma_wait3A_649 = tpu.memref_squeeze %dma_wait3A_648 : memref<1x128xi32, #tpu.memory_space<vmem>> -> memref<128xi32, #tpu.memory_space<vmem>>
      %dma_wait3A_650 = arith.constant 0 : i32
      %dma_wait3A_651 = tpu.memref_slice %arg10[%dma_wait3A_650] : memref<10240xf32, #tpu.memory_space<vmem_shared>> -> memref<10240xf32, #tpu.memory_space<vmem_shared>>
      tpu.wait_indirect_dma semaphore(%arg9 : memref<!tpu.dma_semaphore, #tpu.memory_space<semaphore_mem>>) src(%arg7 : memref<128xf32, #tpu.memory_space<vmem>>) dst(%dma_wait3A_651 : memref<10240xf32, #tpu.memory_space<vmem_shared>>)
      %mul3A_652 = arith.constant 16 : i32
      %mul3A_653 = arith.muli %scan3A_489, %mul3A_652 : i32
      %add3A_654 = arith.constant 2 : i32
      %add3A_655 = arith.addi %mul3A_653, %add3A_654 : i32
      %dma_wait3A_656 = arith.constant 0 : i32
      %dma_wait3A_657 = tpu.memref_slice %arg6[%add3A_655, %dma_wait3A_656] : memref<79x128xi32, #tpu.memory_space<vmem>> -> memref<1x128xi32, #tpu.memory_space<vmem>>
      %dma_wait3A_658 = tpu.memref_squeeze %dma_wait3A_657 : memref<1x128xi32, #tpu.memory_space<vmem>> -> memref<128xi32, #tpu.memory_space<vmem>>
      %dma_wait3A_659 = arith.constant 0 : i32
      %dma_wait3A_660 = tpu.memref_slice %arg10[%dma_wait3A_659] : memref<10240xf32, #tpu.memory_space<vmem_shared>> -> memref<10240xf32, #tpu.memory_space<vmem_shared>>
      tpu.wait_indirect_dma semaphore(%arg9 : memref<!tpu.dma_semaphore, #tpu.memory_space<semaphore_mem>>) src(%arg7 : memref<128xf32, #tpu.memory_space<vmem>>) dst(%dma_wait3A_660 : memref<10240xf32, #tpu.memory_space<vmem_shared>>)
      %mul3A_661 = arith.constant 16 : i32
      %mul3A_662 = arith.muli %scan3A_489, %mul3A_661 : i32
      %add3A_663 = arith.constant 3 : i32
      %add3A_664 = arith.addi %mul3A_662, %add3A_663 : i32
      %dma_wait3A_665 = arith.constant 0 : i32
      %dma_wait3A_666 = tpu.memref_slice %arg6[%add3A_664, %dma_wait3A_665] : memref<79x128xi32, #tpu.memory_space<vmem>> -> memref<1x128xi32, #tpu.memory_space<vmem>>
      %dma_wait3A_667 = tpu.memref_squeeze %dma_wait3A_666 : memref<1x128xi32, #tpu.memory_space<vmem>> -> memref<128xi32, #tpu.memory_space<vmem>>
      %dma_wait3A_668 = arith.constant 0 : i32
      %dma_wait3A_669 = tpu.memref_slice %arg10[%dma_wait3A_668] : memref<10240xf32, #tpu.memory_space<vmem_shared>> -> memref<10240xf32, #tpu.memory_space<vmem_shared>>
      tpu.wait_indirect_dma semaphore(%arg9 : memref<!tpu.dma_semaphore, #tpu.memory_space<semaphore_mem>>) src(%arg7 : memref<128xf32, #tpu.memory_space<vmem>>) dst(%dma_wait3A_669 : memref<10240xf32, #tpu.memory_space<vmem_shared>>)
      %mul3A_670 = arith.constant 16 : i32
      %mul3A_671 = arith.muli %scan3A_489, %mul3A_670 : i32
      %add3A_672 = arith.constant 4 : i32
      %add3A_673 = arith.addi %mul3A_671, %add3A_672 : i32
      %dma_wait3A_674 = arith.constant 0 : i32
      %dma_wait3A_675 = tpu.memref_slice %arg6[%add3A_673, %dma_wait3A_674] : memref<79x128xi32, #tpu.memory_space<vmem>> -> memref<1x128xi32, #tpu.memory_space<vmem>>
      %dma_wait3A_676 = tpu.memref_squeeze %dma_wait3A_675 : memref<1x128xi32, #tpu.memory_space<vmem>> -> memref<128xi32, #tpu.memory_space<vmem>>
      %dma_wait3A_677 = arith.constant 0 : i32
      %dma_wait3A_678 = tpu.memref_slice %arg10[%dma_wait3A_677] : memref<10240xf32, #tpu.memory_space<vmem_shared>> -> memref<10240xf32, #tpu.memory_space<vmem_shared>>
      tpu.wait_indirect_dma semaphore(%arg9 : memref<!tpu.dma_semaphore, #tpu.memory_space<semaphore_mem>>) src(%arg7 : memref<128xf32, #tpu.memory_space<vmem>>) dst(%dma_wait3A_678 : memref<10240xf32, #tpu.memory_space<vmem_shared>>)
      %mul3A_679 = arith.constant 16 : i32
      %mul3A_680 = arith.muli %scan3A_489, %mul3A_679 : i32
      %add3A_681 = arith.constant 5 : i32
      %add3A_682 = arith.addi %mul3A_680, %add3A_681 : i32
      %dma_wait3A_683 = arith.constant 0 : i32
      %dma_wait3A_684 = tpu.memref_slice %arg6[%add3A_682, %dma_wait3A_683] : memref<79x128xi32, #tpu.memory_space<vmem>> -> memref<1x128xi32, #tpu.memory_space<vmem>>
      %dma_wait3A_685 = tpu.memref_squeeze %dma_wait3A_684 : memref<1x128xi32, #tpu.memory_space<vmem>> -> memref<128xi32, #tpu.memory_space<vmem>>
      %dma_wait3A_686 = arith.constant 0 : i32
      %dma_wait3A_687 = tpu.memref_slice %arg10[%dma_wait3A_686] : memref<10240xf32, #tpu.memory_space<vmem_shared>> -> memref<10240xf32, #tpu.memory_space<vmem_shared>>
      tpu.wait_indirect_dma semaphore(%arg9 : memref<!tpu.dma_semaphore, #tpu.memory_space<semaphore_mem>>) src(%arg7 : memref<128xf32, #tpu.memory_space<vmem>>) dst(%dma_wait3A_687 : memref<10240xf32, #tpu.memory_space<vmem_shared>>)
      %mul3A_688 = arith.constant 16 : i32
      %mul3A_689 = arith.muli %scan3A_489, %mul3A_688 : i32
      %add3A_690 = arith.constant 6 : i32
      %add3A_691 = arith.addi %mul3A_689, %add3A_690 : i32
      %dma_wait3A_692 = arith.constant 0 : i32
      %dma_wait3A_693 = tpu.memref_slice %arg6[%add3A_691, %dma_wait3A_692] : memref<79x128xi32, #tpu.memory_space<vmem>> -> memref<1x128xi32, #tpu.memory_space<vmem>>
      %dma_wait3A_694 = tpu.memref_squeeze %dma_wait3A_693 : memref<1x128xi32, #tpu.memory_space<vmem>> -> memref<128xi32, #tpu.memory_space<vmem>>
      %dma_wait3A_695 = arith.constant 0 : i32
      %dma_wait3A_696 = tpu.memref_slice %arg10[%dma_wait3A_695] : memref<10240xf32, #tpu.memory_space<vmem_shared>> -> memref<10240xf32, #tpu.memory_space<vmem_shared>>
      tpu.wait_indirect_dma semaphore(%arg9 : memref<!tpu.dma_semaphore, #tpu.memory_space<semaphore_mem>>) src(%arg7 : memref<128xf32, #tpu.memory_space<vmem>>) dst(%dma_wait3A_696 : memref<10240xf32, #tpu.memory_space<vmem_shared>>)
      %mul3A_697 = arith.constant 16 : i32
      %mul3A_698 = arith.muli %scan3A_489, %mul3A_697 : i32
      %add3A_699 = arith.constant 7 : i32
      %add3A_700 = arith.addi %mul3A_698, %add3A_699 : i32
      %dma_wait3A_701 = arith.constant 0 : i32
      %dma_wait3A_702 = tpu.memref_slice %arg6[%add3A_700, %dma_wait3A_701] : memref<79x128xi32, #tpu.memory_space<vmem>> -> memref<1x128xi32, #tpu.memory_space<vmem>>
      %dma_wait3A_703 = tpu.memref_squeeze %dma_wait3A_702 : memref<1x128xi32, #tpu.memory_space<vmem>> -> memref<128xi32, #tpu.memory_space<vmem>>
      %dma_wait3A_704 = arith.constant 0 : i32
      %dma_wait3A_705 = tpu.memref_slice %arg10[%dma_wait3A_704] : memref<10240xf32, #tpu.memory_space<vmem_shared>> -> memref<10240xf32, #tpu.memory_space<vmem_shared>>
      tpu.wait_indirect_dma semaphore(%arg9 : memref<!tpu.dma_semaphore, #tpu.memory_space<semaphore_mem>>) src(%arg7 : memref<128xf32, #tpu.memory_space<vmem>>) dst(%dma_wait3A_705 : memref<10240xf32, #tpu.memory_space<vmem_shared>>)
      %mul3A_706 = arith.constant 16 : i32
      %mul3A_707 = arith.muli %scan3A_489, %mul3A_706 : i32
      %add3A_708 = arith.constant 8 : i32
      %add3A_709 = arith.addi %mul3A_707, %add3A_708 : i32
      %dma_wait3A_710 = arith.constant 0 : i32
      %dma_wait3A_711 = tpu.memref_slice %arg6[%add3A_709, %dma_wait3A_710] : memref<79x128xi32, #tpu.memory_space<vmem>> -> memref<1x128xi32, #tpu.memory_space<vmem>>
      %dma_wait3A_712 = tpu.memref_squeeze %dma_wait3A_711 : memref<1x128xi32, #tpu.memory_space<vmem>> -> memref<128xi32, #tpu.memory_space<vmem>>
      %dma_wait3A_713 = arith.constant 0 : i32
      %dma_wait3A_714 = tpu.memref_slice %arg10[%dma_wait3A_713] : memref<10240xf32, #tpu.memory_space<vmem_shared>> -> memref<10240xf32, #tpu.memory_space<vmem_shared>>
      tpu.wait_indirect_dma semaphore(%arg9 : memref<!tpu.dma_semaphore, #tpu.memory_space<semaphore_mem>>) src(%arg7 : memref<128xf32, #tpu.memory_space<vmem>>) dst(%dma_wait3A_714 : memref<10240xf32, #tpu.memory_space<vmem_shared>>)
      %mul3A_715 = arith.constant 16 : i32
      %mul3A_716 = arith.muli %scan3A_489, %mul3A_715 : i32
      %add3A_717 = arith.constant 9 : i32
      %add3A_718 = arith.addi %mul3A_716, %add3A_717 : i32
      %dma_wait3A_719 = arith.constant 0 : i32
      %dma_wait3A_720 = tpu.memref_slice %arg6[%add3A_718, %dma_wait3A_719] : memref<79x128xi32, #tpu.memory_space<vmem>> -> memref<1x128xi32, #tpu.memory_space<vmem>>
      %dma_wait3A_721 = tpu.memref_squeeze %dma_wait3A_720 : memref<1x128xi32, #tpu.memory_space<vmem>> -> memref<128xi32, #tpu.memory_space<vmem>>
      %dma_wait3A_722 = arith.constant 0 : i32
      %dma_wait3A_723 = tpu.memref_slice %arg10[%dma_wait3A_722] : memref<10240xf32, #tpu.memory_space<vmem_shared>> -> memref<10240xf32, #tpu.memory_space<vmem_shared>>
      tpu.wait_indirect_dma semaphore(%arg9 : memref<!tpu.dma_semaphore, #tpu.memory_space<semaphore_mem>>) src(%arg7 : memref<128xf32, #tpu.memory_space<vmem>>) dst(%dma_wait3A_723 : memref<10240xf32, #tpu.memory_space<vmem_shared>>)
      %mul3A_724 = arith.constant 16 : i32
      %mul3A_725 = arith.muli %scan3A_489, %mul3A_724 : i32
      %add3A_726 = arith.constant 10 : i32
      %add3A_727 = arith.addi %mul3A_725, %add3A_726 : i32
      %dma_wait3A_728 = arith.constant 0 : i32
      %dma_wait3A_729 = tpu.memref_slice %arg6[%add3A_727, %dma_wait3A_728] : memref<79x128xi32, #tpu.memory_space<vmem>> -> memref<1x128xi32, #tpu.memory_space<vmem>>
      %dma_wait3A_730 = tpu.memref_squeeze %dma_wait3A_729 : memref<1x128xi32, #tpu.memory_space<vmem>> -> memref<128xi32, #tpu.memory_space<vmem>>
      %dma_wait3A_731 = arith.constant 0 : i32
      %dma_wait3A_732 = tpu.memref_slice %arg10[%dma_wait3A_731] : memref<10240xf32, #tpu.memory_space<vmem_shared>> -> memref<10240xf32, #tpu.memory_space<vmem_shared>>
      tpu.wait_indirect_dma semaphore(%arg9 : memref<!tpu.dma_semaphore, #tpu.memory_space<semaphore_mem>>) src(%arg7 : memref<128xf32, #tpu.memory_space<vmem>>) dst(%dma_wait3A_732 : memref<10240xf32, #tpu.memory_space<vmem_shared>>)
      %mul3A_733 = arith.constant 16 : i32
      %mul3A_734 = arith.muli %scan3A_489, %mul3A_733 : i32
      %add3A_735 = arith.constant 11 : i32
      %add3A_736 = arith.addi %mul3A_734, %add3A_735 : i32
      %dma_wait3A_737 = arith.constant 0 : i32
      %dma_wait3A_738 = tpu.memref_slice %arg6[%add3A_736, %dma_wait3A_737] : memref<79x128xi32, #tpu.memory_space<vmem>> -> memref<1x128xi32, #tpu.memory_space<vmem>>
      %dma_wait3A_739 = tpu.memref_squeeze %dma_wait3A_738 : memref<1x128xi32, #tpu.memory_space<vmem>> -> memref<128xi32, #tpu.memory_space<vmem>>
      %dma_wait3A_740 = arith.constant 0 : i32
      %dma_wait3A_741 = tpu.memref_slice %arg10[%dma_wait3A_740] : memref<10240xf32, #tpu.memory_space<vmem_shared>> -> memref<10240xf32, #tpu.memory_space<vmem_shared>>
      tpu.wait_indirect_dma semaphore(%arg9 : memref<!tpu.dma_semaphore, #tpu.memory_space<semaphore_mem>>) src(%arg7 : memref<128xf32, #tpu.memory_space<vmem>>) dst(%dma_wait3A_741 : memref<10240xf32, #tpu.memory_space<vmem_shared>>)
      %mul3A_742 = arith.constant 16 : i32
      %mul3A_743 = arith.muli %scan3A_489, %mul3A_742 : i32
      %add3A_744 = arith.constant 12 : i32
      %add3A_745 = arith.addi %mul3A_743, %add3A_744 : i32
      %dma_wait3A_746 = arith.constant 0 : i32
      %dma_wait3A_747 = tpu.memref_slice %arg6[%add3A_745, %dma_wait3A_746] : memref<79x128xi32, #tpu.memory_space<vmem>> -> memref<1x128xi32, #tpu.memory_space<vmem>>
      %dma_wait3A_748 = tpu.memref_squeeze %dma_wait3A_747 : memref<1x128xi32, #tpu.memory_space<vmem>> -> memref<128xi32, #tpu.memory_space<vmem>>
      %dma_wait3A_749 = arith.constant 0 : i32
      %dma_wait3A_750 = tpu.memref_slice %arg10[%dma_wait3A_749] : memref<10240xf32, #tpu.memory_space<vmem_shared>> -> memref<10240xf32, #tpu.memory_space<vmem_shared>>
      tpu.wait_indirect_dma semaphore(%arg9 : memref<!tpu.dma_semaphore, #tpu.memory_space<semaphore_mem>>) src(%arg7 : memref<128xf32, #tpu.memory_space<vmem>>) dst(%dma_wait3A_750 : memref<10240xf32, #tpu.memory_space<vmem_shared>>)
      %mul3A_751 = arith.constant 16 : i32
      %mul3A_752 = arith.muli %scan3A_489, %mul3A_751 : i32
      %add3A_753 = arith.constant 13 : i32
      %add3A_754 = arith.addi %mul3A_752, %add3A_753 : i32
      %dma_wait3A_755 = arith.constant 0 : i32
      %dma_wait3A_756 = tpu.memref_slice %arg6[%add3A_754, %dma_wait3A_755] : memref<79x128xi32, #tpu.memory_space<vmem>> -> memref<1x128xi32, #tpu.memory_space<vmem>>
      %dma_wait3A_757 = tpu.memref_squeeze %dma_wait3A_756 : memref<1x128xi32, #tpu.memory_space<vmem>> -> memref<128xi32, #tpu.memory_space<vmem>>
      %dma_wait3A_758 = arith.constant 0 : i32
      %dma_wait3A_759 = tpu.memref_slice %arg10[%dma_wait3A_758] : memref<10240xf32, #tpu.memory_space<vmem_shared>> -> memref<10240xf32, #tpu.memory_space<vmem_shared>>
      tpu.wait_indirect_dma semaphore(%arg9 : memref<!tpu.dma_semaphore, #tpu.memory_space<semaphore_mem>>) src(%arg7 : memref<128xf32, #tpu.memory_space<vmem>>) dst(%dma_wait3A_759 : memref<10240xf32, #tpu.memory_space<vmem_shared>>)
      %mul3A_760 = arith.constant 16 : i32
      %mul3A_761 = arith.muli %scan3A_489, %mul3A_760 : i32
      %add3A_762 = arith.constant 14 : i32
      %add3A_763 = arith.addi %mul3A_761, %add3A_762 : i32
      %dma_wait3A_764 = arith.constant 0 : i32
      %dma_wait3A_765 = tpu.memref_slice %arg6[%add3A_763, %dma_wait3A_764] : memref<79x128xi32, #tpu.memory_space<vmem>> -> memref<1x128xi32, #tpu.memory_space<vmem>>
      %dma_wait3A_766 = tpu.memref_squeeze %dma_wait3A_765 : memref<1x128xi32, #tpu.memory_space<vmem>> -> memref<128xi32, #tpu.memory_space<vmem>>
      %dma_wait3A_767 = arith.constant 0 : i32
      %dma_wait3A_768 = tpu.memref_slice %arg10[%dma_wait3A_767] : memref<10240xf32, #tpu.memory_space<vmem_shared>> -> memref<10240xf32, #tpu.memory_space<vmem_shared>>
      tpu.wait_indirect_dma semaphore(%arg9 : memref<!tpu.dma_semaphore, #tpu.memory_space<semaphore_mem>>) src(%arg7 : memref<128xf32, #tpu.memory_space<vmem>>) dst(%dma_wait3A_768 : memref<10240xf32, #tpu.memory_space<vmem_shared>>)
      %mul3A_769 = arith.constant 16 : i32
      %mul3A_770 = arith.muli %scan3A_489, %mul3A_769 : i32
      %add3A_771 = arith.constant 15 : i32
      %add3A_772 = arith.addi %mul3A_770, %add3A_771 : i32
      %dma_wait3A_773 = arith.constant 0 : i32
      %dma_wait3A_774 = tpu.memref_slice %arg6[%add3A_772, %dma_wait3A_773] : memref<79x128xi32, #tpu.memory_space<vmem>> -> memref<1x128xi32, #tpu.memory_space<vmem>>
      %dma_wait3A_775 = tpu.memref_squeeze %dma_wait3A_774 : memref<1x128xi32, #tpu.memory_space<vmem>> -> memref<128xi32, #tpu.memory_space<vmem>>
      %dma_wait3A_776 = arith.constant 0 : i32
      %dma_wait3A_777 = tpu.memref_slice %arg10[%dma_wait3A_776] : memref<10240xf32, #tpu.memory_space<vmem_shared>> -> memref<10240xf32, #tpu.memory_space<vmem_shared>>
      tpu.wait_indirect_dma semaphore(%arg9 : memref<!tpu.dma_semaphore, #tpu.memory_space<semaphore_mem>>) src(%arg7 : memref<128xf32, #tpu.memory_space<vmem>>) dst(%dma_wait3A_777 : memref<10240xf32, #tpu.memory_space<vmem_shared>>)
    }
    %scan3A_307 = arith.constant 4 : i32
    %dma_start3A = arith.constant 64 : i32
    %dma_start3A_308 = arith.constant 0 : i32
    %dma_start3A_309 = tpu.memref_slice %arg6[%dma_start3A, %dma_start3A_308] : memref<79x128xi32, #tpu.memory_space<vmem>> -> memref<1x128xi32, #tpu.memory_space<vmem>>
    %dma_start3A_310 = tpu.memref_squeeze %dma_start3A_309 : memref<1x128xi32, #tpu.memory_space<vmem>> -> memref<128xi32, #tpu.memory_space<vmem>>
    %dma_start3A_311 = arith.constant 0 : i32
    %dma_start3A_312 = tpu.memref_slice %arg10[%dma_start3A_311] : memref<10240xf32, #tpu.memory_space<vmem_shared>> -> memref<10240xf32, #tpu.memory_space<vmem_shared>>
    tpu.enqueue_indirect_dma source(%arg7 : memref<128xf32, #tpu.memory_space<vmem>>) target(%dma_start3A_312 : memref<10240xf32, #tpu.memory_space<vmem_shared>>) offsets(%dma_start3A_310 : memref<128xi32, #tpu.memory_space<vmem>>) semaphore(%arg9 : memref<!tpu.dma_semaphore, #tpu.memory_space<semaphore_mem>>) {add = true}
    %dma_start3A_313 = arith.constant 65 : i32
    %dma_start3A_314 = arith.constant 0 : i32
    %dma_start3A_315 = tpu.memref_slice %arg6[%dma_start3A_313, %dma_start3A_314] : memref<79x128xi32, #tpu.memory_space<vmem>> -> memref<1x128xi32, #tpu.memory_space<vmem>>
    %dma_start3A_316 = tpu.memref_squeeze %dma_start3A_315 : memref<1x128xi32, #tpu.memory_space<vmem>> -> memref<128xi32, #tpu.memory_space<vmem>>
    %dma_start3A_317 = arith.constant 0 : i32
    %dma_start3A_318 = tpu.memref_slice %arg10[%dma_start3A_317] : memref<10240xf32, #tpu.memory_space<vmem_shared>> -> memref<10240xf32, #tpu.memory_space<vmem_shared>>
    tpu.enqueue_indirect_dma source(%arg7 : memref<128xf32, #tpu.memory_space<vmem>>) target(%dma_start3A_318 : memref<10240xf32, #tpu.memory_space<vmem_shared>>) offsets(%dma_start3A_316 : memref<128xi32, #tpu.memory_space<vmem>>) semaphore(%arg9 : memref<!tpu.dma_semaphore, #tpu.memory_space<semaphore_mem>>) {add = true}
    %dma_start3A_319 = arith.constant 66 : i32
    %dma_start3A_320 = arith.constant 0 : i32
    %dma_start3A_321 = tpu.memref_slice %arg6[%dma_start3A_319, %dma_start3A_320] : memref<79x128xi32, #tpu.memory_space<vmem>> -> memref<1x128xi32, #tpu.memory_space<vmem>>
    %dma_start3A_322 = tpu.memref_squeeze %dma_start3A_321 : memref<1x128xi32, #tpu.memory_space<vmem>> -> memref<128xi32, #tpu.memory_space<vmem>>
    %dma_start3A_323 = arith.constant 0 : i32
    %dma_start3A_324 = tpu.memref_slice %arg10[%dma_start3A_323] : memref<10240xf32, #tpu.memory_space<vmem_shared>> -> memref<10240xf32, #tpu.memory_space<vmem_shared>>
    tpu.enqueue_indirect_dma source(%arg7 : memref<128xf32, #tpu.memory_space<vmem>>) target(%dma_start3A_324 : memref<10240xf32, #tpu.memory_space<vmem_shared>>) offsets(%dma_start3A_322 : memref<128xi32, #tpu.memory_space<vmem>>) semaphore(%arg9 : memref<!tpu.dma_semaphore, #tpu.memory_space<semaphore_mem>>) {add = true}
    %dma_start3A_325 = arith.constant 67 : i32
    %dma_start3A_326 = arith.constant 0 : i32
    %dma_start3A_327 = tpu.memref_slice %arg6[%dma_start3A_325, %dma_start3A_326] : memref<79x128xi32, #tpu.memory_space<vmem>> -> memref<1x128xi32, #tpu.memory_space<vmem>>
    %dma_start3A_328 = tpu.memref_squeeze %dma_start3A_327 : memref<1x128xi32, #tpu.memory_space<vmem>> -> memref<128xi32, #tpu.memory_space<vmem>>
    %dma_start3A_329 = arith.constant 0 : i32
    %dma_start3A_330 = tpu.memref_slice %arg10[%dma_start3A_329] : memref<10240xf32, #tpu.memory_space<vmem_shared>> -> memref<10240xf32, #tpu.memory_space<vmem_shared>>
    tpu.enqueue_indirect_dma source(%arg7 : memref<128xf32, #tpu.memory_space<vmem>>) target(%dma_start3A_330 : memref<10240xf32, #tpu.memory_space<vmem_shared>>) offsets(%dma_start3A_328 : memref<128xi32, #tpu.memory_space<vmem>>) semaphore(%arg9 : memref<!tpu.dma_semaphore, #tpu.memory_space<semaphore_mem>>) {add = true}
    %dma_start3A_331 = arith.constant 68 : i32
    %dma_start3A_332 = arith.constant 0 : i32
    %dma_start3A_333 = tpu.memref_slice %arg6[%dma_start3A_331, %dma_start3A_332] : memref<79x128xi32, #tpu.memory_space<vmem>> -> memref<1x128xi32, #tpu.memory_space<vmem>>
    %dma_start3A_334 = tpu.memref_squeeze %dma_start3A_333 : memref<1x128xi32, #tpu.memory_space<vmem>> -> memref<128xi32, #tpu.memory_space<vmem>>
    %dma_start3A_335 = arith.constant 0 : i32
    %dma_start3A_336 = tpu.memref_slice %arg10[%dma_start3A_335] : memref<10240xf32, #tpu.memory_space<vmem_shared>> -> memref<10240xf32, #tpu.memory_space<vmem_shared>>
    tpu.enqueue_indirect_dma source(%arg7 : memref<128xf32, #tpu.memory_space<vmem>>) target(%dma_start3A_336 : memref<10240xf32, #tpu.memory_space<vmem_shared>>) offsets(%dma_start3A_334 : memref<128xi32, #tpu.memory_space<vmem>>) semaphore(%arg9 : memref<!tpu.dma_semaphore, #tpu.memory_space<semaphore_mem>>) {add = true}
    %dma_start3A_337 = arith.constant 69 : i32
    %dma_start3A_338 = arith.constant 0 : i32
    %dma_start3A_339 = tpu.memref_slice %arg6[%dma_start3A_337, %dma_start3A_338] : memref<79x128xi32, #tpu.memory_space<vmem>> -> memref<1x128xi32, #tpu.memory_space<vmem>>
    %dma_start3A_340 = tpu.memref_squeeze %dma_start3A_339 : memref<1x128xi32, #tpu.memory_space<vmem>> -> memref<128xi32, #tpu.memory_space<vmem>>
    %dma_start3A_341 = arith.constant 0 : i32
    %dma_start3A_342 = tpu.memref_slice %arg10[%dma_start3A_341] : memref<10240xf32, #tpu.memory_space<vmem_shared>> -> memref<10240xf32, #tpu.memory_space<vmem_shared>>
    tpu.enqueue_indirect_dma source(%arg7 : memref<128xf32, #tpu.memory_space<vmem>>) target(%dma_start3A_342 : memref<10240xf32, #tpu.memory_space<vmem_shared>>) offsets(%dma_start3A_340 : memref<128xi32, #tpu.memory_space<vmem>>) semaphore(%arg9 : memref<!tpu.dma_semaphore, #tpu.memory_space<semaphore_mem>>) {add = true}
    %dma_start3A_343 = arith.constant 70 : i32
    %dma_start3A_344 = arith.constant 0 : i32
    %dma_start3A_345 = tpu.memref_slice %arg6[%dma_start3A_343, %dma_start3A_344] : memref<79x128xi32, #tpu.memory_space<vmem>> -> memref<1x128xi32, #tpu.memory_space<vmem>>
    %dma_start3A_346 = tpu.memref_squeeze %dma_start3A_345 : memref<1x128xi32, #tpu.memory_space<vmem>> -> memref<128xi32, #tpu.memory_space<vmem>>
    %dma_start3A_347 = arith.constant 0 : i32
    %dma_start3A_348 = tpu.memref_slice %arg10[%dma_start3A_347] : memref<10240xf32, #tpu.memory_space<vmem_shared>> -> memref<10240xf32, #tpu.memory_space<vmem_shared>>
    tpu.enqueue_indirect_dma source(%arg7 : memref<128xf32, #tpu.memory_space<vmem>>) target(%dma_start3A_348 : memref<10240xf32, #tpu.memory_space<vmem_shared>>) offsets(%dma_start3A_346 : memref<128xi32, #tpu.memory_space<vmem>>) semaphore(%arg9 : memref<!tpu.dma_semaphore, #tpu.memory_space<semaphore_mem>>) {add = true}
    %dma_start3A_349 = arith.constant 71 : i32
    %dma_start3A_350 = arith.constant 0 : i32
    %dma_start3A_351 = tpu.memref_slice %arg6[%dma_start3A_349, %dma_start3A_350] : memref<79x128xi32, #tpu.memory_space<vmem>> -> memref<1x128xi32, #tpu.memory_space<vmem>>
    %dma_start3A_352 = tpu.memref_squeeze %dma_start3A_351 : memref<1x128xi32, #tpu.memory_space<vmem>> -> memref<128xi32, #tpu.memory_space<vmem>>
    %dma_start3A_353 = arith.constant 0 : i32
    %dma_start3A_354 = tpu.memref_slice %arg10[%dma_start3A_353] : memref<10240xf32, #tpu.memory_space<vmem_shared>> -> memref<10240xf32, #tpu.memory_space<vmem_shared>>
    tpu.enqueue_indirect_dma source(%arg7 : memref<128xf32, #tpu.memory_space<vmem>>) target(%dma_start3A_354 : memref<10240xf32, #tpu.memory_space<vmem_shared>>) offsets(%dma_start3A_352 : memref<128xi32, #tpu.memory_space<vmem>>) semaphore(%arg9 : memref<!tpu.dma_semaphore, #tpu.memory_space<semaphore_mem>>) {add = true}
    %dma_start3A_355 = arith.constant 72 : i32
    %dma_start3A_356 = arith.constant 0 : i32
    %dma_start3A_357 = tpu.memref_slice %arg6[%dma_start3A_355, %dma_start3A_356] : memref<79x128xi32, #tpu.memory_space<vmem>> -> memref<1x128xi32, #tpu.memory_space<vmem>>
    %dma_start3A_358 = tpu.memref_squeeze %dma_start3A_357 : memref<1x128xi32, #tpu.memory_space<vmem>> -> memref<128xi32, #tpu.memory_space<vmem>>
    %dma_start3A_359 = arith.constant 0 : i32
    %dma_start3A_360 = tpu.memref_slice %arg10[%dma_start3A_359] : memref<10240xf32, #tpu.memory_space<vmem_shared>> -> memref<10240xf32, #tpu.memory_space<vmem_shared>>
    tpu.enqueue_indirect_dma source(%arg7 : memref<128xf32, #tpu.memory_space<vmem>>) target(%dma_start3A_360 : memref<10240xf32, #tpu.memory_space<vmem_shared>>) offsets(%dma_start3A_358 : memref<128xi32, #tpu.memory_space<vmem>>) semaphore(%arg9 : memref<!tpu.dma_semaphore, #tpu.memory_space<semaphore_mem>>) {add = true}
    %dma_start3A_361 = arith.constant 73 : i32
    %dma_start3A_362 = arith.constant 0 : i32
    %dma_start3A_363 = tpu.memref_slice %arg6[%dma_start3A_361, %dma_start3A_362] : memref<79x128xi32, #tpu.memory_space<vmem>> -> memref<1x128xi32, #tpu.memory_space<vmem>>
    %dma_start3A_364 = tpu.memref_squeeze %dma_start3A_363 : memref<1x128xi32, #tpu.memory_space<vmem>> -> memref<128xi32, #tpu.memory_space<vmem>>
    %dma_start3A_365 = arith.constant 0 : i32
    %dma_start3A_366 = tpu.memref_slice %arg10[%dma_start3A_365] : memref<10240xf32, #tpu.memory_space<vmem_shared>> -> memref<10240xf32, #tpu.memory_space<vmem_shared>>
    tpu.enqueue_indirect_dma source(%arg7 : memref<128xf32, #tpu.memory_space<vmem>>) target(%dma_start3A_366 : memref<10240xf32, #tpu.memory_space<vmem_shared>>) offsets(%dma_start3A_364 : memref<128xi32, #tpu.memory_space<vmem>>) semaphore(%arg9 : memref<!tpu.dma_semaphore, #tpu.memory_space<semaphore_mem>>) {add = true}
    %dma_start3A_367 = arith.constant 74 : i32
    %dma_start3A_368 = arith.constant 0 : i32
    %dma_start3A_369 = tpu.memref_slice %arg6[%dma_start3A_367, %dma_start3A_368] : memref<79x128xi32, #tpu.memory_space<vmem>> -> memref<1x128xi32, #tpu.memory_space<vmem>>
    %dma_start3A_370 = tpu.memref_squeeze %dma_start3A_369 : memref<1x128xi32, #tpu.memory_space<vmem>> -> memref<128xi32, #tpu.memory_space<vmem>>
    %dma_start3A_371 = arith.constant 0 : i32
    %dma_start3A_372 = tpu.memref_slice %arg10[%dma_start3A_371] : memref<10240xf32, #tpu.memory_space<vmem_shared>> -> memref<10240xf32, #tpu.memory_space<vmem_shared>>
    tpu.enqueue_indirect_dma source(%arg7 : memref<128xf32, #tpu.memory_space<vmem>>) target(%dma_start3A_372 : memref<10240xf32, #tpu.memory_space<vmem_shared>>) offsets(%dma_start3A_370 : memref<128xi32, #tpu.memory_space<vmem>>) semaphore(%arg9 : memref<!tpu.dma_semaphore, #tpu.memory_space<semaphore_mem>>) {add = true}
    %dma_start3A_373 = arith.constant 75 : i32
    %dma_start3A_374 = arith.constant 0 : i32
    %dma_start3A_375 = tpu.memref_slice %arg6[%dma_start3A_373, %dma_start3A_374] : memref<79x128xi32, #tpu.memory_space<vmem>> -> memref<1x128xi32, #tpu.memory_space<vmem>>
    %dma_start3A_376 = tpu.memref_squeeze %dma_start3A_375 : memref<1x128xi32, #tpu.memory_space<vmem>> -> memref<128xi32, #tpu.memory_space<vmem>>
    %dma_start3A_377 = arith.constant 0 : i32
    %dma_start3A_378 = tpu.memref_slice %arg10[%dma_start3A_377] : memref<10240xf32, #tpu.memory_space<vmem_shared>> -> memref<10240xf32, #tpu.memory_space<vmem_shared>>
    tpu.enqueue_indirect_dma source(%arg7 : memref<128xf32, #tpu.memory_space<vmem>>) target(%dma_start3A_378 : memref<10240xf32, #tpu.memory_space<vmem_shared>>) offsets(%dma_start3A_376 : memref<128xi32, #tpu.memory_space<vmem>>) semaphore(%arg9 : memref<!tpu.dma_semaphore, #tpu.memory_space<semaphore_mem>>) {add = true}
    %dma_start3A_379 = arith.constant 76 : i32
    %dma_start3A_380 = arith.constant 0 : i32
    %dma_start3A_381 = tpu.memref_slice %arg6[%dma_start3A_379, %dma_start3A_380] : memref<79x128xi32, #tpu.memory_space<vmem>> -> memref<1x128xi32, #tpu.memory_space<vmem>>
    %dma_start3A_382 = tpu.memref_squeeze %dma_start3A_381 : memref<1x128xi32, #tpu.memory_space<vmem>> -> memref<128xi32, #tpu.memory_space<vmem>>
    %dma_start3A_383 = arith.constant 0 : i32
    %dma_start3A_384 = tpu.memref_slice %arg10[%dma_start3A_383] : memref<10240xf32, #tpu.memory_space<vmem_shared>> -> memref<10240xf32, #tpu.memory_space<vmem_shared>>
    tpu.enqueue_indirect_dma source(%arg7 : memref<128xf32, #tpu.memory_space<vmem>>) target(%dma_start3A_384 : memref<10240xf32, #tpu.memory_space<vmem_shared>>) offsets(%dma_start3A_382 : memref<128xi32, #tpu.memory_space<vmem>>) semaphore(%arg9 : memref<!tpu.dma_semaphore, #tpu.memory_space<semaphore_mem>>) {add = true}
    %dma_start3A_385 = arith.constant 77 : i32
    %dma_start3A_386 = arith.constant 0 : i32
    %dma_start3A_387 = tpu.memref_slice %arg6[%dma_start3A_385, %dma_start3A_386] : memref<79x128xi32, #tpu.memory_space<vmem>> -> memref<1x128xi32, #tpu.memory_space<vmem>>
    %dma_start3A_388 = tpu.memref_squeeze %dma_start3A_387 : memref<1x128xi32, #tpu.memory_space<vmem>> -> memref<128xi32, #tpu.memory_space<vmem>>
    %dma_start3A_389 = arith.constant 0 : i32
    %dma_start3A_390 = tpu.memref_slice %arg10[%dma_start3A_389] : memref<10240xf32, #tpu.memory_space<vmem_shared>> -> memref<10240xf32, #tpu.memory_space<vmem_shared>>
    tpu.enqueue_indirect_dma source(%arg7 : memref<128xf32, #tpu.memory_space<vmem>>) target(%dma_start3A_390 : memref<10240xf32, #tpu.memory_space<vmem_shared>>) offsets(%dma_start3A_388 : memref<128xi32, #tpu.memory_space<vmem>>) semaphore(%arg9 : memref<!tpu.dma_semaphore, #tpu.memory_space<semaphore_mem>>) {add = true}
    %dma_wait3A = arith.constant 64 : i32
    %dma_wait3A_391 = arith.constant 0 : i32
    %dma_wait3A_392 = tpu.memref_slice %arg6[%dma_wait3A, %dma_wait3A_391] : memref<79x128xi32, #tpu.memory_space<vmem>> -> memref<1x128xi32, #tpu.memory_space<vmem>>
    %dma_wait3A_393 = tpu.memref_squeeze %dma_wait3A_392 : memref<1x128xi32, #tpu.memory_space<vmem>> -> memref<128xi32, #tpu.memory_space<vmem>>
    %dma_wait3A_394 = arith.constant 0 : i32
    %dma_wait3A_395 = tpu.memref_slice %arg10[%dma_wait3A_394] : memref<10240xf32, #tpu.memory_space<vmem_shared>> -> memref<10240xf32, #tpu.memory_space<vmem_shared>>
    tpu.wait_indirect_dma semaphore(%arg9 : memref<!tpu.dma_semaphore, #tpu.memory_space<semaphore_mem>>) src(%arg7 : memref<128xf32, #tpu.memory_space<vmem>>) dst(%dma_wait3A_395 : memref<10240xf32, #tpu.memory_space<vmem_shared>>)
    %dma_wait3A_396 = arith.constant 65 : i32
    %dma_wait3A_397 = arith.constant 0 : i32
    %dma_wait3A_398 = tpu.memref_slice %arg6[%dma_wait3A_396, %dma_wait3A_397] : memref<79x128xi32, #tpu.memory_space<vmem>> -> memref<1x128xi32, #tpu.memory_space<vmem>>
    %dma_wait3A_399 = tpu.memref_squeeze %dma_wait3A_398 : memref<1x128xi32, #tpu.memory_space<vmem>> -> memref<128xi32, #tpu.memory_space<vmem>>
    %dma_wait3A_400 = arith.constant 0 : i32
    %dma_wait3A_401 = tpu.memref_slice %arg10[%dma_wait3A_400] : memref<10240xf32, #tpu.memory_space<vmem_shared>> -> memref<10240xf32, #tpu.memory_space<vmem_shared>>
    tpu.wait_indirect_dma semaphore(%arg9 : memref<!tpu.dma_semaphore, #tpu.memory_space<semaphore_mem>>) src(%arg7 : memref<128xf32, #tpu.memory_space<vmem>>) dst(%dma_wait3A_401 : memref<10240xf32, #tpu.memory_space<vmem_shared>>)
    %dma_wait3A_402 = arith.constant 66 : i32
    %dma_wait3A_403 = arith.constant 0 : i32
    %dma_wait3A_404 = tpu.memref_slice %arg6[%dma_wait3A_402, %dma_wait3A_403] : memref<79x128xi32, #tpu.memory_space<vmem>> -> memref<1x128xi32, #tpu.memory_space<vmem>>
    %dma_wait3A_405 = tpu.memref_squeeze %dma_wait3A_404 : memref<1x128xi32, #tpu.memory_space<vmem>> -> memref<128xi32, #tpu.memory_space<vmem>>
    %dma_wait3A_406 = arith.constant 0 : i32
    %dma_wait3A_407 = tpu.memref_slice %arg10[%dma_wait3A_406] : memref<10240xf32, #tpu.memory_space<vmem_shared>> -> memref<10240xf32, #tpu.memory_space<vmem_shared>>
    tpu.wait_indirect_dma semaphore(%arg9 : memref<!tpu.dma_semaphore, #tpu.memory_space<semaphore_mem>>) src(%arg7 : memref<128xf32, #tpu.memory_space<vmem>>) dst(%dma_wait3A_407 : memref<10240xf32, #tpu.memory_space<vmem_shared>>)
    %dma_wait3A_408 = arith.constant 67 : i32
    %dma_wait3A_409 = arith.constant 0 : i32
    %dma_wait3A_410 = tpu.memref_slice %arg6[%dma_wait3A_408, %dma_wait3A_409] : memref<79x128xi32, #tpu.memory_space<vmem>> -> memref<1x128xi32, #tpu.memory_space<vmem>>
    %dma_wait3A_411 = tpu.memref_squeeze %dma_wait3A_410 : memref<1x128xi32, #tpu.memory_space<vmem>> -> memref<128xi32, #tpu.memory_space<vmem>>
    %dma_wait3A_412 = arith.constant 0 : i32
    %dma_wait3A_413 = tpu.memref_slice %arg10[%dma_wait3A_412] : memref<10240xf32, #tpu.memory_space<vmem_shared>> -> memref<10240xf32, #tpu.memory_space<vmem_shared>>
    tpu.wait_indirect_dma semaphore(%arg9 : memref<!tpu.dma_semaphore, #tpu.memory_space<semaphore_mem>>) src(%arg7 : memref<128xf32, #tpu.memory_space<vmem>>) dst(%dma_wait3A_413 : memref<10240xf32, #tpu.memory_space<vmem_shared>>)
    %dma_wait3A_414 = arith.constant 68 : i32
    %dma_wait3A_415 = arith.constant 0 : i32
    %dma_wait3A_416 = tpu.memref_slice %arg6[%dma_wait3A_414, %dma_wait3A_415] : memref<79x128xi32, #tpu.memory_space<vmem>> -> memref<1x128xi32, #tpu.memory_space<vmem>>
    %dma_wait3A_417 = tpu.memref_squeeze %dma_wait3A_416 : memref<1x128xi32, #tpu.memory_space<vmem>> -> memref<128xi32, #tpu.memory_space<vmem>>
    %dma_wait3A_418 = arith.constant 0 : i32
    %dma_wait3A_419 = tpu.memref_slice %arg10[%dma_wait3A_418] : memref<10240xf32, #tpu.memory_space<vmem_shared>> -> memref<10240xf32, #tpu.memory_space<vmem_shared>>
    tpu.wait_indirect_dma semaphore(%arg9 : memref<!tpu.dma_semaphore, #tpu.memory_space<semaphore_mem>>) src(%arg7 : memref<128xf32, #tpu.memory_space<vmem>>) dst(%dma_wait3A_419 : memref<10240xf32, #tpu.memory_space<vmem_shared>>)
    %dma_wait3A_420 = arith.constant 69 : i32
    %dma_wait3A_421 = arith.constant 0 : i32
    %dma_wait3A_422 = tpu.memref_slice %arg6[%dma_wait3A_420, %dma_wait3A_421] : memref<79x128xi32, #tpu.memory_space<vmem>> -> memref<1x128xi32, #tpu.memory_space<vmem>>
    %dma_wait3A_423 = tpu.memref_squeeze %dma_wait3A_422 : memref<1x128xi32, #tpu.memory_space<vmem>> -> memref<128xi32, #tpu.memory_space<vmem>>
    %dma_wait3A_424 = arith.constant 0 : i32
    %dma_wait3A_425 = tpu.memref_slice %arg10[%dma_wait3A_424] : memref<10240xf32, #tpu.memory_space<vmem_shared>> -> memref<10240xf32, #tpu.memory_space<vmem_shared>>
    tpu.wait_indirect_dma semaphore(%arg9 : memref<!tpu.dma_semaphore, #tpu.memory_space<semaphore_mem>>) src(%arg7 : memref<128xf32, #tpu.memory_space<vmem>>) dst(%dma_wait3A_425 : memref<10240xf32, #tpu.memory_space<vmem_shared>>)
    %dma_wait3A_426 = arith.constant 70 : i32
    %dma_wait3A_427 = arith.constant 0 : i32
    %dma_wait3A_428 = tpu.memref_slice %arg6[%dma_wait3A_426, %dma_wait3A_427] : memref<79x128xi32, #tpu.memory_space<vmem>> -> memref<1x128xi32, #tpu.memory_space<vmem>>
    %dma_wait3A_429 = tpu.memref_squeeze %dma_wait3A_428 : memref<1x128xi32, #tpu.memory_space<vmem>> -> memref<128xi32, #tpu.memory_space<vmem>>
    %dma_wait3A_430 = arith.constant 0 : i32
    %dma_wait3A_431 = tpu.memref_slice %arg10[%dma_wait3A_430] : memref<10240xf32, #tpu.memory_space<vmem_shared>> -> memref<10240xf32, #tpu.memory_space<vmem_shared>>
    tpu.wait_indirect_dma semaphore(%arg9 : memref<!tpu.dma_semaphore, #tpu.memory_space<semaphore_mem>>) src(%arg7 : memref<128xf32, #tpu.memory_space<vmem>>) dst(%dma_wait3A_431 : memref<10240xf32, #tpu.memory_space<vmem_shared>>)
    %dma_wait3A_432 = arith.constant 71 : i32
    %dma_wait3A_433 = arith.constant 0 : i32
    %dma_wait3A_434 = tpu.memref_slice %arg6[%dma_wait3A_432, %dma_wait3A_433] : memref<79x128xi32, #tpu.memory_space<vmem>> -> memref<1x128xi32, #tpu.memory_space<vmem>>
    %dma_wait3A_435 = tpu.memref_squeeze %dma_wait3A_434 : memref<1x128xi32, #tpu.memory_space<vmem>> -> memref<128xi32, #tpu.memory_space<vmem>>
    %dma_wait3A_436 = arith.constant 0 : i32
    %dma_wait3A_437 = tpu.memref_slice %arg10[%dma_wait3A_436] : memref<10240xf32, #tpu.memory_space<vmem_shared>> -> memref<10240xf32, #tpu.memory_space<vmem_shared>>
    tpu.wait_indirect_dma semaphore(%arg9 : memref<!tpu.dma_semaphore, #tpu.memory_space<semaphore_mem>>) src(%arg7 : memref<128xf32, #tpu.memory_space<vmem>>) dst(%dma_wait3A_437 : memref<10240xf32, #tpu.memory_space<vmem_shared>>)
    %dma_wait3A_438 = arith.constant 72 : i32
    %dma_wait3A_439 = arith.constant 0 : i32
    %dma_wait3A_440 = tpu.memref_slice %arg6[%dma_wait3A_438, %dma_wait3A_439] : memref<79x128xi32, #tpu.memory_space<vmem>> -> memref<1x128xi32, #tpu.memory_space<vmem>>
    %dma_wait3A_441 = tpu.memref_squeeze %dma_wait3A_440 : memref<1x128xi32, #tpu.memory_space<vmem>> -> memref<128xi32, #tpu.memory_space<vmem>>
    %dma_wait3A_442 = arith.constant 0 : i32
    %dma_wait3A_443 = tpu.memref_slice %arg10[%dma_wait3A_442] : memref<10240xf32, #tpu.memory_space<vmem_shared>> -> memref<10240xf32, #tpu.memory_space<vmem_shared>>
    tpu.wait_indirect_dma semaphore(%arg9 : memref<!tpu.dma_semaphore, #tpu.memory_space<semaphore_mem>>) src(%arg7 : memref<128xf32, #tpu.memory_space<vmem>>) dst(%dma_wait3A_443 : memref<10240xf32, #tpu.memory_space<vmem_shared>>)
    %dma_wait3A_444 = arith.constant 73 : i32
    %dma_wait3A_445 = arith.constant 0 : i32
    %dma_wait3A_446 = tpu.memref_slice %arg6[%dma_wait3A_444, %dma_wait3A_445] : memref<79x128xi32, #tpu.memory_space<vmem>> -> memref<1x128xi32, #tpu.memory_space<vmem>>
    %dma_wait3A_447 = tpu.memref_squeeze %dma_wait3A_446 : memref<1x128xi32, #tpu.memory_space<vmem>> -> memref<128xi32, #tpu.memory_space<vmem>>
    %dma_wait3A_448 = arith.constant 0 : i32
    %dma_wait3A_449 = tpu.memref_slice %arg10[%dma_wait3A_448] : memref<10240xf32, #tpu.memory_space<vmem_shared>> -> memref<10240xf32, #tpu.memory_space<vmem_shared>>
    tpu.wait_indirect_dma semaphore(%arg9 : memref<!tpu.dma_semaphore, #tpu.memory_space<semaphore_mem>>) src(%arg7 : memref<128xf32, #tpu.memory_space<vmem>>) dst(%dma_wait3A_449 : memref<10240xf32, #tpu.memory_space<vmem_shared>>)
    %dma_wait3A_450 = arith.constant 74 : i32
    %dma_wait3A_451 = arith.constant 0 : i32
    %dma_wait3A_452 = tpu.memref_slice %arg6[%dma_wait3A_450, %dma_wait3A_451] : memref<79x128xi32, #tpu.memory_space<vmem>> -> memref<1x128xi32, #tpu.memory_space<vmem>>
    %dma_wait3A_453 = tpu.memref_squeeze %dma_wait3A_452 : memref<1x128xi32, #tpu.memory_space<vmem>> -> memref<128xi32, #tpu.memory_space<vmem>>
    %dma_wait3A_454 = arith.constant 0 : i32
    %dma_wait3A_455 = tpu.memref_slice %arg10[%dma_wait3A_454] : memref<10240xf32, #tpu.memory_space<vmem_shared>> -> memref<10240xf32, #tpu.memory_space<vmem_shared>>
    tpu.wait_indirect_dma semaphore(%arg9 : memref<!tpu.dma_semaphore, #tpu.memory_space<semaphore_mem>>) src(%arg7 : memref<128xf32, #tpu.memory_space<vmem>>) dst(%dma_wait3A_455 : memref<10240xf32, #tpu.memory_space<vmem_shared>>)
    %dma_wait3A_456 = arith.constant 75 : i32
    %dma_wait3A_457 = arith.constant 0 : i32
    %dma_wait3A_458 = tpu.memref_slice %arg6[%dma_wait3A_456, %dma_wait3A_457] : memref<79x128xi32, #tpu.memory_space<vmem>> -> memref<1x128xi32, #tpu.memory_space<vmem>>
    %dma_wait3A_459 = tpu.memref_squeeze %dma_wait3A_458 : memref<1x128xi32, #tpu.memory_space<vmem>> -> memref<128xi32, #tpu.memory_space<vmem>>
    %dma_wait3A_460 = arith.constant 0 : i32
    %dma_wait3A_461 = tpu.memref_slice %arg10[%dma_wait3A_460] : memref<10240xf32, #tpu.memory_space<vmem_shared>> -> memref<10240xf32, #tpu.memory_space<vmem_shared>>
    tpu.wait_indirect_dma semaphore(%arg9 : memref<!tpu.dma_semaphore, #tpu.memory_space<semaphore_mem>>) src(%arg7 : memref<128xf32, #tpu.memory_space<vmem>>) dst(%dma_wait3A_461 : memref<10240xf32, #tpu.memory_space<vmem_shared>>)
    %dma_wait3A_462 = arith.constant 76 : i32
    %dma_wait3A_463 = arith.constant 0 : i32
    %dma_wait3A_464 = tpu.memref_slice %arg6[%dma_wait3A_462, %dma_wait3A_463] : memref<79x128xi32, #tpu.memory_space<vmem>> -> memref<1x128xi32, #tpu.memory_space<vmem>>
    %dma_wait3A_465 = tpu.memref_squeeze %dma_wait3A_464 : memref<1x128xi32, #tpu.memory_space<vmem>> -> memref<128xi32, #tpu.memory_space<vmem>>
    %dma_wait3A_466 = arith.constant 0 : i32
    %dma_wait3A_467 = tpu.memref_slice %arg10[%dma_wait3A_466] : memref<10240xf32, #tpu.memory_space<vmem_shared>> -> memref<10240xf32, #tpu.memory_space<vmem_shared>>
    tpu.wait_indirect_dma semaphore(%arg9 : memref<!tpu.dma_semaphore, #tpu.memory_space<semaphore_mem>>) src(%arg7 : memref<128xf32, #tpu.memory_space<vmem>>) dst(%dma_wait3A_467 : memref<10240xf32, #tpu.memory_space<vmem_shared>>)
    %dma_wait3A_468 = arith.constant 77 : i32
    %dma_wait3A_469 = arith.constant 0 : i32
    %dma_wait3A_470 = tpu.memref_slice %arg6[%dma_wait3A_468, %dma_wait3A_469] : memref<79x128xi32, #tpu.memory_space<vmem>> -> memref<1x128xi32, #tpu.memory_space<vmem>>
    %dma_wait3A_471 = tpu.memref_squeeze %dma_wait3A_470 : memref<1x128xi32, #tpu.memory_space<vmem>> -> memref<128xi32, #tpu.memory_space<vmem>>
    %dma_wait3A_472 = arith.constant 0 : i32
    %dma_wait3A_473 = tpu.memref_slice %arg10[%dma_wait3A_472] : memref<10240xf32, #tpu.memory_space<vmem_shared>> -> memref<10240xf32, #tpu.memory_space<vmem_shared>>
    tpu.wait_indirect_dma semaphore(%arg9 : memref<!tpu.dma_semaphore, #tpu.memory_space<semaphore_mem>>) src(%arg7 : memref<128xf32, #tpu.memory_space<vmem>>) dst(%dma_wait3A_473 : memref<10240xf32, #tpu.memory_space<vmem_shared>>)
    %lt3A_474 = arith.constant 4 : i32
    %lt3A_475 = arith.cmpi slt, %add3A, %lt3A_474 : i32
    %convert_element_type3A_476 = arith.extui %lt3A_475 : i1 to i32
    %cond3A_477 = arith.constant 0 : i32
    %cond3A_478 = arith.cmpi ne, %convert_element_type3A_476, %cond3A_477 : i32
    scf.if %cond3A_478 {
      %run_scoped3A = arith.constant 78 : i32
      "tpu.region"() ({
        %run_scoped3A_489 = tpu.sem_alloc : memref<!tpu.dma_semaphore, #tpu.memory_space<semaphore_mem>>
        %dma_start3A_490 = arith.constant 0 : i32
        %dma_start3A_491 = tpu.memref_slice %arg6[%run_scoped3A, %dma_start3A_490] : memref<79x128xi32, #tpu.memory_space<vmem>> -> memref<1x128xi32, #tpu.memory_space<vmem>>
        %dma_start3A_492 = tpu.memref_squeeze %dma_start3A_491 : memref<1x128xi32, #tpu.memory_space<vmem>> -> memref<128xi32, #tpu.memory_space<vmem>>
        %dma_start3A_493 = arith.constant 0 : i32
        %dma_start3A_494 = tpu.memref_slice %arg10[%dma_start3A_493] : memref<10240xf32, #tpu.memory_space<vmem_shared>> -> memref<10240xf32, #tpu.memory_space<vmem_shared>>
        tpu.enqueue_indirect_dma source(%arg7 : memref<128xf32, #tpu.memory_space<vmem>>) target(%dma_start3A_494 : memref<10240xf32, #tpu.memory_space<vmem_shared>>) offsets(%dma_start3A_492 : memref<128xi32, #tpu.memory_space<vmem>>) semaphore(%run_scoped3A_489 : memref<!tpu.dma_semaphore, #tpu.memory_space<semaphore_mem>>) {add = true}
        %dma_wait3A_495 = arith.constant 0 : i32
        %dma_wait3A_496 = tpu.memref_slice %arg6[%run_scoped3A, %dma_wait3A_495] : memref<79x128xi32, #tpu.memory_space<vmem>> -> memref<1x128xi32, #tpu.memory_space<vmem>>
        %dma_wait3A_497 = tpu.memref_squeeze %dma_wait3A_496 : memref<1x128xi32, #tpu.memory_space<vmem>> -> memref<128xi32, #tpu.memory_space<vmem>>
        %dma_wait3A_498 = arith.constant 0 : i32
        %dma_wait3A_499 = tpu.memref_slice %arg10[%dma_wait3A_498] : memref<10240xf32, #tpu.memory_space<vmem_shared>> -> memref<10240xf32, #tpu.memory_space<vmem_shared>>
        tpu.wait_indirect_dma semaphore(%run_scoped3A_489 : memref<!tpu.dma_semaphore, #tpu.memory_space<semaphore_mem>>) src(%arg7 : memref<128xf32, #tpu.memory_space<vmem>>) dst(%dma_wait3A_499 : memref<10240xf32, #tpu.memory_space<vmem_shared>>)
        tpu.yield
      }) : () -> ()
    } else {
    }
    %barrier3A_479 = arith.constant 0 : index
    tpu.barrier barrier_id(%barrier3A_479)
    %eq3A = arith.constant 0 : i32
    %eq3A_480 = arith.cmpi eq, %arg0, %eq3A : i32
    %convert_element_type3A_481 = arith.extui %eq3A_480 : i1 to i32
    %cond3A_482 = arith.constant 0 : i32
    %cond3A_483 = arith.cmpi ne, %convert_element_type3A_481, %cond3A_482 : i32
    scf.if %cond3A_483 {
      %mul3A_489 = arith.constant 640 : i32
      %mul3A_490 = arith.muli %arg1, %mul3A_489 : i32
      %mul3A_491 = arith.constant 640 : i32
      %mul3A_492 = arith.muli %arg1, %mul3A_491 : i32
      "tpu.region"() ({
        %run_scoped3A = tpu.sem_alloc : memref<!tpu.dma_semaphore, #tpu.memory_space<semaphore_mem>>
        %dma_start3A_493 = tpu.memref_slice %arg3[%mul3A_492] : memref<10240xf32, #tpu.memory_space<hbm>> -> memref<640xf32, #tpu.memory_space<hbm>>
        %dma_start3A_494 = tpu.memref_slice %arg10[%mul3A_490] : memref<10240xf32, #tpu.memory_space<vmem_shared>> -> memref<640xf32, #tpu.memory_space<vmem_shared>>
        tpu.enqueue_dma source(%dma_start3A_494 : memref<640xf32, #tpu.memory_space<vmem_shared>>) target(%dma_start3A_493 : memref<640xf32, #tpu.memory_space<hbm>>) target_semaphore(%run_scoped3A : memref<!tpu.dma_semaphore, #tpu.memory_space<semaphore_mem>>)
        %dma_wait3A_495 = tpu.memref_slice %arg3[%mul3A_492] : memref<10240xf32, #tpu.memory_space<hbm>> -> memref<640xf32, #tpu.memory_space<hbm>>
        %dma_wait3A_496 = tpu.memref_slice %arg10[%mul3A_490] : memref<10240xf32, #tpu.memory_space<vmem_shared>> -> memref<640xf32, #tpu.memory_space<vmem_shared>>
        tpu.wait_dma2 semaphore(%run_scoped3A : memref<!tpu.dma_semaphore, #tpu.memory_space<semaphore_mem>>) src(%dma_wait3A_496 : memref<640xf32, #tpu.memory_space<vmem_shared>>) dst(%dma_wait3A_495 : memref<640xf32, #tpu.memory_space<hbm>>)
        tpu.yield
      }) : () -> ()
    } else {
    }
    %eq3A_484 = arith.constant 1 : i32
    %eq3A_485 = arith.cmpi eq, %arg0, %eq3A_484 : i32
    %convert_element_type3A_486 = arith.extui %eq3A_485 : i1 to i32
    %cond3A_487 = arith.constant 0 : i32
    %cond3A_488 = arith.cmpi ne, %convert_element_type3A_486, %cond3A_487 : i32
    scf.if %cond3A_488 {
      %mul3A_489 = arith.constant 640 : i32
      %mul3A_490 = arith.muli %arg1, %mul3A_489 : i32
      %mul3A_491 = arith.constant 640 : i32
      %mul3A_492 = arith.muli %arg1, %mul3A_491 : i32
      "tpu.region"() ({
        %run_scoped3A = tpu.sem_alloc : memref<!tpu.dma_semaphore, #tpu.memory_space<semaphore_mem>>
        %dma_start3A_493 = tpu.memref_slice %arg4[%mul3A_492] : memref<10240xf32, #tpu.memory_space<hbm>> -> memref<640xf32, #tpu.memory_space<hbm>>
        %dma_start3A_494 = tpu.memref_slice %arg10[%mul3A_490] : memref<10240xf32, #tpu.memory_space<vmem_shared>> -> memref<640xf32, #tpu.memory_space<vmem_shared>>
        tpu.enqueue_dma source(%dma_start3A_494 : memref<640xf32, #tpu.memory_space<vmem_shared>>) target(%dma_start3A_493 : memref<640xf32, #tpu.memory_space<hbm>>) target_semaphore(%run_scoped3A : memref<!tpu.dma_semaphore, #tpu.memory_space<semaphore_mem>>)
        %dma_wait3A_495 = tpu.memref_slice %arg4[%mul3A_492] : memref<10240xf32, #tpu.memory_space<hbm>> -> memref<640xf32, #tpu.memory_space<hbm>>
        %dma_wait3A_496 = tpu.memref_slice %arg10[%mul3A_490] : memref<10240xf32, #tpu.memory_space<vmem_shared>> -> memref<640xf32, #tpu.memory_space<vmem_shared>>
        tpu.wait_dma2 semaphore(%run_scoped3A : memref<!tpu.dma_semaphore, #tpu.memory_space<semaphore_mem>>) src(%dma_wait3A_496 : memref<640xf32, #tpu.memory_space<vmem_shared>>) dst(%dma_wait3A_495 : memref<640xf32, #tpu.memory_space<hbm>>)
        tpu.yield
      }) : () -> ()
    } else {
    }
    return
  }
}

#map = affine_map<(d0, d1) -> (0, 0)>
module attributes {stable_mosaic.version = 14 : i64} {
  func.func @body(%arg0: i32, %arg1: i32, %arg2: memref<10000x128xf32, #tpu.memory_space<hbm>>, %arg3: memref<2x320000xi32, #tpu.memory_space<hbm>>, %arg4: memref<10240x128xf32, #tpu.memory_space<hbm>>, %arg5: memref<10240x128xf32, #tpu.memory_space<hbm>>, %arg6: memref<2x2048xi32, #tpu.memory_space<vmem>>, %arg7: memref<16x128xi32, #tpu.memory_space<vmem>>, %arg8: memref<16x128xi32, #tpu.memory_space<vmem>>, %arg9: memref<128x128xf32, #tpu.memory_space<vmem>>, %arg10: memref<128x128xf32, #tpu.memory_space<vmem>>, %arg11: memref<!tpu.dma_semaphore, #tpu.memory_space<semaphore_mem>>, %arg12: memref<!tpu.dma_semaphore, #tpu.memory_space<semaphore_mem>>, %arg13: memref<10240x128xf32, #tpu.memory_space<vmem_shared>>) attributes {dimension_semantics = [#tpu.dimension_semantics<core_parallel>, #tpu.dimension_semantics<subcore_parallel>], iteration_bounds = array<i64: 2, 16>, scalar_prefetch = 0 : i64, scratch_operands = 8 : i64, tpu.core_type = #tpu.core_type<sc_vector_subcore>, window_params = [{transform_indices = #map}, {transform_indices = #map}, {transform_indices = #map}, {transform_indices = #map}]} {
    %mul3A = arith.constant 16 : i32
    %mul3A_0 = arith.muli %arg0, %mul3A : i32
    %add3A = arith.addi %mul3A_0, %arg1 : i32
    %mul3A_1 = arith.constant 78 : i32
    %mul3A_2 = arith.muli %mul3A_1, %add3A : i32
    %min3A = arith.constant 4 : i32
    %min3A_3 = arith.minsi %add3A, %min3A : i32
    %add3A_4 = arith.addi %mul3A_2, %min3A_3 : i32
    %scan3A = arith.constant 0 : i32
    %scan3A_5 = arith.constant 0 : i32
    %scan3A_6 = arith.constant 128 : i32
    %scan3A_7 = arith.addi %scan3A_5, %scan3A_6 : i32
    %scan3A_8 = arith.constant 1 : i32
    scf.for %scan3A_70 = %scan3A_5 to %scan3A_7 step %scan3A_8  : i32 {
      %broadcast_in_dim3A = arith.constant 0.000000e+00 : f32
      %broadcast_in_dim3A_71 = vector.broadcast %broadcast_in_dim3A : f32 to vector<16xf32>
      %swap3A = arith.index_cast %scan3A_70 : i32 to index
      %swap3A_72 = arith.constant 0 : index
      %swap3A_73 = tpu.vector_load %arg9[%swap3A, %swap3A_72] {strides = array<i32>} : memref<128x128xf32, #tpu.memory_space<vmem>>, vector<1x16xf32>,
      %swap3A_74 = vector.shape_cast %swap3A_73 : vector<1x16xf32> to vector<16xf32>
      %swap3A_75 = vector.shape_cast %broadcast_in_dim3A_71 : vector<16xf32> to vector<1x16xf32>
      tpu.vector_store %arg9[%swap3A, %swap3A_72], %swap3A_75 {strides = array<i32>} : memref<128x128xf32, #tpu.memory_space<vmem>>, vector<1x16xf32>,
      %broadcast_in_dim3A_76 = arith.constant 0.000000e+00 : f32
      %broadcast_in_dim3A_77 = vector.broadcast %broadcast_in_dim3A_76 : f32 to vector<16xf32>
      %swap3A_78 = arith.index_cast %scan3A_70 : i32 to index
      %swap3A_79 = arith.constant 16 : index
      %swap3A_80 = tpu.vector_load %arg9[%swap3A_78, %swap3A_79] {strides = array<i32>} : memref<128x128xf32, #tpu.memory_space<vmem>>, vector<1x16xf32>,
      %swap3A_81 = vector.shape_cast %swap3A_80 : vector<1x16xf32> to vector<16xf32>
      %swap3A_82 = vector.shape_cast %broadcast_in_dim3A_77 : vector<16xf32> to vector<1x16xf32>
      tpu.vector_store %arg9[%swap3A_78, %swap3A_79], %swap3A_82 {strides = array<i32>} : memref<128x128xf32, #tpu.memory_space<vmem>>, vector<1x16xf32>,
      %broadcast_in_dim3A_83 = arith.constant 0.000000e+00 : f32
      %broadcast_in_dim3A_84 = vector.broadcast %broadcast_in_dim3A_83 : f32 to vector<16xf32>
      %swap3A_85 = arith.index_cast %scan3A_70 : i32 to index
      %swap3A_86 = arith.constant 32 : index
      %swap3A_87 = tpu.vector_load %arg9[%swap3A_85, %swap3A_86] {strides = array<i32>} : memref<128x128xf32, #tpu.memory_space<vmem>>, vector<1x16xf32>,
      %swap3A_88 = vector.shape_cast %swap3A_87 : vector<1x16xf32> to vector<16xf32>
      %swap3A_89 = vector.shape_cast %broadcast_in_dim3A_84 : vector<16xf32> to vector<1x16xf32>
      tpu.vector_store %arg9[%swap3A_85, %swap3A_86], %swap3A_89 {strides = array<i32>} : memref<128x128xf32, #tpu.memory_space<vmem>>, vector<1x16xf32>,
      %broadcast_in_dim3A_90 = arith.constant 0.000000e+00 : f32
      %broadcast_in_dim3A_91 = vector.broadcast %broadcast_in_dim3A_90 : f32 to vector<16xf32>
      %swap3A_92 = arith.index_cast %scan3A_70 : i32 to index
      %swap3A_93 = arith.constant 48 : index
      %swap3A_94 = tpu.vector_load %arg9[%swap3A_92, %swap3A_93] {strides = array<i32>} : memref<128x128xf32, #tpu.memory_space<vmem>>, vector<1x16xf32>,
      %swap3A_95 = vector.shape_cast %swap3A_94 : vector<1x16xf32> to vector<16xf32>
      %swap3A_96 = vector.shape_cast %broadcast_in_dim3A_91 : vector<16xf32> to vector<1x16xf32>
      tpu.vector_store %arg9[%swap3A_92, %swap3A_93], %swap3A_96 {strides = array<i32>} : memref<128x128xf32, #tpu.memory_space<vmem>>, vector<1x16xf32>,
      %broadcast_in_dim3A_97 = arith.constant 0.000000e+00 : f32
      %broadcast_in_dim3A_98 = vector.broadcast %broadcast_in_dim3A_97 : f32 to vector<16xf32>
      %swap3A_99 = arith.index_cast %scan3A_70 : i32 to index
      %swap3A_100 = arith.constant 64 : index
      %swap3A_101 = tpu.vector_load %arg9[%swap3A_99, %swap3A_100] {strides = array<i32>} : memref<128x128xf32, #tpu.memory_space<vmem>>, vector<1x16xf32>,
      %swap3A_102 = vector.shape_cast %swap3A_101 : vector<1x16xf32> to vector<16xf32>
      %swap3A_103 = vector.shape_cast %broadcast_in_dim3A_98 : vector<16xf32> to vector<1x16xf32>
      tpu.vector_store %arg9[%swap3A_99, %swap3A_100], %swap3A_103 {strides = array<i32>} : memref<128x128xf32, #tpu.memory_space<vmem>>, vector<1x16xf32>,
      %broadcast_in_dim3A_104 = arith.constant 0.000000e+00 : f32
      %broadcast_in_dim3A_105 = vector.broadcast %broadcast_in_dim3A_104 : f32 to vector<16xf32>
      %swap3A_106 = arith.index_cast %scan3A_70 : i32 to index
      %swap3A_107 = arith.constant 80 : index
      %swap3A_108 = tpu.vector_load %arg9[%swap3A_106, %swap3A_107] {strides = array<i32>} : memref<128x128xf32, #tpu.memory_space<vmem>>, vector<1x16xf32>,
      %swap3A_109 = vector.shape_cast %swap3A_108 : vector<1x16xf32> to vector<16xf32>
      %swap3A_110 = vector.shape_cast %broadcast_in_dim3A_105 : vector<16xf32> to vector<1x16xf32>
      tpu.vector_store %arg9[%swap3A_106, %swap3A_107], %swap3A_110 {strides = array<i32>} : memref<128x128xf32, #tpu.memory_space<vmem>>, vector<1x16xf32>,
      %broadcast_in_dim3A_111 = arith.constant 0.000000e+00 : f32
      %broadcast_in_dim3A_112 = vector.broadcast %broadcast_in_dim3A_111 : f32 to vector<16xf32>
      %swap3A_113 = arith.index_cast %scan3A_70 : i32 to index
      %swap3A_114 = arith.constant 96 : index
      %swap3A_115 = tpu.vector_load %arg9[%swap3A_113, %swap3A_114] {strides = array<i32>} : memref<128x128xf32, #tpu.memory_space<vmem>>, vector<1x16xf32>,
      %swap3A_116 = vector.shape_cast %swap3A_115 : vector<1x16xf32> to vector<16xf32>
      %swap3A_117 = vector.shape_cast %broadcast_in_dim3A_112 : vector<16xf32> to vector<1x16xf32>
      tpu.vector_store %arg9[%swap3A_113, %swap3A_114], %swap3A_117 {strides = array<i32>} : memref<128x128xf32, #tpu.memory_space<vmem>>, vector<1x16xf32>,
      %broadcast_in_dim3A_118 = arith.constant 0.000000e+00 : f32
      %broadcast_in_dim3A_119 = vector.broadcast %broadcast_in_dim3A_118 : f32 to vector<16xf32>
      %swap3A_120 = arith.index_cast %scan3A_70 : i32 to index
      %swap3A_121 = arith.constant 112 : index
      %swap3A_122 = tpu.vector_load %arg9[%swap3A_120, %swap3A_121] {strides = array<i32>} : memref<128x128xf32, #tpu.memory_space<vmem>>, vector<1x16xf32>,
      %swap3A_123 = vector.shape_cast %swap3A_122 : vector<1x16xf32> to vector<16xf32>
      %swap3A_124 = vector.shape_cast %broadcast_in_dim3A_119 : vector<16xf32> to vector<1x16xf32>
      tpu.vector_store %arg9[%swap3A_120, %swap3A_121], %swap3A_124 {strides = array<i32>} : memref<128x128xf32, #tpu.memory_space<vmem>>, vector<1x16xf32>,
    }
    %scan3A_9 = arith.constant 128 : i32
    %mul3A_10 = arith.constant 640 : i32
    %mul3A_11 = arith.muli %arg1, %mul3A_10 : i32
    %add3A_12 = arith.constant 0 : i32
    %add3A_13 = arith.addi %mul3A_11, %add3A_12 : i32
    "tpu.region"() ({
      %run_scoped3A = tpu.sem_alloc : memref<!tpu.dma_semaphore, #tpu.memory_space<semaphore_mem>>
      %dma_start3A_70 = arith.constant 0 : i32
      %dma_start3A_71 = tpu.memref_slice %arg13[%add3A_13, %dma_start3A_70] : memref<10240x128xf32, #tpu.memory_space<vmem_shared>> -> memref<128x128xf32, #tpu.memory_space<vmem_shared>>
      %dma_start3A_72 = arith.constant 0 : i32
      %dma_start3A_73 = tpu.memref_slice %arg13[%add3A_13, %dma_start3A_72] : memref<10240x128xf32, #tpu.memory_space<vmem_shared>> -> memref<128x128xf32, #tpu.memory_space<vmem_shared>>
      tpu.enqueue_dma source(%arg9 : memref<128x128xf32, #tpu.memory_space<vmem>>) target(%dma_start3A_73 : memref<128x128xf32, #tpu.memory_space<vmem_shared>>) target_semaphore(%run_scoped3A : memref<!tpu.dma_semaphore, #tpu.memory_space<semaphore_mem>>)
      %dma_wait3A = arith.constant 0 : i32
      %dma_wait3A_74 = tpu.memref_slice %arg13[%add3A_13, %dma_wait3A] : memref<10240x128xf32, #tpu.memory_space<vmem_shared>> -> memref<128x128xf32, #tpu.memory_space<vmem_shared>>
      %dma_wait3A_75 = arith.constant 0 : i32
      %dma_wait3A_76 = tpu.memref_slice %arg13[%add3A_13, %dma_wait3A_75] : memref<10240x128xf32, #tpu.memory_space<vmem_shared>> -> memref<128x128xf32, #tpu.memory_space<vmem_shared>>
      tpu.wait_dma2 semaphore(%run_scoped3A : memref<!tpu.dma_semaphore, #tpu.memory_space<semaphore_mem>>) src(%arg9 : memref<128x128xf32, #tpu.memory_space<vmem>>) dst(%dma_wait3A_76 : memref<128x128xf32, #tpu.memory_space<vmem_shared>>)
      tpu.yield
    }) : () -> ()
    %mul3A_14 = arith.constant 640 : i32
    %mul3A_15 = arith.muli %arg1, %mul3A_14 : i32
    %add3A_16 = arith.constant 128 : i32
    %add3A_17 = arith.addi %mul3A_15, %add3A_16 : i32
    "tpu.region"() ({
      %run_scoped3A = tpu.sem_alloc : memref<!tpu.dma_semaphore, #tpu.memory_space<semaphore_mem>>
      %dma_start3A_70 = arith.constant 0 : i32
      %dma_start3A_71 = tpu.memref_slice %arg13[%add3A_17, %dma_start3A_70] : memref<10240x128xf32, #tpu.memory_space<vmem_shared>> -> memref<128x128xf32, #tpu.memory_space<vmem_shared>>
      %dma_start3A_72 = arith.constant 0 : i32
      %dma_start3A_73 = tpu.memref_slice %arg13[%add3A_17, %dma_start3A_72] : memref<10240x128xf32, #tpu.memory_space<vmem_shared>> -> memref<128x128xf32, #tpu.memory_space<vmem_shared>>
      tpu.enqueue_dma source(%arg9 : memref<128x128xf32, #tpu.memory_space<vmem>>) target(%dma_start3A_73 : memref<128x128xf32, #tpu.memory_space<vmem_shared>>) target_semaphore(%run_scoped3A : memref<!tpu.dma_semaphore, #tpu.memory_space<semaphore_mem>>)
      %dma_wait3A = arith.constant 0 : i32
      %dma_wait3A_74 = tpu.memref_slice %arg13[%add3A_17, %dma_wait3A] : memref<10240x128xf32, #tpu.memory_space<vmem_shared>> -> memref<128x128xf32, #tpu.memory_space<vmem_shared>>
      %dma_wait3A_75 = arith.constant 0 : i32
      %dma_wait3A_76 = tpu.memref_slice %arg13[%add3A_17, %dma_wait3A_75] : memref<10240x128xf32, #tpu.memory_space<vmem_shared>> -> memref<128x128xf32, #tpu.memory_space<vmem_shared>>
      tpu.wait_dma2 semaphore(%run_scoped3A : memref<!tpu.dma_semaphore, #tpu.memory_space<semaphore_mem>>) src(%arg9 : memref<128x128xf32, #tpu.memory_space<vmem>>) dst(%dma_wait3A_76 : memref<128x128xf32, #tpu.memory_space<vmem_shared>>)
      tpu.yield
    }) : () -> ()
    %mul3A_18 = arith.constant 640 : i32
    %mul3A_19 = arith.muli %arg1, %mul3A_18 : i32
    %add3A_20 = arith.constant 256 : i32
    %add3A_21 = arith.addi %mul3A_19, %add3A_20 : i32
    "tpu.region"() ({
      %run_scoped3A = tpu.sem_alloc : memref<!tpu.dma_semaphore, #tpu.memory_space<semaphore_mem>>
      %dma_start3A_70 = arith.constant 0 : i32
      %dma_start3A_71 = tpu.memref_slice %arg13[%add3A_21, %dma_start3A_70] : memref<10240x128xf32, #tpu.memory_space<vmem_shared>> -> memref<128x128xf32, #tpu.memory_space<vmem_shared>>
      %dma_start3A_72 = arith.constant 0 : i32
      %dma_start3A_73 = tpu.memref_slice %arg13[%add3A_21, %dma_start3A_72] : memref<10240x128xf32, #tpu.memory_space<vmem_shared>> -> memref<128x128xf32, #tpu.memory_space<vmem_shared>>
      tpu.enqueue_dma source(%arg9 : memref<128x128xf32, #tpu.memory_space<vmem>>) target(%dma_start3A_73 : memref<128x128xf32, #tpu.memory_space<vmem_shared>>) target_semaphore(%run_scoped3A : memref<!tpu.dma_semaphore, #tpu.memory_space<semaphore_mem>>)
      %dma_wait3A = arith.constant 0 : i32
      %dma_wait3A_74 = tpu.memref_slice %arg13[%add3A_21, %dma_wait3A] : memref<10240x128xf32, #tpu.memory_space<vmem_shared>> -> memref<128x128xf32, #tpu.memory_space<vmem_shared>>
      %dma_wait3A_75 = arith.constant 0 : i32
      %dma_wait3A_76 = tpu.memref_slice %arg13[%add3A_21, %dma_wait3A_75] : memref<10240x128xf32, #tpu.memory_space<vmem_shared>> -> memref<128x128xf32, #tpu.memory_space<vmem_shared>>
      tpu.wait_dma2 semaphore(%run_scoped3A : memref<!tpu.dma_semaphore, #tpu.memory_space<semaphore_mem>>) src(%arg9 : memref<128x128xf32, #tpu.memory_space<vmem>>) dst(%dma_wait3A_76 : memref<128x128xf32, #tpu.memory_space<vmem_shared>>)
      tpu.yield
    }) : () -> ()
    %mul3A_22 = arith.constant 640 : i32
    %mul3A_23 = arith.muli %arg1, %mul3A_22 : i32
    %add3A_24 = arith.constant 384 : i32
    %add3A_25 = arith.addi %mul3A_23, %add3A_24 : i32
    "tpu.region"() ({
      %run_scoped3A = tpu.sem_alloc : memref<!tpu.dma_semaphore, #tpu.memory_space<semaphore_mem>>
      %dma_start3A_70 = arith.constant 0 : i32
      %dma_start3A_71 = tpu.memref_slice %arg13[%add3A_25, %dma_start3A_70] : memref<10240x128xf32, #tpu.memory_space<vmem_shared>> -> memref<128x128xf32, #tpu.memory_space<vmem_shared>>
      %dma_start3A_72 = arith.constant 0 : i32
      %dma_start3A_73 = tpu.memref_slice %arg13[%add3A_25, %dma_start3A_72] : memref<10240x128xf32, #tpu.memory_space<vmem_shared>> -> memref<128x128xf32, #tpu.memory_space<vmem_shared>>
      tpu.enqueue_dma source(%arg9 : memref<128x128xf32, #tpu.memory_space<vmem>>) target(%dma_start3A_73 : memref<128x128xf32, #tpu.memory_space<vmem_shared>>) target_semaphore(%run_scoped3A : memref<!tpu.dma_semaphore, #tpu.memory_space<semaphore_mem>>)
      %dma_wait3A = arith.constant 0 : i32
      %dma_wait3A_74 = tpu.memref_slice %arg13[%add3A_25, %dma_wait3A] : memref<10240x128xf32, #tpu.memory_space<vmem_shared>> -> memref<128x128xf32, #tpu.memory_space<vmem_shared>>
      %dma_wait3A_75 = arith.constant 0 : i32
      %dma_wait3A_76 = tpu.memref_slice %arg13[%add3A_25, %dma_wait3A_75] : memref<10240x128xf32, #tpu.memory_space<vmem_shared>> -> memref<128x128xf32, #tpu.memory_space<vmem_shared>>
      tpu.wait_dma2 semaphore(%run_scoped3A : memref<!tpu.dma_semaphore, #tpu.memory_space<semaphore_mem>>) src(%arg9 : memref<128x128xf32, #tpu.memory_space<vmem>>) dst(%dma_wait3A_76 : memref<128x128xf32, #tpu.memory_space<vmem_shared>>)
      tpu.yield
    }) : () -> ()
    %mul3A_26 = arith.constant 640 : i32
    %mul3A_27 = arith.muli %arg1, %mul3A_26 : i32
    %add3A_28 = arith.constant 512 : i32
    %add3A_29 = arith.addi %mul3A_27, %add3A_28 : i32
    "tpu.region"() ({
      %run_scoped3A = tpu.sem_alloc : memref<!tpu.dma_semaphore, #tpu.memory_space<semaphore_mem>>
      %dma_start3A_70 = arith.constant 0 : i32
      %dma_start3A_71 = tpu.memref_slice %arg13[%add3A_29, %dma_start3A_70] : memref<10240x128xf32, #tpu.memory_space<vmem_shared>> -> memref<128x128xf32, #tpu.memory_space<vmem_shared>>
      %dma_start3A_72 = arith.constant 0 : i32
      %dma_start3A_73 = tpu.memref_slice %arg13[%add3A_29, %dma_start3A_72] : memref<10240x128xf32, #tpu.memory_space<vmem_shared>> -> memref<128x128xf32, #tpu.memory_space<vmem_shared>>
      tpu.enqueue_dma source(%arg9 : memref<128x128xf32, #tpu.memory_space<vmem>>) target(%dma_start3A_73 : memref<128x128xf32, #tpu.memory_space<vmem_shared>>) target_semaphore(%run_scoped3A : memref<!tpu.dma_semaphore, #tpu.memory_space<semaphore_mem>>)
      %dma_wait3A = arith.constant 0 : i32
      %dma_wait3A_74 = tpu.memref_slice %arg13[%add3A_29, %dma_wait3A] : memref<10240x128xf32, #tpu.memory_space<vmem_shared>> -> memref<128x128xf32, #tpu.memory_space<vmem_shared>>
      %dma_wait3A_75 = arith.constant 0 : i32
      %dma_wait3A_76 = tpu.memref_slice %arg13[%add3A_29, %dma_wait3A_75] : memref<10240x128xf32, #tpu.memory_space<vmem_shared>> -> memref<128x128xf32, #tpu.memory_space<vmem_shared>>
      tpu.wait_dma2 semaphore(%run_scoped3A : memref<!tpu.dma_semaphore, #tpu.memory_space<semaphore_mem>>) src(%arg9 : memref<128x128xf32, #tpu.memory_space<vmem>>) dst(%dma_wait3A_76 : memref<128x128xf32, #tpu.memory_space<vmem_shared>>)
      tpu.yield
    }) : () -> ()
    %barrier3A = arith.constant 0 : index
    tpu.barrier barrier_id(%barrier3A)
    %scan3A_30 = arith.constant 0 : i32
    %scan3A_31 = arith.constant 0 : i32
    %scan3A_32 = arith.constant 4 : i32
    %scan3A_33 = arith.addi %scan3A_31, %scan3A_32 : i32
    %scan3A_34 = arith.constant 1 : i32
    scf.for %scan3A_70 = %scan3A_31 to %scan3A_33 step %scan3A_34  : i32 {
      %mul3A_71 = arith.constant 16 : i32
      %mul3A_72 = arith.muli %scan3A_70, %mul3A_71 : i32
      %add3A_73 = arith.addi %add3A_4, %mul3A_72 : i32
      %mul3A_74 = arith.constant 128 : i32
      %mul3A_75 = arith.muli %add3A_73, %mul3A_74 : i32
      %multiple_of3A_76 = tpu.assume_multiple %mul3A_75, 128 : i32
      "tpu.region"() ({
        %run_scoped3A = tpu.sem_alloc : memref<!tpu.dma_semaphore, #tpu.memory_space<semaphore_mem>>
        %dma_start3A_96 = arith.constant 0 : i32
        %dma_start3A_97 = arith.constant 0 : i32
        %dma_start3A_98 = tpu.memref_slice %arg6[%dma_start3A_96, %dma_start3A_97] : memref<2x2048xi32, #tpu.memory_space<vmem>> -> memref<2x2048xi32, #tpu.memory_space<vmem>>
        %dma_start3A_99 = arith.constant 0 : i32
        %dma_start3A_100 = tpu.memref_slice %arg3[%dma_start3A_99, %multiple_of3A_76] : memref<2x320000xi32, #tpu.memory_space<hbm>> -> memref<2x2048xi32, #tpu.memory_space<hbm>>
        %dma_start3A_101 = arith.constant 0 : i32
        %dma_start3A_102 = arith.constant 0 : i32
        %dma_start3A_103 = tpu.memref_slice %arg6[%dma_start3A_101, %dma_start3A_102] : memref<2x2048xi32, #tpu.memory_space<vmem>> -> memref<2x2048xi32, #tpu.memory_space<vmem>>
        %dma_start3A_104 = arith.constant 0 : i32
        %dma_start3A_105 = tpu.memref_slice %arg3[%dma_start3A_104, %multiple_of3A_76] : memref<2x320000xi32, #tpu.memory_space<hbm>> -> memref<2x2048xi32, #tpu.memory_space<hbm>>
        tpu.enqueue_dma source(%dma_start3A_105 : memref<2x2048xi32, #tpu.memory_space<hbm>>) target(%dma_start3A_103 : memref<2x2048xi32, #tpu.memory_space<vmem>>) target_semaphore(%run_scoped3A : memref<!tpu.dma_semaphore, #tpu.memory_space<semaphore_mem>>)
        %dma_wait3A = arith.constant 0 : i32
        %dma_wait3A_106 = arith.constant 0 : i32
        %dma_wait3A_107 = tpu.memref_slice %arg6[%dma_wait3A, %dma_wait3A_106] : memref<2x2048xi32, #tpu.memory_space<vmem>> -> memref<2x2048xi32, #tpu.memory_space<vmem>>
        %dma_wait3A_108 = arith.constant 0 : i32
        %dma_wait3A_109 = tpu.memref_slice %arg3[%dma_wait3A_108, %multiple_of3A_76] : memref<2x320000xi32, #tpu.memory_space<hbm>> -> memref<2x2048xi32, #tpu.memory_space<hbm>>
        %dma_wait3A_110 = arith.constant 0 : i32
        %dma_wait3A_111 = arith.constant 0 : i32
        %dma_wait3A_112 = tpu.memref_slice %arg6[%dma_wait3A_110, %dma_wait3A_111] : memref<2x2048xi32, #tpu.memory_space<vmem>> -> memref<2x2048xi32, #tpu.memory_space<vmem>>
        %dma_wait3A_113 = arith.constant 0 : i32
        %dma_wait3A_114 = tpu.memref_slice %arg3[%dma_wait3A_113, %multiple_of3A_76] : memref<2x320000xi32, #tpu.memory_space<hbm>> -> memref<2x2048xi32, #tpu.memory_space<hbm>>
        tpu.wait_dma2 semaphore(%run_scoped3A : memref<!tpu.dma_semaphore, #tpu.memory_space<semaphore_mem>>) src(%dma_wait3A_114 : memref<2x2048xi32, #tpu.memory_space<hbm>>) dst(%dma_wait3A_112 : memref<2x2048xi32, #tpu.memory_space<vmem>>)
        tpu.yield
      }) : () -> ()
      %scan3A_77 = arith.constant 0 : i32
      %scan3A_78 = arith.constant 0 : i32
      %scan3A_79 = arith.constant 16 : i32
      %scan3A_80 = arith.addi %scan3A_78, %scan3A_79 : i32
      %scan3A_81 = arith.constant 1 : i32
      scf.for %scan3A_96 = %scan3A_78 to %scan3A_80 step %scan3A_81  : i32 {
        %mul3A_97 = arith.constant 128 : i32
        %mul3A_98 = arith.muli %scan3A_96, %mul3A_97 : i32
        %add3A_99 = arith.constant 0 : i32
        %add3A_100 = arith.addi %mul3A_98, %add3A_99 : i32
        %get3A = arith.constant 0 : i32
        %get3A_101 = arith.index_cast %get3A : i32 to index
        %get3A_102 = arith.index_cast %add3A_100 : i32 to index
        %get3A_103 = tpu.vector_load %arg6[%get3A_101, %get3A_102] {strides = array<i32>} : memref<2x2048xi32, #tpu.memory_space<vmem>>, vector<1x16xi32>,
        %get3A_104 = vector.shape_cast %get3A_103 : vector<1x16xi32> to vector<16xi32>
        %swap3A = arith.index_cast %scan3A_96 : i32 to index
        %swap3A_105 = arith.constant 0 : index
        %swap3A_106 = tpu.vector_load %arg8[%swap3A, %swap3A_105] {strides = array<i32>} : memref<16x128xi32, #tpu.memory_space<vmem>>, vector<1x16xi32>,
        %swap3A_107 = vector.shape_cast %swap3A_106 : vector<1x16xi32> to vector<16xi32>
        %swap3A_108 = vector.shape_cast %get3A_104 : vector<16xi32> to vector<1x16xi32>
        tpu.vector_store %arg8[%swap3A, %swap3A_105], %swap3A_108 {strides = array<i32>} : memref<16x128xi32, #tpu.memory_space<vmem>>, vector<1x16xi32>,
        %get3A_109 = arith.constant 1 : i32
        %get3A_110 = arith.index_cast %get3A_109 : i32 to index
        %get3A_111 = arith.index_cast %add3A_100 : i32 to index
        %get3A_112 = tpu.vector_load %arg6[%get3A_110, %get3A_111] {strides = array<i32>} : memref<2x2048xi32, #tpu.memory_space<vmem>>, vector<1x16xi32>,
        %get3A_113 = vector.shape_cast %get3A_112 : vector<1x16xi32> to vector<16xi32>
        %swap3A_114 = arith.index_cast %scan3A_96 : i32 to index
        %swap3A_115 = arith.constant 0 : index
        %swap3A_116 = tpu.vector_load %arg7[%swap3A_114, %swap3A_115] {strides = array<i32>} : memref<16x128xi32, #tpu.memory_space<vmem>>, vector<1x16xi32>,
        %swap3A_117 = vector.shape_cast %swap3A_116 : vector<1x16xi32> to vector<16xi32>
        %swap3A_118 = vector.shape_cast %get3A_113 : vector<16xi32> to vector<1x16xi32>
        tpu.vector_store %arg7[%swap3A_114, %swap3A_115], %swap3A_118 {strides = array<i32>} : memref<16x128xi32, #tpu.memory_space<vmem>>, vector<1x16xi32>,
        %mul3A_119 = arith.constant 128 : i32
        %mul3A_120 = arith.muli %scan3A_96, %mul3A_119 : i32
        %add3A_121 = arith.constant 16 : i32
        %add3A_122 = arith.addi %mul3A_120, %add3A_121 : i32
        %get3A_123 = arith.constant 0 : i32
        %get3A_124 = arith.index_cast %get3A_123 : i32 to index
        %get3A_125 = arith.index_cast %add3A_122 : i32 to index
        %get3A_126 = tpu.vector_load %arg6[%get3A_124, %get3A_125] {strides = array<i32>} : memref<2x2048xi32, #tpu.memory_space<vmem>>, vector<1x16xi32>,
        %get3A_127 = vector.shape_cast %get3A_126 : vector<1x16xi32> to vector<16xi32>
        %swap3A_128 = arith.index_cast %scan3A_96 : i32 to index
        %swap3A_129 = arith.constant 16 : index
        %swap3A_130 = tpu.vector_load %arg8[%swap3A_128, %swap3A_129] {strides = array<i32>} : memref<16x128xi32, #tpu.memory_space<vmem>>, vector<1x16xi32>,
        %swap3A_131 = vector.shape_cast %swap3A_130 : vector<1x16xi32> to vector<16xi32>
        %swap3A_132 = vector.shape_cast %get3A_127 : vector<16xi32> to vector<1x16xi32>
        tpu.vector_store %arg8[%swap3A_128, %swap3A_129], %swap3A_132 {strides = array<i32>} : memref<16x128xi32, #tpu.memory_space<vmem>>, vector<1x16xi32>,
        %get3A_133 = arith.constant 1 : i32
        %get3A_134 = arith.index_cast %get3A_133 : i32 to index
        %get3A_135 = arith.index_cast %add3A_122 : i32 to index
        %get3A_136 = tpu.vector_load %arg6[%get3A_134, %get3A_135] {strides = array<i32>} : memref<2x2048xi32, #tpu.memory_space<vmem>>, vector<1x16xi32>,
        %get3A_137 = vector.shape_cast %get3A_136 : vector<1x16xi32> to vector<16xi32>
        %swap3A_138 = arith.index_cast %scan3A_96 : i32 to index
        %swap3A_139 = arith.constant 16 : index
        %swap3A_140 = tpu.vector_load %arg7[%swap3A_138, %swap3A_139] {strides = array<i32>} : memref<16x128xi32, #tpu.memory_space<vmem>>, vector<1x16xi32>,
        %swap3A_141 = vector.shape_cast %swap3A_140 : vector<1x16xi32> to vector<16xi32>
        %swap3A_142 = vector.shape_cast %get3A_137 : vector<16xi32> to vector<1x16xi32>
        tpu.vector_store %arg7[%swap3A_138, %swap3A_139], %swap3A_142 {strides = array<i32>} : memref<16x128xi32, #tpu.memory_space<vmem>>, vector<1x16xi32>,
        %mul3A_143 = arith.constant 128 : i32
        %mul3A_144 = arith.muli %scan3A_96, %mul3A_143 : i32
        %add3A_145 = arith.constant 32 : i32
        %add3A_146 = arith.addi %mul3A_144, %add3A_145 : i32
        %get3A_147 = arith.constant 0 : i32
        %get3A_148 = arith.index_cast %get3A_147 : i32 to index
        %get3A_149 = arith.index_cast %add3A_146 : i32 to index
        %get3A_150 = tpu.vector_load %arg6[%get3A_148, %get3A_149] {strides = array<i32>} : memref<2x2048xi32, #tpu.memory_space<vmem>>, vector<1x16xi32>,
        %get3A_151 = vector.shape_cast %get3A_150 : vector<1x16xi32> to vector<16xi32>
        %swap3A_152 = arith.index_cast %scan3A_96 : i32 to index
        %swap3A_153 = arith.constant 32 : index
        %swap3A_154 = tpu.vector_load %arg8[%swap3A_152, %swap3A_153] {strides = array<i32>} : memref<16x128xi32, #tpu.memory_space<vmem>>, vector<1x16xi32>,
        %swap3A_155 = vector.shape_cast %swap3A_154 : vector<1x16xi32> to vector<16xi32>
        %swap3A_156 = vector.shape_cast %get3A_151 : vector<16xi32> to vector<1x16xi32>
        tpu.vector_store %arg8[%swap3A_152, %swap3A_153], %swap3A_156 {strides = array<i32>} : memref<16x128xi32, #tpu.memory_space<vmem>>, vector<1x16xi32>,
        %get3A_157 = arith.constant 1 : i32
        %get3A_158 = arith.index_cast %get3A_157 : i32 to index
        %get3A_159 = arith.index_cast %add3A_146 : i32 to index
        %get3A_160 = tpu.vector_load %arg6[%get3A_158, %get3A_159] {strides = array<i32>} : memref<2x2048xi32, #tpu.memory_space<vmem>>, vector<1x16xi32>,
        %get3A_161 = vector.shape_cast %get3A_160 : vector<1x16xi32> to vector<16xi32>
        %swap3A_162 = arith.index_cast %scan3A_96 : i32 to index
        %swap3A_163 = arith.constant 32 : index
        %swap3A_164 = tpu.vector_load %arg7[%swap3A_162, %swap3A_163] {strides = array<i32>} : memref<16x128xi32, #tpu.memory_space<vmem>>, vector<1x16xi32>,
        %swap3A_165 = vector.shape_cast %swap3A_164 : vector<1x16xi32> to vector<16xi32>
        %swap3A_166 = vector.shape_cast %get3A_161 : vector<16xi32> to vector<1x16xi32>
        tpu.vector_store %arg7[%swap3A_162, %swap3A_163], %swap3A_166 {strides = array<i32>} : memref<16x128xi32, #tpu.memory_space<vmem>>, vector<1x16xi32>,
        %mul3A_167 = arith.constant 128 : i32
        %mul3A_168 = arith.muli %scan3A_96, %mul3A_167 : i32
        %add3A_169 = arith.constant 48 : i32
        %add3A_170 = arith.addi %mul3A_168, %add3A_169 : i32
        %get3A_171 = arith.constant 0 : i32
        %get3A_172 = arith.index_cast %get3A_171 : i32 to index
        %get3A_173 = arith.index_cast %add3A_170 : i32 to index
        %get3A_174 = tpu.vector_load %arg6[%get3A_172, %get3A_173] {strides = array<i32>} : memref<2x2048xi32, #tpu.memory_space<vmem>>, vector<1x16xi32>,
        %get3A_175 = vector.shape_cast %get3A_174 : vector<1x16xi32> to vector<16xi32>
        %swap3A_176 = arith.index_cast %scan3A_96 : i32 to index
        %swap3A_177 = arith.constant 48 : index
        %swap3A_178 = tpu.vector_load %arg8[%swap3A_176, %swap3A_177] {strides = array<i32>} : memref<16x128xi32, #tpu.memory_space<vmem>>, vector<1x16xi32>,
        %swap3A_179 = vector.shape_cast %swap3A_178 : vector<1x16xi32> to vector<16xi32>
        %swap3A_180 = vector.shape_cast %get3A_175 : vector<16xi32> to vector<1x16xi32>
        tpu.vector_store %arg8[%swap3A_176, %swap3A_177], %swap3A_180 {strides = array<i32>} : memref<16x128xi32, #tpu.memory_space<vmem>>, vector<1x16xi32>,
        %get3A_181 = arith.constant 1 : i32
        %get3A_182 = arith.index_cast %get3A_181 : i32 to index
        %get3A_183 = arith.index_cast %add3A_170 : i32 to index
        %get3A_184 = tpu.vector_load %arg6[%get3A_182, %get3A_183] {strides = array<i32>} : memref<2x2048xi32, #tpu.memory_space<vmem>>, vector<1x16xi32>,
        %get3A_185 = vector.shape_cast %get3A_184 : vector<1x16xi32> to vector<16xi32>
        %swap3A_186 = arith.index_cast %scan3A_96 : i32 to index
        %swap3A_187 = arith.constant 48 : index
        %swap3A_188 = tpu.vector_load %arg7[%swap3A_186, %swap3A_187] {strides = array<i32>} : memref<16x128xi32, #tpu.memory_space<vmem>>, vector<1x16xi32>,
        %swap3A_189 = vector.shape_cast %swap3A_188 : vector<1x16xi32> to vector<16xi32>
        %swap3A_190 = vector.shape_cast %get3A_185 : vector<16xi32> to vector<1x16xi32>
        tpu.vector_store %arg7[%swap3A_186, %swap3A_187], %swap3A_190 {strides = array<i32>} : memref<16x128xi32, #tpu.memory_space<vmem>>, vector<1x16xi32>,
        %mul3A_191 = arith.constant 128 : i32
        %mul3A_192 = arith.muli %scan3A_96, %mul3A_191 : i32
        %add3A_193 = arith.constant 64 : i32
        %add3A_194 = arith.addi %mul3A_192, %add3A_193 : i32
        %get3A_195 = arith.constant 0 : i32
        %get3A_196 = arith.index_cast %get3A_195 : i32 to index
        %get3A_197 = arith.index_cast %add3A_194 : i32 to index
        %get3A_198 = tpu.vector_load %arg6[%get3A_196, %get3A_197] {strides = array<i32>} : memref<2x2048xi32, #tpu.memory_space<vmem>>, vector<1x16xi32>,
        %get3A_199 = vector.shape_cast %get3A_198 : vector<1x16xi32> to vector<16xi32>
        %swap3A_200 = arith.index_cast %scan3A_96 : i32 to index
        %swap3A_201 = arith.constant 64 : index
        %swap3A_202 = tpu.vector_load %arg8[%swap3A_200, %swap3A_201] {strides = array<i32>} : memref<16x128xi32, #tpu.memory_space<vmem>>, vector<1x16xi32>,
        %swap3A_203 = vector.shape_cast %swap3A_202 : vector<1x16xi32> to vector<16xi32>
        %swap3A_204 = vector.shape_cast %get3A_199 : vector<16xi32> to vector<1x16xi32>
        tpu.vector_store %arg8[%swap3A_200, %swap3A_201], %swap3A_204 {strides = array<i32>} : memref<16x128xi32, #tpu.memory_space<vmem>>, vector<1x16xi32>,
        %get3A_205 = arith.constant 1 : i32
        %get3A_206 = arith.index_cast %get3A_205 : i32 to index
        %get3A_207 = arith.index_cast %add3A_194 : i32 to index
        %get3A_208 = tpu.vector_load %arg6[%get3A_206, %get3A_207] {strides = array<i32>} : memref<2x2048xi32, #tpu.memory_space<vmem>>, vector<1x16xi32>,
        %get3A_209 = vector.shape_cast %get3A_208 : vector<1x16xi32> to vector<16xi32>
        %swap3A_210 = arith.index_cast %scan3A_96 : i32 to index
        %swap3A_211 = arith.constant 64 : index
        %swap3A_212 = tpu.vector_load %arg7[%swap3A_210, %swap3A_211] {strides = array<i32>} : memref<16x128xi32, #tpu.memory_space<vmem>>, vector<1x16xi32>,
        %swap3A_213 = vector.shape_cast %swap3A_212 : vector<1x16xi32> to vector<16xi32>
        %swap3A_214 = vector.shape_cast %get3A_209 : vector<16xi32> to vector<1x16xi32>
        tpu.vector_store %arg7[%swap3A_210, %swap3A_211], %swap3A_214 {strides = array<i32>} : memref<16x128xi32, #tpu.memory_space<vmem>>, vector<1x16xi32>,
        %mul3A_215 = arith.constant 128 : i32
        %mul3A_216 = arith.muli %scan3A_96, %mul3A_215 : i32
        %add3A_217 = arith.constant 80 : i32
        %add3A_218 = arith.addi %mul3A_216, %add3A_217 : i32
        %get3A_219 = arith.constant 0 : i32
        %get3A_220 = arith.index_cast %get3A_219 : i32 to index
        %get3A_221 = arith.index_cast %add3A_218 : i32 to index
        %get3A_222 = tpu.vector_load %arg6[%get3A_220, %get3A_221] {strides = array<i32>} : memref<2x2048xi32, #tpu.memory_space<vmem>>, vector<1x16xi32>,
        %get3A_223 = vector.shape_cast %get3A_222 : vector<1x16xi32> to vector<16xi32>
        %swap3A_224 = arith.index_cast %scan3A_96 : i32 to index
        %swap3A_225 = arith.constant 80 : index
        %swap3A_226 = tpu.vector_load %arg8[%swap3A_224, %swap3A_225] {strides = array<i32>} : memref<16x128xi32, #tpu.memory_space<vmem>>, vector<1x16xi32>,
        %swap3A_227 = vector.shape_cast %swap3A_226 : vector<1x16xi32> to vector<16xi32>
        %swap3A_228 = vector.shape_cast %get3A_223 : vector<16xi32> to vector<1x16xi32>
        tpu.vector_store %arg8[%swap3A_224, %swap3A_225], %swap3A_228 {strides = array<i32>} : memref<16x128xi32, #tpu.memory_space<vmem>>, vector<1x16xi32>,
        %get3A_229 = arith.constant 1 : i32
        %get3A_230 = arith.index_cast %get3A_229 : i32 to index
        %get3A_231 = arith.index_cast %add3A_218 : i32 to index
        %get3A_232 = tpu.vector_load %arg6[%get3A_230, %get3A_231] {strides = array<i32>} : memref<2x2048xi32, #tpu.memory_space<vmem>>, vector<1x16xi32>,
        %get3A_233 = vector.shape_cast %get3A_232 : vector<1x16xi32> to vector<16xi32>
        %swap3A_234 = arith.index_cast %scan3A_96 : i32 to index
        %swap3A_235 = arith.constant 80 : index
        %swap3A_236 = tpu.vector_load %arg7[%swap3A_234, %swap3A_235] {strides = array<i32>} : memref<16x128xi32, #tpu.memory_space<vmem>>, vector<1x16xi32>,
        %swap3A_237 = vector.shape_cast %swap3A_236 : vector<1x16xi32> to vector<16xi32>
        %swap3A_238 = vector.shape_cast %get3A_233 : vector<16xi32> to vector<1x16xi32>
        tpu.vector_store %arg7[%swap3A_234, %swap3A_235], %swap3A_238 {strides = array<i32>} : memref<16x128xi32, #tpu.memory_space<vmem>>, vector<1x16xi32>,
        %mul3A_239 = arith.constant 128 : i32
        %mul3A_240 = arith.muli %scan3A_96, %mul3A_239 : i32
        %add3A_241 = arith.constant 96 : i32
        %add3A_242 = arith.addi %mul3A_240, %add3A_241 : i32
        %get3A_243 = arith.constant 0 : i32
        %get3A_244 = arith.index_cast %get3A_243 : i32 to index
        %get3A_245 = arith.index_cast %add3A_242 : i32 to index
        %get3A_246 = tpu.vector_load %arg6[%get3A_244, %get3A_245] {strides = array<i32>} : memref<2x2048xi32, #tpu.memory_space<vmem>>, vector<1x16xi32>,
        %get3A_247 = vector.shape_cast %get3A_246 : vector<1x16xi32> to vector<16xi32>
        %swap3A_248 = arith.index_cast %scan3A_96 : i32 to index
        %swap3A_249 = arith.constant 96 : index
        %swap3A_250 = tpu.vector_load %arg8[%swap3A_248, %swap3A_249] {strides = array<i32>} : memref<16x128xi32, #tpu.memory_space<vmem>>, vector<1x16xi32>,
        %swap3A_251 = vector.shape_cast %swap3A_250 : vector<1x16xi32> to vector<16xi32>
        %swap3A_252 = vector.shape_cast %get3A_247 : vector<16xi32> to vector<1x16xi32>
        tpu.vector_store %arg8[%swap3A_248, %swap3A_249], %swap3A_252 {strides = array<i32>} : memref<16x128xi32, #tpu.memory_space<vmem>>, vector<1x16xi32>,
        %get3A_253 = arith.constant 1 : i32
        %get3A_254 = arith.index_cast %get3A_253 : i32 to index
        %get3A_255 = arith.index_cast %add3A_242 : i32 to index
        %get3A_256 = tpu.vector_load %arg6[%get3A_254, %get3A_255] {strides = array<i32>} : memref<2x2048xi32, #tpu.memory_space<vmem>>, vector<1x16xi32>,
        %get3A_257 = vector.shape_cast %get3A_256 : vector<1x16xi32> to vector<16xi32>
        %swap3A_258 = arith.index_cast %scan3A_96 : i32 to index
        %swap3A_259 = arith.constant 96 : index
        %swap3A_260 = tpu.vector_load %arg7[%swap3A_258, %swap3A_259] {strides = array<i32>} : memref<16x128xi32, #tpu.memory_space<vmem>>, vector<1x16xi32>,
        %swap3A_261 = vector.shape_cast %swap3A_260 : vector<1x16xi32> to vector<16xi32>
        %swap3A_262 = vector.shape_cast %get3A_257 : vector<16xi32> to vector<1x16xi32>
        tpu.vector_store %arg7[%swap3A_258, %swap3A_259], %swap3A_262 {strides = array<i32>} : memref<16x128xi32, #tpu.memory_space<vmem>>, vector<1x16xi32>,
        %mul3A_263 = arith.constant 128 : i32
        %mul3A_264 = arith.muli %scan3A_96, %mul3A_263 : i32
        %add3A_265 = arith.constant 112 : i32
        %add3A_266 = arith.addi %mul3A_264, %add3A_265 : i32
        %get3A_267 = arith.constant 0 : i32
        %get3A_268 = arith.index_cast %get3A_267 : i32 to index
        %get3A_269 = arith.index_cast %add3A_266 : i32 to index
        %get3A_270 = tpu.vector_load %arg6[%get3A_268, %get3A_269] {strides = array<i32>} : memref<2x2048xi32, #tpu.memory_space<vmem>>, vector<1x16xi32>,
        %get3A_271 = vector.shape_cast %get3A_270 : vector<1x16xi32> to vector<16xi32>
        %swap3A_272 = arith.index_cast %scan3A_96 : i32 to index
        %swap3A_273 = arith.constant 112 : index
        %swap3A_274 = tpu.vector_load %arg8[%swap3A_272, %swap3A_273] {strides = array<i32>} : memref<16x128xi32, #tpu.memory_space<vmem>>, vector<1x16xi32>,
        %swap3A_275 = vector.shape_cast %swap3A_274 : vector<1x16xi32> to vector<16xi32>
        %swap3A_276 = vector.shape_cast %get3A_271 : vector<16xi32> to vector<1x16xi32>
        tpu.vector_store %arg8[%swap3A_272, %swap3A_273], %swap3A_276 {strides = array<i32>} : memref<16x128xi32, #tpu.memory_space<vmem>>, vector<1x16xi32>,
        %get3A_277 = arith.constant 1 : i32
        %get3A_278 = arith.index_cast %get3A_277 : i32 to index
        %get3A_279 = arith.index_cast %add3A_266 : i32 to index
        %get3A_280 = tpu.vector_load %arg6[%get3A_278, %get3A_279] {strides = array<i32>} : memref<2x2048xi32, #tpu.memory_space<vmem>>, vector<1x16xi32>,
        %get3A_281 = vector.shape_cast %get3A_280 : vector<1x16xi32> to vector<16xi32>
        %swap3A_282 = arith.index_cast %scan3A_96 : i32 to index
        %swap3A_283 = arith.constant 112 : index
        %swap3A_284 = tpu.vector_load %arg7[%swap3A_282, %swap3A_283] {strides = array<i32>} : memref<16x128xi32, #tpu.memory_space<vmem>>, vector<1x16xi32>,
        %swap3A_285 = vector.shape_cast %swap3A_284 : vector<1x16xi32> to vector<16xi32>
        %swap3A_286 = vector.shape_cast %get3A_281 : vector<16xi32> to vector<1x16xi32>
        tpu.vector_store %arg7[%swap3A_282, %swap3A_283], %swap3A_286 {strides = array<i32>} : memref<16x128xi32, #tpu.memory_space<vmem>>, vector<1x16xi32>,
      }
      %scan3A_82 = arith.constant 16 : i32
      %dma_start3A_83 = arith.constant 0 : i32
      %dma_start3A_84 = arith.constant 0 : i32
      %dma_start3A_85 = tpu.memref_slice %arg7[%dma_start3A_83, %dma_start3A_84] : memref<16x128xi32, #tpu.memory_space<vmem>> -> memref<1x128xi32, #tpu.memory_space<vmem>>
      %dma_start3A_86 = tpu.memref_squeeze %dma_start3A_85 : memref<1x128xi32, #tpu.memory_space<vmem>> -> memref<128xi32, #tpu.memory_space<vmem>>
      %dma_start3A_87 = arith.constant 0 : i32
      %dma_start3A_88 = arith.constant 0 : i32
      %dma_start3A_89 = tpu.memref_slice %arg2[%dma_start3A_87, %dma_start3A_88] : memref<10000x128xf32, #tpu.memory_space<hbm>> -> memref<10000x128xf32, #tpu.memory_space<hbm>>
      tpu.enqueue_indirect_dma source(%dma_start3A_89 : memref<10000x128xf32, #tpu.memory_space<hbm>>) target(%arg9 : memref<128x128xf32, #tpu.memory_space<vmem>>) offsets(%dma_start3A_86 : memref<128xi32, #tpu.memory_space<vmem>>) semaphore(%arg11 : memref<!tpu.dma_semaphore, #tpu.memory_space<semaphore_mem>>)
      %scan3A_90 = arith.constant 0 : i32
      %scan3A_91 = arith.constant 0 : i32
      %scan3A_92 = arith.constant 8 : i32
      %scan3A_93 = arith.addi %scan3A_91, %scan3A_92 : i32
      %scan3A_94 = arith.constant 1 : i32
      scf.for %scan3A_96 = %scan3A_91 to %scan3A_93 step %scan3A_94  : i32 {
        %mul3A_97 = arith.constant 2 : i32
        %mul3A_98 = arith.muli %mul3A_97, %scan3A_96 : i32
        %add3A_99 = arith.constant 1 : i32
        %add3A_100 = arith.addi %mul3A_98, %add3A_99 : i32
        %dma_start3A_101 = arith.constant 0 : i32
        %dma_start3A_102 = tpu.memref_slice %arg7[%add3A_100, %dma_start3A_101] : memref<16x128xi32, #tpu.memory_space<vmem>> -> memref<1x128xi32, #tpu.memory_space<vmem>>
        %dma_start3A_103 = tpu.memref_squeeze %dma_start3A_102 : memref<1x128xi32, #tpu.memory_space<vmem>> -> memref<128xi32, #tpu.memory_space<vmem>>
        %dma_start3A_104 = arith.constant 0 : i32
        %dma_start3A_105 = arith.constant 0 : i32
        %dma_start3A_106 = tpu.memref_slice %arg2[%dma_start3A_104, %dma_start3A_105] : memref<10000x128xf32, #tpu.memory_space<hbm>> -> memref<10000x128xf32, #tpu.memory_space<hbm>>
        tpu.enqueue_indirect_dma source(%dma_start3A_106 : memref<10000x128xf32, #tpu.memory_space<hbm>>) target(%arg10 : memref<128x128xf32, #tpu.memory_space<vmem>>) offsets(%dma_start3A_103 : memref<128xi32, #tpu.memory_space<vmem>>) semaphore(%arg12 : memref<!tpu.dma_semaphore, #tpu.memory_space<semaphore_mem>>)
        %dma_wait3A = arith.constant 0 : i32
        %dma_wait3A_107 = tpu.memref_slice %arg7[%mul3A_98, %dma_wait3A] : memref<16x128xi32, #tpu.memory_space<vmem>> -> memref<1x128xi32, #tpu.memory_space<vmem>>
        %dma_wait3A_108 = tpu.memref_squeeze %dma_wait3A_107 : memref<1x128xi32, #tpu.memory_space<vmem>> -> memref<128xi32, #tpu.memory_space<vmem>>
        %dma_wait3A_109 = arith.constant 0 : i32
        %dma_wait3A_110 = arith.constant 0 : i32
        %dma_wait3A_111 = tpu.memref_slice %arg2[%dma_wait3A_109, %dma_wait3A_110] : memref<10000x128xf32, #tpu.memory_space<hbm>> -> memref<10000x128xf32, #tpu.memory_space<hbm>>
        tpu.wait_indirect_dma semaphore(%arg11 : memref<!tpu.dma_semaphore, #tpu.memory_space<semaphore_mem>>) src(%dma_wait3A_111 : memref<10000x128xf32, #tpu.memory_space<hbm>>) dst(%arg9 : memref<128x128xf32, #tpu.memory_space<vmem>>)
        "tpu.region"() ({
          %run_scoped3A = tpu.sem_alloc : memref<!tpu.dma_semaphore, #tpu.memory_space<semaphore_mem>>
          %dma_start3A_125 = arith.constant 0 : i32
          %dma_start3A_126 = tpu.memref_slice %arg8[%mul3A_98, %dma_start3A_125] : memref<16x128xi32, #tpu.memory_space<vmem>> -> memref<1x128xi32, #tpu.memory_space<vmem>>
          %dma_start3A_127 = tpu.memref_squeeze %dma_start3A_126 : memref<1x128xi32, #tpu.memory_space<vmem>> -> memref<128xi32, #tpu.memory_space<vmem>>
          %dma_start3A_128 = arith.constant 0 : i32
          %dma_start3A_129 = arith.constant 0 : i32
          %dma_start3A_130 = tpu.memref_slice %arg13[%dma_start3A_128, %dma_start3A_129] : memref<10240x128xf32, #tpu.memory_space<vmem_shared>> -> memref<10240x128xf32, #tpu.memory_space<vmem_shared>>
          tpu.enqueue_indirect_dma source(%arg9 : memref<128x128xf32, #tpu.memory_space<vmem>>) target(%dma_start3A_130 : memref<10240x128xf32, #tpu.memory_space<vmem_shared>>) offsets(%dma_start3A_127 : memref<128xi32, #tpu.memory_space<vmem>>) semaphore(%run_scoped3A : memref<!tpu.dma_semaphore, #tpu.memory_space<semaphore_mem>>) {add = true}
          %dma_wait3A_131 = arith.constant 0 : i32
          %dma_wait3A_132 = tpu.memref_slice %arg8[%mul3A_98, %dma_wait3A_131] : memref<16x128xi32, #tpu.memory_space<vmem>> -> memref<1x128xi32, #tpu.memory_space<vmem>>
          %dma_wait3A_133 = tpu.memref_squeeze %dma_wait3A_132 : memref<1x128xi32, #tpu.memory_space<vmem>> -> memref<128xi32, #tpu.memory_space<vmem>>
          %dma_wait3A_134 = arith.constant 0 : i32
          %dma_wait3A_135 = arith.constant 0 : i32
          %dma_wait3A_136 = tpu.memref_slice %arg13[%dma_wait3A_134, %dma_wait3A_135] : memref<10240x128xf32, #tpu.memory_space<vmem_shared>> -> memref<10240x128xf32, #tpu.memory_space<vmem_shared>>
          tpu.wait_indirect_dma semaphore(%run_scoped3A : memref<!tpu.dma_semaphore, #tpu.memory_space<semaphore_mem>>) src(%arg9 : memref<128x128xf32, #tpu.memory_space<vmem>>) dst(%dma_wait3A_136 : memref<10240x128xf32, #tpu.memory_space<vmem_shared>>)
          tpu.yield
        }) : () -> ()
        %add3A_112 = arith.constant 1 : i32
        %add3A_113 = arith.addi %scan3A_96, %add3A_112 : i32
        %lt3A_114 = arith.constant 8 : i32
        %lt3A_115 = arith.cmpi slt, %add3A_113, %lt3A_114 : i32
        %convert_element_type3A_116 = arith.extui %lt3A_115 : i1 to i32
        %cond3A_117 = arith.constant 0 : i32
        %cond3A_118 = arith.cmpi ne, %convert_element_type3A_116, %cond3A_117 : i32
        scf.if %cond3A_118 {
          %add3A_125 = arith.constant 2 : i32
          %add3A_126 = arith.addi %mul3A_98, %add3A_125 : i32
          %dma_start3A_127 = arith.constant 0 : i32
          %dma_start3A_128 = tpu.memref_slice %arg7[%add3A_126, %dma_start3A_127] : memref<16x128xi32, #tpu.memory_space<vmem>> -> memref<1x128xi32, #tpu.memory_space<vmem>>
          %dma_start3A_129 = tpu.memref_squeeze %dma_start3A_128 : memref<1x128xi32, #tpu.memory_space<vmem>> -> memref<128xi32, #tpu.memory_space<vmem>>
          %dma_start3A_130 = arith.constant 0 : i32
          %dma_start3A_131 = arith.constant 0 : i32
          %dma_start3A_132 = tpu.memref_slice %arg2[%dma_start3A_130, %dma_start3A_131] : memref<10000x128xf32, #tpu.memory_space<hbm>> -> memref<10000x128xf32, #tpu.memory_space<hbm>>
          tpu.enqueue_indirect_dma source(%dma_start3A_132 : memref<10000x128xf32, #tpu.memory_space<hbm>>) target(%arg9 : memref<128x128xf32, #tpu.memory_space<vmem>>) offsets(%dma_start3A_129 : memref<128xi32, #tpu.memory_space<vmem>>) semaphore(%arg11 : memref<!tpu.dma_semaphore, #tpu.memory_space<semaphore_mem>>)
        } else {
        }
        %dma_wait3A_119 = arith.constant 0 : i32
        %dma_wait3A_120 = tpu.memref_slice %arg7[%add3A_100, %dma_wait3A_119] : memref<16x128xi32, #tpu.memory_space<vmem>> -> memref<1x128xi32, #tpu.memory_space<vmem>>
        %dma_wait3A_121 = tpu.memref_squeeze %dma_wait3A_120 : memref<1x128xi32, #tpu.memory_space<vmem>> -> memref<128xi32, #tpu.memory_space<vmem>>
        %dma_wait3A_122 = arith.constant 0 : i32
        %dma_wait3A_123 = arith.constant 0 : i32
        %dma_wait3A_124 = tpu.memref_slice %arg2[%dma_wait3A_122, %dma_wait3A_123] : memref<10000x128xf32, #tpu.memory_space<hbm>> -> memref<10000x128xf32, #tpu.memory_space<hbm>>
        tpu.wait_indirect_dma semaphore(%arg12 : memref<!tpu.dma_semaphore, #tpu.memory_space<semaphore_mem>>) src(%dma_wait3A_124 : memref<10000x128xf32, #tpu.memory_space<hbm>>) dst(%arg10 : memref<128x128xf32, #tpu.memory_space<vmem>>)
        "tpu.region"() ({
          %run_scoped3A = tpu.sem_alloc : memref<!tpu.dma_semaphore, #tpu.memory_space<semaphore_mem>>
          %dma_start3A_125 = arith.constant 0 : i32
          %dma_start3A_126 = tpu.memref_slice %arg8[%add3A_100, %dma_start3A_125] : memref<16x128xi32, #tpu.memory_space<vmem>> -> memref<1x128xi32, #tpu.memory_space<vmem>>
          %dma_start3A_127 = tpu.memref_squeeze %dma_start3A_126 : memref<1x128xi32, #tpu.memory_space<vmem>> -> memref<128xi32, #tpu.memory_space<vmem>>
          %dma_start3A_128 = arith.constant 0 : i32
          %dma_start3A_129 = arith.constant 0 : i32
          %dma_start3A_130 = tpu.memref_slice %arg13[%dma_start3A_128, %dma_start3A_129] : memref<10240x128xf32, #tpu.memory_space<vmem_shared>> -> memref<10240x128xf32, #tpu.memory_space<vmem_shared>>
          tpu.enqueue_indirect_dma source(%arg10 : memref<128x128xf32, #tpu.memory_space<vmem>>) target(%dma_start3A_130 : memref<10240x128xf32, #tpu.memory_space<vmem_shared>>) offsets(%dma_start3A_127 : memref<128xi32, #tpu.memory_space<vmem>>) semaphore(%run_scoped3A : memref<!tpu.dma_semaphore, #tpu.memory_space<semaphore_mem>>) {add = true}
          %dma_wait3A_131 = arith.constant 0 : i32
          %dma_wait3A_132 = tpu.memref_slice %arg8[%add3A_100, %dma_wait3A_131] : memref<16x128xi32, #tpu.memory_space<vmem>> -> memref<1x128xi32, #tpu.memory_space<vmem>>
          %dma_wait3A_133 = tpu.memref_squeeze %dma_wait3A_132 : memref<1x128xi32, #tpu.memory_space<vmem>> -> memref<128xi32, #tpu.memory_space<vmem>>
          %dma_wait3A_134 = arith.constant 0 : i32
          %dma_wait3A_135 = arith.constant 0 : i32
          %dma_wait3A_136 = tpu.memref_slice %arg13[%dma_wait3A_134, %dma_wait3A_135] : memref<10240x128xf32, #tpu.memory_space<vmem_shared>> -> memref<10240x128xf32, #tpu.memory_space<vmem_shared>>
          tpu.wait_indirect_dma semaphore(%run_scoped3A : memref<!tpu.dma_semaphore, #tpu.memory_space<semaphore_mem>>) src(%arg10 : memref<128x128xf32, #tpu.memory_space<vmem>>) dst(%dma_wait3A_136 : memref<10240x128xf32, #tpu.memory_space<vmem_shared>>)
          tpu.yield
        }) : () -> ()
      }
      %scan3A_95 = arith.constant 8 : i32
    }
    %scan3A_35 = arith.constant 4 : i32
    %add3A_36 = arith.constant 64 : i32
    %add3A_37 = arith.addi %add3A_4, %add3A_36 : i32
    %mul3A_38 = arith.constant 128 : i32
    %mul3A_39 = arith.muli %add3A_37, %mul3A_38 : i32
    %multiple_of3A = tpu.assume_multiple %mul3A_39, 128 : i32
    "tpu.region"() ({
      %run_scoped3A = tpu.sem_alloc : memref<!tpu.dma_semaphore, #tpu.memory_space<semaphore_mem>>
      %dma_start3A_70 = arith.constant 0 : i32
      %dma_start3A_71 = arith.constant 0 : i32
      %dma_start3A_72 = tpu.memref_slice %arg6[%dma_start3A_70, %dma_start3A_71] : memref<2x2048xi32, #tpu.memory_space<vmem>> -> memref<2x1792xi32, #tpu.memory_space<vmem>>
      %dma_start3A_73 = arith.constant 0 : i32
      %dma_start3A_74 = tpu.memref_slice %arg3[%dma_start3A_73, %multiple_of3A] : memref<2x320000xi32, #tpu.memory_space<hbm>> -> memref<2x1792xi32, #tpu.memory_space<hbm>>
      %dma_start3A_75 = arith.constant 0 : i32
      %dma_start3A_76 = arith.constant 0 : i32
      %dma_start3A_77 = tpu.memref_slice %arg6[%dma_start3A_75, %dma_start3A_76] : memref<2x2048xi32, #tpu.memory_space<vmem>> -> memref<2x1792xi32, #tpu.memory_space<vmem>>
      %dma_start3A_78 = arith.constant 0 : i32
      %dma_start3A_79 = tpu.memref_slice %arg3[%dma_start3A_78, %multiple_of3A] : memref<2x320000xi32, #tpu.memory_space<hbm>> -> memref<2x1792xi32, #tpu.memory_space<hbm>>
      tpu.enqueue_dma source(%dma_start3A_79 : memref<2x1792xi32, #tpu.memory_space<hbm>>) target(%dma_start3A_77 : memref<2x1792xi32, #tpu.memory_space<vmem>>) target_semaphore(%run_scoped3A : memref<!tpu.dma_semaphore, #tpu.memory_space<semaphore_mem>>)
      %dma_wait3A = arith.constant 0 : i32
      %dma_wait3A_80 = arith.constant 0 : i32
      %dma_wait3A_81 = tpu.memref_slice %arg6[%dma_wait3A, %dma_wait3A_80] : memref<2x2048xi32, #tpu.memory_space<vmem>> -> memref<2x1792xi32, #tpu.memory_space<vmem>>
      %dma_wait3A_82 = arith.constant 0 : i32
      %dma_wait3A_83 = tpu.memref_slice %arg3[%dma_wait3A_82, %multiple_of3A] : memref<2x320000xi32, #tpu.memory_space<hbm>> -> memref<2x1792xi32, #tpu.memory_space<hbm>>
      %dma_wait3A_84 = arith.constant 0 : i32
      %dma_wait3A_85 = arith.constant 0 : i32
      %dma_wait3A_86 = tpu.memref_slice %arg6[%dma_wait3A_84, %dma_wait3A_85] : memref<2x2048xi32, #tpu.memory_space<vmem>> -> memref<2x1792xi32, #tpu.memory_space<vmem>>
      %dma_wait3A_87 = arith.constant 0 : i32
      %dma_wait3A_88 = tpu.memref_slice %arg3[%dma_wait3A_87, %multiple_of3A] : memref<2x320000xi32, #tpu.memory_space<hbm>> -> memref<2x1792xi32, #tpu.memory_space<hbm>>
      tpu.wait_dma2 semaphore(%run_scoped3A : memref<!tpu.dma_semaphore, #tpu.memory_space<semaphore_mem>>) src(%dma_wait3A_88 : memref<2x1792xi32, #tpu.memory_space<hbm>>) dst(%dma_wait3A_86 : memref<2x1792xi32, #tpu.memory_space<vmem>>)
      tpu.yield
    }) : () -> ()
    %scan3A_40 = arith.constant 0 : i32
    %scan3A_41 = arith.constant 0 : i32
    %scan3A_42 = arith.constant 14 : i32
    %scan3A_43 = arith.addi %scan3A_41, %scan3A_42 : i32
    %scan3A_44 = arith.constant 1 : i32
    scf.for %scan3A_70 = %scan3A_41 to %scan3A_43 step %scan3A_44  : i32 {
      %mul3A_71 = arith.constant 128 : i32
      %mul3A_72 = arith.muli %scan3A_70, %mul3A_71 : i32
      %add3A_73 = arith.constant 0 : i32
      %add3A_74 = arith.addi %mul3A_72, %add3A_73 : i32
      %get3A = arith.constant 0 : i32
      %get3A_75 = arith.index_cast %get3A : i32 to index
      %get3A_76 = arith.index_cast %add3A_74 : i32 to index
      %get3A_77 = tpu.vector_load %arg6[%get3A_75, %get3A_76] {strides = array<i32>} : memref<2x2048xi32, #tpu.memory_space<vmem>>, vector<1x16xi32>,
      %get3A_78 = vector.shape_cast %get3A_77 : vector<1x16xi32> to vector<16xi32>
      %swap3A = arith.index_cast %scan3A_70 : i32 to index
      %swap3A_79 = arith.constant 0 : index
      %swap3A_80 = tpu.vector_load %arg8[%swap3A, %swap3A_79] {strides = array<i32>} : memref<16x128xi32, #tpu.memory_space<vmem>>, vector<1x16xi32>,
      %swap3A_81 = vector.shape_cast %swap3A_80 : vector<1x16xi32> to vector<16xi32>
      %swap3A_82 = vector.shape_cast %get3A_78 : vector<16xi32> to vector<1x16xi32>
      tpu.vector_store %arg8[%swap3A, %swap3A_79], %swap3A_82 {strides = array<i32>} : memref<16x128xi32, #tpu.memory_space<vmem>>, vector<1x16xi32>,
      %get3A_83 = arith.constant 1 : i32
      %get3A_84 = arith.index_cast %get3A_83 : i32 to index
      %get3A_85 = arith.index_cast %add3A_74 : i32 to index
      %get3A_86 = tpu.vector_load %arg6[%get3A_84, %get3A_85] {strides = array<i32>} : memref<2x2048xi32, #tpu.memory_space<vmem>>, vector<1x16xi32>,
      %get3A_87 = vector.shape_cast %get3A_86 : vector<1x16xi32> to vector<16xi32>
      %swap3A_88 = arith.index_cast %scan3A_70 : i32 to index
      %swap3A_89 = arith.constant 0 : index
      %swap3A_90 = tpu.vector_load %arg7[%swap3A_88, %swap3A_89] {strides = array<i32>} : memref<16x128xi32, #tpu.memory_space<vmem>>, vector<1x16xi32>,
      %swap3A_91 = vector.shape_cast %swap3A_90 : vector<1x16xi32> to vector<16xi32>
      %swap3A_92 = vector.shape_cast %get3A_87 : vector<16xi32> to vector<1x16xi32>
      tpu.vector_store %arg7[%swap3A_88, %swap3A_89], %swap3A_92 {strides = array<i32>} : memref<16x128xi32, #tpu.memory_space<vmem>>, vector<1x16xi32>,
      %mul3A_93 = arith.constant 128 : i32
      %mul3A_94 = arith.muli %scan3A_70, %mul3A_93 : i32
      %add3A_95 = arith.constant 16 : i32
      %add3A_96 = arith.addi %mul3A_94, %add3A_95 : i32
      %get3A_97 = arith.constant 0 : i32
      %get3A_98 = arith.index_cast %get3A_97 : i32 to index
      %get3A_99 = arith.index_cast %add3A_96 : i32 to index
      %get3A_100 = tpu.vector_load %arg6[%get3A_98, %get3A_99] {strides = array<i32>} : memref<2x2048xi32, #tpu.memory_space<vmem>>, vector<1x16xi32>,
      %get3A_101 = vector.shape_cast %get3A_100 : vector<1x16xi32> to vector<16xi32>
      %swap3A_102 = arith.index_cast %scan3A_70 : i32 to index
      %swap3A_103 = arith.constant 16 : index
      %swap3A_104 = tpu.vector_load %arg8[%swap3A_102, %swap3A_103] {strides = array<i32>} : memref<16x128xi32, #tpu.memory_space<vmem>>, vector<1x16xi32>,
      %swap3A_105 = vector.shape_cast %swap3A_104 : vector<1x16xi32> to vector<16xi32>
      %swap3A_106 = vector.shape_cast %get3A_101 : vector<16xi32> to vector<1x16xi32>
      tpu.vector_store %arg8[%swap3A_102, %swap3A_103], %swap3A_106 {strides = array<i32>} : memref<16x128xi32, #tpu.memory_space<vmem>>, vector<1x16xi32>,
      %get3A_107 = arith.constant 1 : i32
      %get3A_108 = arith.index_cast %get3A_107 : i32 to index
      %get3A_109 = arith.index_cast %add3A_96 : i32 to index
      %get3A_110 = tpu.vector_load %arg6[%get3A_108, %get3A_109] {strides = array<i32>} : memref<2x2048xi32, #tpu.memory_space<vmem>>, vector<1x16xi32>,
      %get3A_111 = vector.shape_cast %get3A_110 : vector<1x16xi32> to vector<16xi32>
      %swap3A_112 = arith.index_cast %scan3A_70 : i32 to index
      %swap3A_113 = arith.constant 16 : index
      %swap3A_114 = tpu.vector_load %arg7[%swap3A_112, %swap3A_113] {strides = array<i32>} : memref<16x128xi32, #tpu.memory_space<vmem>>, vector<1x16xi32>,
      %swap3A_115 = vector.shape_cast %swap3A_114 : vector<1x16xi32> to vector<16xi32>
      %swap3A_116 = vector.shape_cast %get3A_111 : vector<16xi32> to vector<1x16xi32>
      tpu.vector_store %arg7[%swap3A_112, %swap3A_113], %swap3A_116 {strides = array<i32>} : memref<16x128xi32, #tpu.memory_space<vmem>>, vector<1x16xi32>,
      %mul3A_117 = arith.constant 128 : i32
      %mul3A_118 = arith.muli %scan3A_70, %mul3A_117 : i32
      %add3A_119 = arith.constant 32 : i32
      %add3A_120 = arith.addi %mul3A_118, %add3A_119 : i32
      %get3A_121 = arith.constant 0 : i32
      %get3A_122 = arith.index_cast %get3A_121 : i32 to index
      %get3A_123 = arith.index_cast %add3A_120 : i32 to index
      %get3A_124 = tpu.vector_load %arg6[%get3A_122, %get3A_123] {strides = array<i32>} : memref<2x2048xi32, #tpu.memory_space<vmem>>, vector<1x16xi32>,
      %get3A_125 = vector.shape_cast %get3A_124 : vector<1x16xi32> to vector<16xi32>
      %swap3A_126 = arith.index_cast %scan3A_70 : i32 to index
      %swap3A_127 = arith.constant 32 : index
      %swap3A_128 = tpu.vector_load %arg8[%swap3A_126, %swap3A_127] {strides = array<i32>} : memref<16x128xi32, #tpu.memory_space<vmem>>, vector<1x16xi32>,
      %swap3A_129 = vector.shape_cast %swap3A_128 : vector<1x16xi32> to vector<16xi32>
      %swap3A_130 = vector.shape_cast %get3A_125 : vector<16xi32> to vector<1x16xi32>
      tpu.vector_store %arg8[%swap3A_126, %swap3A_127], %swap3A_130 {strides = array<i32>} : memref<16x128xi32, #tpu.memory_space<vmem>>, vector<1x16xi32>,
      %get3A_131 = arith.constant 1 : i32
      %get3A_132 = arith.index_cast %get3A_131 : i32 to index
      %get3A_133 = arith.index_cast %add3A_120 : i32 to index
      %get3A_134 = tpu.vector_load %arg6[%get3A_132, %get3A_133] {strides = array<i32>} : memref<2x2048xi32, #tpu.memory_space<vmem>>, vector<1x16xi32>,
      %get3A_135 = vector.shape_cast %get3A_134 : vector<1x16xi32> to vector<16xi32>
      %swap3A_136 = arith.index_cast %scan3A_70 : i32 to index
      %swap3A_137 = arith.constant 32 : index
      %swap3A_138 = tpu.vector_load %arg7[%swap3A_136, %swap3A_137] {strides = array<i32>} : memref<16x128xi32, #tpu.memory_space<vmem>>, vector<1x16xi32>,
      %swap3A_139 = vector.shape_cast %swap3A_138 : vector<1x16xi32> to vector<16xi32>
      %swap3A_140 = vector.shape_cast %get3A_135 : vector<16xi32> to vector<1x16xi32>
      tpu.vector_store %arg7[%swap3A_136, %swap3A_137], %swap3A_140 {strides = array<i32>} : memref<16x128xi32, #tpu.memory_space<vmem>>, vector<1x16xi32>,
      %mul3A_141 = arith.constant 128 : i32
      %mul3A_142 = arith.muli %scan3A_70, %mul3A_141 : i32
      %add3A_143 = arith.constant 48 : i32
      %add3A_144 = arith.addi %mul3A_142, %add3A_143 : i32
      %get3A_145 = arith.constant 0 : i32
      %get3A_146 = arith.index_cast %get3A_145 : i32 to index
      %get3A_147 = arith.index_cast %add3A_144 : i32 to index
      %get3A_148 = tpu.vector_load %arg6[%get3A_146, %get3A_147] {strides = array<i32>} : memref<2x2048xi32, #tpu.memory_space<vmem>>, vector<1x16xi32>,
      %get3A_149 = vector.shape_cast %get3A_148 : vector<1x16xi32> to vector<16xi32>
      %swap3A_150 = arith.index_cast %scan3A_70 : i32 to index
      %swap3A_151 = arith.constant 48 : index
      %swap3A_152 = tpu.vector_load %arg8[%swap3A_150, %swap3A_151] {strides = array<i32>} : memref<16x128xi32, #tpu.memory_space<vmem>>, vector<1x16xi32>,
      %swap3A_153 = vector.shape_cast %swap3A_152 : vector<1x16xi32> to vector<16xi32>
      %swap3A_154 = vector.shape_cast %get3A_149 : vector<16xi32> to vector<1x16xi32>
      tpu.vector_store %arg8[%swap3A_150, %swap3A_151], %swap3A_154 {strides = array<i32>} : memref<16x128xi32, #tpu.memory_space<vmem>>, vector<1x16xi32>,
      %get3A_155 = arith.constant 1 : i32
      %get3A_156 = arith.index_cast %get3A_155 : i32 to index
      %get3A_157 = arith.index_cast %add3A_144 : i32 to index
      %get3A_158 = tpu.vector_load %arg6[%get3A_156, %get3A_157] {strides = array<i32>} : memref<2x2048xi32, #tpu.memory_space<vmem>>, vector<1x16xi32>,
      %get3A_159 = vector.shape_cast %get3A_158 : vector<1x16xi32> to vector<16xi32>
      %swap3A_160 = arith.index_cast %scan3A_70 : i32 to index
      %swap3A_161 = arith.constant 48 : index
      %swap3A_162 = tpu.vector_load %arg7[%swap3A_160, %swap3A_161] {strides = array<i32>} : memref<16x128xi32, #tpu.memory_space<vmem>>, vector<1x16xi32>,
      %swap3A_163 = vector.shape_cast %swap3A_162 : vector<1x16xi32> to vector<16xi32>
      %swap3A_164 = vector.shape_cast %get3A_159 : vector<16xi32> to vector<1x16xi32>
      tpu.vector_store %arg7[%swap3A_160, %swap3A_161], %swap3A_164 {strides = array<i32>} : memref<16x128xi32, #tpu.memory_space<vmem>>, vector<1x16xi32>,
      %mul3A_165 = arith.constant 128 : i32
      %mul3A_166 = arith.muli %scan3A_70, %mul3A_165 : i32
      %add3A_167 = arith.constant 64 : i32
      %add3A_168 = arith.addi %mul3A_166, %add3A_167 : i32
      %get3A_169 = arith.constant 0 : i32
      %get3A_170 = arith.index_cast %get3A_169 : i32 to index
      %get3A_171 = arith.index_cast %add3A_168 : i32 to index
      %get3A_172 = tpu.vector_load %arg6[%get3A_170, %get3A_171] {strides = array<i32>} : memref<2x2048xi32, #tpu.memory_space<vmem>>, vector<1x16xi32>,
      %get3A_173 = vector.shape_cast %get3A_172 : vector<1x16xi32> to vector<16xi32>
      %swap3A_174 = arith.index_cast %scan3A_70 : i32 to index
      %swap3A_175 = arith.constant 64 : index
      %swap3A_176 = tpu.vector_load %arg8[%swap3A_174, %swap3A_175] {strides = array<i32>} : memref<16x128xi32, #tpu.memory_space<vmem>>, vector<1x16xi32>,
      %swap3A_177 = vector.shape_cast %swap3A_176 : vector<1x16xi32> to vector<16xi32>
      %swap3A_178 = vector.shape_cast %get3A_173 : vector<16xi32> to vector<1x16xi32>
      tpu.vector_store %arg8[%swap3A_174, %swap3A_175], %swap3A_178 {strides = array<i32>} : memref<16x128xi32, #tpu.memory_space<vmem>>, vector<1x16xi32>,
      %get3A_179 = arith.constant 1 : i32
      %get3A_180 = arith.index_cast %get3A_179 : i32 to index
      %get3A_181 = arith.index_cast %add3A_168 : i32 to index
      %get3A_182 = tpu.vector_load %arg6[%get3A_180, %get3A_181] {strides = array<i32>} : memref<2x2048xi32, #tpu.memory_space<vmem>>, vector<1x16xi32>,
      %get3A_183 = vector.shape_cast %get3A_182 : vector<1x16xi32> to vector<16xi32>
      %swap3A_184 = arith.index_cast %scan3A_70 : i32 to index
      %swap3A_185 = arith.constant 64 : index
      %swap3A_186 = tpu.vector_load %arg7[%swap3A_184, %swap3A_185] {strides = array<i32>} : memref<16x128xi32, #tpu.memory_space<vmem>>, vector<1x16xi32>,
      %swap3A_187 = vector.shape_cast %swap3A_186 : vector<1x16xi32> to vector<16xi32>
      %swap3A_188 = vector.shape_cast %get3A_183 : vector<16xi32> to vector<1x16xi32>
      tpu.vector_store %arg7[%swap3A_184, %swap3A_185], %swap3A_188 {strides = array<i32>} : memref<16x128xi32, #tpu.memory_space<vmem>>, vector<1x16xi32>,
      %mul3A_189 = arith.constant 128 : i32
      %mul3A_190 = arith.muli %scan3A_70, %mul3A_189 : i32
      %add3A_191 = arith.constant 80 : i32
      %add3A_192 = arith.addi %mul3A_190, %add3A_191 : i32
      %get3A_193 = arith.constant 0 : i32
      %get3A_194 = arith.index_cast %get3A_193 : i32 to index
      %get3A_195 = arith.index_cast %add3A_192 : i32 to index
      %get3A_196 = tpu.vector_load %arg6[%get3A_194, %get3A_195] {strides = array<i32>} : memref<2x2048xi32, #tpu.memory_space<vmem>>, vector<1x16xi32>,
      %get3A_197 = vector.shape_cast %get3A_196 : vector<1x16xi32> to vector<16xi32>
      %swap3A_198 = arith.index_cast %scan3A_70 : i32 to index
      %swap3A_199 = arith.constant 80 : index
      %swap3A_200 = tpu.vector_load %arg8[%swap3A_198, %swap3A_199] {strides = array<i32>} : memref<16x128xi32, #tpu.memory_space<vmem>>, vector<1x16xi32>,
      %swap3A_201 = vector.shape_cast %swap3A_200 : vector<1x16xi32> to vector<16xi32>
      %swap3A_202 = vector.shape_cast %get3A_197 : vector<16xi32> to vector<1x16xi32>
      tpu.vector_store %arg8[%swap3A_198, %swap3A_199], %swap3A_202 {strides = array<i32>} : memref<16x128xi32, #tpu.memory_space<vmem>>, vector<1x16xi32>,
      %get3A_203 = arith.constant 1 : i32
      %get3A_204 = arith.index_cast %get3A_203 : i32 to index
      %get3A_205 = arith.index_cast %add3A_192 : i32 to index
      %get3A_206 = tpu.vector_load %arg6[%get3A_204, %get3A_205] {strides = array<i32>} : memref<2x2048xi32, #tpu.memory_space<vmem>>, vector<1x16xi32>,
      %get3A_207 = vector.shape_cast %get3A_206 : vector<1x16xi32> to vector<16xi32>
      %swap3A_208 = arith.index_cast %scan3A_70 : i32 to index
      %swap3A_209 = arith.constant 80 : index
      %swap3A_210 = tpu.vector_load %arg7[%swap3A_208, %swap3A_209] {strides = array<i32>} : memref<16x128xi32, #tpu.memory_space<vmem>>, vector<1x16xi32>,
      %swap3A_211 = vector.shape_cast %swap3A_210 : vector<1x16xi32> to vector<16xi32>
      %swap3A_212 = vector.shape_cast %get3A_207 : vector<16xi32> to vector<1x16xi32>
      tpu.vector_store %arg7[%swap3A_208, %swap3A_209], %swap3A_212 {strides = array<i32>} : memref<16x128xi32, #tpu.memory_space<vmem>>, vector<1x16xi32>,
      %mul3A_213 = arith.constant 128 : i32
      %mul3A_214 = arith.muli %scan3A_70, %mul3A_213 : i32
      %add3A_215 = arith.constant 96 : i32
      %add3A_216 = arith.addi %mul3A_214, %add3A_215 : i32
      %get3A_217 = arith.constant 0 : i32
      %get3A_218 = arith.index_cast %get3A_217 : i32 to index
      %get3A_219 = arith.index_cast %add3A_216 : i32 to index
      %get3A_220 = tpu.vector_load %arg6[%get3A_218, %get3A_219] {strides = array<i32>} : memref<2x2048xi32, #tpu.memory_space<vmem>>, vector<1x16xi32>,
      %get3A_221 = vector.shape_cast %get3A_220 : vector<1x16xi32> to vector<16xi32>
      %swap3A_222 = arith.index_cast %scan3A_70 : i32 to index
      %swap3A_223 = arith.constant 96 : index
      %swap3A_224 = tpu.vector_load %arg8[%swap3A_222, %swap3A_223] {strides = array<i32>} : memref<16x128xi32, #tpu.memory_space<vmem>>, vector<1x16xi32>,
      %swap3A_225 = vector.shape_cast %swap3A_224 : vector<1x16xi32> to vector<16xi32>
      %swap3A_226 = vector.shape_cast %get3A_221 : vector<16xi32> to vector<1x16xi32>
      tpu.vector_store %arg8[%swap3A_222, %swap3A_223], %swap3A_226 {strides = array<i32>} : memref<16x128xi32, #tpu.memory_space<vmem>>, vector<1x16xi32>,
      %get3A_227 = arith.constant 1 : i32
      %get3A_228 = arith.index_cast %get3A_227 : i32 to index
      %get3A_229 = arith.index_cast %add3A_216 : i32 to index
      %get3A_230 = tpu.vector_load %arg6[%get3A_228, %get3A_229] {strides = array<i32>} : memref<2x2048xi32, #tpu.memory_space<vmem>>, vector<1x16xi32>,
      %get3A_231 = vector.shape_cast %get3A_230 : vector<1x16xi32> to vector<16xi32>
      %swap3A_232 = arith.index_cast %scan3A_70 : i32 to index
      %swap3A_233 = arith.constant 96 : index
      %swap3A_234 = tpu.vector_load %arg7[%swap3A_232, %swap3A_233] {strides = array<i32>} : memref<16x128xi32, #tpu.memory_space<vmem>>, vector<1x16xi32>,
      %swap3A_235 = vector.shape_cast %swap3A_234 : vector<1x16xi32> to vector<16xi32>
      %swap3A_236 = vector.shape_cast %get3A_231 : vector<16xi32> to vector<1x16xi32>
      tpu.vector_store %arg7[%swap3A_232, %swap3A_233], %swap3A_236 {strides = array<i32>} : memref<16x128xi32, #tpu.memory_space<vmem>>, vector<1x16xi32>,
      %mul3A_237 = arith.constant 128 : i32
      %mul3A_238 = arith.muli %scan3A_70, %mul3A_237 : i32
      %add3A_239 = arith.constant 112 : i32
      %add3A_240 = arith.addi %mul3A_238, %add3A_239 : i32
      %get3A_241 = arith.constant 0 : i32
      %get3A_242 = arith.index_cast %get3A_241 : i32 to index
      %get3A_243 = arith.index_cast %add3A_240 : i32 to index
      %get3A_244 = tpu.vector_load %arg6[%get3A_242, %get3A_243] {strides = array<i32>} : memref<2x2048xi32, #tpu.memory_space<vmem>>, vector<1x16xi32>,
      %get3A_245 = vector.shape_cast %get3A_244 : vector<1x16xi32> to vector<16xi32>
      %swap3A_246 = arith.index_cast %scan3A_70 : i32 to index
      %swap3A_247 = arith.constant 112 : index
      %swap3A_248 = tpu.vector_load %arg8[%swap3A_246, %swap3A_247] {strides = array<i32>} : memref<16x128xi32, #tpu.memory_space<vmem>>, vector<1x16xi32>,
      %swap3A_249 = vector.shape_cast %swap3A_248 : vector<1x16xi32> to vector<16xi32>
      %swap3A_250 = vector.shape_cast %get3A_245 : vector<16xi32> to vector<1x16xi32>
      tpu.vector_store %arg8[%swap3A_246, %swap3A_247], %swap3A_250 {strides = array<i32>} : memref<16x128xi32, #tpu.memory_space<vmem>>, vector<1x16xi32>,
      %get3A_251 = arith.constant 1 : i32
      %get3A_252 = arith.index_cast %get3A_251 : i32 to index
      %get3A_253 = arith.index_cast %add3A_240 : i32 to index
      %get3A_254 = tpu.vector_load %arg6[%get3A_252, %get3A_253] {strides = array<i32>} : memref<2x2048xi32, #tpu.memory_space<vmem>>, vector<1x16xi32>,
      %get3A_255 = vector.shape_cast %get3A_254 : vector<1x16xi32> to vector<16xi32>
      %swap3A_256 = arith.index_cast %scan3A_70 : i32 to index
      %swap3A_257 = arith.constant 112 : index
      %swap3A_258 = tpu.vector_load %arg7[%swap3A_256, %swap3A_257] {strides = array<i32>} : memref<16x128xi32, #tpu.memory_space<vmem>>, vector<1x16xi32>,
      %swap3A_259 = vector.shape_cast %swap3A_258 : vector<1x16xi32> to vector<16xi32>
      %swap3A_260 = vector.shape_cast %get3A_255 : vector<16xi32> to vector<1x16xi32>
      tpu.vector_store %arg7[%swap3A_256, %swap3A_257], %swap3A_260 {strides = array<i32>} : memref<16x128xi32, #tpu.memory_space<vmem>>, vector<1x16xi32>,
    }
    %scan3A_45 = arith.constant 14 : i32
    %dma_start3A = arith.constant 0 : i32
    %dma_start3A_46 = arith.constant 0 : i32
    %dma_start3A_47 = tpu.memref_slice %arg7[%dma_start3A, %dma_start3A_46] : memref<16x128xi32, #tpu.memory_space<vmem>> -> memref<1x128xi32, #tpu.memory_space<vmem>>
    %dma_start3A_48 = tpu.memref_squeeze %dma_start3A_47 : memref<1x128xi32, #tpu.memory_space<vmem>> -> memref<128xi32, #tpu.memory_space<vmem>>
    %dma_start3A_49 = arith.constant 0 : i32
    %dma_start3A_50 = arith.constant 0 : i32
    %dma_start3A_51 = tpu.memref_slice %arg2[%dma_start3A_49, %dma_start3A_50] : memref<10000x128xf32, #tpu.memory_space<hbm>> -> memref<10000x128xf32, #tpu.memory_space<hbm>>
    tpu.enqueue_indirect_dma source(%dma_start3A_51 : memref<10000x128xf32, #tpu.memory_space<hbm>>) target(%arg9 : memref<128x128xf32, #tpu.memory_space<vmem>>) offsets(%dma_start3A_48 : memref<128xi32, #tpu.memory_space<vmem>>) semaphore(%arg11 : memref<!tpu.dma_semaphore, #tpu.memory_space<semaphore_mem>>)
    %scan3A_52 = arith.constant 0 : i32
    %scan3A_53 = arith.constant 0 : i32
    %scan3A_54 = arith.constant 7 : i32
    %scan3A_55 = arith.addi %scan3A_53, %scan3A_54 : i32
    %scan3A_56 = arith.constant 1 : i32
    scf.for %scan3A_70 = %scan3A_53 to %scan3A_55 step %scan3A_56  : i32 {
      %mul3A_71 = arith.constant 2 : i32
      %mul3A_72 = arith.muli %mul3A_71, %scan3A_70 : i32
      %add3A_73 = arith.constant 1 : i32
      %add3A_74 = arith.addi %mul3A_72, %add3A_73 : i32
      %dma_start3A_75 = arith.constant 0 : i32
      %dma_start3A_76 = tpu.memref_slice %arg7[%add3A_74, %dma_start3A_75] : memref<16x128xi32, #tpu.memory_space<vmem>> -> memref<1x128xi32, #tpu.memory_space<vmem>>
      %dma_start3A_77 = tpu.memref_squeeze %dma_start3A_76 : memref<1x128xi32, #tpu.memory_space<vmem>> -> memref<128xi32, #tpu.memory_space<vmem>>
      %dma_start3A_78 = arith.constant 0 : i32
      %dma_start3A_79 = arith.constant 0 : i32
      %dma_start3A_80 = tpu.memref_slice %arg2[%dma_start3A_78, %dma_start3A_79] : memref<10000x128xf32, #tpu.memory_space<hbm>> -> memref<10000x128xf32, #tpu.memory_space<hbm>>
      tpu.enqueue_indirect_dma source(%dma_start3A_80 : memref<10000x128xf32, #tpu.memory_space<hbm>>) target(%arg10 : memref<128x128xf32, #tpu.memory_space<vmem>>) offsets(%dma_start3A_77 : memref<128xi32, #tpu.memory_space<vmem>>) semaphore(%arg12 : memref<!tpu.dma_semaphore, #tpu.memory_space<semaphore_mem>>)
      %dma_wait3A = arith.constant 0 : i32
      %dma_wait3A_81 = tpu.memref_slice %arg7[%mul3A_72, %dma_wait3A] : memref<16x128xi32, #tpu.memory_space<vmem>> -> memref<1x128xi32, #tpu.memory_space<vmem>>
      %dma_wait3A_82 = tpu.memref_squeeze %dma_wait3A_81 : memref<1x128xi32, #tpu.memory_space<vmem>> -> memref<128xi32, #tpu.memory_space<vmem>>
      %dma_wait3A_83 = arith.constant 0 : i32
      %dma_wait3A_84 = arith.constant 0 : i32
      %dma_wait3A_85 = tpu.memref_slice %arg2[%dma_wait3A_83, %dma_wait3A_84] : memref<10000x128xf32, #tpu.memory_space<hbm>> -> memref<10000x128xf32, #tpu.memory_space<hbm>>
      tpu.wait_indirect_dma semaphore(%arg11 : memref<!tpu.dma_semaphore, #tpu.memory_space<semaphore_mem>>) src(%dma_wait3A_85 : memref<10000x128xf32, #tpu.memory_space<hbm>>) dst(%arg9 : memref<128x128xf32, #tpu.memory_space<vmem>>)
      "tpu.region"() ({
        %run_scoped3A = tpu.sem_alloc : memref<!tpu.dma_semaphore, #tpu.memory_space<semaphore_mem>>
        %dma_start3A_99 = arith.constant 0 : i32
        %dma_start3A_100 = tpu.memref_slice %arg8[%mul3A_72, %dma_start3A_99] : memref<16x128xi32, #tpu.memory_space<vmem>> -> memref<1x128xi32, #tpu.memory_space<vmem>>
        %dma_start3A_101 = tpu.memref_squeeze %dma_start3A_100 : memref<1x128xi32, #tpu.memory_space<vmem>> -> memref<128xi32, #tpu.memory_space<vmem>>
        %dma_start3A_102 = arith.constant 0 : i32
        %dma_start3A_103 = arith.constant 0 : i32
        %dma_start3A_104 = tpu.memref_slice %arg13[%dma_start3A_102, %dma_start3A_103] : memref<10240x128xf32, #tpu.memory_space<vmem_shared>> -> memref<10240x128xf32, #tpu.memory_space<vmem_shared>>
        tpu.enqueue_indirect_dma source(%arg9 : memref<128x128xf32, #tpu.memory_space<vmem>>) target(%dma_start3A_104 : memref<10240x128xf32, #tpu.memory_space<vmem_shared>>) offsets(%dma_start3A_101 : memref<128xi32, #tpu.memory_space<vmem>>) semaphore(%run_scoped3A : memref<!tpu.dma_semaphore, #tpu.memory_space<semaphore_mem>>) {add = true}
        %dma_wait3A_105 = arith.constant 0 : i32
        %dma_wait3A_106 = tpu.memref_slice %arg8[%mul3A_72, %dma_wait3A_105] : memref<16x128xi32, #tpu.memory_space<vmem>> -> memref<1x128xi32, #tpu.memory_space<vmem>>
        %dma_wait3A_107 = tpu.memref_squeeze %dma_wait3A_106 : memref<1x128xi32, #tpu.memory_space<vmem>> -> memref<128xi32, #tpu.memory_space<vmem>>
        %dma_wait3A_108 = arith.constant 0 : i32
        %dma_wait3A_109 = arith.constant 0 : i32
        %dma_wait3A_110 = tpu.memref_slice %arg13[%dma_wait3A_108, %dma_wait3A_109] : memref<10240x128xf32, #tpu.memory_space<vmem_shared>> -> memref<10240x128xf32, #tpu.memory_space<vmem_shared>>
        tpu.wait_indirect_dma semaphore(%run_scoped3A : memref<!tpu.dma_semaphore, #tpu.memory_space<semaphore_mem>>) src(%arg9 : memref<128x128xf32, #tpu.memory_space<vmem>>) dst(%dma_wait3A_110 : memref<10240x128xf32, #tpu.memory_space<vmem_shared>>)
        tpu.yield
      }) : () -> ()
      %add3A_86 = arith.constant 1 : i32
      %add3A_87 = arith.addi %scan3A_70, %add3A_86 : i32
      %lt3A_88 = arith.constant 7 : i32
      %lt3A_89 = arith.cmpi slt, %add3A_87, %lt3A_88 : i32
      %convert_element_type3A_90 = arith.extui %lt3A_89 : i1 to i32
      %cond3A_91 = arith.constant 0 : i32
      %cond3A_92 = arith.cmpi ne, %convert_element_type3A_90, %cond3A_91 : i32
      scf.if %cond3A_92 {
        %add3A_99 = arith.constant 2 : i32
        %add3A_100 = arith.addi %mul3A_72, %add3A_99 : i32
        %dma_start3A_101 = arith.constant 0 : i32
        %dma_start3A_102 = tpu.memref_slice %arg7[%add3A_100, %dma_start3A_101] : memref<16x128xi32, #tpu.memory_space<vmem>> -> memref<1x128xi32, #tpu.memory_space<vmem>>
        %dma_start3A_103 = tpu.memref_squeeze %dma_start3A_102 : memref<1x128xi32, #tpu.memory_space<vmem>> -> memref<128xi32, #tpu.memory_space<vmem>>
        %dma_start3A_104 = arith.constant 0 : i32
        %dma_start3A_105 = arith.constant 0 : i32
        %dma_start3A_106 = tpu.memref_slice %arg2[%dma_start3A_104, %dma_start3A_105] : memref<10000x128xf32, #tpu.memory_space<hbm>> -> memref<10000x128xf32, #tpu.memory_space<hbm>>
        tpu.enqueue_indirect_dma source(%dma_start3A_106 : memref<10000x128xf32, #tpu.memory_space<hbm>>) target(%arg9 : memref<128x128xf32, #tpu.memory_space<vmem>>) offsets(%dma_start3A_103 : memref<128xi32, #tpu.memory_space<vmem>>) semaphore(%arg11 : memref<!tpu.dma_semaphore, #tpu.memory_space<semaphore_mem>>)
      } else {
      }
      %dma_wait3A_93 = arith.constant 0 : i32
      %dma_wait3A_94 = tpu.memref_slice %arg7[%add3A_74, %dma_wait3A_93] : memref<16x128xi32, #tpu.memory_space<vmem>> -> memref<1x128xi32, #tpu.memory_space<vmem>>
      %dma_wait3A_95 = tpu.memref_squeeze %dma_wait3A_94 : memref<1x128xi32, #tpu.memory_space<vmem>> -> memref<128xi32, #tpu.memory_space<vmem>>
      %dma_wait3A_96 = arith.constant 0 : i32
      %dma_wait3A_97 = arith.constant 0 : i32
      %dma_wait3A_98 = tpu.memref_slice %arg2[%dma_wait3A_96, %dma_wait3A_97] : memref<10000x128xf32, #tpu.memory_space<hbm>> -> memref<10000x128xf32, #tpu.memory_space<hbm>>
      tpu.wait_indirect_dma semaphore(%arg12 : memref<!tpu.dma_semaphore, #tpu.memory_space<semaphore_mem>>) src(%dma_wait3A_98 : memref<10000x128xf32, #tpu.memory_space<hbm>>) dst(%arg10 : memref<128x128xf32, #tpu.memory_space<vmem>>)
      "tpu.region"() ({
        %run_scoped3A = tpu.sem_alloc : memref<!tpu.dma_semaphore, #tpu.memory_space<semaphore_mem>>
        %dma_start3A_99 = arith.constant 0 : i32
        %dma_start3A_100 = tpu.memref_slice %arg8[%add3A_74, %dma_start3A_99] : memref<16x128xi32, #tpu.memory_space<vmem>> -> memref<1x128xi32, #tpu.memory_space<vmem>>
        %dma_start3A_101 = tpu.memref_squeeze %dma_start3A_100 : memref<1x128xi32, #tpu.memory_space<vmem>> -> memref<128xi32, #tpu.memory_space<vmem>>
        %dma_start3A_102 = arith.constant 0 : i32
        %dma_start3A_103 = arith.constant 0 : i32
        %dma_start3A_104 = tpu.memref_slice %arg13[%dma_start3A_102, %dma_start3A_103] : memref<10240x128xf32, #tpu.memory_space<vmem_shared>> -> memref<10240x128xf32, #tpu.memory_space<vmem_shared>>
        tpu.enqueue_indirect_dma source(%arg10 : memref<128x128xf32, #tpu.memory_space<vmem>>) target(%dma_start3A_104 : memref<10240x128xf32, #tpu.memory_space<vmem_shared>>) offsets(%dma_start3A_101 : memref<128xi32, #tpu.memory_space<vmem>>) semaphore(%run_scoped3A : memref<!tpu.dma_semaphore, #tpu.memory_space<semaphore_mem>>) {add = true}
        %dma_wait3A_105 = arith.constant 0 : i32
        %dma_wait3A_106 = tpu.memref_slice %arg8[%add3A_74, %dma_wait3A_105] : memref<16x128xi32, #tpu.memory_space<vmem>> -> memref<1x128xi32, #tpu.memory_space<vmem>>
        %dma_wait3A_107 = tpu.memref_squeeze %dma_wait3A_106 : memref<1x128xi32, #tpu.memory_space<vmem>> -> memref<128xi32, #tpu.memory_space<vmem>>
        %dma_wait3A_108 = arith.constant 0 : i32
        %dma_wait3A_109 = arith.constant 0 : i32
        %dma_wait3A_110 = tpu.memref_slice %arg13[%dma_wait3A_108, %dma_wait3A_109] : memref<10240x128xf32, #tpu.memory_space<vmem_shared>> -> memref<10240x128xf32, #tpu.memory_space<vmem_shared>>
        tpu.wait_indirect_dma semaphore(%run_scoped3A : memref<!tpu.dma_semaphore, #tpu.memory_space<semaphore_mem>>) src(%arg10 : memref<128x128xf32, #tpu.memory_space<vmem>>) dst(%dma_wait3A_110 : memref<10240x128xf32, #tpu.memory_space<vmem_shared>>)
        tpu.yield
      }) : () -> ()
    }
    %scan3A_57 = arith.constant 7 : i32
    %lt3A = arith.constant 4 : i32
    %lt3A_58 = arith.cmpi slt, %add3A, %lt3A : i32
    %convert_element_type3A = arith.extui %lt3A_58 : i1 to i32
    %cond3A = arith.constant 0 : i32
    %cond3A_59 = arith.cmpi ne, %convert_element_type3A, %cond3A : i32
    scf.if %cond3A_59 {
      %add3A_70 = arith.constant 2496 : i32
      %add3A_71 = arith.addi %add3A_70, %add3A : i32
      %mul3A_72 = arith.constant 128 : i32
      %mul3A_73 = arith.muli %add3A_71, %mul3A_72 : i32
      %multiple_of3A_74 = tpu.assume_multiple %mul3A_73, 128 : i32
      "tpu.region"() ({
        %run_scoped3A_262 = tpu.sem_alloc : memref<!tpu.dma_semaphore, #tpu.memory_space<semaphore_mem>>
        %dma_start3A_263 = arith.constant 0 : i32
        %dma_start3A_264 = arith.constant 0 : i32
        %dma_start3A_265 = tpu.memref_slice %arg6[%dma_start3A_263, %dma_start3A_264] : memref<2x2048xi32, #tpu.memory_space<vmem>> -> memref<2x128xi32, #tpu.memory_space<vmem>>
        %dma_start3A_266 = arith.constant 0 : i32
        %dma_start3A_267 = tpu.memref_slice %arg3[%dma_start3A_266, %multiple_of3A_74] : memref<2x320000xi32, #tpu.memory_space<hbm>> -> memref<2x128xi32, #tpu.memory_space<hbm>>
        %dma_start3A_268 = arith.constant 0 : i32
        %dma_start3A_269 = arith.constant 0 : i32
        %dma_start3A_270 = tpu.memref_slice %arg6[%dma_start3A_268, %dma_start3A_269] : memref<2x2048xi32, #tpu.memory_space<vmem>> -> memref<2x128xi32, #tpu.memory_space<vmem>>
        %dma_start3A_271 = arith.constant 0 : i32
        %dma_start3A_272 = tpu.memref_slice %arg3[%dma_start3A_271, %multiple_of3A_74] : memref<2x320000xi32, #tpu.memory_space<hbm>> -> memref<2x128xi32, #tpu.memory_space<hbm>>
        tpu.enqueue_dma source(%dma_start3A_272 : memref<2x128xi32, #tpu.memory_space<hbm>>) target(%dma_start3A_270 : memref<2x128xi32, #tpu.memory_space<vmem>>) target_semaphore(%run_scoped3A_262 : memref<!tpu.dma_semaphore, #tpu.memory_space<semaphore_mem>>)
        %dma_wait3A_273 = arith.constant 0 : i32
        %dma_wait3A_274 = arith.constant 0 : i32
        %dma_wait3A_275 = tpu.memref_slice %arg6[%dma_wait3A_273, %dma_wait3A_274] : memref<2x2048xi32, #tpu.memory_space<vmem>> -> memref<2x128xi32, #tpu.memory_space<vmem>>
        %dma_wait3A_276 = arith.constant 0 : i32
        %dma_wait3A_277 = tpu.memref_slice %arg3[%dma_wait3A_276, %multiple_of3A_74] : memref<2x320000xi32, #tpu.memory_space<hbm>> -> memref<2x128xi32, #tpu.memory_space<hbm>>
        %dma_wait3A_278 = arith.constant 0 : i32
        %dma_wait3A_279 = arith.constant 0 : i32
        %dma_wait3A_280 = tpu.memref_slice %arg6[%dma_wait3A_278, %dma_wait3A_279] : memref<2x2048xi32, #tpu.memory_space<vmem>> -> memref<2x128xi32, #tpu.memory_space<vmem>>
        %dma_wait3A_281 = arith.constant 0 : i32
        %dma_wait3A_282 = tpu.memref_slice %arg3[%dma_wait3A_281, %multiple_of3A_74] : memref<2x320000xi32, #tpu.memory_space<hbm>> -> memref<2x128xi32, #tpu.memory_space<hbm>>
        tpu.wait_dma2 semaphore(%run_scoped3A_262 : memref<!tpu.dma_semaphore, #tpu.memory_space<semaphore_mem>>) src(%dma_wait3A_282 : memref<2x128xi32, #tpu.memory_space<hbm>>) dst(%dma_wait3A_280 : memref<2x128xi32, #tpu.memory_space<vmem>>)
        tpu.yield
      }) : () -> ()
      %get3A = arith.constant 0 : i32
      %get3A_75 = arith.index_cast %get3A : i32 to index
      %get3A_76 = arith.constant 0 : index
      %get3A_77 = tpu.vector_load %arg6[%get3A_75, %get3A_76] {strides = array<i32>} : memref<2x2048xi32, #tpu.memory_space<vmem>>, vector<1x16xi32>,
      %get3A_78 = vector.shape_cast %get3A_77 : vector<1x16xi32> to vector<16xi32>
      %swap3A = arith.constant 0 : i32
      %swap3A_79 = arith.index_cast %swap3A : i32 to index
      %swap3A_80 = arith.constant 0 : index
      %swap3A_81 = tpu.vector_load %arg8[%swap3A_79, %swap3A_80] {strides = array<i32>} : memref<16x128xi32, #tpu.memory_space<vmem>>, vector<1x16xi32>,
      %swap3A_82 = vector.shape_cast %swap3A_81 : vector<1x16xi32> to vector<16xi32>
      %swap3A_83 = vector.shape_cast %get3A_78 : vector<16xi32> to vector<1x16xi32>
      tpu.vector_store %arg8[%swap3A_79, %swap3A_80], %swap3A_83 {strides = array<i32>} : memref<16x128xi32, #tpu.memory_space<vmem>>, vector<1x16xi32>,
      %get3A_84 = arith.constant 1 : i32
      %get3A_85 = arith.index_cast %get3A_84 : i32 to index
      %get3A_86 = arith.constant 0 : index
      %get3A_87 = tpu.vector_load %arg6[%get3A_85, %get3A_86] {strides = array<i32>} : memref<2x2048xi32, #tpu.memory_space<vmem>>, vector<1x16xi32>,
      %get3A_88 = vector.shape_cast %get3A_87 : vector<1x16xi32> to vector<16xi32>
      %swap3A_89 = arith.constant 0 : i32
      %swap3A_90 = arith.index_cast %swap3A_89 : i32 to index
      %swap3A_91 = arith.constant 0 : index
      %swap3A_92 = tpu.vector_load %arg7[%swap3A_90, %swap3A_91] {strides = array<i32>} : memref<16x128xi32, #tpu.memory_space<vmem>>, vector<1x16xi32>,
      %swap3A_93 = vector.shape_cast %swap3A_92 : vector<1x16xi32> to vector<16xi32>
      %swap3A_94 = vector.shape_cast %get3A_88 : vector<16xi32> to vector<1x16xi32>
      tpu.vector_store %arg7[%swap3A_90, %swap3A_91], %swap3A_94 {strides = array<i32>} : memref<16x128xi32, #tpu.memory_space<vmem>>, vector<1x16xi32>,
      %get3A_95 = arith.constant 0 : i32
      %get3A_96 = arith.index_cast %get3A_95 : i32 to index
      %get3A_97 = arith.constant 16 : index
      %get3A_98 = tpu.vector_load %arg6[%get3A_96, %get3A_97] {strides = array<i32>} : memref<2x2048xi32, #tpu.memory_space<vmem>>, vector<1x16xi32>,
      %get3A_99 = vector.shape_cast %get3A_98 : vector<1x16xi32> to vector<16xi32>
      %swap3A_100 = arith.constant 0 : i32
      %swap3A_101 = arith.index_cast %swap3A_100 : i32 to index
      %swap3A_102 = arith.constant 16 : index
      %swap3A_103 = tpu.vector_load %arg8[%swap3A_101, %swap3A_102] {strides = array<i32>} : memref<16x128xi32, #tpu.memory_space<vmem>>, vector<1x16xi32>,
      %swap3A_104 = vector.shape_cast %swap3A_103 : vector<1x16xi32> to vector<16xi32>
      %swap3A_105 = vector.shape_cast %get3A_99 : vector<16xi32> to vector<1x16xi32>
      tpu.vector_store %arg8[%swap3A_101, %swap3A_102], %swap3A_105 {strides = array<i32>} : memref<16x128xi32, #tpu.memory_space<vmem>>, vector<1x16xi32>,
      %get3A_106 = arith.constant 1 : i32
      %get3A_107 = arith.index_cast %get3A_106 : i32 to index
      %get3A_108 = arith.constant 16 : index
      %get3A_109 = tpu.vector_load %arg6[%get3A_107, %get3A_108] {strides = array<i32>} : memref<2x2048xi32, #tpu.memory_space<vmem>>, vector<1x16xi32>,
      %get3A_110 = vector.shape_cast %get3A_109 : vector<1x16xi32> to vector<16xi32>
      %swap3A_111 = arith.constant 0 : i32
      %swap3A_112 = arith.index_cast %swap3A_111 : i32 to index
      %swap3A_113 = arith.constant 16 : index
      %swap3A_114 = tpu.vector_load %arg7[%swap3A_112, %swap3A_113] {strides = array<i32>} : memref<16x128xi32, #tpu.memory_space<vmem>>, vector<1x16xi32>,
      %swap3A_115 = vector.shape_cast %swap3A_114 : vector<1x16xi32> to vector<16xi32>
      %swap3A_116 = vector.shape_cast %get3A_110 : vector<16xi32> to vector<1x16xi32>
      tpu.vector_store %arg7[%swap3A_112, %swap3A_113], %swap3A_116 {strides = array<i32>} : memref<16x128xi32, #tpu.memory_space<vmem>>, vector<1x16xi32>,
      %get3A_117 = arith.constant 0 : i32
      %get3A_118 = arith.index_cast %get3A_117 : i32 to index
      %get3A_119 = arith.constant 32 : index
      %get3A_120 = tpu.vector_load %arg6[%get3A_118, %get3A_119] {strides = array<i32>} : memref<2x2048xi32, #tpu.memory_space<vmem>>, vector<1x16xi32>,
      %get3A_121 = vector.shape_cast %get3A_120 : vector<1x16xi32> to vector<16xi32>
      %swap3A_122 = arith.constant 0 : i32
      %swap3A_123 = arith.index_cast %swap3A_122 : i32 to index
      %swap3A_124 = arith.constant 32 : index
      %swap3A_125 = tpu.vector_load %arg8[%swap3A_123, %swap3A_124] {strides = array<i32>} : memref<16x128xi32, #tpu.memory_space<vmem>>, vector<1x16xi32>,
      %swap3A_126 = vector.shape_cast %swap3A_125 : vector<1x16xi32> to vector<16xi32>
      %swap3A_127 = vector.shape_cast %get3A_121 : vector<16xi32> to vector<1x16xi32>
      tpu.vector_store %arg8[%swap3A_123, %swap3A_124], %swap3A_127 {strides = array<i32>} : memref<16x128xi32, #tpu.memory_space<vmem>>, vector<1x16xi32>,
      %get3A_128 = arith.constant 1 : i32
      %get3A_129 = arith.index_cast %get3A_128 : i32 to index
      %get3A_130 = arith.constant 32 : index
      %get3A_131 = tpu.vector_load %arg6[%get3A_129, %get3A_130] {strides = array<i32>} : memref<2x2048xi32, #tpu.memory_space<vmem>>, vector<1x16xi32>,
      %get3A_132 = vector.shape_cast %get3A_131 : vector<1x16xi32> to vector<16xi32>
      %swap3A_133 = arith.constant 0 : i32
      %swap3A_134 = arith.index_cast %swap3A_133 : i32 to index
      %swap3A_135 = arith.constant 32 : index
      %swap3A_136 = tpu.vector_load %arg7[%swap3A_134, %swap3A_135] {strides = array<i32>} : memref<16x128xi32, #tpu.memory_space<vmem>>, vector<1x16xi32>,
      %swap3A_137 = vector.shape_cast %swap3A_136 : vector<1x16xi32> to vector<16xi32>
      %swap3A_138 = vector.shape_cast %get3A_132 : vector<16xi32> to vector<1x16xi32>
      tpu.vector_store %arg7[%swap3A_134, %swap3A_135], %swap3A_138 {strides = array<i32>} : memref<16x128xi32, #tpu.memory_space<vmem>>, vector<1x16xi32>,
      %get3A_139 = arith.constant 0 : i32
      %get3A_140 = arith.index_cast %get3A_139 : i32 to index
      %get3A_141 = arith.constant 48 : index
      %get3A_142 = tpu.vector_load %arg6[%get3A_140, %get3A_141] {strides = array<i32>} : memref<2x2048xi32, #tpu.memory_space<vmem>>, vector<1x16xi32>,
      %get3A_143 = vector.shape_cast %get3A_142 : vector<1x16xi32> to vector<16xi32>
      %swap3A_144 = arith.constant 0 : i32
      %swap3A_145 = arith.index_cast %swap3A_144 : i32 to index
      %swap3A_146 = arith.constant 48 : index
      %swap3A_147 = tpu.vector_load %arg8[%swap3A_145, %swap3A_146] {strides = array<i32>} : memref<16x128xi32, #tpu.memory_space<vmem>>, vector<1x16xi32>,
      %swap3A_148 = vector.shape_cast %swap3A_147 : vector<1x16xi32> to vector<16xi32>
      %swap3A_149 = vector.shape_cast %get3A_143 : vector<16xi32> to vector<1x16xi32>
      tpu.vector_store %arg8[%swap3A_145, %swap3A_146], %swap3A_149 {strides = array<i32>} : memref<16x128xi32, #tpu.memory_space<vmem>>, vector<1x16xi32>,
      %get3A_150 = arith.constant 1 : i32
      %get3A_151 = arith.index_cast %get3A_150 : i32 to index
      %get3A_152 = arith.constant 48 : index
      %get3A_153 = tpu.vector_load %arg6[%get3A_151, %get3A_152] {strides = array<i32>} : memref<2x2048xi32, #tpu.memory_space<vmem>>, vector<1x16xi32>,
      %get3A_154 = vector.shape_cast %get3A_153 : vector<1x16xi32> to vector<16xi32>
      %swap3A_155 = arith.constant 0 : i32
      %swap3A_156 = arith.index_cast %swap3A_155 : i32 to index
      %swap3A_157 = arith.constant 48 : index
      %swap3A_158 = tpu.vector_load %arg7[%swap3A_156, %swap3A_157] {strides = array<i32>} : memref<16x128xi32, #tpu.memory_space<vmem>>, vector<1x16xi32>,
      %swap3A_159 = vector.shape_cast %swap3A_158 : vector<1x16xi32> to vector<16xi32>
      %swap3A_160 = vector.shape_cast %get3A_154 : vector<16xi32> to vector<1x16xi32>
      tpu.vector_store %arg7[%swap3A_156, %swap3A_157], %swap3A_160 {strides = array<i32>} : memref<16x128xi32, #tpu.memory_space<vmem>>, vector<1x16xi32>,
      %get3A_161 = arith.constant 0 : i32
      %get3A_162 = arith.index_cast %get3A_161 : i32 to index
      %get3A_163 = arith.constant 64 : index
      %get3A_164 = tpu.vector_load %arg6[%get3A_162, %get3A_163] {strides = array<i32>} : memref<2x2048xi32, #tpu.memory_space<vmem>>, vector<1x16xi32>,
      %get3A_165 = vector.shape_cast %get3A_164 : vector<1x16xi32> to vector<16xi32>
      %swap3A_166 = arith.constant 0 : i32
      %swap3A_167 = arith.index_cast %swap3A_166 : i32 to index
      %swap3A_168 = arith.constant 64 : index
      %swap3A_169 = tpu.vector_load %arg8[%swap3A_167, %swap3A_168] {strides = array<i32>} : memref<16x128xi32, #tpu.memory_space<vmem>>, vector<1x16xi32>,
      %swap3A_170 = vector.shape_cast %swap3A_169 : vector<1x16xi32> to vector<16xi32>
      %swap3A_171 = vector.shape_cast %get3A_165 : vector<16xi32> to vector<1x16xi32>
      tpu.vector_store %arg8[%swap3A_167, %swap3A_168], %swap3A_171 {strides = array<i32>} : memref<16x128xi32, #tpu.memory_space<vmem>>, vector<1x16xi32>,
      %get3A_172 = arith.constant 1 : i32
      %get3A_173 = arith.index_cast %get3A_172 : i32 to index
      %get3A_174 = arith.constant 64 : index
      %get3A_175 = tpu.vector_load %arg6[%get3A_173, %get3A_174] {strides = array<i32>} : memref<2x2048xi32, #tpu.memory_space<vmem>>, vector<1x16xi32>,
      %get3A_176 = vector.shape_cast %get3A_175 : vector<1x16xi32> to vector<16xi32>
      %swap3A_177 = arith.constant 0 : i32
      %swap3A_178 = arith.index_cast %swap3A_177 : i32 to index
      %swap3A_179 = arith.constant 64 : index
      %swap3A_180 = tpu.vector_load %arg7[%swap3A_178, %swap3A_179] {strides = array<i32>} : memref<16x128xi32, #tpu.memory_space<vmem>>, vector<1x16xi32>,
      %swap3A_181 = vector.shape_cast %swap3A_180 : vector<1x16xi32> to vector<16xi32>
      %swap3A_182 = vector.shape_cast %get3A_176 : vector<16xi32> to vector<1x16xi32>
      tpu.vector_store %arg7[%swap3A_178, %swap3A_179], %swap3A_182 {strides = array<i32>} : memref<16x128xi32, #tpu.memory_space<vmem>>, vector<1x16xi32>,
      %get3A_183 = arith.constant 0 : i32
      %get3A_184 = arith.index_cast %get3A_183 : i32 to index
      %get3A_185 = arith.constant 80 : index
      %get3A_186 = tpu.vector_load %arg6[%get3A_184, %get3A_185] {strides = array<i32>} : memref<2x2048xi32, #tpu.memory_space<vmem>>, vector<1x16xi32>,
      %get3A_187 = vector.shape_cast %get3A_186 : vector<1x16xi32> to vector<16xi32>
      %swap3A_188 = arith.constant 0 : i32
      %swap3A_189 = arith.index_cast %swap3A_188 : i32 to index
      %swap3A_190 = arith.constant 80 : index
      %swap3A_191 = tpu.vector_load %arg8[%swap3A_189, %swap3A_190] {strides = array<i32>} : memref<16x128xi32, #tpu.memory_space<vmem>>, vector<1x16xi32>,
      %swap3A_192 = vector.shape_cast %swap3A_191 : vector<1x16xi32> to vector<16xi32>
      %swap3A_193 = vector.shape_cast %get3A_187 : vector<16xi32> to vector<1x16xi32>
      tpu.vector_store %arg8[%swap3A_189, %swap3A_190], %swap3A_193 {strides = array<i32>} : memref<16x128xi32, #tpu.memory_space<vmem>>, vector<1x16xi32>,
      %get3A_194 = arith.constant 1 : i32
      %get3A_195 = arith.index_cast %get3A_194 : i32 to index
      %get3A_196 = arith.constant 80 : index
      %get3A_197 = tpu.vector_load %arg6[%get3A_195, %get3A_196] {strides = array<i32>} : memref<2x2048xi32, #tpu.memory_space<vmem>>, vector<1x16xi32>,
      %get3A_198 = vector.shape_cast %get3A_197 : vector<1x16xi32> to vector<16xi32>
      %swap3A_199 = arith.constant 0 : i32
      %swap3A_200 = arith.index_cast %swap3A_199 : i32 to index
      %swap3A_201 = arith.constant 80 : index
      %swap3A_202 = tpu.vector_load %arg7[%swap3A_200, %swap3A_201] {strides = array<i32>} : memref<16x128xi32, #tpu.memory_space<vmem>>, vector<1x16xi32>,
      %swap3A_203 = vector.shape_cast %swap3A_202 : vector<1x16xi32> to vector<16xi32>
      %swap3A_204 = vector.shape_cast %get3A_198 : vector<16xi32> to vector<1x16xi32>
      tpu.vector_store %arg7[%swap3A_200, %swap3A_201], %swap3A_204 {strides = array<i32>} : memref<16x128xi32, #tpu.memory_space<vmem>>, vector<1x16xi32>,
      %get3A_205 = arith.constant 0 : i32
      %get3A_206 = arith.index_cast %get3A_205 : i32 to index
      %get3A_207 = arith.constant 96 : index
      %get3A_208 = tpu.vector_load %arg6[%get3A_206, %get3A_207] {strides = array<i32>} : memref<2x2048xi32, #tpu.memory_space<vmem>>, vector<1x16xi32>,
      %get3A_209 = vector.shape_cast %get3A_208 : vector<1x16xi32> to vector<16xi32>
      %swap3A_210 = arith.constant 0 : i32
      %swap3A_211 = arith.index_cast %swap3A_210 : i32 to index
      %swap3A_212 = arith.constant 96 : index
      %swap3A_213 = tpu.vector_load %arg8[%swap3A_211, %swap3A_212] {strides = array<i32>} : memref<16x128xi32, #tpu.memory_space<vmem>>, vector<1x16xi32>,
      %swap3A_214 = vector.shape_cast %swap3A_213 : vector<1x16xi32> to vector<16xi32>
      %swap3A_215 = vector.shape_cast %get3A_209 : vector<16xi32> to vector<1x16xi32>
      tpu.vector_store %arg8[%swap3A_211, %swap3A_212], %swap3A_215 {strides = array<i32>} : memref<16x128xi32, #tpu.memory_space<vmem>>, vector<1x16xi32>,
      %get3A_216 = arith.constant 1 : i32
      %get3A_217 = arith.index_cast %get3A_216 : i32 to index
      %get3A_218 = arith.constant 96 : index
      %get3A_219 = tpu.vector_load %arg6[%get3A_217, %get3A_218] {strides = array<i32>} : memref<2x2048xi32, #tpu.memory_space<vmem>>, vector<1x16xi32>,
      %get3A_220 = vector.shape_cast %get3A_219 : vector<1x16xi32> to vector<16xi32>
      %swap3A_221 = arith.constant 0 : i32
      %swap3A_222 = arith.index_cast %swap3A_221 : i32 to index
      %swap3A_223 = arith.constant 96 : index
      %swap3A_224 = tpu.vector_load %arg7[%swap3A_222, %swap3A_223] {strides = array<i32>} : memref<16x128xi32, #tpu.memory_space<vmem>>, vector<1x16xi32>,
      %swap3A_225 = vector.shape_cast %swap3A_224 : vector<1x16xi32> to vector<16xi32>
      %swap3A_226 = vector.shape_cast %get3A_220 : vector<16xi32> to vector<1x16xi32>
      tpu.vector_store %arg7[%swap3A_222, %swap3A_223], %swap3A_226 {strides = array<i32>} : memref<16x128xi32, #tpu.memory_space<vmem>>, vector<1x16xi32>,
      %get3A_227 = arith.constant 0 : i32
      %get3A_228 = arith.index_cast %get3A_227 : i32 to index
      %get3A_229 = arith.constant 112 : index
      %get3A_230 = tpu.vector_load %arg6[%get3A_228, %get3A_229] {strides = array<i32>} : memref<2x2048xi32, #tpu.memory_space<vmem>>, vector<1x16xi32>,
      %get3A_231 = vector.shape_cast %get3A_230 : vector<1x16xi32> to vector<16xi32>
      %swap3A_232 = arith.constant 0 : i32
      %swap3A_233 = arith.index_cast %swap3A_232 : i32 to index
      %swap3A_234 = arith.constant 112 : index
      %swap3A_235 = tpu.vector_load %arg8[%swap3A_233, %swap3A_234] {strides = array<i32>} : memref<16x128xi32, #tpu.memory_space<vmem>>, vector<1x16xi32>,
      %swap3A_236 = vector.shape_cast %swap3A_235 : vector<1x16xi32> to vector<16xi32>
      %swap3A_237 = vector.shape_cast %get3A_231 : vector<16xi32> to vector<1x16xi32>
      tpu.vector_store %arg8[%swap3A_233, %swap3A_234], %swap3A_237 {strides = array<i32>} : memref<16x128xi32, #tpu.memory_space<vmem>>, vector<1x16xi32>,
      %get3A_238 = arith.constant 1 : i32
      %get3A_239 = arith.index_cast %get3A_238 : i32 to index
      %get3A_240 = arith.constant 112 : index
      %get3A_241 = tpu.vector_load %arg6[%get3A_239, %get3A_240] {strides = array<i32>} : memref<2x2048xi32, #tpu.memory_space<vmem>>, vector<1x16xi32>,
      %get3A_242 = vector.shape_cast %get3A_241 : vector<1x16xi32> to vector<16xi32>
      %swap3A_243 = arith.constant 0 : i32
      %swap3A_244 = arith.index_cast %swap3A_243 : i32 to index
      %swap3A_245 = arith.constant 112 : index
      %swap3A_246 = tpu.vector_load %arg7[%swap3A_244, %swap3A_245] {strides = array<i32>} : memref<16x128xi32, #tpu.memory_space<vmem>>, vector<1x16xi32>,
      %swap3A_247 = vector.shape_cast %swap3A_246 : vector<1x16xi32> to vector<16xi32>
      %swap3A_248 = vector.shape_cast %get3A_242 : vector<16xi32> to vector<1x16xi32>
      tpu.vector_store %arg7[%swap3A_244, %swap3A_245], %swap3A_248 {strides = array<i32>} : memref<16x128xi32, #tpu.memory_space<vmem>>, vector<1x16xi32>,
      %dma_start3A_249 = arith.constant 0 : i32
      %dma_start3A_250 = arith.constant 0 : i32
      %dma_start3A_251 = tpu.memref_slice %arg7[%dma_start3A_249, %dma_start3A_250] : memref<16x128xi32, #tpu.memory_space<vmem>> -> memref<1x128xi32, #tpu.memory_space<vmem>>
      %dma_start3A_252 = tpu.memref_squeeze %dma_start3A_251 : memref<1x128xi32, #tpu.memory_space<vmem>> -> memref<128xi32, #tpu.memory_space<vmem>>
      %dma_start3A_253 = arith.constant 0 : i32
      %dma_start3A_254 = arith.constant 0 : i32
      %dma_start3A_255 = tpu.memref_slice %arg2[%dma_start3A_253, %dma_start3A_254] : memref<10000x128xf32, #tpu.memory_space<hbm>> -> memref<10000x128xf32, #tpu.memory_space<hbm>>
      tpu.enqueue_indirect_dma source(%dma_start3A_255 : memref<10000x128xf32, #tpu.memory_space<hbm>>) target(%arg9 : memref<128x128xf32, #tpu.memory_space<vmem>>) offsets(%dma_start3A_252 : memref<128xi32, #tpu.memory_space<vmem>>) semaphore(%arg11 : memref<!tpu.dma_semaphore, #tpu.memory_space<semaphore_mem>>)
      %dma_wait3A = arith.constant 0 : i32
      %dma_wait3A_256 = arith.constant 0 : i32
      %dma_wait3A_257 = tpu.memref_slice %arg7[%dma_wait3A, %dma_wait3A_256] : memref<16x128xi32, #tpu.memory_space<vmem>> -> memref<1x128xi32, #tpu.memory_space<vmem>>
      %dma_wait3A_258 = tpu.memref_squeeze %dma_wait3A_257 : memref<1x128xi32, #tpu.memory_space<vmem>> -> memref<128xi32, #tpu.memory_space<vmem>>
      %dma_wait3A_259 = arith.constant 0 : i32
      %dma_wait3A_260 = arith.constant 0 : i32
      %dma_wait3A_261 = tpu.memref_slice %arg2[%dma_wait3A_259, %dma_wait3A_260] : memref<10000x128xf32, #tpu.memory_space<hbm>> -> memref<10000x128xf32, #tpu.memory_space<hbm>>
      tpu.wait_indirect_dma semaphore(%arg11 : memref<!tpu.dma_semaphore, #tpu.memory_space<semaphore_mem>>) src(%dma_wait3A_261 : memref<10000x128xf32, #tpu.memory_space<hbm>>) dst(%arg9 : memref<128x128xf32, #tpu.memory_space<vmem>>)
      %run_scoped3A = arith.constant 0 : i32
      "tpu.region"() ({
        %run_scoped3A_262 = tpu.sem_alloc : memref<!tpu.dma_semaphore, #tpu.memory_space<semaphore_mem>>
        %dma_start3A_263 = arith.constant 0 : i32
        %dma_start3A_264 = tpu.memref_slice %arg8[%run_scoped3A, %dma_start3A_263] : memref<16x128xi32, #tpu.memory_space<vmem>> -> memref<1x128xi32, #tpu.memory_space<vmem>>
        %dma_start3A_265 = tpu.memref_squeeze %dma_start3A_264 : memref<1x128xi32, #tpu.memory_space<vmem>> -> memref<128xi32, #tpu.memory_space<vmem>>
        %dma_start3A_266 = arith.constant 0 : i32
        %dma_start3A_267 = arith.constant 0 : i32
        %dma_start3A_268 = tpu.memref_slice %arg13[%dma_start3A_266, %dma_start3A_267] : memref<10240x128xf32, #tpu.memory_space<vmem_shared>> -> memref<10240x128xf32, #tpu.memory_space<vmem_shared>>
        tpu.enqueue_indirect_dma source(%arg9 : memref<128x128xf32, #tpu.memory_space<vmem>>) target(%dma_start3A_268 : memref<10240x128xf32, #tpu.memory_space<vmem_shared>>) offsets(%dma_start3A_265 : memref<128xi32, #tpu.memory_space<vmem>>) semaphore(%run_scoped3A_262 : memref<!tpu.dma_semaphore, #tpu.memory_space<semaphore_mem>>) {add = true}
        %dma_wait3A_269 = arith.constant 0 : i32
        %dma_wait3A_270 = tpu.memref_slice %arg8[%run_scoped3A, %dma_wait3A_269] : memref<16x128xi32, #tpu.memory_space<vmem>> -> memref<1x128xi32, #tpu.memory_space<vmem>>
        %dma_wait3A_271 = tpu.memref_squeeze %dma_wait3A_270 : memref<1x128xi32, #tpu.memory_space<vmem>> -> memref<128xi32, #tpu.memory_space<vmem>>
        %dma_wait3A_272 = arith.constant 0 : i32
        %dma_wait3A_273 = arith.constant 0 : i32
        %dma_wait3A_274 = tpu.memref_slice %arg13[%dma_wait3A_272, %dma_wait3A_273] : memref<10240x128xf32, #tpu.memory_space<vmem_shared>> -> memref<10240x128xf32, #tpu.memory_space<vmem_shared>>
        tpu.wait_indirect_dma semaphore(%run_scoped3A_262 : memref<!tpu.dma_semaphore, #tpu.memory_space<semaphore_mem>>) src(%arg9 : memref<128x128xf32, #tpu.memory_space<vmem>>) dst(%dma_wait3A_274 : memref<10240x128xf32, #tpu.memory_space<vmem_shared>>)
        tpu.yield
      }) : () -> ()
    } else {
    }
    %barrier3A_60 = arith.constant 0 : index
    tpu.barrier barrier_id(%barrier3A_60)
    %eq3A = arith.constant 0 : i32
    %eq3A_61 = arith.cmpi eq, %arg0, %eq3A : i32
    %convert_element_type3A_62 = arith.extui %eq3A_61 : i1 to i32
    %cond3A_63 = arith.constant 0 : i32
    %cond3A_64 = arith.cmpi ne, %convert_element_type3A_62, %cond3A_63 : i32
    scf.if %cond3A_64 {
      %mul3A_70 = arith.constant 640 : i32
      %mul3A_71 = arith.muli %arg1, %mul3A_70 : i32
      %mul3A_72 = arith.constant 640 : i32
      %mul3A_73 = arith.muli %arg1, %mul3A_72 : i32
      "tpu.region"() ({
        %run_scoped3A = tpu.sem_alloc : memref<!tpu.dma_semaphore, #tpu.memory_space<semaphore_mem>>
        %dma_start3A_74 = arith.constant 0 : i32
        %dma_start3A_75 = tpu.memref_slice %arg4[%mul3A_73, %dma_start3A_74] : memref<10240x128xf32, #tpu.memory_space<hbm>> -> memref<640x128xf32, #tpu.memory_space<hbm>>
        %dma_start3A_76 = arith.constant 0 : i32
        %dma_start3A_77 = tpu.memref_slice %arg13[%mul3A_71, %dma_start3A_76] : memref<10240x128xf32, #tpu.memory_space<vmem_shared>> -> memref<640x128xf32, #tpu.memory_space<vmem_shared>>
        tpu.enqueue_dma source(%dma_start3A_77 : memref<640x128xf32, #tpu.memory_space<vmem_shared>>) target(%dma_start3A_75 : memref<640x128xf32, #tpu.memory_space<hbm>>) target_semaphore(%run_scoped3A : memref<!tpu.dma_semaphore, #tpu.memory_space<semaphore_mem>>)
        %dma_wait3A = arith.constant 0 : i32
        %dma_wait3A_78 = tpu.memref_slice %arg4[%mul3A_73, %dma_wait3A] : memref<10240x128xf32, #tpu.memory_space<hbm>> -> memref<640x128xf32, #tpu.memory_space<hbm>>
        %dma_wait3A_79 = arith.constant 0 : i32
        %dma_wait3A_80 = tpu.memref_slice %arg13[%mul3A_71, %dma_wait3A_79] : memref<10240x128xf32, #tpu.memory_space<vmem_shared>> -> memref<640x128xf32, #tpu.memory_space<vmem_shared>>
        tpu.wait_dma2 semaphore(%run_scoped3A : memref<!tpu.dma_semaphore, #tpu.memory_space<semaphore_mem>>) src(%dma_wait3A_80 : memref<640x128xf32, #tpu.memory_space<vmem_shared>>) dst(%dma_wait3A_78 : memref<640x128xf32, #tpu.memory_space<hbm>>)
        tpu.yield
      }) : () -> ()
    } else {
    }
    %eq3A_65 = arith.constant 1 : i32
    %eq3A_66 = arith.cmpi eq, %arg0, %eq3A_65 : i32
    %convert_element_type3A_67 = arith.extui %eq3A_66 : i1 to i32
    %cond3A_68 = arith.constant 0 : i32
    %cond3A_69 = arith.cmpi ne, %convert_element_type3A_67, %cond3A_68 : i32
    scf.if %cond3A_69 {
      %mul3A_70 = arith.constant 640 : i32
      %mul3A_71 = arith.muli %arg1, %mul3A_70 : i32
      %mul3A_72 = arith.constant 640 : i32
      %mul3A_73 = arith.muli %arg1, %mul3A_72 : i32
      "tpu.region"() ({
        %run_scoped3A = tpu.sem_alloc : memref<!tpu.dma_semaphore, #tpu.memory_space<semaphore_mem>>
        %dma_start3A_74 = arith.constant 0 : i32
        %dma_start3A_75 = tpu.memref_slice %arg5[%mul3A_73, %dma_start3A_74] : memref<10240x128xf32, #tpu.memory_space<hbm>> -> memref<640x128xf32, #tpu.memory_space<hbm>>
        %dma_start3A_76 = arith.constant 0 : i32
        %dma_start3A_77 = tpu.memref_slice %arg13[%mul3A_71, %dma_start3A_76] : memref<10240x128xf32, #tpu.memory_space<vmem_shared>> -> memref<640x128xf32, #tpu.memory_space<vmem_shared>>
        tpu.enqueue_dma source(%dma_start3A_77 : memref<640x128xf32, #tpu.memory_space<vmem_shared>>) target(%dma_start3A_75 : memref<640x128xf32, #tpu.memory_space<hbm>>) target_semaphore(%run_scoped3A : memref<!tpu.dma_semaphore, #tpu.memory_space<semaphore_mem>>)
        %dma_wait3A = arith.constant 0 : i32
        %dma_wait3A_78 = tpu.memref_slice %arg5[%mul3A_73, %dma_wait3A] : memref<10240x128xf32, #tpu.memory_space<hbm>> -> memref<640x128xf32, #tpu.memory_space<hbm>>
        %dma_wait3A_79 = arith.constant 0 : i32
        %dma_wait3A_80 = tpu.memref_slice %arg13[%mul3A_71, %dma_wait3A_79] : memref<10240x128xf32, #tpu.memory_space<vmem_shared>> -> memref<640x128xf32, #tpu.memory_space<vmem_shared>>
        tpu.wait_dma2 semaphore(%run_scoped3A : memref<!tpu.dma_semaphore, #tpu.memory_space<semaphore_mem>>) src(%dma_wait3A_80 : memref<640x128xf32, #tpu.memory_space<vmem_shared>>) dst(%dma_wait3A_78 : memref<640x128xf32, #tpu.memory_space<hbm>>)
        tpu.yield
      }) : () -> ()
    } else {
    }
    return
  }
}

module attributes {stable_mosaic.version = 14 : i64} {
  func.func @_scale_body(%arg0: i32, %arg1: memref<2000x128xf32, #tpu.memory_space<vmem>>, %arg2: memref<2000x2xf32, #tpu.memory_space<vmem>>, %arg3: memref<2000x128xf32, #tpu.memory_space<vmem>>) attributes {dimension_semantics = [#tpu.dimension_semantics<arbitrary>], iteration_bounds = array<i64: 5>, scalar_prefetch = 0 : i64, scratch_operands = 0 : i64, tpu.core_type = #tpu.core_type<tc>, window_params = [{transform_indices = @transform_0, window_bounds = array<i64: 2000, 128>}, {transform_indices = @transform_1, window_bounds = array<i64: 2000, 2>}, {transform_indices = @transform_2, window_bounds = array<i64: 2000, 128>}]} {
    %get3A = arith.constant 0 : index
    %get3A_0 = arith.constant 0 : index
    %get3A_1 = vector.load %arg1[%get3A, %get3A_0] : memref<2000x128xf32, #tpu.memory_space<vmem>>, vector<2000x128xf32>
    %get3A_2 = arith.constant 0 : index
    %get3A_3 = arith.constant 0 : index
    %get3A_4 = vector.load %arg2[%get3A_2, %get3A_3] : memref<2000x2xf32, #tpu.memory_space<vmem>>, vector<2000x1xf32>
    %get3A_5 = arith.constant 0 : index
    %get3A_6 = arith.constant 1 : index
    %get3A_7 = vector.load %arg2[%get3A_5, %get3A_6] : memref<2000x2xf32, #tpu.memory_space<vmem>>, vector<2000x1xf32>
    %add3A = arith.addf %get3A_4, %get3A_7 : vector<2000x1xf32>
    %gt3A = arith.constant 0.000000e+00 : f32
    %gt3A_8 = vector.broadcast %gt3A : f32 to vector<2000x1xf32>
    %gt3A_9 = arith.cmpf ogt, %add3A, %gt3A_8 : vector<2000x1xf32>
    %max3A = arith.constant 9.99999996E-13 : f32
    %max3A_10 = vector.broadcast %max3A : f32 to vector<2000x1xf32>
    %max3A_11 = arith.maximumf %add3A, %max3A_10 : vector<2000x1xf32>
    %rsqrt3A = math.rsqrt %max3A_11 : vector<2000x1xf32>
    %jit3A = arith.constant 0.000000e+00 : f32
    %broadcast_in_dim3A = vector.broadcast %jit3A : f32 to vector<2000x1xf32>
    %select_n3A = arith.select %gt3A_9, %rsqrt3A, %broadcast_in_dim3A : vector<2000x1xi1>, vector<2000x1xf32>
    %mul3A = vector.broadcast %select_n3A : vector<2000x1xf32> to vector<2000x128xf32>
    %mul3A_12 = arith.mulf %get3A_1, %mul3A : vector<2000x128xf32>
    %swap3A = arith.constant 0 : index
    %swap3A_13 = arith.constant 0 : index
    %swap3A_14 = vector.load %arg3[%swap3A, %swap3A_13] : memref<2000x128xf32, #tpu.memory_space<vmem>>, vector<2000x128xf32>
    tpu.vector_store %arg3[%swap3A, %swap3A_13], %mul3A_12 {strides = array<i32>} : memref<2000x128xf32, #tpu.memory_space<vmem>>, vector<2000x128xf32>,
    return
  }
  func.func @transform_0(%arg0: i32) -> (i32, i32) {
    %c0_i32 = arith.constant 0 : i32
    %c0_i32_0 = arith.constant 0 : i32
    return %arg0, %c0_i32 : i32, i32
  }
  func.func @transform_1(%arg0: i32) -> (i32, i32) {
    %c0_i32 = arith.constant 0 : i32
    %c0_i32_0 = arith.constant 0 : i32
    return %arg0, %c0_i32 : i32, i32
  }
  func.func @transform_2(%arg0: i32) -> (i32, i32) {
    %c0_i32 = arith.constant 0 : i32
    %c0_i32_0 = arith.constant 0 : i32
    return %arg0, %c0_i32 : i32, i32
  }
}

module attributes {stable_mosaic.version = 14 : i64} {
  func.func @_linear_body(%arg0: i32, %arg1: memref<2000x128xf32, #tpu.memory_space<vmem>>, %arg2: memref<2000x128xf32, #tpu.memory_space<vmem>>, %arg3: memref<2000x2xf32, #tpu.memory_space<vmem>>, %arg4: memref<128x128xf32, #tpu.memory_space<vmem>>, %arg5: memref<1x128xf32, #tpu.memory_space<vmem>>, %arg6: memref<2000x128xf32, #tpu.memory_space<vmem>>) attributes {dimension_semantics = [#tpu.dimension_semantics<arbitrary>], iteration_bounds = array<i64: 5>, scalar_prefetch = 0 : i64, scratch_operands = 0 : i64, tpu.core_type = #tpu.core_type<tc>, window_params = [{transform_indices = @transform_0, window_bounds = array<i64: 2000, 128>}, {transform_indices = @transform_1, window_bounds = array<i64: 2000, 128>}, {transform_indices = @transform_2, window_bounds = array<i64: 2000, 2>}, {pipeline_mode = #tpu.pipeline_mode<synchronous>, transform_indices = @transform_3, window_bounds = array<i64: 128, 128>}, {pipeline_mode = #tpu.pipeline_mode<synchronous>, transform_indices = @transform_4, window_bounds = array<i64: 1, 128>}, {transform_indices = @transform_5, window_bounds = array<i64: 2000, 128>}]} {
    %get3A = arith.constant 0 : index
    %get3A_0 = arith.constant 0 : index
    %get3A_1 = vector.load %arg1[%get3A, %get3A_0] : memref<2000x128xf32, #tpu.memory_space<vmem>>, vector<2000x128xf32>
    %get3A_2 = arith.constant 0 : index
    %get3A_3 = arith.constant 0 : index
    %get3A_4 = vector.load %arg2[%get3A_2, %get3A_3] : memref<2000x128xf32, #tpu.memory_space<vmem>>, vector<2000x128xf32>
    %add3A = arith.addf %get3A_1, %get3A_4 : vector<2000x128xf32>
    %get3A_5 = arith.constant 0 : index
    %get3A_6 = arith.constant 0 : index
    %get3A_7 = vector.load %arg3[%get3A_5, %get3A_6] : memref<2000x2xf32, #tpu.memory_space<vmem>>, vector<2000x1xf32>
    %get3A_8 = arith.constant 0 : index
    %get3A_9 = arith.constant 1 : index
    %get3A_10 = vector.load %arg3[%get3A_8, %get3A_9] : memref<2000x2xf32, #tpu.memory_space<vmem>>, vector<2000x1xf32>
    %add3A_11 = arith.addf %get3A_7, %get3A_10 : vector<2000x1xf32>
    %gt3A = arith.constant 0.000000e+00 : f32
    %gt3A_12 = vector.broadcast %gt3A : f32 to vector<2000x1xf32>
    %gt3A_13 = arith.cmpf ogt, %add3A_11, %gt3A_12 : vector<2000x1xf32>
    %max3A = arith.constant 9.99999996E-13 : f32
    %max3A_14 = vector.broadcast %max3A : f32 to vector<2000x1xf32>
    %max3A_15 = arith.maximumf %add3A_11, %max3A_14 : vector<2000x1xf32>
    %rsqrt3A = math.rsqrt %max3A_15 : vector<2000x1xf32>
    %jit3A = arith.constant 0.000000e+00 : f32
    %broadcast_in_dim3A = vector.broadcast %jit3A : f32 to vector<2000x1xf32>
    %select_n3A = arith.select %gt3A_13, %rsqrt3A, %broadcast_in_dim3A : vector<2000x1xi1>, vector<2000x1xf32>
    %mul3A = vector.broadcast %select_n3A : vector<2000x1xf32> to vector<2000x128xf32>
    %mul3A_16 = arith.mulf %add3A, %mul3A : vector<2000x128xf32>
    %get3A_17 = arith.constant 0 : index
    %get3A_18 = arith.constant 0 : index
    %get3A_19 = vector.load %arg4[%get3A_17, %get3A_18] : memref<128x128xf32, #tpu.memory_space<vmem>>, vector<128x128xf32>
    %dot_general3A = arith.constant dense<0.000000e+00> : vector<2000x128xf32>
    %dot_general3A_20 = tpu.matmul %mul3A_16, %get3A_19, %dot_general3A {dimension_numbers = #tpu.dot_dimension_numbers<[1], [1], [0], [0], [0, 0, 1, 0], [], []>, transpose_lhs_hint = false} : vector<2000x128xf32>, vector<128x128xf32>, vector<2000x128xf32> -> vector<2000x128xf32>
    %get3A_21 = arith.constant 0 : index
    %get3A_22 = arith.constant 0 : index
    %get3A_23 = vector.load %arg5[%get3A_21, %get3A_22] : memref<1x128xf32, #tpu.memory_space<vmem>>, vector<1x128xf32>
    %add3A_24 = vector.broadcast %get3A_23 : vector<1x128xf32> to vector<2000x128xf32>
    %add3A_25 = arith.addf %dot_general3A_20, %add3A_24 : vector<2000x128xf32>
    %swap3A = arith.constant 0 : index
    %swap3A_26 = arith.constant 0 : index
    %swap3A_27 = vector.load %arg6[%swap3A, %swap3A_26] : memref<2000x128xf32, #tpu.memory_space<vmem>>, vector<2000x128xf32>
    tpu.vector_store %arg6[%swap3A, %swap3A_26], %add3A_25 {strides = array<i32>} : memref<2000x128xf32, #tpu.memory_space<vmem>>, vector<2000x128xf32>,
    return
  }
  func.func @transform_0(%arg0: i32) -> (i32, i32) {
    %c0_i32 = arith.constant 0 : i32
    %c0_i32_0 = arith.constant 0 : i32
    return %arg0, %c0_i32 : i32, i32
  }
  func.func @transform_1(%arg0: i32) -> (i32, i32) {
    %c0_i32 = arith.constant 0 : i32
    %c0_i32_0 = arith.constant 0 : i32
    return %arg0, %c0_i32 : i32, i32
  }
  func.func @transform_2(%arg0: i32) -> (i32, i32) {
    %c0_i32 = arith.constant 0 : i32
    %c0_i32_0 = arith.constant 0 : i32
    return %arg0, %c0_i32 : i32, i32
  }
  func.func @transform_3(%arg0: i32) -> (i32, i32) {
    %c0_i32 = arith.constant 0 : i32
    %c0_i32_0 = arith.constant 0 : i32
    %c0_i32_1 = arith.constant 0 : i32
    return %c0_i32, %c0_i32_0 : i32, i32
  }
  func.func @transform_4(%arg0: i32) -> (i32, i32) {
    %c0_i32 = arith.constant 0 : i32
    %c0_i32_0 = arith.constant 0 : i32
    %c0_i32_1 = arith.constant 0 : i32
    return %c0_i32, %c0_i32_0 : i32, i32
  }
  func.func @transform_5(%arg0: i32) -> (i32, i32) {
    %c0_i32 = arith.constant 0 : i32
    %c0_i32_0 = arith.constant 0 : i32
    return %arg0, %c0_i32 : i32, i32
  }
}

</mosaic_0001>

<sc_bundles>
// kernel: kernel.6.cloned.1.call-start
scs
__scs_entry_jumppad:
0x0: {  	(pc) =	sbr.rel $0x88, $3  }
0x1: {  	(tag) =	ssettag $0x0;
	lr =	simm.s32 $0x1  }
0x2: {  	[smem:$0x3F9D] =	sst lr;
	_ =	strace $0xD0000000  }
0x3: {  	_ = 	snop  }
0x4: {  	_ = 	snop  }
0x5: {  	_ = 	snop  }
0x6: {  	_ = 	snop  }
0x7: {  	_ = 	snop  }
__scs_overlays_trampoline_lowered:
0x8: {  	[smem:$0x3FAC] =	sst s0  }
0x9: {  	[smem:$0x3FAD] =	sst s1  }
0xa: {  	[smem:$0x3FAE] =	sst s2  }
0xb: {  	[smem:$0x3FAF] =	sst s3  }
0xc: {  	[smem:$0x3FB0] =	sst s4  }
0xd: {  	[smem:$0x3FB1] =	sst s5  }
0xe: {  	[smem:$0x3FB2] =	sst s6  }
0xf: {  	[smem:$0x3FB3] =	sst s7  }
0x10: {  	[smem:$0x3FB4] =	sst s8  }
0x11: {  	[smem:$0x3FB5] =	sst s9;
	s0 =	simm.s32 @!p0 $0x0  }
0x12: {  	s1 =	sld [smem:$0x3F9B];
	s0 =	simm.s32 @p0 $0x1  }
0x13: {  	[smem:$0x3FB6] =	sst s0;
	s0 =	simm.s32 @!p1 $0x0  }
0x14: {  	s2 =	sld [smem:$0x3F9A];
	s0 =	simm.s32 @p1 $0x1  }
0x15: {  	[smem:$0x3FB7] =	sst s0;
	s0 =	simm.s32 @!p2 $0x0  }
0x16: {  	s3 =	sld [smem:$0x3FDB];
	s0 =	simm.s32 @p2 $0x1  }
0x17: {  	s4 =	simm.s32 $0x1BF5;
	[smem:$0x3FB9] =	sst s0  }
0x18: {  	s0 =	sld [smem:$0x3F9C];
	_ =	swait.ge [sflag:s4], $0x0  }
0x19: {  	s7 =	sld [smem:$0x3F9D]  }
0x1a: {  	s8 =	sadd.s32 $0xFFFFE003, lr  }
0x1b: {  	s9 =	sadd.s32 $0xFFFFFEF7, lr;
	s5 =	simm.s32 $0xFFFFFFFF;
	p2 =	slt.u32 s8, $0xFFFFF086  }
0x1c: {  	p1 =	slt.u32 s9, $0xF7A;
	s5 =	simm.s32 @!p2 $0x0  }
0x1d: {  	s5 =	simm.s32 @p1 $0x1;
	p0 =	seq.s32 s7, s2  }
0x1e: {  	s7 =	smul.u32 @!p0 $0xF7A, s2;
	p2 =	seq.s32 @!p0 s5, $0x0  }
0x1f: {  	s9 =	smul.u32 $0xF7A, s1;
	s8 =	simm.s32 @!p0 $0x1BF5;
	p2 =	por !p2, p0  }
0x20: {  	[sflag:s8] =	ssyncset.s32 @!p0 $0xFFFFF086;
	s6 =	sadd.s32 @!p0 s3, s7;
	s7 =	simm.s32 @!p0 $0x108  }
0x21: {  	s3 =	sadd.s32 s3, s9;
	s6 =	sadd.s32 @!p0 $0x88, s6;
	s7 =	simm.s32 @p2 $0x1082  }
0x22: {  	[simem:s7], [sflag:s8] =	dma.local @!p0 [hbm:s6], $0xF7A  }
0x23: {  	s9 =	sor.u32 $0xD0000000, s2;
	s6 =	simm.s32 $0x108;
	_ =	swait.ge @!p0 [sflag:s8], $0x0  }
0x24: {  	s3 =	sadd.s32 $0x88, s3;
	s6 =	simm.s32 @!p1 $0x1082;
	[sflag:s4] =	ssyncset.s32 $0xFFFFF086  }
0x25: {  	[simem:s6], [sflag:s4] =	dma.local [hbm:s3], $0xF7A  }
0x26: {  	[smem:$0x3F9D] =	sst s1;
	(tag) =	ssettag s2;
	_ =	strace s9  }
0x27: {  	s1 =	sld [smem:$0x3FAD]  }
0x28: {  	s2 =	sld [smem:$0x3FAE]  }
0x29: {  	s4 =	sld [smem:$0x3FB0]  }
0x2a: {  	p0 =	seq.s32 s5, $0x0;
	s5 =	sld [smem:$0x3FB1]  }
0x2b: {  	s6 =	sld [smem:$0x3FB2]  }
0x2c: {  	s7 =	sld [smem:$0x3FB3]  }
0x2d: {  	s3 =	simm.s32 $0x108;
	s8 =	sld [smem:$0x3FB4]  }
0x2e: {  	s3 =	simm.s32 @!p0 $0x1082;
	s9 =	sld [smem:$0x3FB5]  }
0x2f: {  	lr =	sadd.s32 s0, s3;
	s0 =	sld [smem:$0x3FAC]  }
0x30: {  	s3 =	sld [smem:$0x3FAF]  }
0x31: {  	[smem:$0x3FB8] =	sst s10  }
0x32: {  	s10 =	sld [smem:$0x3FB6];
	_ =	sdelay $0x3  }
0x33: {  	p0 =	seq.s32 s10, $0x1;
	s10 =	sld [smem:$0x3FB8];
	_ =	sdelay $0x3  }
0x34: {  	[smem:$0x3FB8] =	sst s10  }
0x35: {  	s10 =	sld [smem:$0x3FB7];
	_ =	sdelay $0x3  }
0x36: {  	p1 =	seq.s32 s10, $0x1;
	s10 =	sld [smem:$0x3FB8];
	_ =	sdelay $0x3  }
0x37: {  	[smem:$0x3FB8] =	sst s10  }
0x38: {  	s10 =	sld [smem:$0x3FB9]  }
0x39: {  	_ = 	snop;
	(pc) =	sbr.ind lr, $3  }
0x3a: {  	_ = 	snop  }
0x3b: {  	_ = 	snop  }
0x3c: {  	p2 =	seq.s32 s10, $0x1;
	s10 =	sld [smem:$0x3FB8]  }
0x3d: {  	_ =	shalt  }
0x3e: {  	_ =	shalt  }
0x3f: {  	_ =	shalt  }
0x40: {  	_ =	shalt  }
0x41: {  	_ =	shalt  }
0x42: {  	_ =	shalt  }
0x43: {  	_ =	shalt  }
0x44: {  	_ =	shalt  }
0x45: {  	_ =	shalt  }
0x46: {  	_ =	shalt  }
0x47: {  	_ =	shalt  }
0x48: {  	_ =	shalt  }
0x49: {  	_ =	shalt  }
0x4a: {  	_ =	shalt  }
0x4b: {  	_ =	shalt  }
0x4c: {  	_ =	shalt  }
0x4d: {  	_ =	shalt  }
0x4e: {  	_ =	shalt  }
0x4f: {  	_ =	shalt  }
0x50: {  	_ =	shalt  }
0x51: {  	_ =	shalt  }
0x52: {  	_ =	shalt  }
0x53: {  	_ =	shalt  }
0x54: {  	_ =	shalt  }
0x55: {  	_ =	shalt  }
0x56: {  	_ =	shalt  }
0x57: {  	_ =	shalt  }
0x58: {  	_ =	shalt  }
0x59: {  	_ =	shalt  }
0x5a: {  	_ =	shalt  }
0x5b: {  	_ =	shalt  }
0x5c: {  	_ =	shalt  }
0x5d: {  	_ =	shalt  }
0x5e: {  	_ =	shalt  }
0x5f: {  	_ =	shalt  }
0x60: {  	_ =	shalt  }
0x61: {  	_ =	shalt  }
0x62: {  	_ =	shalt  }
0x63: {  	_ =	shalt  }
0x64: {  	_ =	shalt  }
0x65: {  	_ =	shalt  }
0x66: {  	_ =	shalt  }
0x67: {  	_ =	shalt  }
0x68: {  	_ =	shalt  }
0x69: {  	_ =	shalt  }
0x6a: {  	_ =	shalt  }
0x6b: {  	_ =	shalt  }
0x6c: {  	_ =	shalt  }
0x6d: {  	_ =	shalt  }
0x6e: {  	_ =	shalt  }
0x6f: {  	_ =	shalt  }
0x70: {  	_ =	shalt  }
0x71: {  	_ =	shalt  }
0x72: {  	_ =	shalt  }
0x73: {  	_ =	shalt  }
0x74: {  	_ =	shalt  }
0x75: {  	_ =	shalt  }
0x76: {  	_ =	shalt  }
0x77: {  	_ =	shalt  }
0x78: {  	_ =	shalt  }
0x79: {  	_ =	shalt  }
0x7a: {  	_ =	shalt  }
0x7b: {  	_ =	shalt  }
0x7c: {  	_ =	shalt  }
0x7d: {  	_ =	shalt  }
0x7e: {  	_ =	shalt  }
0x7f: {  	_ =	shalt  }
0x80: {  	_ =	shalt  }
0x81: {  	_ =	shalt  }
0x82: {  	_ =	shalt  }
0x83: {  	_ =	shalt  }
0x84: {  	_ =	shalt  }
0x85: {  	_ =	shalt  }
0x86: {  	_ =	shalt  }
0x87: {  	_ =	shalt  }
.Lfunc_end0:
.L_simem_size_0:
called_computation_lowered:
.L_overlay_start_0:
0x88: {  	s2 =	sld [smem:$0x3FD9]  }
0x89: {  	s3 =	sld [smem:$0x3FFE];
	_ =	sdelay $0x1  }
0x8a: {  	s1 =	srdreg.scid  }
0x8b: {  	s0 =	sand.u32 $0x1, s1  }
0x8c: {  	s17 =	sshll.u32 s0, $0xA;
	s2 =	sadd.s32 s3, s2  }
0x8d: {  	s2 =	sadd.s32 s2, s17  }
0x8e: {  	[smem:$0x3FC4] =	sst s2  }
0x8f: {  	_ = 	snop  }
0x90: {  	s2 =	sld [smem:$0x3FC8]  }
0x91: {  	s18 =	sld [smem:$0x3FD0];
	(tm) =	ssettm $0x1  }
0x92: {  	s4 =	sld [smem:$0x3FFB];
	_ =	sdelay $0x3  }
0x93: {  	_ =	strace s4  }
0x94: {  	s4 =	sld [smem:$0x3FFC];
	_ =	sdelay $0x3  }
0x95: {  	_ =	strace s4  }
0x96: {  	s4 =	sld [smem:$0x3FFD];
	_ =	sdelay $0x3  }
0x97: {  	_ =	strace s4  }
0x98: {  	_ =	strace $0x8FFFFFFF  }
0x99: {  	s19 =	sld [smem:$0x3FDB];
	_ =	sdelay $0x1  }
0x9a: {  	s5 =	simm.s32 $_scs_section_size  }
0x9b: {  	s6 =	simm.s32 $_size__tile_overlayer_lowered;
	s7 =	simm.s32 $_tile_overlayer_lowered  }
0x9c: {  	s22 =	simm.s32 $0x1BFF;
	s21 =	sshll.u32 s7, $0x1;
	s4 =	sadd.s32 s5, s19  }
0x9d: {  	s8 =	simm.s32 $0x0;
	s20 =	sshll.u32 s6, $0x1;
	s6 =	sadd.s32 s21, s4  }
0x9e: {  	[timem:s8], [sflag:s22] =	dma.local [hbm:s6], s20  }
0x9f: {  	_ =	swait.ge [sflag:s22], s20  }
0xa0: {  	s5 =	ssub.s32 $0x0, s20;
	[sflag:s22] =	ssyncset.done $0x0  }
0xa1: {  	[sflag:s22] =	ssyncadd.s32 s5;
	_ =	sdelay $0x1  }
0xa2: {  	s23 =	simm.s32 $0x1B8B  }
0xa3: {  	_ =	swait.ge [sflag:s23], $0x1  }
0xa4: {  	[sflag:s23] =	ssyncset.done $0x0  }
0xa5: {  	s25 =	simm.s32 $0x1B8E;
	s24 =	sld [smem:$0x3FFE];
	[sflag:s23] =	ssyncadd.s32 $0xFFFFFFFF  }
0xa6: {  	s26 =	simm.s32 $execute0_lowered;
	[smem:$0x3FD2] =	sst s25  }
0xa7: {  	s6 =	sshll.u32 s26, $0x1;
	_ =	strace $0x80000046;
	[dreg:$0x1] =	wrdreg $0xFFFFFFFF  }
0xa8: {  	s28 =	simm.s32 $_size_execute0_lowered;
	s4 =	sadd.s32 s4, s6;
	[dreg:$0x0] =	wrdreg $0x0  }
0xa9: {  	s6 =	sshll.u32 s28, $0x1;
	[dreg:$0x2] =	wrdreg s4  }
0xaa: {  	[dreg:$0x3] =	wrdreg s6  }
0xab: {  	[dreg:$0x4] =	wrdreg $0xC0  }
0xac: {  	_ =	task [dreg:s8], $0x5FFFF  }
0xad: {  	[dreg:$0x1] =	wrdreg $0xFFFFFFFF  }
0xae: {  	[dreg:$0x0] =	wrdreg $0x60  }
0xaf: {  	[dreg:$0x2] =	wrdreg s2  }
0xb0: {  	[dreg:$0x3] =	wrdreg s18  }
0xb1: {  	[dreg:$0x4] =	wrdreg s24  }
0xb2: {  	[dreg:$0x5] =	wrdreg $0x52000  }
0xb3: {  	[dreg:$0x6] =	wrdreg $0x9  }
0xb4: {  	_ =	task.clear_ibuf [dreg:s8], $0x7FFFF;
	_ =	strace $0x90000046  }
0xb5: {  	s29 =	simm.s32 $0x9;
	_ =	strace $0x80000048  }
0xb6: {  	_ =	swait.ge [sflag:s29], $0x1  }
0xb7: {  	[sflag:s29] =	ssyncadd.s32 $0xFFFFFFFF  }
0xb8: {  	_ =	strace $0x90000048  }
0xb9: {  	_ =	sfence  }
0xba: {  	s30 =	sld [smem:$0x0];
	_ =	sdelay $0x2  }
0xbb: {  	s31 =	sshll.u32 s1, $0xD;
	s1 =	sshrl.u32 s1, $0x2  }
0xbc: {  	s3 =	sand.u32 $0x4000, s31;
	s1 =	sadd.s32 s1, s30  }
0xbd: {  	s0 =	sor.u32 s3, s0;
	s1 =	sshll.u32 s1, $0x11  }
0xbe: {  	s0 =	sor.u32 s1, s0  }
0xbf: {  	s0 =	sadd.s32 $0x8F2B, s0  }
0xc0: {  	[sflag:s0] =	ssyncadd.remote.s32 $0x1  }
0xc1: {  	_ =	sfence.sel $0xFFFF  }
0xc2: {  	[dreg:$0x0] =	wrdreg $0xFFFFFFFF;
	(pc) =	sbr.abs _section_cstart, $3  }
0xc3: {  	[dreg:$0x1] =	wrdreg $0xFFFFFFFF  }
0xc4: {  	_ =	task.clear_ibuf [dreg:s8], $0x2FFFF;
	_ =	strace $0x9FFFFFFF  }
0xc5: {  	(tm) =	ssettm $0x7FFFFFFF  }
tec
execute0_lowered:
.L_overlay_start_1:
0x0: {  	(tag) =	ssettag $0x1  }
0x1: {  	s0 =	rddreg [dreg:$0x0]  }
0x2: {  	s3 =	rddreg [dreg:$0x1]  }
0x3: {  	s4 =	rddreg [dreg:$0x2]  }
0x4: {  	s1 =	rddreg [dreg:$0x3];
	s2 =	srdreg.scid;
	s7 =	simm.s32 $0x0  }
0x5: {  	s13 =	simm.s32 $0x4F00;
	s14 =	simm.s32 $0x1;
	s15 =	simm.s32 $0x4700  }
0x6: {  	s16 =	simm.s32 $0x4780;
	s17 =	simm.s32 $0x4800;
	s18 =	simm.s32 $0x4880  }
0x7: {  	s19 =	simm.s32 $0x4900;
	s20 =	simm.s32 $0x4980;
	s21 =	simm.s32 $0x4A00  }
0x8: {  	s22 =	simm.s32 $0x4A80;
	s28 =	simm.s32 $0x4D00;
	s29 =	simm.s32 $0x4D80  }
0x9: {  	s30 =	simm.s32 $0x0;
	s6 =	sand.u32 $0x1, s2;
	s2 =	stileid.u32  }
0xa: {  	[smem:$0x7FF] =	sst s7;
	s12 =	sadd.s32 $0x2200, s4;
	s5 =	sshll.u32 s6, $0x4  }
0xb: {  	_ =	strace $0x80000047;
	s23 =	ssub.s32 $0x2, s6;
	s10 =	smul.u32 $0x280, s2  }
0xc: {  	s26 =	sshll.u32 s2, $0x5;
	p0 =	seq.s32 s6, $0x1;
	s9 =	sor.u32 s2, s5  }
0xd: {  	s8 =	sshrl.u32 s23, $0x1;
	s3 =	smov.u32 @p0 s12;
	s24 =	smul.u32 $0x4E, s9  }
0xe: {  	s11 =	smin.u32 s9, $0x4;
	s8 =	ssub.s32 s23, s8;
	s4 =	sadd.s32 s10, s1  }
0xf: {  	s31 =	sshrl.u32 s10, $0x3;
	p0 =	sgt.u32 s9, $0x3;
	s10 =	simm.s32 $0x2  }
0x10: {  	s23 =	simm.s32 $0x4B00;
	s7 =	smax.u32 s8, $0x1;
	s25 =	sadd.s32 s11, s24  }
0x11: {  	s8 =	sadd.s32 s3, s31;
	s11 =	simm.s32 $0x80;
	s5 =	sshll.u32 s25, $0x5  }
0x12: {  	s24 =	simm.s32 $0x4B80;
	s5 =	sadd.s32 s0, s5;
	s0 =	sadd.s32 s26, s0  }
0x13: {  	v0 =	vimm.f32 $0.0e+00;
	v1 =	vimm.f32 $1.000000000e+00;
	s25 =	simm.s32 $0x4C00;
	s26 =	simm.s32 $0x4C80;
	s6 =	sadd.s32 $0x13800, s0  }
.LBB2_1:
0x14: {  	[tilespmem:$0x4F80] =	vst v0  }
0x15: {  	[tilespmem:$0x4F90] =	vst v0  }
0x16: {  	[tilespmem:$0x4FA0] =	vst v0  }
0x17: {  	[tilespmem:$0x4FB0] =	vst v0  }
0x18: {  	[tilespmem:$0x4FC0] =	vst v0  }
0x19: {  	[tilespmem:$0x4FD0] =	vst v0  }
0x1a: {  	[tilespmem:$0x4FE0] =	vst v0  }
0x1b: {  	[tilespmem:$0x4FF0] =	vst v0  }
0x1c: {  	[tilespmem:$0x5000] =	vst v0  }
0x1d: {  	[tilespmem:$0x5010] =	vst v0  }
0x1e: {  	[tilespmem:$0x5020] =	vst v0  }
0x1f: {  	[tilespmem:$0x5030] =	vst v0  }
0x20: {  	[tilespmem:$0x5040] =	vst v0  }
0x21: {  	[tilespmem:$0x5050] =	vst v0  }
0x22: {  	[tilespmem:$0x5060] =	vst v0  }
0x23: {  	[tilespmem:$0x5070] =	vst v0  }
0x24: {  	[tilespmem:$0x5080] =	vst v0  }
0x25: {  	[tilespmem:$0x5090] =	vst v0  }
0x26: {  	[tilespmem:$0x50A0] =	vst v0  }
0x27: {  	[tilespmem:$0x50B0] =	vst v0  }
0x28: {  	[tilespmem:$0x50C0] =	vst v0  }
0x29: {  	[tilespmem:$0x50D0] =	vst v0  }
0x2a: {  	[tilespmem:$0x50E0] =	vst v0  }
0x2b: {  	[tilespmem:$0x50F0] =	vst v0  }
0x2c: {  	[tilespmem:$0x5100] =	vst v0  }
0x2d: {  	[tilespmem:$0x5110] =	vst v0  }
0x2e: {  	[tilespmem:$0x5120] =	vst v0  }
0x2f: {  	[tilespmem:$0x5130] =	vst v0  }
0x30: {  	[tilespmem:$0x5140] =	vst v0  }
0x31: {  	[tilespmem:$0x5150] =	vst v0  }
0x32: {  	[tilespmem:$0x5160] =	vst v0  }
0x33: {  	[tilespmem:$0x5170] =	vst v0  }
0x34: {  	[tilespmem:$0x5180] =	vst v0  }
0x35: {  	[tilespmem:$0x5190] =	vst v0  }
0x36: {  	[tilespmem:$0x51A0] =	vst v0  }
0x37: {  	[tilespmem:$0x51B0] =	vst v0  }
0x38: {  	[tilespmem:$0x51C0] =	vst v0  }
0x39: {  	[tilespmem:$0x51D0] =	vst v0  }
0x3a: {  	[tilespmem:$0x51E0] =	vst v0  }
0x3b: {  	[tilespmem:$0x51F0] =	vst v0  }
0x3c: {  	[tilespmem:$0x4F00] =	vst v1  }
0x3d: {  	[tilespmem:$0x4F10] =	vst v1  }
0x3e: {  	[tilespmem:$0x4F20] =	vst v1  }
0x3f: {  	[tilespmem:$0x4F30] =	vst v1  }
0x40: {  	[tilespmem:$0x4F40] =	vst v1  }
0x41: {  	[tilespmem:$0x4F50] =	vst v1  }
0x42: {  	[tilespmem:$0x4F60] =	vst v1  }
0x43: {  	[tilespmem:$0x4F70] =	vst v1;
	s0 =	simm.s32 $0x4F80  }
0x44: {  	[spmem:s4] =	stream.linear.scatter [tilespmem:s0], [sflag:$0x2], $0x280, $0x38;
	[tilespmem:$0x5480] =	vst v63  }
0x45: {  	_ =	swait.ge [sflag:s10], $0x280  }
0x46: {  	[sflag:s10] =	ssyncset.done $0x0  }
0x47: {  	s12 =	simm.s32 $0x0;
	s3 =	simm.s32 $0x100;
	[sflag:s10] =	ssyncadd.s32 $0xFFFFFD80  }
0x48: {  	[tilespmem:s12], [sflag:$0x2] =	stream.strided.gather [hbm4b:s5+s11], $0x2700, s3, s11, $0x38;
	[tilespmem:$0x5480] =	vst v63  }
0x49: {  	_ =	swait.ge [sflag:s10], $0x2700  }
0x4a: {  	[sflag:s10] =	ssyncset.done $0x0  }
0x4b: {  	s0 =	simm.s32 @!p0 $0x0;
	s3 =	simm.s32 @!p0 $0x4E00;
	[sflag:s10] =	ssyncadd.s32 $0xFFFFD900  }
0x4c: {  	[tilespmem:s3], [sflag:$0x2] =	stream.linear.gather @!p0 [hbm4b:s6+s0], $0x80, $0x38;
	[tilespmem:$0x5480] =	vst v63  }
0x4d: {  	s0 =	simm.s32 @!p0 $0x2  }
0x4e: {  	_ =	swait.ge @!p0 [sflag:s0], $0x80  }
0x4f: {  	[sflag:s0] =	ssyncset.done @!p0 $0x0  }
0x50: {  	[sflag:s0] =	ssyncadd.s32 @!p0 $0xFFFFFF80;
	s0 =	simm.s32 $0x0  }
0x51: {  	v5 =	vld [tilespmem:s0+$0x70]  }
0x52: {  	v6 =	vld [tilespmem:s0+$0x0]  }
0x53: {  	v7 =	vld [tilespmem:s0+$0x10]  }
0x54: {  	v4 =	vld [tilespmem:s0+$0x20]  }
0x55: {  	v2 =	vld [tilespmem:s0+$0x30]  }
0x56: {  	v3 =	vld [tilespmem:s0+$0x40];
	[tilespmem:s0+$0x2770] =	vst v5  }
0x57: {  	[tilespmem:s0+$0x2700] =	vst v6;
	v5 =	vld [tilespmem:s0+$0x50]  }
0x58: {  	s31 =	simm.s32 $0x400;
	s3 =	simm.s32 $0x80;
	[tilespmem:s0+$0x2710] =	vst v7;
	v6 =	vld [tilespmem:s0+$0x60]  }
.LBB2_2:
0x59: {  	p1 =	sne.s32 s31, $0x9A00;
	v7 =	vld [tilespmem:s3+$0x70];
	[tilespmem:s0+$0x2720] =	vst v4  }
0x5a: {  	v8 =	vld [tilespmem:s3+$0x0];
	[tilespmem:s0+$0x2730] =	vst v2  }
0x5b: {  	v9 =	vld [tilespmem:s3+$0x10];
	[tilespmem:s0+$0x2740] =	vst v3  }
.Ltmp0:
0x5c: {  	v4 =	vld [tilespmem:s3+$0x20];
	[tilespmem:s0+$0x2750] =	vst v5;
	(pc) =	sbr.rel @p1 .LBB2_2-.Ltmp0, $4  }
0x5d: {  	v2 =	vld [tilespmem:s3+$0x30];
	[tilespmem:s0+$0x2760] =	vst v6;
	s0 =	smov.u32 s3  }
0x5e: {  	v3 =	vld [tilespmem:s0+$0x40];
	[tilespmem:s0+$0x2770] =	vst v7  }
0x5f: {  	[tilespmem:s0+$0x2700] =	vst v8;
	v5 =	vld [tilespmem:s0+$0x50]  }
0x60: {  	s3 =	sshra.s32 s31, $0x2;
	s31 =	sadd.s32 $0x200, s31;
	[tilespmem:s0+$0x2710] =	vst v9;
	v6 =	vld [tilespmem:s0+$0x60]  }
0x61: {  	v7 =	vld [tilespmem:s3+$0x70];
	[tilespmem:s0+$0x2720] =	vst v4  }
0x62: {  	v4 =	vld [tilespmem:s3+$0x0];
	[tilespmem:s0+$0x2730] =	vst v2  }
0x63: {  	v2 =	vld [tilespmem:s3+$0x10];
	[tilespmem:s0+$0x2740] =	vst v3  }
0x64: {  	v3 =	vld [tilespmem:s3+$0x20];
	[tilespmem:s0+$0x2750] =	vst v5  }
0x65: {  	v5 =	vld [tilespmem:s3+$0x30];
	[tilespmem:s0+$0x2760] =	vst v6  }
0x66: {  	v6 =	vld [tilespmem:s3+$0x40];
	[tilespmem:s3+$0x2770] =	vst v7  }
0x67: {  	v63 =	vld [tilespmem:s3+$0x50];
	[tilespmem:s3+$0x2700] =	vst v4  }
0x68: {  	[tilespmem:s3+$0x2710] =	vst v2;
	v2 =	vld [tilespmem:s3+$0x60]  }
0x69: {  	[tilespmem:s3+$0x2720] =	vst v3  }
0x6a: {  	[tilespmem:s3+$0x2730] =	vst v5  }
0x6b: {  	[tilespmem:s3+$0x2740] =	vst v6  }
0x6c: {  	[tilespmem:s3+$0x2750] =	vst v63  }
0x6d: {  	[tilespmem:s3+$0x2760] =	vst v2  }
0x6e: {  	s12 =	simm.s32 $0x2700;
	[bflag:$0x0] =	sbarrier.arrive $0xFFFF  }
0x6f: {  	[spmem:s1] =	stream.indirect.scatter.add.f32 [tilespmem:s13], [sflag:$0x1], $0x1, s12, s11, $0xb8;
	[tilespmem:$0x5480] =	vst v63  }
0x70: {  	s3 =	simm.s32 $0x2780  }
0x71: {  	[spmem:s1] =	stream.indirect.scatter.add.f32 [tilespmem:s13], [sflag:$0x1], $0x1, s3, s11, $0xb8;
	[tilespmem:$0x5480] =	vst v63  }
0x72: {  	s9 =	simm.s32 $0x2800  }
0x73: {  	[spmem:s1] =	stream.indirect.scatter.add.f32 [tilespmem:s13], [sflag:$0x1], $0x1, s9, s11, $0xb8;
	[tilespmem:$0x5480] =	vst v63  }
0x74: {  	s12 =	simm.s32 $0x2880  }
0x75: {  	[spmem:s1] =	stream.indirect.scatter.add.f32 [tilespmem:s13], [sflag:$0x1], $0x1, s12, s11, $0xb8;
	[tilespmem:$0x5480] =	vst v63  }
0x76: {  	s3 =	simm.s32 $0x2900  }
0x77: {  	[spmem:s1] =	stream.indirect.scatter.add.f32 [tilespmem:s13], [sflag:$0x1], $0x1, s3, s11, $0xb8;
	[tilespmem:$0x5480] =	vst v63  }
0x78: {  	s9 =	simm.s32 $0x2980  }
0x79: {  	[spmem:s1] =	stream.indirect.scatter.add.f32 [tilespmem:s13], [sflag:$0x1], $0x1, s9, s11, $0xb8;
	[tilespmem:$0x5480] =	vst v63  }
0x7a: {  	s12 =	simm.s32 $0x2A00  }
0x7b: {  	[spmem:s1] =	stream.indirect.scatter.add.f32 [tilespmem:s13], [sflag:$0x1], $0x1, s12, s11, $0xb8;
	[tilespmem:$0x5480] =	vst v63  }
0x7c: {  	s3 =	simm.s32 $0x2A80  }
0x7d: {  	[spmem:s1] =	stream.indirect.scatter.add.f32 [tilespmem:s13], [sflag:$0x1], $0x1, s3, s11, $0xb8;
	[tilespmem:$0x5480] =	vst v63  }
0x7e: {  	s9 =	simm.s32 $0x2B00  }
0x7f: {  	[spmem:s1] =	stream.indirect.scatter.add.f32 [tilespmem:s13], [sflag:$0x1], $0x1, s9, s11, $0xb8;
	[tilespmem:$0x5480] =	vst v63  }
0x80: {  	s12 =	simm.s32 $0x2B80  }
0x81: {  	[spmem:s1] =	stream.indirect.scatter.add.f32 [tilespmem:s13], [sflag:$0x1], $0x1, s12, s11, $0xb8;
	[tilespmem:$0x5480] =	vst v63  }
0x82: {  	s3 =	simm.s32 $0x2C00  }
0x83: {  	[spmem:s1] =	stream.indirect.scatter.add.f32 [tilespmem:s13], [sflag:$0x1], $0x1, s3, s11, $0xb8;
	[tilespmem:$0x5480] =	vst v63  }
0x84: {  	s9 =	simm.s32 $0x2C80  }
0x85: {  	[spmem:s1] =	stream.indirect.scatter.add.f32 [tilespmem:s13], [sflag:$0x1], $0x1, s9, s11, $0xb8;
	[tilespmem:$0x5480] =	vst v63  }
0x86: {  	s12 =	simm.s32 $0x2D00  }
0x87: {  	[spmem:s1] =	stream.indirect.scatter.add.f32 [tilespmem:s13], [sflag:$0x1], $0x1, s12, s11, $0xb8;
	[tilespmem:$0x5480] =	vst v63  }
0x88: {  	s3 =	simm.s32 $0x2D80  }
0x89: {  	[spmem:s1] =	stream.indirect.scatter.add.f32 [tilespmem:s13], [sflag:$0x1], $0x1, s3, s11, $0xb8;
	[tilespmem:$0x5480] =	vst v63  }
0x8a: {  	s9 =	simm.s32 $0x2E00  }
0x8b: {  	[spmem:s1] =	stream.indirect.scatter.add.f32 [tilespmem:s13], [sflag:$0x1], $0x1, s9, s11, $0xb8;
	[tilespmem:$0x5480] =	vst v63  }
0x8c: {  	s12 =	simm.s32 $0x2E80  }
0x8d: {  	[spmem:s1] =	stream.indirect.scatter.add.f32 [tilespmem:s13], [sflag:$0x1], $0x1, s12, s11, $0xb8;
	[tilespmem:$0x5480] =	vst v63  }
0x8e: {  	_ =	swait.ge [sflag:s14], $0x80  }
0x8f: {  	[sflag:s14] =	ssyncset.done $0x0  }
0x90: {  	[sflag:s14] =	ssyncadd.s32 $0xFFFFFF80  }
0x91: {  	_ =	swait.ge [sflag:s14], $0x80  }
0x92: {  	[sflag:s14] =	ssyncset.done $0x0  }
0x93: {  	[sflag:s14] =	ssyncadd.s32 $0xFFFFFF80  }
0x94: {  	_ =	swait.ge [sflag:s14], $0x80  }
0x95: {  	[sflag:s14] =	ssyncset.done $0x0  }
0x96: {  	[sflag:s14] =	ssyncadd.s32 $0xFFFFFF80  }
0x97: {  	_ =	swait.ge [sflag:s14], $0x80  }
0x98: {  	[sflag:s14] =	ssyncset.done $0x0  }
0x99: {  	[sflag:s14] =	ssyncadd.s32 $0xFFFFFF80  }
0x9a: {  	_ =	swait.ge [sflag:s14], $0x80  }
0x9b: {  	[sflag:s14] =	ssyncset.done $0x0  }
0x9c: {  	[sflag:s14] =	ssyncadd.s32 $0xFFFFFF80  }
0x9d: {  	_ =	swait.ge [sflag:s14], $0x80  }
0x9e: {  	[sflag:s14] =	ssyncset.done $0x0  }
0x9f: {  	[sflag:s14] =	ssyncadd.s32 $0xFFFFFF80  }
0xa0: {  	_ =	swait.ge [sflag:s14], $0x80  }
0xa1: {  	[sflag:s14] =	ssyncset.done $0x0  }
0xa2: {  	[sflag:s14] =	ssyncadd.s32 $0xFFFFFF80  }
0xa3: {  	_ =	swait.ge [sflag:s14], $0x80  }
0xa4: {  	[sflag:s14] =	ssyncset.done $0x0  }
0xa5: {  	[sflag:s14] =	ssyncadd.s32 $0xFFFFFF80  }
0xa6: {  	_ =	swait.ge [sflag:s14], $0x80  }
0xa7: {  	[sflag:s14] =	ssyncset.done $0x0  }
0xa8: {  	[sflag:s14] =	ssyncadd.s32 $0xFFFFFF80  }
0xa9: {  	_ =	swait.ge [sflag:s14], $0x80  }
0xaa: {  	[sflag:s14] =	ssyncset.done $0x0  }
0xab: {  	[sflag:s14] =	ssyncadd.s32 $0xFFFFFF80  }
0xac: {  	_ =	swait.ge [sflag:s14], $0x80  }
0xad: {  	[sflag:s14] =	ssyncset.done $0x0  }
0xae: {  	[sflag:s14] =	ssyncadd.s32 $0xFFFFFF80  }
0xaf: {  	_ =	swait.ge [sflag:s14], $0x80  }
0xb0: {  	[sflag:s14] =	ssyncset.done $0x0  }
0xb1: {  	[sflag:s14] =	ssyncadd.s32 $0xFFFFFF80  }
0xb2: {  	_ =	swait.ge [sflag:s14], $0x80  }
0xb3: {  	[sflag:s14] =	ssyncset.done $0x0  }
0xb4: {  	[sflag:s14] =	ssyncadd.s32 $0xFFFFFF80  }
0xb5: {  	_ =	swait.ge [sflag:s14], $0x80  }
0xb6: {  	[sflag:s14] =	ssyncset.done $0x0  }
0xb7: {  	[sflag:s14] =	ssyncadd.s32 $0xFFFFFF80  }
0xb8: {  	_ =	swait.ge [sflag:s14], $0x80  }
0xb9: {  	[sflag:s14] =	ssyncset.done $0x0  }
0xba: {  	[sflag:s14] =	ssyncadd.s32 $0xFFFFFF80  }
0xbb: {  	_ =	swait.ge [sflag:s14], $0x80  }
0xbc: {  	s31 =	simm.s32 $0x4000;
	s3 =	simm.s32 $0x800;
	[sflag:s14] =	ssyncset.done $0x0  }
.LBB2_4:
0xbd: {  	s12 =	sadd.s32 $0x2700, s3  }
0xbe: {  	[sflag:s14] =	ssyncadd.s32 $0xFFFFFF80;
	s0 =	smov.u32 s31;
	s9 =	sadd.s32 $0x2000, s31  }
0xbf: {  	[spmem:s1] =	stream.indirect.scatter.add.f32 [tilespmem:s13], [sflag:$0x1], $0x1, s12, s11, $0xb8;
	[tilespmem:$0x5480] =	vst v63  }
0xc0: {  	p1 =	sne.s32 s31, $0x6000;
	s12 =	sadd.s32 $0x2780, s3  }
0xc1: {  	[spmem:s1] =	stream.indirect.scatter.add.f32 [tilespmem:s13], [sflag:$0x1], $0x1, s12, s11, $0xb8;
	[tilespmem:$0x5480] =	vst v63  }
0xc2: {  	s12 =	sadd.s32 $0x2800, s3  }
0xc3: {  	[spmem:s1] =	stream.indirect.scatter.add.f32 [tilespmem:s13], [sflag:$0x1], $0x1, s12, s11, $0xb8;
	[tilespmem:$0x5480] =	vst v63  }
0xc4: {  	s12 =	sadd.s32 $0x2880, s3  }
0xc5: {  	[spmem:s1] =	stream.indirect.scatter.add.f32 [tilespmem:s13], [sflag:$0x1], $0x1, s12, s11, $0xb8;
	[tilespmem:$0x5480] =	vst v63  }
0xc6: {  	s12 =	sadd.s32 $0x2900, s3  }
0xc7: {  	[spmem:s1] =	stream.indirect.scatter.add.f32 [tilespmem:s13], [sflag:$0x1], $0x1, s12, s11, $0xb8;
	[tilespmem:$0x5480] =	vst v63  }
0xc8: {  	s12 =	sadd.s32 $0x2980, s3  }
0xc9: {  	[spmem:s1] =	stream.indirect.scatter.add.f32 [tilespmem:s13], [sflag:$0x1], $0x1, s12, s11, $0xb8;
	[tilespmem:$0x5480] =	vst v63  }
0xca: {  	s12 =	sadd.s32 $0x2A00, s3  }
0xcb: {  	[spmem:s1] =	stream.indirect.scatter.add.f32 [tilespmem:s13], [sflag:$0x1], $0x1, s12, s11, $0xb8;
	[tilespmem:$0x5480] =	vst v63  }
0xcc: {  	s12 =	sadd.s32 $0x2A80, s3  }
0xcd: {  	[spmem:s1] =	stream.indirect.scatter.add.f32 [tilespmem:s13], [sflag:$0x1], $0x1, s12, s11, $0xb8;
	[tilespmem:$0x5480] =	vst v63  }
0xce: {  	s12 =	sadd.s32 $0x2B00, s3  }
0xcf: {  	[spmem:s1] =	stream.indirect.scatter.add.f32 [tilespmem:s13], [sflag:$0x1], $0x1, s12, s11, $0xb8;
	[tilespmem:$0x5480] =	vst v63  }
0xd0: {  	s12 =	sadd.s32 $0x2B80, s3  }
0xd1: {  	[spmem:s1] =	stream.indirect.scatter.add.f32 [tilespmem:s13], [sflag:$0x1], $0x1, s12, s11, $0xb8;
	[tilespmem:$0x5480] =	vst v63  }
0xd2: {  	s12 =	sadd.s32 $0x2C00, s3  }
0xd3: {  	[spmem:s1] =	stream.indirect.scatter.add.f32 [tilespmem:s13], [sflag:$0x1], $0x1, s12, s11, $0xb8;
	[tilespmem:$0x5480] =	vst v63  }
0xd4: {  	s12 =	sadd.s32 $0x2C80, s3  }
0xd5: {  	[spmem:s1] =	stream.indirect.scatter.add.f32 [tilespmem:s13], [sflag:$0x1], $0x1, s12, s11, $0xb8;
	[tilespmem:$0x5480] =	vst v63  }
0xd6: {  	s12 =	sadd.s32 $0x2D00, s3  }
0xd7: {  	[spmem:s1] =	stream.indirect.scatter.add.f32 [tilespmem:s13], [sflag:$0x1], $0x1, s12, s11, $0xb8;
	[tilespmem:$0x5480] =	vst v63  }
0xd8: {  	s12 =	sadd.s32 $0x2D80, s3  }
0xd9: {  	[spmem:s1] =	stream.indirect.scatter.add.f32 [tilespmem:s13], [sflag:$0x1], $0x1, s12, s11, $0xb8;
	[tilespmem:$0x5480] =	vst v63  }
0xda: {  	s12 =	sadd.s32 $0x2E00, s3  }
0xdb: {  	[spmem:s1] =	stream.indirect.scatter.add.f32 [tilespmem:s13], [sflag:$0x1], $0x1, s12, s11, $0xb8;
	[tilespmem:$0x5480] =	vst v63  }
0xdc: {  	s3 =	sadd.s32 $0x2E80, s3  }
0xdd: {  	[spmem:s1] =	stream.indirect.scatter.add.f32 [tilespmem:s13], [sflag:$0x1], $0x1, s3, s11, $0xb8;
	[tilespmem:$0x5480] =	vst v63  }
0xde: {  	_ =	swait.ge [sflag:s14], $0x80  }
0xdf: {  	[sflag:s14] =	ssyncset.done $0x0  }
0xe0: {  	[sflag:s14] =	ssyncadd.s32 $0xFFFFFF80  }
0xe1: {  	_ =	swait.ge [sflag:s14], $0x80  }
0xe2: {  	[sflag:s14] =	ssyncset.done $0x0  }
0xe3: {  	[sflag:s14] =	ssyncadd.s32 $0xFFFFFF80  }
0xe4: {  	_ =	swait.ge [sflag:s14], $0x80  }
0xe5: {  	[sflag:s14] =	ssyncset.done $0x0  }
0xe6: {  	[sflag:s14] =	ssyncadd.s32 $0xFFFFFF80  }
0xe7: {  	_ =	swait.ge [sflag:s14], $0x80  }
0xe8: {  	[sflag:s14] =	ssyncset.done $0x0  }
0xe9: {  	[sflag:s14] =	ssyncadd.s32 $0xFFFFFF80  }
0xea: {  	_ =	swait.ge [sflag:s14], $0x80  }
0xeb: {  	[sflag:s14] =	ssyncset.done $0x0  }
0xec: {  	[sflag:s14] =	ssyncadd.s32 $0xFFFFFF80  }
0xed: {  	_ =	swait.ge [sflag:s14], $0x80  }
0xee: {  	[sflag:s14] =	ssyncset.done $0x0  }
0xef: {  	[sflag:s14] =	ssyncadd.s32 $0xFFFFFF80  }
0xf0: {  	_ =	swait.ge [sflag:s14], $0x80  }
0xf1: {  	[sflag:s14] =	ssyncset.done $0x0  }
0xf2: {  	[sflag:s14] =	ssyncadd.s32 $0xFFFFFF80  }
0xf3: {  	_ =	swait.ge [sflag:s14], $0x80  }
0xf4: {  	[sflag:s14] =	ssyncset.done $0x0  }
0xf5: {  	[sflag:s14] =	ssyncadd.s32 $0xFFFFFF80  }
0xf6: {  	_ =	swait.ge [sflag:s14], $0x80  }
0xf7: {  	[sflag:s14] =	ssyncset.done $0x0  }
0xf8: {  	[sflag:s14] =	ssyncadd.s32 $0xFFFFFF80  }
0xf9: {  	_ =	swait.ge [sflag:s14], $0x80  }
0xfa: {  	[sflag:s14] =	ssyncset.done $0x0  }
0xfb: {  	[sflag:s14] =	ssyncadd.s32 $0xFFFFFF80  }
0xfc: {  	_ =	swait.ge [sflag:s14], $0x80  }
0xfd: {  	[sflag:s14] =	ssyncset.done $0x0  }
0xfe: {  	[sflag:s14] =	ssyncadd.s32 $0xFFFFFF80  }
0xff: {  	_ =	swait.ge [sflag:s14], $0x80  }
0x100: {  	[sflag:s14] =	ssyncset.done $0x0  }
0x101: {  	[sflag:s14] =	ssyncadd.s32 $0xFFFFFF80  }
0x102: {  	_ =	swait.ge [sflag:s14], $0x80  }
0x103: {  	[sflag:s14] =	ssyncset.done $0x0  }
0x104: {  	[sflag:s14] =	ssyncadd.s32 $0xFFFFFF80  }
0x105: {  	_ =	swait.ge [sflag:s14], $0x80  }
0x106: {  	[sflag:s14] =	ssyncset.done $0x0  }
0x107: {  	[sflag:s14] =	ssyncadd.s32 $0xFFFFFF80  }
.Ltmp1:
0x108: {  	_ =	swait.ge [sflag:s14], $0x80;
	(pc) =	sbr.rel @p1 .LBB2_4-.Ltmp1, $4  }
0x109: {  	[sflag:s14] =	ssyncset.done $0x0  }
0x10a: {  	[sflag:s14] =	ssyncadd.s32 $0xFFFFFF80  }
0x10b: {  	_ =	swait.ge [sflag:s14], $0x80  }
0x10c: {  	s31 =	smov.u32 s9;
	s3 =	sshra.s32 s0, $0x2;
	[sflag:s14] =	ssyncset.done $0x0  }
0x10d: {  	s0 =	sadd.s32 $0x2700, s3;
	[sflag:s14] =	ssyncadd.s32 $0xFFFFFF80  }
0x10e: {  	[spmem:s1] =	stream.indirect.scatter.add.f32 [tilespmem:s13], [sflag:$0x1], $0x1, s0, s11, $0xb8;
	[tilespmem:$0x5480] =	vst v63  }
0x10f: {  	s12 =	sadd.s32 $0x2780, s3  }
0x110: {  	[spmem:s1] =	stream.indirect.scatter.add.f32 [tilespmem:s13], [sflag:$0x1], $0x1, s12, s11, $0xb8;
	[tilespmem:$0x5480] =	vst v63  }
0x111: {  	s31 =	sadd.s32 $0x2800, s3  }
0x112: {  	[spmem:s1] =	stream.indirect.scatter.add.f32 [tilespmem:s13], [sflag:$0x1], $0x1, s31, s11, $0xb8;
	[tilespmem:$0x5480] =	vst v63  }
0x113: {  	s9 =	sadd.s32 $0x2880, s3  }
0x114: {  	[spmem:s1] =	stream.indirect.scatter.add.f32 [tilespmem:s13], [sflag:$0x1], $0x1, s9, s11, $0xb8;
	[tilespmem:$0x5480] =	vst v63  }
0x115: {  	s12 =	sadd.s32 $0x2900, s3  }
0x116: {  	[spmem:s1] =	stream.indirect.scatter.add.f32 [tilespmem:s13], [sflag:$0x1], $0x1, s12, s11, $0xb8;
	[tilespmem:$0x5480] =	vst v63  }
0x117: {  	s31 =	sadd.s32 $0x2980, s3  }
0x118: {  	[spmem:s1] =	stream.indirect.scatter.add.f32 [tilespmem:s13], [sflag:$0x1], $0x1, s31, s11, $0xb8;
	[tilespmem:$0x5480] =	vst v63  }
0x119: {  	s9 =	sadd.s32 $0x2A00, s3  }
0x11a: {  	[spmem:s1] =	stream.indirect.scatter.add.f32 [tilespmem:s13], [sflag:$0x1], $0x1, s9, s11, $0xb8;
	[tilespmem:$0x5480] =	vst v63  }
0x11b: {  	s12 =	sadd.s32 $0x2A80, s3  }
0x11c: {  	[spmem:s1] =	stream.indirect.scatter.add.f32 [tilespmem:s13], [sflag:$0x1], $0x1, s12, s11, $0xb8;
	[tilespmem:$0x5480] =	vst v63  }
0x11d: {  	s31 =	sadd.s32 $0x2B00, s3  }
0x11e: {  	[spmem:s1] =	stream.indirect.scatter.add.f32 [tilespmem:s13], [sflag:$0x1], $0x1, s31, s11, $0xb8;
	[tilespmem:$0x5480] =	vst v63  }
0x11f: {  	s9 =	sadd.s32 $0x2B80, s3  }
0x120: {  	[spmem:s1] =	stream.indirect.scatter.add.f32 [tilespmem:s13], [sflag:$0x1], $0x1, s9, s11, $0xb8;
	[tilespmem:$0x5480] =	vst v63  }
0x121: {  	s12 =	sadd.s32 $0x2C00, s3  }
0x122: {  	[spmem:s1] =	stream.indirect.scatter.add.f32 [tilespmem:s13], [sflag:$0x1], $0x1, s12, s11, $0xb8;
	[tilespmem:$0x5480] =	vst v63  }
0x123: {  	s31 =	sadd.s32 $0x2C80, s3  }
0x124: {  	[spmem:s1] =	stream.indirect.scatter.add.f32 [tilespmem:s13], [sflag:$0x1], $0x1, s31, s11, $0xb8;
	[tilespmem:$0x5480] =	vst v63  }
0x125: {  	s9 =	sadd.s32 $0x2D00, s3  }
0x126: {  	[spmem:s1] =	stream.indirect.scatter.add.f32 [tilespmem:s13], [sflag:$0x1], $0x1, s9, s11, $0xb8;
	[tilespmem:$0x5480] =	vst v63  }
0x127: {  	s12 =	sadd.s32 $0x2D80, s3  }
0x128: {  	[spmem:s1] =	stream.indirect.scatter.add.f32 [tilespmem:s13], [sflag:$0x1], $0x1, s12, s11, $0xb8;
	[tilespmem:$0x5480] =	vst v63  }
0x129: {  	s31 =	sadd.s32 $0x2E00, s3  }
0x12a: {  	[spmem:s1] =	stream.indirect.scatter.add.f32 [tilespmem:s13], [sflag:$0x1], $0x1, s31, s11, $0xb8;
	[tilespmem:$0x5480] =	vst v63  }
0x12b: {  	s9 =	sadd.s32 $0x2E80, s3  }
0x12c: {  	[spmem:s1] =	stream.indirect.scatter.add.f32 [tilespmem:s13], [sflag:$0x1], $0x1, s9, s11, $0xb8;
	[tilespmem:$0x5480] =	vst v63  }
0x12d: {  	_ =	swait.ge [sflag:s14], $0x80  }
0x12e: {  	[sflag:s14] =	ssyncset.done $0x0  }
0x12f: {  	[sflag:s14] =	ssyncadd.s32 $0xFFFFFF80  }
0x130: {  	_ =	swait.ge [sflag:s14], $0x80  }
0x131: {  	[sflag:s14] =	ssyncset.done $0x0  }
0x132: {  	[sflag:s14] =	ssyncadd.s32 $0xFFFFFF80  }
0x133: {  	_ =	swait.ge [sflag:s14], $0x80  }
0x134: {  	[sflag:s14] =	ssyncset.done $0x0  }
0x135: {  	[sflag:s14] =	ssyncadd.s32 $0xFFFFFF80  }
0x136: {  	_ =	swait.ge [sflag:s14], $0x80  }
0x137: {  	[sflag:s14] =	ssyncset.done $0x0  }
0x138: {  	[sflag:s14] =	ssyncadd.s32 $0xFFFFFF80  }
0x139: {  	_ =	swait.ge [sflag:s14], $0x80  }
0x13a: {  	[sflag:s14] =	ssyncset.done $0x0  }
0x13b: {  	[sflag:s14] =	ssyncadd.s32 $0xFFFFFF80  }
0x13c: {  	_ =	swait.ge [sflag:s14], $0x80  }
0x13d: {  	[sflag:s14] =	ssyncset.done $0x0  }
0x13e: {  	[sflag:s14] =	ssyncadd.s32 $0xFFFFFF80  }
0x13f: {  	_ =	swait.ge [sflag:s14], $0x80  }
0x140: {  	[sflag:s14] =	ssyncset.done $0x0  }
0x141: {  	[sflag:s14] =	ssyncadd.s32 $0xFFFFFF80  }
0x142: {  	_ =	swait.ge [sflag:s14], $0x80  }
0x143: {  	[sflag:s14] =	ssyncset.done $0x0  }
0x144: {  	[sflag:s14] =	ssyncadd.s32 $0xFFFFFF80  }
0x145: {  	_ =	swait.ge [sflag:s14], $0x80  }
0x146: {  	[sflag:s14] =	ssyncset.done $0x0  }
0x147: {  	[sflag:s14] =	ssyncadd.s32 $0xFFFFFF80  }
0x148: {  	_ =	swait.ge [sflag:s14], $0x80  }
0x149: {  	[sflag:s14] =	ssyncset.done $0x0  }
0x14a: {  	[sflag:s14] =	ssyncadd.s32 $0xFFFFFF80  }
0x14b: {  	_ =	swait.ge [sflag:s14], $0x80  }
0x14c: {  	[sflag:s14] =	ssyncset.done $0x0  }
0x14d: {  	[sflag:s14] =	ssyncadd.s32 $0xFFFFFF80  }
0x14e: {  	_ =	swait.ge [sflag:s14], $0x80  }
0x14f: {  	[sflag:s14] =	ssyncset.done $0x0  }
0x150: {  	[sflag:s14] =	ssyncadd.s32 $0xFFFFFF80  }
0x151: {  	_ =	swait.ge [sflag:s14], $0x80  }
0x152: {  	[sflag:s14] =	ssyncset.done $0x0  }
0x153: {  	[sflag:s14] =	ssyncadd.s32 $0xFFFFFF80  }
0x154: {  	_ =	swait.ge [sflag:s14], $0x80  }
0x155: {  	[sflag:s14] =	ssyncset.done $0x0  }
0x156: {  	[sflag:s14] =	ssyncadd.s32 $0xFFFFFF80  }
0x157: {  	_ =	swait.ge [sflag:s14], $0x80  }
0x158: {  	[sflag:s14] =	ssyncset.done $0x0  }
0x159: {  	[sflag:s14] =	ssyncadd.s32 $0xFFFFFF80  }
0x15a: {  	_ =	swait.ge [sflag:s14], $0x80  }
0x15b: {  	[sflag:s14] =	ssyncset.done $0x0  }
0x15c: {  	[sflag:s14] =	ssyncadd.s32 $0xFFFFFF80  }
0x15d: {  	[spmem:s1] =	stream.indirect.scatter.add.f32 [tilespmem:s13], [sflag:$0x1], $0x1, s15, s11, $0xb8;
	[tilespmem:$0x5480] =	vst v63  }
0x15e: {  	_ = 	snop  }
0x15f: {  	[spmem:s1] =	stream.indirect.scatter.add.f32 [tilespmem:s13], [sflag:$0x1], $0x1, s16, s11, $0xb8;
	[tilespmem:$0x5480] =	vst v63  }
0x160: {  	_ = 	snop  }
0x161: {  	[spmem:s1] =	stream.indirect.scatter.add.f32 [tilespmem:s13], [sflag:$0x1], $0x1, s17, s11, $0xb8;
	[tilespmem:$0x5480] =	vst v63  }
0x162: {  	_ = 	snop  }
0x163: {  	[spmem:s1] =	stream.indirect.scatter.add.f32 [tilespmem:s13], [sflag:$0x1], $0x1, s18, s11, $0xb8;
	[tilespmem:$0x5480] =	vst v63  }
0x164: {  	_ = 	snop  }
0x165: {  	[spmem:s1] =	stream.indirect.scatter.add.f32 [tilespmem:s13], [sflag:$0x1], $0x1, s19, s11, $0xb8;
	[tilespmem:$0x5480] =	vst v63  }
0x166: {  	_ = 	snop  }
0x167: {  	[spmem:s1] =	stream.indirect.scatter.add.f32 [tilespmem:s13], [sflag:$0x1], $0x1, s20, s11, $0xb8;
	[tilespmem:$0x5480] =	vst v63  }
0x168: {  	_ = 	snop  }
0x169: {  	[spmem:s1] =	stream.indirect.scatter.add.f32 [tilespmem:s13], [sflag:$0x1], $0x1, s21, s11, $0xb8;
	[tilespmem:$0x5480] =	vst v63  }
0x16a: {  	_ = 	snop  }
0x16b: {  	[spmem:s1] =	stream.indirect.scatter.add.f32 [tilespmem:s13], [sflag:$0x1], $0x1, s22, s11, $0xb8;
	[tilespmem:$0x5480] =	vst v63  }
0x16c: {  	_ = 	snop  }
0x16d: {  	[spmem:s1] =	stream.indirect.scatter.add.f32 [tilespmem:s13], [sflag:$0x1], $0x1, s23, s11, $0xb8;
	[tilespmem:$0x5480] =	vst v63  }
0x16e: {  	_ = 	snop  }
0x16f: {  	[spmem:s1] =	stream.indirect.scatter.add.f32 [tilespmem:s13], [sflag:$0x1], $0x1, s24, s11, $0xb8;
	[tilespmem:$0x5480] =	vst v63  }
0x170: {  	_ = 	snop  }
0x171: {  	[spmem:s1] =	stream.indirect.scatter.add.f32 [tilespmem:s13], [sflag:$0x1], $0x1, s25, s11, $0xb8;
	[tilespmem:$0x5480] =	vst v63  }
0x172: {  	_ = 	snop  }
0x173: {  	[spmem:s1] =	stream.indirect.scatter.add.f32 [tilespmem:s13], [sflag:$0x1], $0x1, s26, s11, $0xb8;
	[tilespmem:$0x5480] =	vst v63  }
0x174: {  	_ = 	snop  }
0x175: {  	[spmem:s1] =	stream.indirect.scatter.add.f32 [tilespmem:s13], [sflag:$0x1], $0x1, s28, s11, $0xb8;
	[tilespmem:$0x5480] =	vst v63  }
0x176: {  	_ = 	snop  }
0x177: {  	[spmem:s1] =	stream.indirect.scatter.add.f32 [tilespmem:s13], [sflag:$0x1], $0x1, s29, s11, $0xb8;
	[tilespmem:$0x5480] =	vst v63  }
0x178: {  	_ =	swait.ge [sflag:s14], $0x80  }
0x179: {  	[sflag:s14] =	ssyncset.done $0x0  }
0x17a: {  	[sflag:s14] =	ssyncadd.s32 $0xFFFFFF80  }
0x17b: {  	_ =	swait.ge [sflag:s14], $0x80  }
0x17c: {  	[sflag:s14] =	ssyncset.done $0x0  }
0x17d: {  	[sflag:s14] =	ssyncadd.s32 $0xFFFFFF80  }
0x17e: {  	_ =	swait.ge [sflag:s14], $0x80  }
0x17f: {  	[sflag:s14] =	ssyncset.done $0x0  }
0x180: {  	[sflag:s14] =	ssyncadd.s32 $0xFFFFFF80  }
0x181: {  	_ =	swait.ge [sflag:s14], $0x80  }
0x182: {  	[sflag:s14] =	ssyncset.done $0x0  }
0x183: {  	[sflag:s14] =	ssyncadd.s32 $0xFFFFFF80  }
0x184: {  	_ =	swait.ge [sflag:s14], $0x80  }
0x185: {  	[sflag:s14] =	ssyncset.done $0x0  }
0x186: {  	[sflag:s14] =	ssyncadd.s32 $0xFFFFFF80  }
0x187: {  	_ =	swait.ge [sflag:s14], $0x80  }
0x188: {  	[sflag:s14] =	ssyncset.done $0x0  }
0x189: {  	[sflag:s14] =	ssyncadd.s32 $0xFFFFFF80  }
0x18a: {  	_ =	swait.ge [sflag:s14], $0x80  }
0x18b: {  	[sflag:s14] =	ssyncset.done $0x0  }
0x18c: {  	[sflag:s14] =	ssyncadd.s32 $0xFFFFFF80  }
0x18d: {  	_ =	swait.ge [sflag:s14], $0x80  }
0x18e: {  	[sflag:s14] =	ssyncset.done $0x0  }
0x18f: {  	[sflag:s14] =	ssyncadd.s32 $0xFFFFFF80  }
0x190: {  	_ =	swait.ge [sflag:s14], $0x80  }
0x191: {  	[sflag:s14] =	ssyncset.done $0x0  }
0x192: {  	[sflag:s14] =	ssyncadd.s32 $0xFFFFFF80  }
0x193: {  	_ =	swait.ge [sflag:s14], $0x80  }
0x194: {  	[sflag:s14] =	ssyncset.done $0x0  }
0x195: {  	[sflag:s14] =	ssyncadd.s32 $0xFFFFFF80  }
0x196: {  	_ =	swait.ge [sflag:s14], $0x80  }
0x197: {  	[sflag:s14] =	ssyncset.done $0x0  }
0x198: {  	[sflag:s14] =	ssyncadd.s32 $0xFFFFFF80  }
0x199: {  	_ =	swait.ge [sflag:s14], $0x80  }
0x19a: {  	[sflag:s14] =	ssyncset.done $0x0  }
0x19b: {  	[sflag:s14] =	ssyncadd.s32 $0xFFFFFF80  }
0x19c: {  	_ =	swait.ge [sflag:s14], $0x80  }
0x19d: {  	[sflag:s14] =	ssyncset.done $0x0  }
0x19e: {  	[sflag:s14] =	ssyncadd.s32 $0xFFFFFF80  }
0x19f: {  	_ =	swait.ge [sflag:s14], $0x80  }
0x1a0: {  	s0 =	simm.s32 @!p0 $0x80;
	[sflag:s14] =	ssyncset.done $0x0  }
0x1a1: {  	s3 =	simm.s32 @!p0 $0x4E00;
	s9 =	simm.s32 @!p0 $0x4F00;
	[sflag:s14] =	ssyncadd.s32 $0xFFFFFF80  }
0x1a2: {  	[spmem:s1] =	stream.indirect.scatter.add.f32 @!p0 [tilespmem:s9], [sflag:$0x2], $0x1, s3, s0, $0xb8;
	[tilespmem:$0x5480] =	vst v63  }
0x1a3: {  	s0 =	simm.s32 @!p0 $0x2  }
0x1a4: {  	s30 =	sadd.s32 $0x1, s30;
	_ =	swait.ge @!p0 [sflag:s0], $0x80  }
0x1a5: {  	p1 =	sne.s32 s30, s7;
	[sflag:s0] =	ssyncset.done @!p0 $0x0  }
0x1a6: {  	s12 =	sshll.u32 s2, $0x6;
	s31 =	sshrl.u32 s4, $0x3;
	[sflag:s0] =	ssyncadd.s32 @!p0 $0xFFFFFF80  }
.Ltmp2:
0x1a7: {  	s0 =	sor.u32 $0x1C02, s12;
	[bflag:$0x0] =	sbarrier.arrive $0xFFFF;
	(pc) =	sbr.rel @p1 .LBB2_1-.Ltmp2, $4  }
0x1a8: {  	[hbm:s8], [sflag:s0] =	dma.local [spmem:s31], $0x50  }
0x1a9: {  	_ =	swait.ge [sflag:s10], $0x50  }
0x1aa: {  	[sflag:s10] =	ssyncset.done $0x0  }
0x1ab: {  	[sflag:s10] =	ssyncadd.s32 $0xFFFFFFB0  }
0x1ac: {  	_ =	sfence.sel $0x180000  }
0x1ad: {  	[bflag:$0x0] =	sbarrier.arrive $0xFFFF  }
0x1ae: {  	_ =	strace $0x90000047  }
0x1af: {  	[bflag:$0x2] =	sbarrier.arrive $0xFFFF  }
0x1b0: {  	p0 =	sne.s32 s2, $0x0;
	s0 =	rddreg [dreg:$0x4]  }
0x1b1: {  	s0 =	sadd.s32 @!p0 $0x100000, s0  }
0x1b2: {  	[sflag:s0] =	ssyncadd.tile.s32 @!p0 $0x1;
	_ =	shalt  }
.Lfunc_end2:
_tile_overlayer_lowered:
.L_overlay_start_2:
0x1b3: {  	(tag) =	ssettag $0x2  }
0x1b4: {  	s0 =	rddreg [dreg:$0x0];
	s2 =	stileid.u32  }
0x1b5: {  	s1 =	rddreg [dreg:$0x1];
	p0 =	sne.s32 s2, $0x0  }
0x1b6: {  	s3 =	rddreg [dreg:$0x2];
	[bflag:$0x3] =	sbarrier.arrive $0xFFFF;
	s2 =	simm.s32 @!p0 $0x1C02  }
0x1b7: {  	[timem:s3], [sflag:s2] =	dma.local @!p0 [hbm:s0], s1  }
0x1b8: {  	s0 =	simm.s32 @!p0 $0x2  }
0x1b9: {  	_ =	swait.ge @!p0 [sflag:s0], s1  }
0x1ba: {  	s1 =	ssub.s32 @!p0 $0x0, s1;
	[sflag:s0] =	ssyncset.done @!p0 $0x0  }
0x1bb: {  	[sflag:s0] =	ssyncadd.s32 @!p0 s1  }
0x1bc: {  	[bflag:$0x3] =	sbarrier.arrive $0xFFFF  }
0x1bd: {  	_ =	shalt  }

// kernel: kernel.9.cloned.1.call-start
scs
__scs_entry_jumppad:
0x0: {  	(pc) =	sbr.rel $0x88, $3  }
0x1: {  	(tag) =	ssettag $0x0;
	lr =	simm.s32 $0x1  }
0x2: {  	[smem:$0x3F9D] =	sst lr;
	_ =	strace $0xD0000000  }
0x3: {  	_ = 	snop  }
0x4: {  	_ = 	snop  }
0x5: {  	_ = 	snop  }
0x6: {  	_ = 	snop  }
0x7: {  	_ = 	snop  }
__scs_overlays_trampoline_lowered:
0x8: {  	[smem:$0x3FAC] =	sst s0  }
0x9: {  	[smem:$0x3FAD] =	sst s1  }
0xa: {  	[smem:$0x3FAE] =	sst s2  }
0xb: {  	[smem:$0x3FAF] =	sst s3  }
0xc: {  	[smem:$0x3FB0] =	sst s4  }
0xd: {  	[smem:$0x3FB1] =	sst s5  }
0xe: {  	[smem:$0x3FB2] =	sst s6  }
0xf: {  	[smem:$0x3FB3] =	sst s7  }
0x10: {  	[smem:$0x3FB4] =	sst s8  }
0x11: {  	[smem:$0x3FB5] =	sst s9;
	s0 =	simm.s32 @!p0 $0x0  }
0x12: {  	s1 =	sld [smem:$0x3F9B];
	s0 =	simm.s32 @p0 $0x1  }
0x13: {  	[smem:$0x3FB6] =	sst s0;
	s0 =	simm.s32 @!p1 $0x0  }
0x14: {  	s2 =	sld [smem:$0x3F9A];
	s0 =	simm.s32 @p1 $0x1  }
0x15: {  	[smem:$0x3FB7] =	sst s0;
	s0 =	simm.s32 @!p2 $0x0  }
0x16: {  	s3 =	sld [smem:$0x3FDB];
	s0 =	simm.s32 @p2 $0x1  }
0x17: {  	s4 =	simm.s32 $0x1BF5;
	[smem:$0x3FB9] =	sst s0  }
0x18: {  	s0 =	sld [smem:$0x3F9C];
	_ =	swait.ge [sflag:s4], $0x0  }
0x19: {  	s7 =	sld [smem:$0x3F9D]  }
0x1a: {  	s8 =	sadd.s32 $0xFFFFE003, lr  }
0x1b: {  	s9 =	sadd.s32 $0xFFFFFEF7, lr;
	s5 =	simm.s32 $0xFFFFFFFF;
	p2 =	slt.u32 s8, $0xFFFFF086  }
0x1c: {  	p1 =	slt.u32 s9, $0xF7A;
	s5 =	simm.s32 @!p2 $0x0  }
0x1d: {  	s5 =	simm.s32 @p1 $0x1;
	p0 =	seq.s32 s7, s2  }
0x1e: {  	s7 =	smul.u32 @!p0 $0xF7A, s2;
	p2 =	seq.s32 @!p0 s5, $0x0  }
0x1f: {  	s9 =	smul.u32 $0xF7A, s1;
	s8 =	simm.s32 @!p0 $0x1BF5;
	p2 =	por !p2, p0  }
0x20: {  	[sflag:s8] =	ssyncset.s32 @!p0 $0xFFFFF086;
	s6 =	sadd.s32 @!p0 s3, s7;
	s7 =	simm.s32 @!p0 $0x108  }
0x21: {  	s3 =	sadd.s32 s3, s9;
	s6 =	sadd.s32 @!p0 $0x88, s6;
	s7 =	simm.s32 @p2 $0x1082  }
0x22: {  	[simem:s7], [sflag:s8] =	dma.local @!p0 [hbm:s6], $0xF7A  }
0x23: {  	s9 =	sor.u32 $0xD0000000, s2;
	s6 =	simm.s32 $0x108;
	_ =	swait.ge @!p0 [sflag:s8], $0x0  }
0x24: {  	s3 =	sadd.s32 $0x88, s3;
	s6 =	simm.s32 @!p1 $0x1082;
	[sflag:s4] =	ssyncset.s32 $0xFFFFF086  }
0x25: {  	[simem:s6], [sflag:s4] =	dma.local [hbm:s3], $0xF7A  }
0x26: {  	[smem:$0x3F9D] =	sst s1;
	(tag) =	ssettag s2;
	_ =	strace s9  }
0x27: {  	s1 =	sld [smem:$0x3FAD]  }
0x28: {  	s2 =	sld [smem:$0x3FAE]  }
0x29: {  	s4 =	sld [smem:$0x3FB0]  }
0x2a: {  	p0 =	seq.s32 s5, $0x0;
	s5 =	sld [smem:$0x3FB1]  }
0x2b: {  	s6 =	sld [smem:$0x3FB2]  }
0x2c: {  	s7 =	sld [smem:$0x3FB3]  }
0x2d: {  	s3 =	simm.s32 $0x108;
	s8 =	sld [smem:$0x3FB4]  }
0x2e: {  	s3 =	simm.s32 @!p0 $0x1082;
	s9 =	sld [smem:$0x3FB5]  }
0x2f: {  	lr =	sadd.s32 s0, s3;
	s0 =	sld [smem:$0x3FAC]  }
0x30: {  	s3 =	sld [smem:$0x3FAF]  }
0x31: {  	[smem:$0x3FB8] =	sst s10  }
0x32: {  	s10 =	sld [smem:$0x3FB6];
	_ =	sdelay $0x3  }
0x33: {  	p0 =	seq.s32 s10, $0x1;
	s10 =	sld [smem:$0x3FB8];
	_ =	sdelay $0x3  }
0x34: {  	[smem:$0x3FB8] =	sst s10  }
0x35: {  	s10 =	sld [smem:$0x3FB7];
	_ =	sdelay $0x3  }
0x36: {  	p1 =	seq.s32 s10, $0x1;
	s10 =	sld [smem:$0x3FB8];
	_ =	sdelay $0x3  }
0x37: {  	[smem:$0x3FB8] =	sst s10  }
0x38: {  	s10 =	sld [smem:$0x3FB9]  }
0x39: {  	_ = 	snop;
	(pc) =	sbr.ind lr, $3  }
0x3a: {  	_ = 	snop  }
0x3b: {  	_ = 	snop  }
0x3c: {  	p2 =	seq.s32 s10, $0x1;
	s10 =	sld [smem:$0x3FB8]  }
0x3d: {  	_ =	shalt  }
0x3e: {  	_ =	shalt  }
0x3f: {  	_ =	shalt  }
0x40: {  	_ =	shalt  }
0x41: {  	_ =	shalt  }
0x42: {  	_ =	shalt  }
0x43: {  	_ =	shalt  }
0x44: {  	_ =	shalt  }
0x45: {  	_ =	shalt  }
0x46: {  	_ =	shalt  }
0x47: {  	_ =	shalt  }
0x48: {  	_ =	shalt  }
0x49: {  	_ =	shalt  }
0x4a: {  	_ =	shalt  }
0x4b: {  	_ =	shalt  }
0x4c: {  	_ =	shalt  }
0x4d: {  	_ =	shalt  }
0x4e: {  	_ =	shalt  }
0x4f: {  	_ =	shalt  }
0x50: {  	_ =	shalt  }
0x51: {  	_ =	shalt  }
0x52: {  	_ =	shalt  }
0x53: {  	_ =	shalt  }
0x54: {  	_ =	shalt  }
0x55: {  	_ =	shalt  }
0x56: {  	_ =	shalt  }
0x57: {  	_ =	shalt  }
0x58: {  	_ =	shalt  }
0x59: {  	_ =	shalt  }
0x5a: {  	_ =	shalt  }
0x5b: {  	_ =	shalt  }
0x5c: {  	_ =	shalt  }
0x5d: {  	_ =	shalt  }
0x5e: {  	_ =	shalt  }
0x5f: {  	_ =	shalt  }
0x60: {  	_ =	shalt  }
0x61: {  	_ =	shalt  }
0x62: {  	_ =	shalt  }
0x63: {  	_ =	shalt  }
0x64: {  	_ =	shalt  }
0x65: {  	_ =	shalt  }
0x66: {  	_ =	shalt  }
0x67: {  	_ =	shalt  }
0x68: {  	_ =	shalt  }
0x69: {  	_ =	shalt  }
0x6a: {  	_ =	shalt  }
0x6b: {  	_ =	shalt  }
0x6c: {  	_ =	shalt  }
0x6d: {  	_ =	shalt  }
0x6e: {  	_ =	shalt  }
0x6f: {  	_ =	shalt  }
0x70: {  	_ =	shalt  }
0x71: {  	_ =	shalt  }
0x72: {  	_ =	shalt  }
0x73: {  	_ =	shalt  }
0x74: {  	_ =	shalt  }
0x75: {  	_ =	shalt  }
0x76: {  	_ =	shalt  }
0x77: {  	_ =	shalt  }
0x78: {  	_ =	shalt  }
0x79: {  	_ =	shalt  }
0x7a: {  	_ =	shalt  }
0x7b: {  	_ =	shalt  }
0x7c: {  	_ =	shalt  }
0x7d: {  	_ =	shalt  }
0x7e: {  	_ =	shalt  }
0x7f: {  	_ =	shalt  }
0x80: {  	_ =	shalt  }
0x81: {  	_ =	shalt  }
0x82: {  	_ =	shalt  }
0x83: {  	_ =	shalt  }
0x84: {  	_ =	shalt  }
0x85: {  	_ =	shalt  }
0x86: {  	_ =	shalt  }
0x87: {  	_ =	shalt  }
.Lfunc_end0:
.L_simem_size_0:
called_computation.1_lowered:
.L_overlay_start_0:
0x88: {  	s2 =	sld [smem:$0x3FD9]  }
0x89: {  	s3 =	sld [smem:$0x3FFE];
	_ =	sdelay $0x1  }
0x8a: {  	s1 =	srdreg.scid  }
0x8b: {  	s0 =	sand.u32 $0x1, s1  }
0x8c: {  	s17 =	sshll.u32 s0, $0xA;
	s2 =	sadd.s32 s3, s2  }
0x8d: {  	s2 =	sadd.s32 s2, s17  }
0x8e: {  	[smem:$0x3FC4] =	sst s2  }
0x8f: {  	_ = 	snop  }
0x90: {  	s2 =	sld [smem:$0x3FC8]  }
0x91: {  	s18 =	sld [smem:$0x3FD0];
	(tm) =	ssettm $0x1  }
0x92: {  	s4 =	sld [smem:$0x3FFB];
	_ =	sdelay $0x3  }
0x93: {  	_ =	strace s4  }
0x94: {  	s4 =	sld [smem:$0x3FFC];
	_ =	sdelay $0x3  }
0x95: {  	_ =	strace s4  }
0x96: {  	s4 =	sld [smem:$0x3FFD];
	_ =	sdelay $0x3  }
0x97: {  	_ =	strace s4  }
0x98: {  	_ =	strace $0x8FFFFFFF  }
0x99: {  	s19 =	sld [smem:$0x3FDB];
	_ =	sdelay $0x1  }
0x9a: {  	s5 =	simm.s32 $_scs_section_size  }
0x9b: {  	s6 =	simm.s32 $_size__tile_overlayer_lowered;
	s7 =	simm.s32 $_tile_overlayer_lowered  }
0x9c: {  	s22 =	simm.s32 $0x1BFF;
	s21 =	sshll.u32 s7, $0x1;
	s4 =	sadd.s32 s5, s19  }
0x9d: {  	s8 =	simm.s32 $0x0;
	s20 =	sshll.u32 s6, $0x1;
	s6 =	sadd.s32 s21, s4  }
0x9e: {  	[timem:s8], [sflag:s22] =	dma.local [hbm:s6], s20  }
0x9f: {  	_ =	swait.ge [sflag:s22], s20  }
0xa0: {  	s5 =	ssub.s32 $0x0, s20;
	[sflag:s22] =	ssyncset.done $0x0  }
0xa1: {  	[sflag:s22] =	ssyncadd.s32 s5;
	_ =	sdelay $0x1  }
0xa2: {  	s23 =	simm.s32 $0x1B8B  }
0xa3: {  	_ =	swait.ge [sflag:s23], $0x1  }
0xa4: {  	[sflag:s23] =	ssyncset.done $0x0  }
0xa5: {  	s25 =	simm.s32 $0x1B8E;
	s24 =	sld [smem:$0x3FFE];
	[sflag:s23] =	ssyncadd.s32 $0xFFFFFFFF  }
0xa6: {  	s26 =	simm.s32 $execute0_lowered;
	[smem:$0x3FD2] =	sst s25  }
0xa7: {  	s6 =	sshll.u32 s26, $0x1;
	_ =	strace $0x80000049;
	[dreg:$0x1] =	wrdreg $0xFFFFFFFF  }
0xa8: {  	s28 =	simm.s32 $_size_execute0_lowered;
	s4 =	sadd.s32 s4, s6;
	[dreg:$0x0] =	wrdreg $0x0  }
0xa9: {  	s6 =	sshll.u32 s28, $0x1;
	[dreg:$0x2] =	wrdreg s4  }
0xaa: {  	[dreg:$0x3] =	wrdreg s6  }
0xab: {  	[dreg:$0x4] =	wrdreg $0xC0  }
0xac: {  	_ =	task [dreg:s8], $0x5FFFF  }
0xad: {  	[dreg:$0x1] =	wrdreg $0xFFFFFFFF  }
0xae: {  	[dreg:$0x0] =	wrdreg $0x60  }
0xaf: {  	[dreg:$0x2] =	wrdreg s18  }
0xb0: {  	[dreg:$0x3] =	wrdreg s2  }
0xb1: {  	[dreg:$0x4] =	wrdreg s24  }
0xb2: {  	[dreg:$0x5] =	wrdreg $0xA0000  }
0xb3: {  	[dreg:$0x6] =	wrdreg $0x9  }
0xb4: {  	_ =	task.clear_ibuf [dreg:s8], $0x7FFFF;
	_ =	strace $0x90000049  }
0xb5: {  	s29 =	simm.s32 $0x9;
	_ =	strace $0x8000004B  }
0xb6: {  	_ =	swait.ge [sflag:s29], $0x1  }
0xb7: {  	[sflag:s29] =	ssyncadd.s32 $0xFFFFFFFF  }
0xb8: {  	_ =	strace $0x9000004B  }
0xb9: {  	_ =	sfence  }
0xba: {  	s30 =	sld [smem:$0x0];
	_ =	sdelay $0x2  }
0xbb: {  	s31 =	sshll.u32 s1, $0xD;
	s1 =	sshrl.u32 s1, $0x2  }
0xbc: {  	s3 =	sand.u32 $0x4000, s31;
	s1 =	sadd.s32 s1, s30  }
0xbd: {  	s0 =	sor.u32 s3, s0;
	s1 =	sshll.u32 s1, $0x11  }
0xbe: {  	s0 =	sor.u32 s1, s0  }
0xbf: {  	s0 =	sadd.s32 $0x8F2B, s0  }
0xc0: {  	[sflag:s0] =	ssyncadd.remote.s32 $0x1  }
0xc1: {  	_ =	sfence.sel $0xFFFF  }
0xc2: {  	[dreg:$0x0] =	wrdreg $0xFFFFFFFF;
	(pc) =	sbr.abs _section_cstart, $3  }
0xc3: {  	[dreg:$0x1] =	wrdreg $0xFFFFFFFF  }
0xc4: {  	_ =	task.clear_ibuf [dreg:s8], $0x2FFFF;
	_ =	strace $0x9FFFFFFF  }
0xc5: {  	(tm) =	ssettm $0x7FFFFFFF  }
tec
execute0_lowered:
.L_overlay_start_1:
0x0: {  	(tag) =	ssettag $0x1  }
0x1: {  	s1 =	rddreg [dreg:$0x0]  }
0x2: {  	s0 =	rddreg [dreg:$0x1]  }
0x3: {  	s2 =	rddreg [dreg:$0x2]  }
0x4: {  	s3 =	rddreg [dreg:$0x3]  }
0x5: {  	s4 =	srdreg.scid;
	s28 =	simm.s32 $0x0;
	s11 =	stileid.u32  }
0x6: {  	s15 =	simm.s32 $0x2000;
	s16 =	simm.s32 $0x3;
	s17 =	simm.s32 $0x80  }
0x7: {  	s12 =	simm.s32 $0x1480;
	s13 =	simm.s32 $0x1C00;
	s14 =	simm.s32 $0x1500  }
0x8: {  	s4 =	sand.u32 $0x1, s4;
	[smem:$0x7FF] =	sst s28;
	s6 =	smul.u32 $0x50000, s11  }
0x9: {  	s24 =	sshll.u32 s11, $0x5;
	s25 =	smul.u32 $0x2800, s11;
	s5 =	sshll.u32 s4, $0x4  }
0xa: {  	_ =	strace $0x8000004A;
	s7 =	ssub.s32 $0x2, s4;
	p0 =	seq.s32 s4, $0x1  }
0xb: {  	s4 =	simm.s32 $0x2A200;
	s5 =	sor.u32 s11, s5;
	s8 =	sshrl.u32 s7, $0x1  }
0xc: {  	s6 =	sshrl.u32 s6, $0x2;
	s4 =	simm.s32 @!p0 $0x2200;
	s11 =	simm.s32 $0x1B80  }
0xd: {  	s9 =	smul.u32 $0x4E, s5;
	s7 =	ssub.s32 s7, s8;
	s18 =	smin.u32 s5, $0x4  }
0xe: {  	s29 =	sadd.s32 s6, s3;
	s2 =	sadd.s32 s4, s2;
	p0 =	sgt.u32 s5, $0x3  }
0xf: {  	s8 =	simm.s32 $0x1B00;
	s20 =	sadd.s32 $0x4000, s29;
	[dreg:$0x6] =	wrdreg s29  }
0x10: {  	s5 =	simm.s32 $0x1C80;
	s21 =	sadd.s32 $0x8000, s29;
	[dreg:$0x7] =	wrdreg s20  }
0x11: {  	s4 =	simm.s32 $0x1580;
	s22 =	sadd.s32 $0xC000, s29;
	[dreg:$0x8] =	wrdreg s21  }
0x12: {  	s23 =	sadd.s32 $0x10000, s29;
	s30 =	smax.u32 s7, $0x1;
	[dreg:$0x9] =	wrdreg s22  }
0x13: {  	s31 =	sadd.s32 s2, s25;
	s7 =	simm.s32 $0x1380;
	[dreg:$0xa] =	wrdreg s23  }
0x14: {  	s25 =	simm.s32 $0x1E00;
	s19 =	sadd.s32 s18, s9;
	[dreg:$0xd] =	wrdreg s30  }
0x15: {  	[dreg:$0xe] =	wrdreg s31;
	s20 =	simm.s32 $0x6000;
	s21 =	simm.s32 $0x1  }
0x16: {  	s9 =	simm.s32 $0x1400;
	s18 =	simm.s32 $0x1D00;
	s6 =	sshll.u32 s19, $0x5  }
0x17: {  	s22 =	simm.s32 $0x1D80;
	s23 =	simm.s32 $0x1680;
	s10 =	sadd.s32 s0, s6  }
0x18: {  	s19 =	simm.s32 $0x1600;
	s0 =	sadd.s32 s24, s0;
	s26 =	sadd.s32 $0x800, s10  }
0x19: {  	s24 =	simm.s32 $0x2;
	s0 =	sadd.s32 $0x13800, s0;
	[dreg:$0xb] =	wrdreg s26  }
0x1a: {  	v0 =	vimm.f32 $0.0e+00;
	s6 =	simm.s32 $0x1A80;
	[dreg:$0xc] =	wrdreg s0;
	s26 =	simm.s32 $0x1E80  }
.LBB2_1:
0x1b: {  	[dreg:$0x5] =	wrdreg s28;
	s0 =	simm.s32 $0x0;
	s2 =	simm.s32 $0x200  }
.LBB2_2:
0x1c: {  	p1 =	sne.s32 s2, $0xFE00;
	[tilespmem:s0+$0x2070] =	vst v0  }
0x1d: {  	[tilespmem:s0+$0x2000] =	vst v0  }
0x1e: {  	[tilespmem:s0+$0x2010] =	vst v0  }
.Ltmp0:
0x1f: {  	[tilespmem:s0+$0x2020] =	vst v0;
	(pc) =	sbr.rel @p1 .LBB2_2-.Ltmp0, $4  }
0x20: {  	[tilespmem:s0+$0x2030] =	vst v0  }
0x21: {  	[tilespmem:s0+$0x2040] =	vst v0  }
0x22: {  	[tilespmem:s0+$0x2050] =	vst v0  }
0x23: {  	[tilespmem:s0+$0x2060] =	vst v0;
	s0 =	sshra.s32 s2, $0x2;
	s2 =	sadd.s32 $0x200, s2  }
0x24: {  	[tilespmem:s0+$0x2070] =	vst v0  }
0x25: {  	[tilespmem:s0+$0x2000] =	vst v0  }
0x26: {  	[tilespmem:s0+$0x2010] =	vst v0  }
0x27: {  	[tilespmem:s0+$0x2020] =	vst v0  }
0x28: {  	[tilespmem:s0+$0x2030] =	vst v0  }
0x29: {  	[tilespmem:s0+$0x2040] =	vst v0  }
0x2a: {  	[tilespmem:s0+$0x2050] =	vst v0  }
0x2b: {  	[tilespmem:s0+$0x2060] =	vst v0  }
0x2c: {  	[spmem:s29] =	stream.linear.scatter [tilespmem:s15], [sflag:$0x3], $0x4000, $0x38;
	[tilespmem:$0x1E000] =	vst v63  }
0x2d: {  	_ =	swait.ge [sflag:s16], $0x4000  }
0x2e: {  	[sflag:s16] =	ssyncset.done $0x0  }
0x2f: {  	s31 =	rddreg [dreg:$0x7];
	[sflag:s16] =	ssyncadd.s32 $0xFFFFC000  }
0x30: {  	[spmem:s31] =	stream.linear.scatter [tilespmem:s15], [sflag:$0x3], $0x4000, $0x38;
	[tilespmem:$0x1E000] =	vst v63  }
0x31: {  	_ =	swait.ge [sflag:s16], $0x4000  }
0x32: {  	[sflag:s16] =	ssyncset.done $0x0  }
0x33: {  	s2 =	rddreg [dreg:$0x8];
	[sflag:s16] =	ssyncadd.s32 $0xFFFFC000  }
0x34: {  	[spmem:s2] =	stream.linear.scatter [tilespmem:s15], [sflag:$0x3], $0x4000, $0x38;
	[tilespmem:$0x1E000] =	vst v63  }
0x35: {  	_ =	swait.ge [sflag:s16], $0x4000  }
0x36: {  	[sflag:s16] =	ssyncset.done $0x0  }
0x37: {  	s29 =	rddreg [dreg:$0x9];
	[sflag:s16] =	ssyncadd.s32 $0xFFFFC000  }
0x38: {  	[spmem:s29] =	stream.linear.scatter [tilespmem:s15], [sflag:$0x3], $0x4000, $0x38;
	[tilespmem:$0x1E000] =	vst v63  }
0x39: {  	_ =	swait.ge [sflag:s16], $0x4000  }
0x3a: {  	[sflag:s16] =	ssyncset.done $0x0  }
0x3b: {  	s31 =	rddreg [dreg:$0xa];
	[sflag:s16] =	ssyncadd.s32 $0xFFFFC000  }
0x3c: {  	[spmem:s31] =	stream.linear.scatter [tilespmem:s15], [sflag:$0x3], $0x4000, $0x38;
	[tilespmem:$0x1E000] =	vst v63  }
0x3d: {  	_ =	swait.ge [sflag:s16], $0x4000  }
0x3e: {  	[sflag:s16] =	ssyncset.done $0x0  }
0x3f: {  	[sflag:s16] =	ssyncadd.s32 $0xFFFFC000  }
0x40: {  	s28 =	simm.s32 $0x0;
	s30 =	simm.s32 $0x0;
	[bflag:$0x0] =	sbarrier.arrive $0xFFFF  }
.LBB2_4:
0x41: {  	s0 =	sshll.u32 s30, $0x9  }
0x42: {  	s0 =	sadd.s32 s0, s10  }
0x43: {  	[tilespmem:s28], [sflag:$0x3] =	stream.linear.gather [hbm4b:s0+s28], $0x1000, $0x38;
	[tilespmem:$0x1E000] =	vst v63  }
0x44: {  	_ =	swait.ge [sflag:s16], $0x1000  }
0x45: {  	[sflag:s16] =	ssyncset.done $0x0  }
0x46: {  	s29 =	simm.s32 $0x80;
	[sflag:s16] =	ssyncadd.s32 $0xFFFFF000  }
0x47: {  	s31 =	simm.s32 $0x200;
	s0 =	simm.s32 $0x0;
	v1 =	vld [tilespmem:s29+$0xFFFFFF80]  }
.LBB2_5:
0x48: {  	p1 =	sne.s32 s31, $0x1E00;
	_ =	sdelay $0x2  }
0x49: {  	s2 =	sshra.s32 s0, $0x2;
	s0 =	smov.u32 s31  }
0x4a: {  	[tilespmem:s2+$0x1800] =	vst v1  }
0x4b: {  	v1 =	vld [tilespmem:s29+$0x0];
	_ =	sdelay $0x4  }
0x4c: {  	[tilespmem:s2+$0x1000] =	vst v1  }
0x4d: {  	v1 =	vld [tilespmem:s29+$0xFFFFFF90];
	_ =	sdelay $0x4  }
0x4e: {  	[tilespmem:s2+$0x1810] =	vst v1  }
0x4f: {  	v1 =	vld [tilespmem:s29+$0x10];
	_ =	sdelay $0x4  }
0x50: {  	[tilespmem:s2+$0x1010] =	vst v1  }
0x51: {  	v1 =	vld [tilespmem:s29+$0xFFFFFFA0];
	_ =	sdelay $0x4  }
0x52: {  	[tilespmem:s2+$0x1820] =	vst v1  }
0x53: {  	v1 =	vld [tilespmem:s29+$0x20];
	_ =	sdelay $0x4  }
0x54: {  	[tilespmem:s2+$0x1020] =	vst v1  }
0x55: {  	v1 =	vld [tilespmem:s29+$0xFFFFFFB0];
	_ =	sdelay $0x4  }
0x56: {  	[tilespmem:s2+$0x1830] =	vst v1  }
0x57: {  	v1 =	vld [tilespmem:s29+$0x30];
	_ =	sdelay $0x4  }
0x58: {  	[tilespmem:s2+$0x1030] =	vst v1  }
0x59: {  	v1 =	vld [tilespmem:s29+$0xFFFFFFC0];
	_ =	sdelay $0x4  }
0x5a: {  	[tilespmem:s2+$0x1840] =	vst v1  }
0x5b: {  	v1 =	vld [tilespmem:s29+$0x40];
	_ =	sdelay $0x4  }
0x5c: {  	[tilespmem:s2+$0x1040] =	vst v1  }
0x5d: {  	v1 =	vld [tilespmem:s29+$0xFFFFFFD0];
	_ =	sdelay $0x4  }
0x5e: {  	[tilespmem:s2+$0x1850] =	vst v1  }
0x5f: {  	v1 =	vld [tilespmem:s29+$0x50];
	_ =	sdelay $0x4  }
0x60: {  	[tilespmem:s2+$0x1050] =	vst v1  }
0x61: {  	v1 =	vld [tilespmem:s29+$0xFFFFFFE0];
	_ =	sdelay $0x4  }
0x62: {  	[tilespmem:s2+$0x1860] =	vst v1  }
0x63: {  	v1 =	vld [tilespmem:s29+$0x60];
	_ =	sdelay $0x4  }
0x64: {  	[tilespmem:s2+$0x1060] =	vst v1  }
0x65: {  	v1 =	vld [tilespmem:s29+$0xFFFFFFF0];
	_ =	sdelay $0x4  }
0x66: {  	[tilespmem:s2+$0x1870] =	vst v1  }
0x67: {  	v1 =	vld [tilespmem:s29+$0x70];
	_ =	sdelay $0x1  }
.Ltmp1:
0x68: {  	(pc) =	sbr.rel @p1 .LBB2_5-.Ltmp1, $3  }
0x69: {  	_ =	sdelay $0x1  }
0x6a: {  	s29 =	sadd.s32 $0x100, s29;
	[tilespmem:s2+$0x1070] =	vst v1  }
0x6b: {  	s31 =	sadd.s32 $0x200, s31;
	v1 =	vld [tilespmem:s29+$0xFFFFFF80]  }
0x6c: {  	_ =	sdelay $0x2  }
0x6d: {  	s0 =	sshra.s32 s0, $0x2  }
0x6e: {  	[tilespmem:s0+$0x1800] =	vst v1  }
0x6f: {  	v1 =	vld [tilespmem:s29+$0x0];
	_ =	sdelay $0x4  }
0x70: {  	[tilespmem:s0+$0x1000] =	vst v1  }
0x71: {  	v1 =	vld [tilespmem:s29+$0xFFFFFF90];
	_ =	sdelay $0x4  }
0x72: {  	[tilespmem:s0+$0x1810] =	vst v1  }
0x73: {  	v1 =	vld [tilespmem:s29+$0x10];
	_ =	sdelay $0x4  }
0x74: {  	[tilespmem:s0+$0x1010] =	vst v1  }
0x75: {  	v1 =	vld [tilespmem:s29+$0xFFFFFFA0];
	_ =	sdelay $0x4  }
0x76: {  	[tilespmem:s0+$0x1820] =	vst v1  }
0x77: {  	v1 =	vld [tilespmem:s29+$0x20];
	_ =	sdelay $0x4  }
0x78: {  	[tilespmem:s0+$0x1020] =	vst v1  }
0x79: {  	v1 =	vld [tilespmem:s29+$0xFFFFFFB0];
	_ =	sdelay $0x4  }
0x7a: {  	[tilespmem:s0+$0x1830] =	vst v1  }
0x7b: {  	v1 =	vld [tilespmem:s29+$0x30];
	_ =	sdelay $0x4  }
0x7c: {  	[tilespmem:s0+$0x1030] =	vst v1  }
0x7d: {  	v1 =	vld [tilespmem:s29+$0xFFFFFFC0];
	_ =	sdelay $0x4  }
0x7e: {  	[tilespmem:s0+$0x1840] =	vst v1  }
0x7f: {  	v1 =	vld [tilespmem:s29+$0x40];
	_ =	sdelay $0x4  }
0x80: {  	[tilespmem:s0+$0x1040] =	vst v1  }
0x81: {  	v1 =	vld [tilespmem:s29+$0xFFFFFFD0];
	_ =	sdelay $0x4  }
0x82: {  	[tilespmem:s0+$0x1850] =	vst v1  }
0x83: {  	v1 =	vld [tilespmem:s29+$0x50];
	_ =	sdelay $0x4  }
0x84: {  	[tilespmem:s0+$0x1050] =	vst v1  }
0x85: {  	v1 =	vld [tilespmem:s29+$0xFFFFFFE0];
	_ =	sdelay $0x4  }
0x86: {  	[tilespmem:s0+$0x1860] =	vst v1  }
0x87: {  	v1 =	vld [tilespmem:s29+$0x60];
	_ =	sdelay $0x4  }
0x88: {  	[tilespmem:s0+$0x1060] =	vst v1  }
0x89: {  	v1 =	vld [tilespmem:s29+$0xFFFFFFF0];
	_ =	sdelay $0x4  }
0x8a: {  	[tilespmem:s0+$0x1870] =	vst v1  }
0x8b: {  	v1 =	vld [tilespmem:s29+$0x70];
	_ =	sdelay $0x4  }
0x8c: {  	s31 =	simm.s32 $0x1000;
	[tilespmem:s0+$0x1070] =	vst v1  }
0x8d: {  	[tilespmem:s15], [sflag:$0x1] =	stream.indirect.gather [hbm4b:s1+s17], $0x80, s31, s17, $0xb8;
	[tilespmem:$0x1E000] =	vst v63  }
0x8e: {  	s2 =	simm.s32 $0x1080  }
0x8f: {  	[tilespmem:s20], [sflag:$0x2] =	stream.indirect.gather [hbm4b:s1+s17], $0x80, s2, s17, $0xb8;
	[tilespmem:$0x1E000] =	vst v63  }
0x90: {  	_ =	swait.ge [sflag:s21], $0x4000  }
0x91: {  	[sflag:s21] =	ssyncset.done $0x0  }
0x92: {  	s29 =	simm.s32 $0x1800;
	[sflag:s21] =	ssyncadd.s32 $0xFFFFC000  }
0x93: {  	[spmem:s3] =	stream.indirect.scatter.add.f32 [tilespmem:s15], [sflag:$0x3], $0x80, s29, s17, $0xb8;
	[tilespmem:$0x1E000] =	vst v63  }
0x94: {  	_ =	swait.ge [sflag:s16], $0x4000  }
0x95: {  	[sflag:s16] =	ssyncset.done $0x0  }
0x96: {  	s31 =	simm.s32 $0x1100;
	[sflag:s16] =	ssyncadd.s32 $0xFFFFC000  }
0x97: {  	[tilespmem:s15], [sflag:$0x1] =	stream.indirect.gather [hbm4b:s1+s17], $0x80, s31, s17, $0xb8;
	[tilespmem:$0x1E000] =	vst v63  }
0x98: {  	_ =	swait.ge [sflag:s24], $0x4000  }
0x99: {  	[sflag:s24] =	ssyncset.done $0x0  }
0x9a: {  	s2 =	simm.s32 $0x1880;
	[sflag:s24] =	ssyncadd.s32 $0xFFFFC000  }
0x9b: {  	[spmem:s3] =	stream.indirect.scatter.add.f32 [tilespmem:s20], [sflag:$0x3], $0x80, s2, s17, $0xb8;
	[tilespmem:$0x1E000] =	vst v63  }
0x9c: {  	_ =	swait.ge [sflag:s16], $0x4000  }
0x9d: {  	[sflag:s16] =	ssyncset.done $0x0  }
0x9e: {  	s29 =	simm.s32 $0x1180;
	[sflag:s16] =	ssyncadd.s32 $0xFFFFC000  }
0x9f: {  	[tilespmem:s20], [sflag:$0x2] =	stream.indirect.gather [hbm4b:s1+s17], $0x80, s29, s17, $0xb8;
	[tilespmem:$0x1E000] =	vst v63  }
0xa0: {  	_ =	swait.ge [sflag:s21], $0x4000  }
0xa1: {  	[sflag:s21] =	ssyncset.done $0x0  }
0xa2: {  	s31 =	simm.s32 $0x1900;
	[sflag:s21] =	ssyncadd.s32 $0xFFFFC000  }
0xa3: {  	[spmem:s3] =	stream.indirect.scatter.add.f32 [tilespmem:s15], [sflag:$0x3], $0x80, s31, s17, $0xb8;
	[tilespmem:$0x1E000] =	vst v63  }
0xa4: {  	_ =	swait.ge [sflag:s16], $0x4000  }
0xa5: {  	[sflag:s16] =	ssyncset.done $0x0  }
0xa6: {  	s2 =	simm.s32 $0x1200;
	[sflag:s16] =	ssyncadd.s32 $0xFFFFC000  }
0xa7: {  	[tilespmem:s15], [sflag:$0x1] =	stream.indirect.gather [hbm4b:s1+s17], $0x80, s2, s17, $0xb8;
	[tilespmem:$0x1E000] =	vst v63  }
0xa8: {  	_ =	swait.ge [sflag:s24], $0x4000  }
0xa9: {  	[sflag:s24] =	ssyncset.done $0x0  }
0xaa: {  	s29 =	simm.s32 $0x1980;
	[sflag:s24] =	ssyncadd.s32 $0xFFFFC000  }
0xab: {  	[spmem:s3] =	stream.indirect.scatter.add.f32 [tilespmem:s20], [sflag:$0x3], $0x80, s29, s17, $0xb8;
	[tilespmem:$0x1E000] =	vst v63  }
0xac: {  	_ =	swait.ge [sflag:s16], $0x4000  }
0xad: {  	[sflag:s16] =	ssyncset.done $0x0  }
0xae: {  	s31 =	simm.s32 $0x1280;
	[sflag:s16] =	ssyncadd.s32 $0xFFFFC000  }
0xaf: {  	[tilespmem:s20], [sflag:$0x2] =	stream.indirect.gather [hbm4b:s1+s17], $0x80, s31, s17, $0xb8;
	[tilespmem:$0x1E000] =	vst v63  }
0xb0: {  	_ =	swait.ge [sflag:s21], $0x4000  }
0xb1: {  	[sflag:s21] =	ssyncset.done $0x0  }
0xb2: {  	s2 =	simm.s32 $0x1A00;
	[sflag:s21] =	ssyncadd.s32 $0xFFFFC000  }
0xb3: {  	[spmem:s3] =	stream.indirect.scatter.add.f32 [tilespmem:s15], [sflag:$0x3], $0x80, s2, s17, $0xb8;
	[tilespmem:$0x1E000] =	vst v63  }
0xb4: {  	_ =	swait.ge [sflag:s16], $0x4000  }
0xb5: {  	[sflag:s16] =	ssyncset.done $0x0  }
0xb6: {  	s29 =	simm.s32 $0x1300;
	[sflag:s16] =	ssyncadd.s32 $0xFFFFC000  }
0xb7: {  	[tilespmem:s15], [sflag:$0x1] =	stream.indirect.gather [hbm4b:s1+s17], $0x80, s29, s17, $0xb8;
	[tilespmem:$0x1E000] =	vst v63  }
0xb8: {  	_ =	swait.ge [sflag:s24], $0x4000  }
0xb9: {  	[sflag:s24] =	ssyncset.done $0x0  }
0xba: {  	[sflag:s24] =	ssyncadd.s32 $0xFFFFC000  }
0xbb: {  	[spmem:s3] =	stream.indirect.scatter.add.f32 [tilespmem:s20], [sflag:$0x3], $0x80, s6, s17, $0xb8;
	[tilespmem:$0x1E000] =	vst v63  }
0xbc: {  	_ =	swait.ge [sflag:s16], $0x4000  }
0xbd: {  	[sflag:s16] =	ssyncset.done $0x0  }
0xbe: {  	[sflag:s16] =	ssyncadd.s32 $0xFFFFC000  }
0xbf: {  	[tilespmem:s20], [sflag:$0x2] =	stream.indirect.gather [hbm4b:s1+s17], $0x80, s7, s17, $0xb8;
	[tilespmem:$0x1E000] =	vst v63  }
0xc0: {  	_ =	swait.ge [sflag:s21], $0x4000  }
0xc1: {  	[sflag:s21] =	ssyncset.done $0x0  }
0xc2: {  	[sflag:s21] =	ssyncadd.s32 $0xFFFFC000  }
0xc3: {  	[spmem:s3] =	stream.indirect.scatter.add.f32 [tilespmem:s15], [sflag:$0x3], $0x80, s8, s17, $0xb8;
	[tilespmem:$0x1E000] =	vst v63  }
0xc4: {  	_ =	swait.ge [sflag:s16], $0x4000  }
0xc5: {  	[sflag:s16] =	ssyncset.done $0x0  }
0xc6: {  	[sflag:s16] =	ssyncadd.s32 $0xFFFFC000  }
0xc7: {  	[tilespmem:s15], [sflag:$0x1] =	stream.indirect.gather [hbm4b:s1+s17], $0x80, s9, s17, $0xb8;
	[tilespmem:$0x1E000] =	vst v63  }
0xc8: {  	_ =	swait.ge [sflag:s24], $0x4000  }
0xc9: {  	[sflag:s24] =	ssyncset.done $0x0  }
0xca: {  	[sflag:s24] =	ssyncadd.s32 $0xFFFFC000  }
0xcb: {  	[spmem:s3] =	stream.indirect.scatter.add.f32 [tilespmem:s20], [sflag:$0x3], $0x80, s11, s17, $0xb8;
	[tilespmem:$0x1E000] =	vst v63  }
0xcc: {  	_ =	swait.ge [sflag:s16], $0x4000  }
0xcd: {  	[sflag:s16] =	ssyncset.done $0x0  }
0xce: {  	[sflag:s16] =	ssyncadd.s32 $0xFFFFC000  }
0xcf: {  	[tilespmem:s20], [sflag:$0x2] =	stream.indirect.gather [hbm4b:s1+s17], $0x80, s12, s17, $0xb8;
	[tilespmem:$0x1E000] =	vst v63  }
0xd0: {  	_ =	swait.ge [sflag:s21], $0x4000  }
0xd1: {  	[sflag:s21] =	ssyncset.done $0x0  }
0xd2: {  	[sflag:s21] =	ssyncadd.s32 $0xFFFFC000  }
0xd3: {  	[spmem:s3] =	stream.indirect.scatter.add.f32 [tilespmem:s15], [sflag:$0x3], $0x80, s13, s17, $0xb8;
	[tilespmem:$0x1E000] =	vst v63  }
0xd4: {  	_ =	swait.ge [sflag:s16], $0x4000  }
0xd5: {  	[sflag:s16] =	ssyncset.done $0x0  }
0xd6: {  	[sflag:s16] =	ssyncadd.s32 $0xFFFFC000  }
0xd7: {  	[tilespmem:s15], [sflag:$0x1] =	stream.indirect.gather [hbm4b:s1+s17], $0x80, s14, s17, $0xb8;
	[tilespmem:$0x1E000] =	vst v63  }
0xd8: {  	_ =	swait.ge [sflag:s24], $0x4000  }
0xd9: {  	[sflag:s24] =	ssyncset.done $0x0  }
0xda: {  	[sflag:s24] =	ssyncadd.s32 $0xFFFFC000  }
0xdb: {  	[spmem:s3] =	stream.indirect.scatter.add.f32 [tilespmem:s20], [sflag:$0x3], $0x80, s5, s17, $0xb8;
	[tilespmem:$0x1E000] =	vst v63  }
0xdc: {  	_ =	swait.ge [sflag:s16], $0x4000  }
0xdd: {  	[sflag:s16] =	ssyncset.done $0x0  }
0xde: {  	[sflag:s16] =	ssyncadd.s32 $0xFFFFC000  }
0xdf: {  	[tilespmem:s20], [sflag:$0x2] =	stream.indirect.gather [hbm4b:s1+s17], $0x80, s4, s17, $0xb8;
	[tilespmem:$0x1E000] =	vst v63  }
0xe0: {  	_ =	swait.ge [sflag:s21], $0x4000  }
0xe1: {  	[sflag:s21] =	ssyncset.done $0x0  }
0xe2: {  	[sflag:s21] =	ssyncadd.s32 $0xFFFFC000  }
0xe3: {  	[spmem:s3] =	stream.indirect.scatter.add.f32 [tilespmem:s15], [sflag:$0x3], $0x80, s18, s17, $0xb8;
	[tilespmem:$0x1E000] =	vst v63  }
0xe4: {  	_ =	swait.ge [sflag:s16], $0x4000  }
0xe5: {  	[sflag:s16] =	ssyncset.done $0x0  }
0xe6: {  	[sflag:s16] =	ssyncadd.s32 $0xFFFFC000  }
0xe7: {  	[tilespmem:s15], [sflag:$0x1] =	stream.indirect.gather [hbm4b:s1+s17], $0x80, s19, s17, $0xb8;
	[tilespmem:$0x1E000] =	vst v63  }
0xe8: {  	_ =	swait.ge [sflag:s24], $0x4000  }
0xe9: {  	[sflag:s24] =	ssyncset.done $0x0  }
0xea: {  	[sflag:s24] =	ssyncadd.s32 $0xFFFFC000  }
0xeb: {  	[spmem:s3] =	stream.indirect.scatter.add.f32 [tilespmem:s20], [sflag:$0x3], $0x80, s22, s17, $0xb8;
	[tilespmem:$0x1E000] =	vst v63  }
0xec: {  	_ =	swait.ge [sflag:s16], $0x4000  }
0xed: {  	[sflag:s16] =	ssyncset.done $0x0  }
0xee: {  	[sflag:s16] =	ssyncadd.s32 $0xFFFFC000  }
0xef: {  	[tilespmem:s20], [sflag:$0x2] =	stream.indirect.gather [hbm4b:s1+s17], $0x80, s23, s17, $0xb8;
	[tilespmem:$0x1E000] =	vst v63  }
0xf0: {  	_ =	swait.ge [sflag:s21], $0x4000  }
0xf1: {  	[sflag:s21] =	ssyncset.done $0x0  }
0xf2: {  	[sflag:s21] =	ssyncadd.s32 $0xFFFFC000  }
0xf3: {  	[spmem:s3] =	stream.indirect.scatter.add.f32 [tilespmem:s15], [sflag:$0x3], $0x80, s25, s17, $0xb8;
	[tilespmem:$0x1E000] =	vst v63  }
0xf4: {  	_ =	swait.ge [sflag:s16], $0x4000  }
0xf5: {  	[sflag:s16] =	ssyncset.done $0x0  }
0xf6: {  	s31 =	simm.s32 $0x1700;
	[sflag:s16] =	ssyncadd.s32 $0xFFFFC000  }
0xf7: {  	[tilespmem:s15], [sflag:$0x1] =	stream.indirect.gather [hbm4b:s1+s17], $0x80, s31, s17, $0xb8;
	[tilespmem:$0x1E000] =	vst v63  }
0xf8: {  	_ =	swait.ge [sflag:s24], $0x4000  }
0xf9: {  	[sflag:s24] =	ssyncset.done $0x0  }
0xfa: {  	[sflag:s24] =	ssyncadd.s32 $0xFFFFC000  }
0xfb: {  	[spmem:s3] =	stream.indirect.scatter.add.f32 [tilespmem:s20], [sflag:$0x3], $0x80, s26, s17, $0xb8;
	[tilespmem:$0x1E000] =	vst v63  }
0xfc: {  	_ =	swait.ge [sflag:s16], $0x4000  }
0xfd: {  	[sflag:s16] =	ssyncset.done $0x0  }
0xfe: {  	s2 =	simm.s32 $0x1780;
	[sflag:s16] =	ssyncadd.s32 $0xFFFFC000  }
0xff: {  	[tilespmem:s20], [sflag:$0x2] =	stream.indirect.gather [hbm4b:s1+s17], $0x80, s2, s17, $0xb8;
	[tilespmem:$0x1E000] =	vst v63  }
0x100: {  	_ =	swait.ge [sflag:s21], $0x4000  }
0x101: {  	[sflag:s21] =	ssyncset.done $0x0  }
0x102: {  	s29 =	simm.s32 $0x1F00;
	[sflag:s21] =	ssyncadd.s32 $0xFFFFC000  }
0x103: {  	[spmem:s3] =	stream.indirect.scatter.add.f32 [tilespmem:s15], [sflag:$0x3], $0x80, s29, s17, $0xb8;
	[tilespmem:$0x1E000] =	vst v63  }
0x104: {  	_ =	swait.ge [sflag:s16], $0x4000  }
0x105: {  	[sflag:s16] =	ssyncset.done $0x0  }
0x106: {  	[sflag:s16] =	ssyncadd.s32 $0xFFFFC000  }
0x107: {  	s30 =	sadd.s32 $0x1, s30;
	_ =	swait.ge [sflag:s24], $0x4000  }
0x108: {  	p1 =	sne.s32 s30, $0x4;
	[sflag:s24] =	ssyncset.done $0x0  }
.Ltmp2:
0x109: {  	s31 =	simm.s32 $0x1F80;
	[sflag:s24] =	ssyncadd.s32 $0xFFFFC000;
	(pc) =	sbr.rel @p1 .LBB2_4-.Ltmp2, $4  }
0x10a: {  	[spmem:s3] =	stream.indirect.scatter.add.f32 [tilespmem:s20], [sflag:$0x3], $0x80, s31, s17, $0xb8;
	[tilespmem:$0x1E000] =	vst v63  }
0x10b: {  	_ =	swait.ge [sflag:s16], $0x4000  }
0x10c: {  	[sflag:s16] =	ssyncset.done $0x0  }
0x10d: {  	[sflag:s16] =	ssyncadd.s32 $0xFFFFC000  }
0x10e: {  	s29 =	simm.s32 $0x0;
	s0 =	rddreg [dreg:$0xb]  }
0x10f: {  	[tilespmem:s29], [sflag:$0x3] =	stream.linear.gather [hbm4b:s0+s29], $0xE00, $0x38;
	[tilespmem:$0x1E000] =	vst v63  }
0x110: {  	_ =	swait.ge [sflag:s16], $0xE00  }
0x111: {  	[sflag:s16] =	ssyncset.done $0x0  }
0x112: {  	s28 =	simm.s32 $0x80;
	[sflag:s16] =	ssyncadd.s32 $0xFFFFF200  }
0x113: {  	s0 =	simm.s32 $0x200;
	v1 =	vld [tilespmem:s28+$0xFFFFFF80]  }
.LBB2_8:
0x114: {  	p1 =	sne.s32 s0, $0x1A00;
	_ =	sdelay $0x2  }
0x115: {  	s2 =	sshra.s32 s29, $0x2;
	s29 =	smov.u32 s0  }
0x116: {  	[tilespmem:s2+$0x1800] =	vst v1  }
0x117: {  	v1 =	vld [tilespmem:s28+$0x0];
	_ =	sdelay $0x4  }
0x118: {  	[tilespmem:s2+$0x1000] =	vst v1  }
0x119: {  	v1 =	vld [tilespmem:s28+$0xFFFFFF90];
	_ =	sdelay $0x4  }
0x11a: {  	[tilespmem:s2+$0x1810] =	vst v1  }
0x11b: {  	v1 =	vld [tilespmem:s28+$0x10];
	_ =	sdelay $0x4  }
0x11c: {  	[tilespmem:s2+$0x1010] =	vst v1  }
0x11d: {  	v1 =	vld [tilespmem:s28+$0xFFFFFFA0];
	_ =	sdelay $0x4  }
0x11e: {  	[tilespmem:s2+$0x1820] =	vst v1  }
0x11f: {  	v1 =	vld [tilespmem:s28+$0x20];
	_ =	sdelay $0x4  }
0x120: {  	[tilespmem:s2+$0x1020] =	vst v1  }
0x121: {  	v1 =	vld [tilespmem:s28+$0xFFFFFFB0];
	_ =	sdelay $0x4  }
0x122: {  	[tilespmem:s2+$0x1830] =	vst v1  }
0x123: {  	v1 =	vld [tilespmem:s28+$0x30];
	_ =	sdelay $0x4  }
0x124: {  	[tilespmem:s2+$0x1030] =	vst v1  }
0x125: {  	v1 =	vld [tilespmem:s28+$0xFFFFFFC0];
	_ =	sdelay $0x4  }
0x126: {  	[tilespmem:s2+$0x1840] =	vst v1  }
0x127: {  	v1 =	vld [tilespmem:s28+$0x40];
	_ =	sdelay $0x4  }
0x128: {  	[tilespmem:s2+$0x1040] =	vst v1  }
0x129: {  	v1 =	vld [tilespmem:s28+$0xFFFFFFD0];
	_ =	sdelay $0x4  }
0x12a: {  	[tilespmem:s2+$0x1850] =	vst v1  }
0x12b: {  	v1 =	vld [tilespmem:s28+$0x50];
	_ =	sdelay $0x4  }
0x12c: {  	[tilespmem:s2+$0x1050] =	vst v1  }
0x12d: {  	v1 =	vld [tilespmem:s28+$0xFFFFFFE0];
	_ =	sdelay $0x4  }
0x12e: {  	[tilespmem:s2+$0x1860] =	vst v1  }
0x12f: {  	v1 =	vld [tilespmem:s28+$0x60];
	_ =	sdelay $0x4  }
0x130: {  	[tilespmem:s2+$0x1060] =	vst v1  }
0x131: {  	v1 =	vld [tilespmem:s28+$0xFFFFFFF0];
	_ =	sdelay $0x4  }
0x132: {  	[tilespmem:s2+$0x1870] =	vst v1  }
0x133: {  	v1 =	vld [tilespmem:s28+$0x70];
	_ =	sdelay $0x1  }
.Ltmp3:
0x134: {  	(pc) =	sbr.rel @p1 .LBB2_8-.Ltmp3, $3  }
0x135: {  	_ =	sdelay $0x1  }
0x136: {  	s28 =	sadd.s32 $0x100, s28;
	[tilespmem:s2+$0x1070] =	vst v1  }
0x137: {  	s0 =	sadd.s32 $0x200, s0;
	v1 =	vld [tilespmem:s28+$0xFFFFFF80]  }
0x138: {  	_ =	sdelay $0x2  }
0x139: {  	s0 =	sshra.s32 s29, $0x2  }
0x13a: {  	[tilespmem:s0+$0x1800] =	vst v1  }
0x13b: {  	v1 =	vld [tilespmem:s28+$0x0];
	_ =	sdelay $0x4  }
0x13c: {  	[tilespmem:s0+$0x1000] =	vst v1  }
0x13d: {  	v1 =	vld [tilespmem:s28+$0xFFFFFF90];
	_ =	sdelay $0x4  }
0x13e: {  	[tilespmem:s0+$0x1810] =	vst v1  }
0x13f: {  	v1 =	vld [tilespmem:s28+$0x10];
	_ =	sdelay $0x4  }
0x140: {  	[tilespmem:s0+$0x1010] =	vst v1  }
0x141: {  	v1 =	vld [tilespmem:s28+$0xFFFFFFA0];
	_ =	sdelay $0x4  }
0x142: {  	[tilespmem:s0+$0x1820] =	vst v1  }
0x143: {  	v1 =	vld [tilespmem:s28+$0x20];
	_ =	sdelay $0x4  }
0x144: {  	[tilespmem:s0+$0x1020] =	vst v1  }
0x145: {  	v1 =	vld [tilespmem:s28+$0xFFFFFFB0];
	_ =	sdelay $0x4  }
0x146: {  	[tilespmem:s0+$0x1830] =	vst v1  }
0x147: {  	v1 =	vld [tilespmem:s28+$0x30];
	_ =	sdelay $0x4  }
0x148: {  	[tilespmem:s0+$0x1030] =	vst v1  }
0x149: {  	v1 =	vld [tilespmem:s28+$0xFFFFFFC0];
	_ =	sdelay $0x4  }
0x14a: {  	[tilespmem:s0+$0x1840] =	vst v1  }
0x14b: {  	v1 =	vld [tilespmem:s28+$0x40];
	_ =	sdelay $0x4  }
0x14c: {  	[tilespmem:s0+$0x1040] =	vst v1  }
0x14d: {  	v1 =	vld [tilespmem:s28+$0xFFFFFFD0];
	_ =	sdelay $0x4  }
0x14e: {  	[tilespmem:s0+$0x1850] =	vst v1  }
0x14f: {  	v1 =	vld [tilespmem:s28+$0x50];
	_ =	sdelay $0x4  }
0x150: {  	[tilespmem:s0+$0x1050] =	vst v1  }
0x151: {  	v1 =	vld [tilespmem:s28+$0xFFFFFFE0];
	_ =	sdelay $0x4  }
0x152: {  	[tilespmem:s0+$0x1860] =	vst v1  }
0x153: {  	v1 =	vld [tilespmem:s28+$0x60];
	_ =	sdelay $0x4  }
0x154: {  	[tilespmem:s0+$0x1060] =	vst v1  }
0x155: {  	v1 =	vld [tilespmem:s28+$0xFFFFFFF0];
	_ =	sdelay $0x4  }
0x156: {  	[tilespmem:s0+$0x1870] =	vst v1  }
0x157: {  	v1 =	vld [tilespmem:s28+$0x70];
	_ =	sdelay $0x4  }
0x158: {  	s2 =	simm.s32 $0x1000;
	[tilespmem:s0+$0x1070] =	vst v1  }
0x159: {  	[tilespmem:s15], [sflag:$0x1] =	stream.indirect.gather [hbm4b:s1+s17], $0x80, s2, s17, $0xb8;
	[tilespmem:$0x1E000] =	vst v63  }
0x15a: {  	s30 =	simm.s32 $0x1080  }
0x15b: {  	[tilespmem:s20], [sflag:$0x2] =	stream.indirect.gather [hbm4b:s1+s17], $0x80, s30, s17, $0xb8;
	[tilespmem:$0x1E000] =	vst v63  }
0x15c: {  	_ =	swait.ge [sflag:s21], $0x4000  }
0x15d: {  	[sflag:s21] =	ssyncset.done $0x0  }
0x15e: {  	s31 =	simm.s32 $0x1800;
	[sflag:s21] =	ssyncadd.s32 $0xFFFFC000  }
0x15f: {  	[spmem:s3] =	stream.indirect.scatter.add.f32 [tilespmem:s15], [sflag:$0x3], $0x80, s31, s17, $0xb8;
	[tilespmem:$0x1E000] =	vst v63  }
0x160: {  	_ =	swait.ge [sflag:s16], $0x4000  }
0x161: {  	[sflag:s16] =	ssyncset.done $0x0  }
0x162: {  	s2 =	simm.s32 $0x1100;
	[sflag:s16] =	ssyncadd.s32 $0xFFFFC000  }
0x163: {  	[tilespmem:s15], [sflag:$0x1] =	stream.indirect.gather [hbm4b:s1+s17], $0x80, s2, s17, $0xb8;
	[tilespmem:$0x1E000] =	vst v63  }
0x164: {  	_ =	swait.ge [sflag:s24], $0x4000  }
0x165: {  	[sflag:s24] =	ssyncset.done $0x0  }
0x166: {  	s30 =	simm.s32 $0x1880;
	[sflag:s24] =	ssyncadd.s32 $0xFFFFC000  }
0x167: {  	[spmem:s3] =	stream.indirect.scatter.add.f32 [tilespmem:s20], [sflag:$0x3], $0x80, s30, s17, $0xb8;
	[tilespmem:$0x1E000] =	vst v63  }
0x168: {  	_ =	swait.ge [sflag:s16], $0x4000  }
0x169: {  	[sflag:s16] =	ssyncset.done $0x0  }
0x16a: {  	s31 =	simm.s32 $0x1180;
	[sflag:s16] =	ssyncadd.s32 $0xFFFFC000  }
0x16b: {  	[tilespmem:s20], [sflag:$0x2] =	stream.indirect.gather [hbm4b:s1+s17], $0x80, s31, s17, $0xb8;
	[tilespmem:$0x1E000] =	vst v63  }
0x16c: {  	_ =	swait.ge [sflag:s21], $0x4000  }
0x16d: {  	[sflag:s21] =	ssyncset.done $0x0  }
0x16e: {  	s2 =	simm.s32 $0x1900;
	[sflag:s21] =	ssyncadd.s32 $0xFFFFC000  }
0x16f: {  	[spmem:s3] =	stream.indirect.scatter.add.f32 [tilespmem:s15], [sflag:$0x3], $0x80, s2, s17, $0xb8;
	[tilespmem:$0x1E000] =	vst v63  }
0x170: {  	_ =	swait.ge [sflag:s16], $0x4000  }
0x171: {  	[sflag:s16] =	ssyncset.done $0x0  }
0x172: {  	s30 =	simm.s32 $0x1200;
	[sflag:s16] =	ssyncadd.s32 $0xFFFFC000  }
0x173: {  	[tilespmem:s15], [sflag:$0x1] =	stream.indirect.gather [hbm4b:s1+s17], $0x80, s30, s17, $0xb8;
	[tilespmem:$0x1E000] =	vst v63  }
0x174: {  	_ =	swait.ge [sflag:s24], $0x4000  }
0x175: {  	[sflag:s24] =	ssyncset.done $0x0  }
0x176: {  	s31 =	simm.s32 $0x1980;
	[sflag:s24] =	ssyncadd.s32 $0xFFFFC000  }
0x177: {  	[spmem:s3] =	stream.indirect.scatter.add.f32 [tilespmem:s20], [sflag:$0x3], $0x80, s31, s17, $0xb8;
	[tilespmem:$0x1E000] =	vst v63  }
0x178: {  	_ =	swait.ge [sflag:s16], $0x4000  }
0x179: {  	[sflag:s16] =	ssyncset.done $0x0  }
0x17a: {  	s2 =	simm.s32 $0x1280;
	[sflag:s16] =	ssyncadd.s32 $0xFFFFC000  }
0x17b: {  	[tilespmem:s20], [sflag:$0x2] =	stream.indirect.gather [hbm4b:s1+s17], $0x80, s2, s17, $0xb8;
	[tilespmem:$0x1E000] =	vst v63  }
0x17c: {  	_ =	swait.ge [sflag:s21], $0x4000  }
0x17d: {  	[sflag:s21] =	ssyncset.done $0x0  }
0x17e: {  	s30 =	simm.s32 $0x1A00;
	[sflag:s21] =	ssyncadd.s32 $0xFFFFC000  }
0x17f: {  	[spmem:s3] =	stream.indirect.scatter.add.f32 [tilespmem:s15], [sflag:$0x3], $0x80, s30, s17, $0xb8;
	[tilespmem:$0x1E000] =	vst v63  }
0x180: {  	_ =	swait.ge [sflag:s16], $0x4000  }
0x181: {  	[sflag:s16] =	ssyncset.done $0x0  }
0x182: {  	s31 =	simm.s32 $0x1300;
	[sflag:s16] =	ssyncadd.s32 $0xFFFFC000  }
0x183: {  	[tilespmem:s15], [sflag:$0x1] =	stream.indirect.gather [hbm4b:s1+s17], $0x80, s31, s17, $0xb8;
	[tilespmem:$0x1E000] =	vst v63  }
0x184: {  	_ =	swait.ge [sflag:s24], $0x4000  }
0x185: {  	[sflag:s24] =	ssyncset.done $0x0  }
0x186: {  	[sflag:s24] =	ssyncadd.s32 $0xFFFFC000  }
0x187: {  	[spmem:s3] =	stream.indirect.scatter.add.f32 [tilespmem:s20], [sflag:$0x3], $0x80, s6, s17, $0xb8;
	[tilespmem:$0x1E000] =	vst v63  }
0x188: {  	_ =	swait.ge [sflag:s16], $0x4000  }
0x189: {  	[sflag:s16] =	ssyncset.done $0x0  }
0x18a: {  	[sflag:s16] =	ssyncadd.s32 $0xFFFFC000  }
0x18b: {  	[tilespmem:s20], [sflag:$0x2] =	stream.indirect.gather [hbm4b:s1+s17], $0x80, s7, s17, $0xb8;
	[tilespmem:$0x1E000] =	vst v63  }
0x18c: {  	_ =	swait.ge [sflag:s21], $0x4000  }
0x18d: {  	[sflag:s21] =	ssyncset.done $0x0  }
0x18e: {  	[sflag:s21] =	ssyncadd.s32 $0xFFFFC000  }
0x18f: {  	[spmem:s3] =	stream.indirect.scatter.add.f32 [tilespmem:s15], [sflag:$0x3], $0x80, s8, s17, $0xb8;
	[tilespmem:$0x1E000] =	vst v63  }
0x190: {  	_ =	swait.ge [sflag:s16], $0x4000  }
0x191: {  	[sflag:s16] =	ssyncset.done $0x0  }
0x192: {  	[sflag:s16] =	ssyncadd.s32 $0xFFFFC000  }
0x193: {  	[tilespmem:s15], [sflag:$0x1] =	stream.indirect.gather [hbm4b:s1+s17], $0x80, s9, s17, $0xb8;
	[tilespmem:$0x1E000] =	vst v63  }
0x194: {  	_ =	swait.ge [sflag:s24], $0x4000  }
0x195: {  	[sflag:s24] =	ssyncset.done $0x0  }
0x196: {  	[sflag:s24] =	ssyncadd.s32 $0xFFFFC000  }
0x197: {  	[spmem:s3] =	stream.indirect.scatter.add.f32 [tilespmem:s20], [sflag:$0x3], $0x80, s11, s17, $0xb8;
	[tilespmem:$0x1E000] =	vst v63  }
0x198: {  	_ =	swait.ge [sflag:s16], $0x4000  }
0x199: {  	[sflag:s16] =	ssyncset.done $0x0  }
0x19a: {  	[sflag:s16] =	ssyncadd.s32 $0xFFFFC000  }
0x19b: {  	[tilespmem:s20], [sflag:$0x2] =	stream.indirect.gather [hbm4b:s1+s17], $0x80, s12, s17, $0xb8;
	[tilespmem:$0x1E000] =	vst v63  }
0x19c: {  	_ =	swait.ge [sflag:s21], $0x4000  }
0x19d: {  	[sflag:s21] =	ssyncset.done $0x0  }
0x19e: {  	[sflag:s21] =	ssyncadd.s32 $0xFFFFC000  }
0x19f: {  	[spmem:s3] =	stream.indirect.scatter.add.f32 [tilespmem:s15], [sflag:$0x3], $0x80, s13, s17, $0xb8;
	[tilespmem:$0x1E000] =	vst v63  }
0x1a0: {  	_ =	swait.ge [sflag:s16], $0x4000  }
0x1a1: {  	[sflag:s16] =	ssyncset.done $0x0  }
0x1a2: {  	[sflag:s16] =	ssyncadd.s32 $0xFFFFC000  }
0x1a3: {  	[tilespmem:s15], [sflag:$0x1] =	stream.indirect.gather [hbm4b:s1+s17], $0x80, s14, s17, $0xb8;
	[tilespmem:$0x1E000] =	vst v63  }
0x1a4: {  	_ =	swait.ge [sflag:s24], $0x4000  }
0x1a5: {  	[sflag:s24] =	ssyncset.done $0x0  }
0x1a6: {  	[sflag:s24] =	ssyncadd.s32 $0xFFFFC000  }
0x1a7: {  	[spmem:s3] =	stream.indirect.scatter.add.f32 [tilespmem:s20], [sflag:$0x3], $0x80, s5, s17, $0xb8;
	[tilespmem:$0x1E000] =	vst v63  }
0x1a8: {  	_ =	swait.ge [sflag:s16], $0x4000  }
0x1a9: {  	[sflag:s16] =	ssyncset.done $0x0  }
0x1aa: {  	[sflag:s16] =	ssyncadd.s32 $0xFFFFC000  }
0x1ab: {  	[tilespmem:s20], [sflag:$0x2] =	stream.indirect.gather [hbm4b:s1+s17], $0x80, s4, s17, $0xb8;
	[tilespmem:$0x1E000] =	vst v63  }
0x1ac: {  	_ =	swait.ge [sflag:s21], $0x4000  }
0x1ad: {  	[sflag:s21] =	ssyncset.done $0x0  }
0x1ae: {  	[sflag:s21] =	ssyncadd.s32 $0xFFFFC000  }
0x1af: {  	[spmem:s3] =	stream.indirect.scatter.add.f32 [tilespmem:s15], [sflag:$0x3], $0x80, s18, s17, $0xb8;
	[tilespmem:$0x1E000] =	vst v63  }
0x1b0: {  	_ =	swait.ge [sflag:s16], $0x4000  }
0x1b1: {  	[sflag:s16] =	ssyncset.done $0x0  }
0x1b2: {  	[sflag:s16] =	ssyncadd.s32 $0xFFFFC000  }
0x1b3: {  	[tilespmem:s15], [sflag:$0x1] =	stream.indirect.gather [hbm4b:s1+s17], $0x80, s19, s17, $0xb8;
	[tilespmem:$0x1E000] =	vst v63  }
0x1b4: {  	_ =	swait.ge [sflag:s24], $0x4000  }
0x1b5: {  	[sflag:s24] =	ssyncset.done $0x0  }
0x1b6: {  	[sflag:s24] =	ssyncadd.s32 $0xFFFFC000  }
0x1b7: {  	[spmem:s3] =	stream.indirect.scatter.add.f32 [tilespmem:s20], [sflag:$0x3], $0x80, s22, s17, $0xb8;
	[tilespmem:$0x1E000] =	vst v63  }
0x1b8: {  	_ =	swait.ge [sflag:s16], $0x4000  }
0x1b9: {  	[sflag:s16] =	ssyncset.done $0x0  }
0x1ba: {  	[sflag:s16] =	ssyncadd.s32 $0xFFFFC000  }
0x1bb: {  	[tilespmem:s20], [sflag:$0x2] =	stream.indirect.gather [hbm4b:s1+s17], $0x80, s23, s17, $0xb8;
	[tilespmem:$0x1E000] =	vst v63  }
0x1bc: {  	_ =	swait.ge [sflag:s21], $0x4000  }
0x1bd: {  	[sflag:s21] =	ssyncset.done $0x0  }
0x1be: {  	[sflag:s21] =	ssyncadd.s32 $0xFFFFC000  }
0x1bf: {  	[spmem:s3] =	stream.indirect.scatter.add.f32 [tilespmem:s15], [sflag:$0x3], $0x80, s25, s17, $0xb8;
	[tilespmem:$0x1E000] =	vst v63  }
0x1c0: {  	_ =	swait.ge [sflag:s16], $0x4000  }
0x1c1: {  	[sflag:s16] =	ssyncset.done $0x0  }
0x1c2: {  	[sflag:s16] =	ssyncadd.s32 $0xFFFFC000  }
0x1c3: {  	_ =	swait.ge [sflag:s24], $0x4000  }
0x1c4: {  	[sflag:s24] =	ssyncset.done $0x0  }
0x1c5: {  	[sflag:s24] =	ssyncadd.s32 $0xFFFFC000  }
0x1c6: {  	[spmem:s3] =	stream.indirect.scatter.add.f32 [tilespmem:s20], [sflag:$0x3], $0x80, s26, s17, $0xb8;
	[tilespmem:$0x1E000] =	vst v63  }
0x1c7: {  	_ =	swait.ge [sflag:s16], $0x4000  }
0x1c8: {  	[sflag:s16] =	ssyncset.done $0x0  }
0x1c9: {  	s0 =	simm.s32 @!p0 $0x0;
	s2 =	rddreg [dreg:$0xc];
	[sflag:s16] =	ssyncadd.s32 $0xFFFFC000  }
0x1ca: {  	[tilespmem:s0], [sflag:$0x3] =	stream.linear.gather @!p0 [hbm4b:s2+s0], $0x100, $0x38;
	[tilespmem:$0x1E000] =	vst v63  }
0x1cb: {  	s0 =	simm.s32 @!p0 $0x3  }
0x1cc: {  	_ =	swait.ge @!p0 [sflag:s0], $0x100  }
0x1cd: {  	[sflag:s0] =	ssyncset.done @!p0 $0x0  }
0x1ce: {  	[sflag:s0] =	ssyncadd.s32 @!p0 $0xFFFFFF00  }
0x1cf: {  	v1 =	vld @!p0 [tilespmem:$0x0]  }
0x1d0: {  	v2 =	vld @!p0 [tilespmem:$0x80]  }
0x1d1: {  	v3 =	vld @!p0 [tilespmem:$0x10]  }
0x1d2: {  	v4 =	vld @!p0 [tilespmem:$0x90]  }
0x1d3: {  	v5 =	vld @!p0 [tilespmem:$0x20]  }
0x1d4: {  	[tilespmem:$0x1800] =	vst @!p0 v1;
	v1 =	vld @!p0 [tilespmem:$0xA0]  }
0x1d5: {  	[tilespmem:$0x1000] =	vst @!p0 v2;
	v2 =	vld @!p0 [tilespmem:$0x30]  }
0x1d6: {  	[tilespmem:$0x1810] =	vst @!p0 v3;
	v3 =	vld @!p0 [tilespmem:$0xB0]  }
0x1d7: {  	[tilespmem:$0x1010] =	vst @!p0 v4;
	v4 =	vld @!p0 [tilespmem:$0x40]  }
0x1d8: {  	[tilespmem:$0x1820] =	vst @!p0 v5;
	v5 =	vld @!p0 [tilespmem:$0xC0]  }
0x1d9: {  	[tilespmem:$0x1020] =	vst @!p0 v1;
	v1 =	vld @!p0 [tilespmem:$0x50]  }
0x1da: {  	[tilespmem:$0x1830] =	vst @!p0 v2;
	v2 =	vld @!p0 [tilespmem:$0xD0]  }
0x1db: {  	[tilespmem:$0x1030] =	vst @!p0 v3;
	v3 =	vld @!p0 [tilespmem:$0x60]  }
0x1dc: {  	[tilespmem:$0x1840] =	vst @!p0 v4;
	v4 =	vld @!p0 [tilespmem:$0xE0]  }
0x1dd: {  	[tilespmem:$0x1040] =	vst @!p0 v5;
	v5 =	vld @!p0 [tilespmem:$0x70]  }
0x1de: {  	[tilespmem:$0x1850] =	vst @!p0 v1;
	v1 =	vld @!p0 [tilespmem:$0xF0]  }
0x1df: {  	[tilespmem:$0x1050] =	vst @!p0 v2  }
0x1e0: {  	[tilespmem:$0x1860] =	vst @!p0 v3  }
0x1e1: {  	[tilespmem:$0x1060] =	vst @!p0 v4  }
0x1e2: {  	[tilespmem:$0x1870] =	vst @!p0 v5  }
0x1e3: {  	s29 =	simm.s32 @!p0 $0x2000;
	s28 =	simm.s32 @!p0 $0x1000;
	s2 =	simm.s32 @!p0 $0x80;
	[tilespmem:$0x1070] =	vst @!p0 v1  }
0x1e4: {  	[tilespmem:s29], [sflag:$0x1] =	stream.indirect.gather @!p0 [hbm4b:s1+s2], $0x80, s28, s2, $0xb8;
	[tilespmem:$0x1E000] =	vst v63  }
0x1e5: {  	s28 =	simm.s32 @!p0 $0x1  }
0x1e6: {  	_ =	swait.ge @!p0 [sflag:s28], $0x4000  }
0x1e7: {  	[sflag:s28] =	ssyncset.done @!p0 $0x0  }
0x1e8: {  	[sflag:s28] =	ssyncadd.s32 @!p0 $0xFFFFC000;
	s28 =	simm.s32 @!p0 $0x1800  }
0x1e9: {  	[spmem:s3] =	stream.indirect.scatter.add.f32 @!p0 [tilespmem:s29], [sflag:$0x3], $0x80, s28, s2, $0xb8;
	[tilespmem:$0x1E000] =	vst v63  }
0x1ea: {  	_ =	swait.ge @!p0 [sflag:s0], $0x4000  }
0x1eb: {  	[sflag:s0] =	ssyncset.done @!p0 $0x0  }
0x1ec: {  	[sflag:s0] =	ssyncadd.s32 @!p0 $0xFFFFC000  }
0x1ed: {  	s2 =	stileid.u32;
	[bflag:$0x0] =	sbarrier.arrive $0xFFFF  }
0x1ee: {  	s0 =	sshll.u32 s2, $0x6;
	s29 =	rddreg [dreg:$0x6]  }
0x1ef: {  	s0 =	sor.u32 $0x1C03, s0;
	s28 =	rddreg [dreg:$0xe];
	s30 =	sshrl.u32 s29, $0x3  }
0x1f0: {  	[hbm:s28], [sflag:s0] =	dma.local [spmem:s30], $0x2800  }
0x1f1: {  	_ =	swait.ge [sflag:s16], $0x2800  }
0x1f2: {  	s28 =	rddreg [dreg:$0x5]  }
0x1f3: {  	s31 =	rddreg [dreg:$0xd];
	s28 =	sadd.s32 $0x1, s28  }
0x1f4: {  	p1 =	sne.s32 s28, s31  }
.Ltmp4:
0x1f5: {  	_ = 	snop;
	(pc) =	sbr.rel @p1 .LBB2_1-.Ltmp4, $3  }
0x1f6: {  	_ =	sdelay $0x1  }
0x1f7: {  	[sflag:s16] =	ssyncset.done $0x0  }
0x1f8: {  	[sflag:s16] =	ssyncadd.s32 $0xFFFFD800  }
0x1f9: {  	_ =	sfence.sel $0x180000  }
0x1fa: {  	[bflag:$0x0] =	sbarrier.arrive $0xFFFF  }
0x1fb: {  	_ =	strace $0x9000004A  }
0x1fc: {  	s0 =	stileid.u32;
	[bflag:$0x2] =	sbarrier.arrive $0xFFFF  }
0x1fd: {  	p0 =	sne.s32 s0, $0x0;
	s0 =	rddreg [dreg:$0x4]  }
0x1fe: {  	s0 =	sadd.s32 @!p0 $0x100000, s0  }
0x1ff: {  	[sflag:s0] =	ssyncadd.tile.s32 @!p0 $0x1;
	_ =	shalt  }
.Lfunc_end2:
_tile_overlayer_lowered:
.L_overlay_start_2:
0x200: {  	(tag) =	ssettag $0x2  }
0x201: {  	s0 =	rddreg [dreg:$0x0];
	s2 =	stileid.u32  }
0x202: {  	s1 =	rddreg [dreg:$0x1];
	p0 =	sne.s32 s2, $0x0  }
0x203: {  	s3 =	rddreg [dreg:$0x2];
	[bflag:$0x3] =	sbarrier.arrive $0xFFFF;
	s2 =	simm.s32 @!p0 $0x1C03  }
0x204: {  	[timem:s3], [sflag:s2] =	dma.local @!p0 [hbm:s0], s1  }
0x205: {  	s0 =	simm.s32 @!p0 $0x3  }
0x206: {  	_ =	swait.ge @!p0 [sflag:s0], s1  }
0x207: {  	s1 =	ssub.s32 @!p0 $0x0, s1;
	[sflag:s0] =	ssyncset.done @!p0 $0x0  }
0x208: {  	[sflag:s0] =	ssyncadd.s32 @!p0 s1  }
0x209: {  	[bflag:$0x3] =	sbarrier.arrive $0xFFFF  }
0x20a: {  	_ =	shalt  }

</sc_bundles>
